<compile_context>
chip_gen: v7x
topology: tpu7x:2x2x1
jax: 0.10.2.dev20260603
libtpu: 0.0.44.dev20260713+nightly
codegen_flags: <defaults>
</compile_context>

<pallas_src>
import jax
import jax.numpy as jnp
from jax import lax
from jax.experimental import pallas as pl
from jax.experimental.pallas import tpu as pltpu
from jax.experimental.pallas import tpu_sc as plsc

_TOKENS = 49408
_D = 512
_S = 77
_B = 4096
_N = _B * _S

_info = plsc.get_sparse_core_info()
_NC, _NS, _L = _info.num_cores, _info.num_subcores, _info.num_lanes
_NW = _NC * _NS
_RPW = _N // _NW
_CH = 32
_NCH = _RPW // _CH
_CSL = _D // _L
_NG = 4
_NO = 2
_PW = 16


def _body(ids_hbm, tok_hbm, pos_hbm, out_hbm, ids_v, pos_v, i0, i1,
          g0, g1, g2, g3, o0, o1, gs0, gs1, gs2, gs3, ss0, ss1):
    gbufs, gsems = (g0, g1, g2, g3), (gs0, gs1, gs2, gs3)
    obufs, ssems, ibufs = (o0, o1), (ss0, ss1), (i0, i1)
    wid = lax.axis_index("s") * _NC + lax.axis_index("c")
    base = wid * _RPW
    a0 = pl.multiple_of((lax.shift_right_logical(base, 12) // 8) * 8, 8)
    pltpu.sync_copy(pos_hbm.at[pl.ds(a0, _PW)], pos_v)
    pltpu.sync_copy(ids_hbm.at[wid], ids_v)

    def gather(k, b):
        idx = ids_v.at[lax.div(k, 4), pl.ds(lax.rem(k, 4) * _CH, _CH)]
        return pltpu.make_async_copy(tok_hbm.at[idx], gbufs[b], gsems[b])

    def scatter(k, o):
        return pltpu.make_async_copy(obufs[o], out_hbm.at[ibufs[o]], ssems[o])

    for b in range(_NG):
        gather(b, b).start()

    iota = lax.iota(jnp.int32, _L)

    def step(h, _):
        for b in range(_NG):
            k = h * _NG + b
            o = b % _NO
            gather(k, b).wait()
            @pl.when(k >= _NO)
            def _():
                scatter(k - _NO, o).wait()

            m0 = base + k * _CH
            s = lax.shift_right_logical(m0, 12)
            ls = s - a0
            rbase = (m0 - s * _B) * _S + s
            for m2 in range(_CH // _L):
                ibufs[o][pl.ds(m2 * _L, _L)] = rbase + (iota + m2 * _L) * _S

            gb, ob = gbufs[b], obufs[o]

            @plsc.parallel_loop(0, _CH)
            def _row(i):
                for j in range(_CSL):
                    sl = pl.ds(j * _L, _L)
                    ob[i, sl] = gb[i, sl] + pos_v[ls, sl]

            scatter(k, o).start()
            @pl.when(k + _NG < _NCH)
            def _():
                gather(k + _NG, b).start()
        return 0

    lax.fori_loop(0, _NCH // _NG, step, 0)
    scatter(_NCH - 2, 0).wait()
    scatter(_NCH - 1, 1).wait()


def kernel(input_ids, token_table, position_table):
    ids_sm = input_ids.astype(jnp.int32).T.reshape(_NW, _RPW // 128, 128)
    pos_p = jnp.pad(position_table, ((0, 88 - _S), (0, 0)))
    mesh = plsc.VectorSubcoreMesh(core_axis_name="c", subcore_axis_name="s")
    f = pl.kernel(
        _body,
        out_type=jax.ShapeDtypeStruct((_N, _D), jnp.float32),
        mesh=mesh,
        scratch_types=(
            [pltpu.VMEM((_RPW // 128, 128), jnp.int32),
             pltpu.VMEM((_PW, _D), jnp.float32)]
            + [pltpu.VMEM((_CH,), jnp.int32) for _ in range(_NO)]
            + [pltpu.VMEM((_CH, _D), jnp.float32) for _ in range(_NG + _NO)]
            + [pltpu.SemaphoreType.DMA for _ in range(_NG + _NO)]
        ),
    )
    out = f(ids_sm, token_table, pos_p)
    return out.reshape(_B, _S, _D)

# --- scband reference (transcript-rebuilt; emitter-appended) ---
"""Pipeline reference for scband-cliptext-embeddings-4037269258693 (READ-ONLY COPY).

The authoritative reference and input builder live on the scoring server;
editing this copy changes nothing except your own understanding.
"""

import jax, jax.numpy as jnp
import numpy as np

TOKEN_SIZE = 49408
HIDDEN_SIZE = 512
MAX_POS = 77
BATCH = 4096
SEQ = 77


def setup_inputs(seed: int = 0) -> dict:
    key = jax.random.key(seed)
    k1, k2, k3 = jax.random.split(key, 3)
    input_ids = jax.random.randint(k1, (BATCH, SEQ), 0, TOKEN_SIZE, dtype=jnp.int64 if jax.config.jax_enable_x64 else jnp.int32)
    token_table = jax.random.normal(k2, (TOKEN_SIZE, HIDDEN_SIZE), dtype=jnp.float32) * 0.02
    position_table = jax.random.normal(k3, (MAX_POS, HIDDEN_SIZE), dtype=jnp.float32) * 0.02
    return {"input_ids": input_ids, "token_table": token_table, "position_table": position_table}


def reference(input_ids, token_table, position_table):
    # sequence_length = input_ids.shape[-1]
    seq_len = input_ids.shape[-1]
    # position_ids = arange(max_pos)[None, :seq_len]
    position_ids = jnp.arange(MAX_POS)[None, :seq_len]
    # token embedding lookup (gather)
    inputs_embeds = jnp.take(token_table, input_ids, axis=0)
    # position embedding lookup (gather), broadcast over batch
    position_embedding = jnp.take(position_table, position_ids, axis=0)
    embeddings = inputs_embeds + position_embedding
    return embeddings

if __name__ == "__main__":
    import jax
    _d = setup_inputs()
    print(jax.jit(kernel)(*tuple(_d.values())))

</pallas_src>

<mosaic_0001>
#map = affine_map<(d0, d1) -> (0, 0, 0)>
#map1 = affine_map<(d0, d1) -> (0, 0)>
module attributes {stable_mosaic.version = 14 : i64} {
  func.func @_body(%arg0: i32, %arg1: i32, %arg2: memref<32x77x128xi32, #tpu.memory_space<hbm>>, %arg3: memref<49408x512xf32, #tpu.memory_space<hbm>>, %arg4: memref<88x512xf32, #tpu.memory_space<hbm>>, %arg5: memref<315392x512xf32, #tpu.memory_space<hbm>>, %arg6: memref<77x128xi32, #tpu.memory_space<vmem>>, %arg7: memref<16x512xf32, #tpu.memory_space<vmem>>, %arg8: memref<32xi32, #tpu.memory_space<vmem>>, %arg9: memref<32xi32, #tpu.memory_space<vmem>>, %arg10: memref<32x512xf32, #tpu.memory_space<vmem>>, %arg11: memref<32x512xf32, #tpu.memory_space<vmem>>, %arg12: memref<32x512xf32, #tpu.memory_space<vmem>>, %arg13: memref<32x512xf32, #tpu.memory_space<vmem>>, %arg14: memref<32x512xf32, #tpu.memory_space<vmem>>, %arg15: memref<32x512xf32, #tpu.memory_space<vmem>>, %arg16: memref<!tpu.dma_semaphore, #tpu.memory_space<semaphore_mem>>, %arg17: memref<!tpu.dma_semaphore, #tpu.memory_space<semaphore_mem>>, %arg18: memref<!tpu.dma_semaphore, #tpu.memory_space<semaphore_mem>>, %arg19: memref<!tpu.dma_semaphore, #tpu.memory_space<semaphore_mem>>, %arg20: memref<!tpu.dma_semaphore, #tpu.memory_space<semaphore_mem>>, %arg21: memref<!tpu.dma_semaphore, #tpu.memory_space<semaphore_mem>>) attributes {dimension_semantics = [#tpu.dimension_semantics<core_parallel>, #tpu.dimension_semantics<subcore_parallel>], iteration_bounds = array<i64: 2, 16>, scalar_prefetch = 0 : i64, scratch_operands = 16 : i64, tpu.core_type = #tpu.core_type<sc_vector_subcore>, window_params = [{transform_indices = #map}, {transform_indices = #map1}, {transform_indices = #map1}, {transform_indices = #map1}]} {
    %mul3A = arith.constant 2 : i32
    %mul3A_0 = arith.muli %arg1, %mul3A : i32
    %add3A = arith.addi %mul3A_0, %arg0 : i32
    %mul3A_1 = arith.constant 9856 : i32
    %mul3A_2 = arith.muli %add3A, %mul3A_1 : i32
    %shift_right_logical3A = arith.constant 12 : i32
    %shift_right_logical3A_3 = arith.shrui %mul3A_2, %shift_right_logical3A : i32
    %jit3A = arith.constant 8 : i32
    %div3A = arith.divsi %shift_right_logical3A_3, %jit3A : i32
    %sign3A = arith.constant 0 : i32
    %sign3A_4 = arith.cmpi sgt, %shift_right_logical3A_3, %sign3A : i32
    %sign3A_5 = arith.extui %sign3A_4 : i1 to i32
    %sign3A_6 = arith.constant 0 : i32
    %sign3A_7 = arith.cmpi slt, %shift_right_logical3A_3, %sign3A_6 : i32
    %sign3A_8 = arith.extui %sign3A_7 : i1 to i32
    %sign3A_9 = arith.subi %sign3A_5, %sign3A_8 : i32
    %sign3A_10 = arith.constant 0 : i32
    %sign3A_11 = arith.cmpi sgt, %jit3A, %sign3A_10 : i32
    %sign3A_12 = arith.extui %sign3A_11 : i1 to i32
    %sign3A_13 = arith.constant 0 : i32
    %sign3A_14 = arith.cmpi slt, %jit3A, %sign3A_13 : i32
    %sign3A_15 = arith.extui %sign3A_14 : i1 to i32
    %sign3A_16 = arith.subi %sign3A_12, %sign3A_15 : i32
    %ne3A = arith.cmpi ne, %sign3A_9, %sign3A_16 : i32
    %rem3A = arith.remsi %shift_right_logical3A_3, %jit3A : i32
    %ne3A_17 = arith.constant 0 : i32
    %ne3A_18 = arith.cmpi ne, %rem3A, %ne3A_17 : i32
    %and3A = arith.andi %ne3A, %ne3A_18 : i1
    %sub3A = arith.constant 1 : i32
    %sub3A_19 = arith.subi %div3A, %sub3A : i32
    %select_n3A = arith.select %and3A, %sub3A_19, %div3A : i32
    %mul3A_20 = arith.constant 8 : i32
    %mul3A_21 = arith.muli %select_n3A, %mul3A_20 : i32
    %multiple_of3A = tpu.assume_multiple %mul3A_21, 8 : i32
    "tpu.region"() ({
      %run_scoped3A = tpu.sem_alloc : memref<!tpu.dma_semaphore, #tpu.memory_space<semaphore_mem>>
      %dma_start3A_84 = arith.constant 0 : i32
      %dma_start3A_85 = tpu.memref_slice %arg4[%multiple_of3A, %dma_start3A_84] : memref<88x512xf32, #tpu.memory_space<hbm>> -> memref<16x512xf32, #tpu.memory_space<hbm>>
      %dma_start3A_86 = arith.constant 0 : i32
      %dma_start3A_87 = tpu.memref_slice %arg4[%multiple_of3A, %dma_start3A_86] : memref<88x512xf32, #tpu.memory_space<hbm>> -> memref<16x512xf32, #tpu.memory_space<hbm>>
      tpu.enqueue_dma source(%dma_start3A_87 : memref<16x512xf32, #tpu.memory_space<hbm>>) target(%arg7 : memref<16x512xf32, #tpu.memory_space<vmem>>) target_semaphore(%run_scoped3A : memref<!tpu.dma_semaphore, #tpu.memory_space<semaphore_mem>>)
      %dma_wait3A_88 = arith.constant 0 : i32
      %dma_wait3A_89 = tpu.memref_slice %arg4[%multiple_of3A, %dma_wait3A_88] : memref<88x512xf32, #tpu.memory_space<hbm>> -> memref<16x512xf32, #tpu.memory_space<hbm>>
      %dma_wait3A_90 = arith.constant 0 : i32
      %dma_wait3A_91 = tpu.memref_slice %arg4[%multiple_of3A, %dma_wait3A_90] : memref<88x512xf32, #tpu.memory_space<hbm>> -> memref<16x512xf32, #tpu.memory_space<hbm>>
      tpu.wait_dma2 semaphore(%run_scoped3A : memref<!tpu.dma_semaphore, #tpu.memory_space<semaphore_mem>>) src(%dma_wait3A_91 : memref<16x512xf32, #tpu.memory_space<hbm>>) dst(%arg7 : memref<16x512xf32, #tpu.memory_space<vmem>>)
      tpu.yield
    }) : () -> ()
    "tpu.region"() ({
      %run_scoped3A = tpu.sem_alloc : memref<!tpu.dma_semaphore, #tpu.memory_space<semaphore_mem>>
      %dma_start3A_84 = arith.constant 0 : i32
      %dma_start3A_85 = arith.constant 0 : i32
      %dma_start3A_86 = tpu.memref_slice %arg2[%add3A, %dma_start3A_84, %dma_start3A_85] : memref<32x77x128xi32, #tpu.memory_space<hbm>> -> memref<1x77x128xi32, #tpu.memory_space<hbm>>
      %dma_start3A_87 = tpu.memref_squeeze %dma_start3A_86 : memref<1x77x128xi32, #tpu.memory_space<hbm>> -> memref<77x128xi32, #tpu.memory_space<hbm>>
      %dma_start3A_88 = arith.constant 0 : i32
      %dma_start3A_89 = arith.constant 0 : i32
      %dma_start3A_90 = tpu.memref_slice %arg2[%add3A, %dma_start3A_88, %dma_start3A_89] : memref<32x77x128xi32, #tpu.memory_space<hbm>> -> memref<1x77x128xi32, #tpu.memory_space<hbm>>
      %dma_start3A_91 = tpu.memref_squeeze %dma_start3A_90 : memref<1x77x128xi32, #tpu.memory_space<hbm>> -> memref<77x128xi32, #tpu.memory_space<hbm>>
      tpu.enqueue_dma source(%dma_start3A_91 : memref<77x128xi32, #tpu.memory_space<hbm>>) target(%arg6 : memref<77x128xi32, #tpu.memory_space<vmem>>) target_semaphore(%run_scoped3A : memref<!tpu.dma_semaphore, #tpu.memory_space<semaphore_mem>>)
      %dma_wait3A_92 = arith.constant 0 : i32
      %dma_wait3A_93 = arith.constant 0 : i32
      %dma_wait3A_94 = tpu.memref_slice %arg2[%add3A, %dma_wait3A_92, %dma_wait3A_93] : memref<32x77x128xi32, #tpu.memory_space<hbm>> -> memref<1x77x128xi32, #tpu.memory_space<hbm>>
      %dma_wait3A_95 = tpu.memref_squeeze %dma_wait3A_94 : memref<1x77x128xi32, #tpu.memory_space<hbm>> -> memref<77x128xi32, #tpu.memory_space<hbm>>
      %dma_wait3A_96 = arith.constant 0 : i32
      %dma_wait3A_97 = arith.constant 0 : i32
      %dma_wait3A_98 = tpu.memref_slice %arg2[%add3A, %dma_wait3A_96, %dma_wait3A_97] : memref<32x77x128xi32, #tpu.memory_space<hbm>> -> memref<1x77x128xi32, #tpu.memory_space<hbm>>
      %dma_wait3A_99 = tpu.memref_squeeze %dma_wait3A_98 : memref<1x77x128xi32, #tpu.memory_space<hbm>> -> memref<77x128xi32, #tpu.memory_space<hbm>>
      tpu.wait_dma2 semaphore(%run_scoped3A : memref<!tpu.dma_semaphore, #tpu.memory_space<semaphore_mem>>) src(%dma_wait3A_99 : memref<77x128xi32, #tpu.memory_space<hbm>>) dst(%arg6 : memref<77x128xi32, #tpu.memory_space<vmem>>)
      tpu.yield
    }) : () -> ()
    %div3A_22 = arith.constant 0 : i32
    %div3A_23 = arith.constant 4 : i32
    %div3A_24 = arith.divsi %div3A_22, %div3A_23 : i32
    %rem3A_25 = arith.constant 0 : i32
    %rem3A_26 = arith.constant 4 : i32
    %rem3A_27 = arith.remsi %rem3A_25, %rem3A_26 : i32
    %mul3A_28 = arith.constant 32 : i32
    %mul3A_29 = arith.muli %rem3A_27, %mul3A_28 : i32
    %dma_start3A = tpu.memref_slice %arg6[%div3A_24, %mul3A_29] : memref<77x128xi32, #tpu.memory_space<vmem>> -> memref<1x32xi32, #tpu.memory_space<vmem>>
    %dma_start3A_30 = tpu.memref_squeeze %dma_start3A : memref<1x32xi32, #tpu.memory_space<vmem>> -> memref<32xi32, #tpu.memory_space<vmem>>
    %dma_start3A_31 = arith.constant 0 : i32
    %dma_start3A_32 = arith.constant 0 : i32
    %dma_start3A_33 = tpu.memref_slice %arg3[%dma_start3A_31, %dma_start3A_32] : memref<49408x512xf32, #tpu.memory_space<hbm>> -> memref<49408x512xf32, #tpu.memory_space<hbm>>
    tpu.enqueue_indirect_dma source(%dma_start3A_33 : memref<49408x512xf32, #tpu.memory_space<hbm>>) target(%arg10 : memref<32x512xf32, #tpu.memory_space<vmem>>) offsets(%dma_start3A_30 : memref<32xi32, #tpu.memory_space<vmem>>) semaphore(%arg16 : memref<!tpu.dma_semaphore, #tpu.memory_space<semaphore_mem>>)
    %div3A_34 = arith.constant 1 : i32
    %div3A_35 = arith.constant 4 : i32
    %div3A_36 = arith.divsi %div3A_34, %div3A_35 : i32
    %rem3A_37 = arith.constant 1 : i32
    %rem3A_38 = arith.constant 4 : i32
    %rem3A_39 = arith.remsi %rem3A_37, %rem3A_38 : i32
    %mul3A_40 = arith.constant 32 : i32
    %mul3A_41 = arith.muli %rem3A_39, %mul3A_40 : i32
    %dma_start3A_42 = tpu.memref_slice %arg6[%div3A_36, %mul3A_41] : memref<77x128xi32, #tpu.memory_space<vmem>> -> memref<1x32xi32, #tpu.memory_space<vmem>>
    %dma_start3A_43 = tpu.memref_squeeze %dma_start3A_42 : memref<1x32xi32, #tpu.memory_space<vmem>> -> memref<32xi32, #tpu.memory_space<vmem>>
    %dma_start3A_44 = arith.constant 0 : i32
    %dma_start3A_45 = arith.constant 0 : i32
    %dma_start3A_46 = tpu.memref_slice %arg3[%dma_start3A_44, %dma_start3A_45] : memref<49408x512xf32, #tpu.memory_space<hbm>> -> memref<49408x512xf32, #tpu.memory_space<hbm>>
    tpu.enqueue_indirect_dma source(%dma_start3A_46 : memref<49408x512xf32, #tpu.memory_space<hbm>>) target(%arg11 : memref<32x512xf32, #tpu.memory_space<vmem>>) offsets(%dma_start3A_43 : memref<32xi32, #tpu.memory_space<vmem>>) semaphore(%arg17 : memref<!tpu.dma_semaphore, #tpu.memory_space<semaphore_mem>>)
    %div3A_47 = arith.constant 2 : i32
    %div3A_48 = arith.constant 4 : i32
    %div3A_49 = arith.divsi %div3A_47, %div3A_48 : i32
    %rem3A_50 = arith.constant 2 : i32
    %rem3A_51 = arith.constant 4 : i32
    %rem3A_52 = arith.remsi %rem3A_50, %rem3A_51 : i32
    %mul3A_53 = arith.constant 32 : i32
    %mul3A_54 = arith.muli %rem3A_52, %mul3A_53 : i32
    %dma_start3A_55 = tpu.memref_slice %arg6[%div3A_49, %mul3A_54] : memref<77x128xi32, #tpu.memory_space<vmem>> -> memref<1x32xi32, #tpu.memory_space<vmem>>
    %dma_start3A_56 = tpu.memref_squeeze %dma_start3A_55 : memref<1x32xi32, #tpu.memory_space<vmem>> -> memref<32xi32, #tpu.memory_space<vmem>>
    %dma_start3A_57 = arith.constant 0 : i32
    %dma_start3A_58 = arith.constant 0 : i32
    %dma_start3A_59 = tpu.memref_slice %arg3[%dma_start3A_57, %dma_start3A_58] : memref<49408x512xf32, #tpu.memory_space<hbm>> -> memref<49408x512xf32, #tpu.memory_space<hbm>>
    tpu.enqueue_indirect_dma source(%dma_start3A_59 : memref<49408x512xf32, #tpu.memory_space<hbm>>) target(%arg12 : memref<32x512xf32, #tpu.memory_space<vmem>>) offsets(%dma_start3A_56 : memref<32xi32, #tpu.memory_space<vmem>>) semaphore(%arg18 : memref<!tpu.dma_semaphore, #tpu.memory_space<semaphore_mem>>)
    %div3A_60 = arith.constant 3 : i32
    %div3A_61 = arith.constant 4 : i32
    %div3A_62 = arith.divsi %div3A_60, %div3A_61 : i32
    %rem3A_63 = arith.constant 3 : i32
    %rem3A_64 = arith.constant 4 : i32
    %rem3A_65 = arith.remsi %rem3A_63, %rem3A_64 : i32
    %mul3A_66 = arith.constant 32 : i32
    %mul3A_67 = arith.muli %rem3A_65, %mul3A_66 : i32
    %dma_start3A_68 = tpu.memref_slice %arg6[%div3A_62, %mul3A_67] : memref<77x128xi32, #tpu.memory_space<vmem>> -> memref<1x32xi32, #tpu.memory_space<vmem>>
    %dma_start3A_69 = tpu.memref_squeeze %dma_start3A_68 : memref<1x32xi32, #tpu.memory_space<vmem>> -> memref<32xi32, #tpu.memory_space<vmem>>
    %dma_start3A_70 = arith.constant 0 : i32
    %dma_start3A_71 = arith.constant 0 : i32
    %dma_start3A_72 = tpu.memref_slice %arg3[%dma_start3A_70, %dma_start3A_71] : memref<49408x512xf32, #tpu.memory_space<hbm>> -> memref<49408x512xf32, #tpu.memory_space<hbm>>
    tpu.enqueue_indirect_dma source(%dma_start3A_72 : memref<49408x512xf32, #tpu.memory_space<hbm>>) target(%arg13 : memref<32x512xf32, #tpu.memory_space<vmem>>) offsets(%dma_start3A_69 : memref<32xi32, #tpu.memory_space<vmem>>) semaphore(%arg19 : memref<!tpu.dma_semaphore, #tpu.memory_space<semaphore_mem>>)
    %iota3A = tpu.iota {dimensions = array<i32: 0>} : vector<16xi32>
    %scan3A = arith.constant 0 : i32
    %scan3A_73 = arith.constant 0 : i32
    %scan3A_74 = arith.constant 77 : i32
    %scan3A_75 = arith.addi %scan3A_73, %scan3A_74 : i32
    %scan3A_76 = arith.constant 1 : i32
    %scan3A_77 = scf.for %scan3A_84 = %scan3A_73 to %scan3A_75 step %scan3A_76 iter_args(%scan3A_85 = %scan3A) -> (i32)  : i32 {
      %mul3A_86 = arith.constant 4 : i32
      %mul3A_87 = arith.muli %scan3A_84, %mul3A_86 : i32
      %add3A_88 = arith.constant 0 : i32
      %add3A_89 = arith.addi %mul3A_87, %add3A_88 : i32
      %div3A_90 = arith.constant 4 : i32
      %div3A_91 = arith.divsi %add3A_89, %div3A_90 : i32
      %rem3A_92 = arith.constant 4 : i32
      %rem3A_93 = arith.remsi %add3A_89, %rem3A_92 : i32
      %mul3A_94 = arith.constant 32 : i32
      %mul3A_95 = arith.muli %rem3A_93, %mul3A_94 : i32
      %dma_wait3A_96 = tpu.memref_slice %arg6[%div3A_91, %mul3A_95] : memref<77x128xi32, #tpu.memory_space<vmem>> -> memref<1x32xi32, #tpu.memory_space<vmem>>
      %dma_wait3A_97 = tpu.memref_squeeze %dma_wait3A_96 : memref<1x32xi32, #tpu.memory_space<vmem>> -> memref<32xi32, #tpu.memory_space<vmem>>
      %dma_wait3A_98 = arith.constant 0 : i32
      %dma_wait3A_99 = arith.constant 0 : i32
      %dma_wait3A_100 = tpu.memref_slice %arg3[%dma_wait3A_98, %dma_wait3A_99] : memref<49408x512xf32, #tpu.memory_space<hbm>> -> memref<49408x512xf32, #tpu.memory_space<hbm>>
      tpu.wait_indirect_dma semaphore(%arg16 : memref<!tpu.dma_semaphore, #tpu.memory_space<semaphore_mem>>) src(%dma_wait3A_100 : memref<49408x512xf32, #tpu.memory_space<hbm>>) dst(%arg10 : memref<32x512xf32, #tpu.memory_space<vmem>>)
      %ge3A = arith.constant 2 : i32
      %ge3A_101 = arith.cmpi sge, %add3A_89, %ge3A : i32
      %convert_element_type3A = arith.extui %ge3A_101 : i1 to i32
      %cond3A = arith.constant 0 : i32
      %cond3A_102 = arith.cmpi ne, %convert_element_type3A, %cond3A : i32
      scf.if %cond3A_102 {
        %sub3A_357 = arith.constant 2 : i32
        %sub3A_358 = arith.subi %add3A_89, %sub3A_357 : i32
        %dma_wait3A_359 = arith.constant 0 : i32
        %dma_wait3A_360 = arith.constant 0 : i32
        %dma_wait3A_361 = tpu.memref_slice %arg5[%dma_wait3A_359, %dma_wait3A_360] : memref<315392x512xf32, #tpu.memory_space<hbm>> -> memref<315392x512xf32, #tpu.memory_space<hbm>>
        tpu.wait_indirect_dma semaphore(%arg20 : memref<!tpu.dma_semaphore, #tpu.memory_space<semaphore_mem>>) src(%arg14 : memref<32x512xf32, #tpu.memory_space<vmem>>) dst(%dma_wait3A_361 : memref<315392x512xf32, #tpu.memory_space<hbm>>)
      } else {
      }
      %mul3A_103 = arith.constant 32 : i32
      %mul3A_104 = arith.muli %add3A_89, %mul3A_103 : i32
      %add3A_105 = arith.addi %mul3A_2, %mul3A_104 : i32
      %shift_right_logical3A_106 = arith.constant 12 : i32
      %shift_right_logical3A_107 = arith.shrui %add3A_105, %shift_right_logical3A_106 : i32
      %sub3A_108 = arith.subi %shift_right_logical3A_107, %multiple_of3A : i32
      %mul3A_109 = arith.constant 4096 : i32
      %mul3A_110 = arith.muli %shift_right_logical3A_107, %mul3A_109 : i32
      %sub3A_111 = arith.subi %add3A_105, %mul3A_110 : i32
      %mul3A_112 = arith.constant 77 : i32
      %mul3A_113 = arith.muli %sub3A_111, %mul3A_112 : i32
      %add3A_114 = arith.addi %mul3A_113, %shift_right_logical3A_107 : i32
      %add3A_115 = arith.constant 0 : i32
      %add3A_116 = vector.broadcast %add3A_115 : i32 to vector<16xi32>
      %add3A_117 = arith.addi %iota3A, %add3A_116 : vector<16xi32>
      %mul3A_118 = arith.constant 77 : i32
      %mul3A_119 = vector.broadcast %mul3A_118 : i32 to vector<16xi32>
      %mul3A_120 = arith.muli %add3A_117, %mul3A_119 : vector<16xi32>
      %add3A_121 = vector.broadcast %add3A_114 : i32 to vector<16xi32>
      %add3A_122 = arith.addi %add3A_121, %mul3A_120 : vector<16xi32>
      %swap3A = arith.constant 0 : index
      %swap3A_123 = tpu.vector_load %arg8[%swap3A] {strides = array<i32>} : memref<32xi32, #tpu.memory_space<vmem>>, vector<16xi32>,
      %swap3A_124 = vector.shape_cast %swap3A_123 : vector<16xi32> to vector<16xi32>
      %swap3A_125 = vector.shape_cast %add3A_122 : vector<16xi32> to vector<16xi32>
      tpu.vector_store %arg8[%swap3A], %swap3A_125 {strides = array<i32>} : memref<32xi32, #tpu.memory_space<vmem>>, vector<16xi32>,
      %add3A_126 = arith.constant 16 : i32
      %add3A_127 = vector.broadcast %add3A_126 : i32 to vector<16xi32>
      %add3A_128 = arith.addi %iota3A, %add3A_127 : vector<16xi32>
      %mul3A_129 = arith.constant 77 : i32
      %mul3A_130 = vector.broadcast %mul3A_129 : i32 to vector<16xi32>
      %mul3A_131 = arith.muli %add3A_128, %mul3A_130 : vector<16xi32>
      %add3A_132 = vector.broadcast %add3A_114 : i32 to vector<16xi32>
      %add3A_133 = arith.addi %add3A_132, %mul3A_131 : vector<16xi32>
      %swap3A_134 = arith.constant 16 : index
      %swap3A_135 = tpu.vector_load %arg8[%swap3A_134] {strides = array<i32>} : memref<32xi32, #tpu.memory_space<vmem>>, vector<16xi32>,
      %swap3A_136 = vector.shape_cast %swap3A_135 : vector<16xi32> to vector<16xi32>
      %swap3A_137 = vector.shape_cast %add3A_133 : vector<16xi32> to vector<16xi32>
      tpu.vector_store %arg8[%swap3A_134], %swap3A_137 {strides = array<i32>} : memref<32xi32, #tpu.memory_space<vmem>>, vector<16xi32>,
      %parallel_loop3A = arith.constant 0 : i32
      %parallel_loop3A_138 = arith.constant 32 : i32
      %parallel_loop3A_139 = arith.constant 1 : i32
      scf.for %parallel_loop3A_357 = %parallel_loop3A to %parallel_loop3A_138 step %parallel_loop3A_139  : i32 {
        %parallel_loop3A_358 = arith.index_cast %parallel_loop3A_357 : i32 to index
        %parallel_loop3A_359 = arith.constant 0 : index
        %parallel_loop3A_360 = tpu.vector_load %arg10[%parallel_loop3A_358, %parallel_loop3A_359] {strides = array<i32>} : memref<32x512xf32, #tpu.memory_space<vmem>>, vector<1x16xf32>,
        %parallel_loop3A_361 = vector.shape_cast %parallel_loop3A_360 : vector<1x16xf32> to vector<16xf32>
        %parallel_loop3A_362 = arith.index_cast %sub3A_108 : i32 to index
        %parallel_loop3A_363 = arith.constant 0 : index
        %parallel_loop3A_364 = tpu.vector_load %arg7[%parallel_loop3A_362, %parallel_loop3A_363] {strides = array<i32>} : memref<16x512xf32, #tpu.memory_space<vmem>>, vector<1x16xf32>,
        %parallel_loop3A_365 = vector.shape_cast %parallel_loop3A_364 : vector<1x16xf32> to vector<16xf32>
        %parallel_loop3A_366 = arith.addf %parallel_loop3A_361, %parallel_loop3A_365 : vector<16xf32>
        %parallel_loop3A_367 = arith.index_cast %parallel_loop3A_357 : i32 to index
        %parallel_loop3A_368 = arith.constant 0 : index
        %parallel_loop3A_369 = tpu.vector_load %arg14[%parallel_loop3A_367, %parallel_loop3A_368] {strides = array<i32>} : memref<32x512xf32, #tpu.memory_space<vmem>>, vector<1x16xf32>,
        %parallel_loop3A_370 = vector.shape_cast %parallel_loop3A_369 : vector<1x16xf32> to vector<16xf32>
        %parallel_loop3A_371 = vector.shape_cast %parallel_loop3A_366 : vector<16xf32> to vector<1x16xf32>
        tpu.vector_store %arg14[%parallel_loop3A_367, %parallel_loop3A_368], %parallel_loop3A_371 {strides = array<i32>} : memref<32x512xf32, #tpu.memory_space<vmem>>, vector<1x16xf32>,
        %parallel_loop3A_372 = arith.index_cast %parallel_loop3A_357 : i32 to index
        %parallel_loop3A_373 = arith.constant 16 : index
        %parallel_loop3A_374 = tpu.vector_load %arg10[%parallel_loop3A_372, %parallel_loop3A_373] {strides = array<i32>} : memref<32x512xf32, #tpu.memory_space<vmem>>, vector<1x16xf32>,
        %parallel_loop3A_375 = vector.shape_cast %parallel_loop3A_374 : vector<1x16xf32> to vector<16xf32>
        %parallel_loop3A_376 = arith.index_cast %sub3A_108 : i32 to index
        %parallel_loop3A_377 = arith.constant 16 : index
        %parallel_loop3A_378 = tpu.vector_load %arg7[%parallel_loop3A_376, %parallel_loop3A_377] {strides = array<i32>} : memref<16x512xf32, #tpu.memory_space<vmem>>, vector<1x16xf32>,
        %parallel_loop3A_379 = vector.shape_cast %parallel_loop3A_378 : vector<1x16xf32> to vector<16xf32>
        %parallel_loop3A_380 = arith.addf %parallel_loop3A_375, %parallel_loop3A_379 : vector<16xf32>
        %parallel_loop3A_381 = arith.index_cast %parallel_loop3A_357 : i32 to index
        %parallel_loop3A_382 = arith.constant 16 : index
        %parallel_loop3A_383 = tpu.vector_load %arg14[%parallel_loop3A_381, %parallel_loop3A_382] {strides = array<i32>} : memref<32x512xf32, #tpu.memory_space<vmem>>, vector<1x16xf32>,
        %parallel_loop3A_384 = vector.shape_cast %parallel_loop3A_383 : vector<1x16xf32> to vector<16xf32>
        %parallel_loop3A_385 = vector.shape_cast %parallel_loop3A_380 : vector<16xf32> to vector<1x16xf32>
        tpu.vector_store %arg14[%parallel_loop3A_381, %parallel_loop3A_382], %parallel_loop3A_385 {strides = array<i32>} : memref<32x512xf32, #tpu.memory_space<vmem>>, vector<1x16xf32>,
        %parallel_loop3A_386 = arith.index_cast %parallel_loop3A_357 : i32 to index
        %parallel_loop3A_387 = arith.constant 32 : index
        %parallel_loop3A_388 = tpu.vector_load %arg10[%parallel_loop3A_386, %parallel_loop3A_387] {strides = array<i32>} : memref<32x512xf32, #tpu.memory_space<vmem>>, vector<1x16xf32>,
        %parallel_loop3A_389 = vector.shape_cast %parallel_loop3A_388 : vector<1x16xf32> to vector<16xf32>
        %parallel_loop3A_390 = arith.index_cast %sub3A_108 : i32 to index
        %parallel_loop3A_391 = arith.constant 32 : index
        %parallel_loop3A_392 = tpu.vector_load %arg7[%parallel_loop3A_390, %parallel_loop3A_391] {strides = array<i32>} : memref<16x512xf32, #tpu.memory_space<vmem>>, vector<1x16xf32>,
        %parallel_loop3A_393 = vector.shape_cast %parallel_loop3A_392 : vector<1x16xf32> to vector<16xf32>
        %parallel_loop3A_394 = arith.addf %parallel_loop3A_389, %parallel_loop3A_393 : vector<16xf32>
        %parallel_loop3A_395 = arith.index_cast %parallel_loop3A_357 : i32 to index
        %parallel_loop3A_396 = arith.constant 32 : index
        %parallel_loop3A_397 = tpu.vector_load %arg14[%parallel_loop3A_395, %parallel_loop3A_396] {strides = array<i32>} : memref<32x512xf32, #tpu.memory_space<vmem>>, vector<1x16xf32>,
        %parallel_loop3A_398 = vector.shape_cast %parallel_loop3A_397 : vector<1x16xf32> to vector<16xf32>
        %parallel_loop3A_399 = vector.shape_cast %parallel_loop3A_394 : vector<16xf32> to vector<1x16xf32>
        tpu.vector_store %arg14[%parallel_loop3A_395, %parallel_loop3A_396], %parallel_loop3A_399 {strides = array<i32>} : memref<32x512xf32, #tpu.memory_space<vmem>>, vector<1x16xf32>,
        %parallel_loop3A_400 = arith.index_cast %parallel_loop3A_357 : i32 to index
        %parallel_loop3A_401 = arith.constant 48 : index
        %parallel_loop3A_402 = tpu.vector_load %arg10[%parallel_loop3A_400, %parallel_loop3A_401] {strides = array<i32>} : memref<32x512xf32, #tpu.memory_space<vmem>>, vector<1x16xf32>,
        %parallel_loop3A_403 = vector.shape_cast %parallel_loop3A_402 : vector<1x16xf32> to vector<16xf32>
        %parallel_loop3A_404 = arith.index_cast %sub3A_108 : i32 to index
        %parallel_loop3A_405 = arith.constant 48 : index
        %parallel_loop3A_406 = tpu.vector_load %arg7[%parallel_loop3A_404, %parallel_loop3A_405] {strides = array<i32>} : memref<16x512xf32, #tpu.memory_space<vmem>>, vector<1x16xf32>,
        %parallel_loop3A_407 = vector.shape_cast %parallel_loop3A_406 : vector<1x16xf32> to vector<16xf32>
        %parallel_loop3A_408 = arith.addf %parallel_loop3A_403, %parallel_loop3A_407 : vector<16xf32>
        %parallel_loop3A_409 = arith.index_cast %parallel_loop3A_357 : i32 to index
        %parallel_loop3A_410 = arith.constant 48 : index
        %parallel_loop3A_411 = tpu.vector_load %arg14[%parallel_loop3A_409, %parallel_loop3A_410] {strides = array<i32>} : memref<32x512xf32, #tpu.memory_space<vmem>>, vector<1x16xf32>,
        %parallel_loop3A_412 = vector.shape_cast %parallel_loop3A_411 : vector<1x16xf32> to vector<16xf32>
        %parallel_loop3A_413 = vector.shape_cast %parallel_loop3A_408 : vector<16xf32> to vector<1x16xf32>
        tpu.vector_store %arg14[%parallel_loop3A_409, %parallel_loop3A_410], %parallel_loop3A_413 {strides = array<i32>} : memref<32x512xf32, #tpu.memory_space<vmem>>, vector<1x16xf32>,
        %parallel_loop3A_414 = arith.index_cast %parallel_loop3A_357 : i32 to index
        %parallel_loop3A_415 = arith.constant 64 : index
        %parallel_loop3A_416 = tpu.vector_load %arg10[%parallel_loop3A_414, %parallel_loop3A_415] {strides = array<i32>} : memref<32x512xf32, #tpu.memory_space<vmem>>, vector<1x16xf32>,
        %parallel_loop3A_417 = vector.shape_cast %parallel_loop3A_416 : vector<1x16xf32> to vector<16xf32>
        %parallel_loop3A_418 = arith.index_cast %sub3A_108 : i32 to index
        %parallel_loop3A_419 = arith.constant 64 : index
        %parallel_loop3A_420 = tpu.vector_load %arg7[%parallel_loop3A_418, %parallel_loop3A_419] {strides = array<i32>} : memref<16x512xf32, #tpu.memory_space<vmem>>, vector<1x16xf32>,
        %parallel_loop3A_421 = vector.shape_cast %parallel_loop3A_420 : vector<1x16xf32> to vector<16xf32>
        %parallel_loop3A_422 = arith.addf %parallel_loop3A_417, %parallel_loop3A_421 : vector<16xf32>
        %parallel_loop3A_423 = arith.index_cast %parallel_loop3A_357 : i32 to index
        %parallel_loop3A_424 = arith.constant 64 : index
        %parallel_loop3A_425 = tpu.vector_load %arg14[%parallel_loop3A_423, %parallel_loop3A_424] {strides = array<i32>} : memref<32x512xf32, #tpu.memory_space<vmem>>, vector<1x16xf32>,
        %parallel_loop3A_426 = vector.shape_cast %parallel_loop3A_425 : vector<1x16xf32> to vector<16xf32>
        %parallel_loop3A_427 = vector.shape_cast %parallel_loop3A_422 : vector<16xf32> to vector<1x16xf32>
        tpu.vector_store %arg14[%parallel_loop3A_423, %parallel_loop3A_424], %parallel_loop3A_427 {strides = array<i32>} : memref<32x512xf32, #tpu.memory_space<vmem>>, vector<1x16xf32>,
        %parallel_loop3A_428 = arith.index_cast %parallel_loop3A_357 : i32 to index
        %parallel_loop3A_429 = arith.constant 80 : index
        %parallel_loop3A_430 = tpu.vector_load %arg10[%parallel_loop3A_428, %parallel_loop3A_429] {strides = array<i32>} : memref<32x512xf32, #tpu.memory_space<vmem>>, vector<1x16xf32>,
        %parallel_loop3A_431 = vector.shape_cast %parallel_loop3A_430 : vector<1x16xf32> to vector<16xf32>
        %parallel_loop3A_432 = arith.index_cast %sub3A_108 : i32 to index
        %parallel_loop3A_433 = arith.constant 80 : index
        %parallel_loop3A_434 = tpu.vector_load %arg7[%parallel_loop3A_432, %parallel_loop3A_433] {strides = array<i32>} : memref<16x512xf32, #tpu.memory_space<vmem>>, vector<1x16xf32>,
        %parallel_loop3A_435 = vector.shape_cast %parallel_loop3A_434 : vector<1x16xf32> to vector<16xf32>
        %parallel_loop3A_436 = arith.addf %parallel_loop3A_431, %parallel_loop3A_435 : vector<16xf32>
        %parallel_loop3A_437 = arith.index_cast %parallel_loop3A_357 : i32 to index
        %parallel_loop3A_438 = arith.constant 80 : index
        %parallel_loop3A_439 = tpu.vector_load %arg14[%parallel_loop3A_437, %parallel_loop3A_438] {strides = array<i32>} : memref<32x512xf32, #tpu.memory_space<vmem>>, vector<1x16xf32>,
        %parallel_loop3A_440 = vector.shape_cast %parallel_loop3A_439 : vector<1x16xf32> to vector<16xf32>
        %parallel_loop3A_441 = vector.shape_cast %parallel_loop3A_436 : vector<16xf32> to vector<1x16xf32>
        tpu.vector_store %arg14[%parallel_loop3A_437, %parallel_loop3A_438], %parallel_loop3A_441 {strides = array<i32>} : memref<32x512xf32, #tpu.memory_space<vmem>>, vector<1x16xf32>,
        %parallel_loop3A_442 = arith.index_cast %parallel_loop3A_357 : i32 to index
        %parallel_loop3A_443 = arith.constant 96 : index
        %parallel_loop3A_444 = tpu.vector_load %arg10[%parallel_loop3A_442, %parallel_loop3A_443] {strides = array<i32>} : memref<32x512xf32, #tpu.memory_space<vmem>>, vector<1x16xf32>,
        %parallel_loop3A_445 = vector.shape_cast %parallel_loop3A_444 : vector<1x16xf32> to vector<16xf32>
        %parallel_loop3A_446 = arith.index_cast %sub3A_108 : i32 to index
        %parallel_loop3A_447 = arith.constant 96 : index
        %parallel_loop3A_448 = tpu.vector_load %arg7[%parallel_loop3A_446, %parallel_loop3A_447] {strides = array<i32>} : memref<16x512xf32, #tpu.memory_space<vmem>>, vector<1x16xf32>,
        %parallel_loop3A_449 = vector.shape_cast %parallel_loop3A_448 : vector<1x16xf32> to vector<16xf32>
        %parallel_loop3A_450 = arith.addf %parallel_loop3A_445, %parallel_loop3A_449 : vector<16xf32>
        %parallel_loop3A_451 = arith.index_cast %parallel_loop3A_357 : i32 to index
        %parallel_loop3A_452 = arith.constant 96 : index
        %parallel_loop3A_453 = tpu.vector_load %arg14[%parallel_loop3A_451, %parallel_loop3A_452] {strides = array<i32>} : memref<32x512xf32, #tpu.memory_space<vmem>>, vector<1x16xf32>,
        %parallel_loop3A_454 = vector.shape_cast %parallel_loop3A_453 : vector<1x16xf32> to vector<16xf32>
        %parallel_loop3A_455 = vector.shape_cast %parallel_loop3A_450 : vector<16xf32> to vector<1x16xf32>
        tpu.vector_store %arg14[%parallel_loop3A_451, %parallel_loop3A_452], %parallel_loop3A_455 {strides = array<i32>} : memref<32x512xf32, #tpu.memory_space<vmem>>, vector<1x16xf32>,
        %parallel_loop3A_456 = arith.index_cast %parallel_loop3A_357 : i32 to index
        %parallel_loop3A_457 = arith.constant 112 : index
        %parallel_loop3A_458 = tpu.vector_load %arg10[%parallel_loop3A_456, %parallel_loop3A_457] {strides = array<i32>} : memref<32x512xf32, #tpu.memory_space<vmem>>, vector<1x16xf32>,
        %parallel_loop3A_459 = vector.shape_cast %parallel_loop3A_458 : vector<1x16xf32> to vector<16xf32>
        %parallel_loop3A_460 = arith.index_cast %sub3A_108 : i32 to index
        %parallel_loop3A_461 = arith.constant 112 : index
        %parallel_loop3A_462 = tpu.vector_load %arg7[%parallel_loop3A_460, %parallel_loop3A_461] {strides = array<i32>} : memref<16x512xf32, #tpu.memory_space<vmem>>, vector<1x16xf32>,
        %parallel_loop3A_463 = vector.shape_cast %parallel_loop3A_462 : vector<1x16xf32> to vector<16xf32>
        %parallel_loop3A_464 = arith.addf %parallel_loop3A_459, %parallel_loop3A_463 : vector<16xf32>
        %parallel_loop3A_465 = arith.index_cast %parallel_loop3A_357 : i32 to index
        %parallel_loop3A_466 = arith.constant 112 : index
        %parallel_loop3A_467 = tpu.vector_load %arg14[%parallel_loop3A_465, %parallel_loop3A_466] {strides = array<i32>} : memref<32x512xf32, #tpu.memory_space<vmem>>, vector<1x16xf32>,
        %parallel_loop3A_468 = vector.shape_cast %parallel_loop3A_467 : vector<1x16xf32> to vector<16xf32>
        %parallel_loop3A_469 = vector.shape_cast %parallel_loop3A_464 : vector<16xf32> to vector<1x16xf32>
        tpu.vector_store %arg14[%parallel_loop3A_465, %parallel_loop3A_466], %parallel_loop3A_469 {strides = array<i32>} : memref<32x512xf32, #tpu.memory_space<vmem>>, vector<1x16xf32>,
        %parallel_loop3A_470 = arith.index_cast %parallel_loop3A_357 : i32 to index
        %parallel_loop3A_471 = arith.constant 128 : index
        %parallel_loop3A_472 = tpu.vector_load %arg10[%parallel_loop3A_470, %parallel_loop3A_471] {strides = array<i32>} : memref<32x512xf32, #tpu.memory_space<vmem>>, vector<1x16xf32>,
        %parallel_loop3A_473 = vector.shape_cast %parallel_loop3A_472 : vector<1x16xf32> to vector<16xf32>
        %parallel_loop3A_474 = arith.index_cast %sub3A_108 : i32 to index
        %parallel_loop3A_475 = arith.constant 128 : index
        %parallel_loop3A_476 = tpu.vector_load %arg7[%parallel_loop3A_474, %parallel_loop3A_475] {strides = array<i32>} : memref<16x512xf32, #tpu.memory_space<vmem>>, vector<1x16xf32>,
        %parallel_loop3A_477 = vector.shape_cast %parallel_loop3A_476 : vector<1x16xf32> to vector<16xf32>
        %parallel_loop3A_478 = arith.addf %parallel_loop3A_473, %parallel_loop3A_477 : vector<16xf32>
        %parallel_loop3A_479 = arith.index_cast %parallel_loop3A_357 : i32 to index
        %parallel_loop3A_480 = arith.constant 128 : index
        %parallel_loop3A_481 = tpu.vector_load %arg14[%parallel_loop3A_479, %parallel_loop3A_480] {strides = array<i32>} : memref<32x512xf32, #tpu.memory_space<vmem>>, vector<1x16xf32>,
        %parallel_loop3A_482 = vector.shape_cast %parallel_loop3A_481 : vector<1x16xf32> to vector<16xf32>
        %parallel_loop3A_483 = vector.shape_cast %parallel_loop3A_478 : vector<16xf32> to vector<1x16xf32>
        tpu.vector_store %arg14[%parallel_loop3A_479, %parallel_loop3A_480], %parallel_loop3A_483 {strides = array<i32>} : memref<32x512xf32, #tpu.memory_space<vmem>>, vector<1x16xf32>,
        %parallel_loop3A_484 = arith.index_cast %parallel_loop3A_357 : i32 to index
        %parallel_loop3A_485 = arith.constant 144 : index
        %parallel_loop3A_486 = tpu.vector_load %arg10[%parallel_loop3A_484, %parallel_loop3A_485] {strides = array<i32>} : memref<32x512xf32, #tpu.memory_space<vmem>>, vector<1x16xf32>,
        %parallel_loop3A_487 = vector.shape_cast %parallel_loop3A_486 : vector<1x16xf32> to vector<16xf32>
        %parallel_loop3A_488 = arith.index_cast %sub3A_108 : i32 to index
        %parallel_loop3A_489 = arith.constant 144 : index
        %parallel_loop3A_490 = tpu.vector_load %arg7[%parallel_loop3A_488, %parallel_loop3A_489] {strides = array<i32>} : memref<16x512xf32, #tpu.memory_space<vmem>>, vector<1x16xf32>,
        %parallel_loop3A_491 = vector.shape_cast %parallel_loop3A_490 : vector<1x16xf32> to vector<16xf32>
        %parallel_loop3A_492 = arith.addf %parallel_loop3A_487, %parallel_loop3A_491 : vector<16xf32>
        %parallel_loop3A_493 = arith.index_cast %parallel_loop3A_357 : i32 to index
        %parallel_loop3A_494 = arith.constant 144 : index
        %parallel_loop3A_495 = tpu.vector_load %arg14[%parallel_loop3A_493, %parallel_loop3A_494] {strides = array<i32>} : memref<32x512xf32, #tpu.memory_space<vmem>>, vector<1x16xf32>,
        %parallel_loop3A_496 = vector.shape_cast %parallel_loop3A_495 : vector<1x16xf32> to vector<16xf32>
        %parallel_loop3A_497 = vector.shape_cast %parallel_loop3A_492 : vector<16xf32> to vector<1x16xf32>
        tpu.vector_store %arg14[%parallel_loop3A_493, %parallel_loop3A_494], %parallel_loop3A_497 {strides = array<i32>} : memref<32x512xf32, #tpu.memory_space<vmem>>, vector<1x16xf32>,
        %parallel_loop3A_498 = arith.index_cast %parallel_loop3A_357 : i32 to index
        %parallel_loop3A_499 = arith.constant 160 : index
        %parallel_loop3A_500 = tpu.vector_load %arg10[%parallel_loop3A_498, %parallel_loop3A_499] {strides = array<i32>} : memref<32x512xf32, #tpu.memory_space<vmem>>, vector<1x16xf32>,
        %parallel_loop3A_501 = vector.shape_cast %parallel_loop3A_500 : vector<1x16xf32> to vector<16xf32>
        %parallel_loop3A_502 = arith.index_cast %sub3A_108 : i32 to index
        %parallel_loop3A_503 = arith.constant 160 : index
        %parallel_loop3A_504 = tpu.vector_load %arg7[%parallel_loop3A_502, %parallel_loop3A_503] {strides = array<i32>} : memref<16x512xf32, #tpu.memory_space<vmem>>, vector<1x16xf32>,
        %parallel_loop3A_505 = vector.shape_cast %parallel_loop3A_504 : vector<1x16xf32> to vector<16xf32>
        %parallel_loop3A_506 = arith.addf %parallel_loop3A_501, %parallel_loop3A_505 : vector<16xf32>
        %parallel_loop3A_507 = arith.index_cast %parallel_loop3A_357 : i32 to index
        %parallel_loop3A_508 = arith.constant 160 : index
        %parallel_loop3A_509 = tpu.vector_load %arg14[%parallel_loop3A_507, %parallel_loop3A_508] {strides = array<i32>} : memref<32x512xf32, #tpu.memory_space<vmem>>, vector<1x16xf32>,
        %parallel_loop3A_510 = vector.shape_cast %parallel_loop3A_509 : vector<1x16xf32> to vector<16xf32>
        %parallel_loop3A_511 = vector.shape_cast %parallel_loop3A_506 : vector<16xf32> to vector<1x16xf32>
        tpu.vector_store %arg14[%parallel_loop3A_507, %parallel_loop3A_508], %parallel_loop3A_511 {strides = array<i32>} : memref<32x512xf32, #tpu.memory_space<vmem>>, vector<1x16xf32>,
        %parallel_loop3A_512 = arith.index_cast %parallel_loop3A_357 : i32 to index
        %parallel_loop3A_513 = arith.constant 176 : index
        %parallel_loop3A_514 = tpu.vector_load %arg10[%parallel_loop3A_512, %parallel_loop3A_513] {strides = array<i32>} : memref<32x512xf32, #tpu.memory_space<vmem>>, vector<1x16xf32>,
        %parallel_loop3A_515 = vector.shape_cast %parallel_loop3A_514 : vector<1x16xf32> to vector<16xf32>
        %parallel_loop3A_516 = arith.index_cast %sub3A_108 : i32 to index
        %parallel_loop3A_517 = arith.constant 176 : index
        %parallel_loop3A_518 = tpu.vector_load %arg7[%parallel_loop3A_516, %parallel_loop3A_517] {strides = array<i32>} : memref<16x512xf32, #tpu.memory_space<vmem>>, vector<1x16xf32>,
        %parallel_loop3A_519 = vector.shape_cast %parallel_loop3A_518 : vector<1x16xf32> to vector<16xf32>
        %parallel_loop3A_520 = arith.addf %parallel_loop3A_515, %parallel_loop3A_519 : vector<16xf32>
        %parallel_loop3A_521 = arith.index_cast %parallel_loop3A_357 : i32 to index
        %parallel_loop3A_522 = arith.constant 176 : index
        %parallel_loop3A_523 = tpu.vector_load %arg14[%parallel_loop3A_521, %parallel_loop3A_522] {strides = array<i32>} : memref<32x512xf32, #tpu.memory_space<vmem>>, vector<1x16xf32>,
        %parallel_loop3A_524 = vector.shape_cast %parallel_loop3A_523 : vector<1x16xf32> to vector<16xf32>
        %parallel_loop3A_525 = vector.shape_cast %parallel_loop3A_520 : vector<16xf32> to vector<1x16xf32>
        tpu.vector_store %arg14[%parallel_loop3A_521, %parallel_loop3A_522], %parallel_loop3A_525 {strides = array<i32>} : memref<32x512xf32, #tpu.memory_space<vmem>>, vector<1x16xf32>,
        %parallel_loop3A_526 = arith.index_cast %parallel_loop3A_357 : i32 to index
        %parallel_loop3A_527 = arith.constant 192 : index
        %parallel_loop3A_528 = tpu.vector_load %arg10[%parallel_loop3A_526, %parallel_loop3A_527] {strides = array<i32>} : memref<32x512xf32, #tpu.memory_space<vmem>>, vector<1x16xf32>,
        %parallel_loop3A_529 = vector.shape_cast %parallel_loop3A_528 : vector<1x16xf32> to vector<16xf32>
        %parallel_loop3A_530 = arith.index_cast %sub3A_108 : i32 to index
        %parallel_loop3A_531 = arith.constant 192 : index
        %parallel_loop3A_532 = tpu.vector_load %arg7[%parallel_loop3A_530, %parallel_loop3A_531] {strides = array<i32>} : memref<16x512xf32, #tpu.memory_space<vmem>>, vector<1x16xf32>,
        %parallel_loop3A_533 = vector.shape_cast %parallel_loop3A_532 : vector<1x16xf32> to vector<16xf32>
        %parallel_loop3A_534 = arith.addf %parallel_loop3A_529, %parallel_loop3A_533 : vector<16xf32>
        %parallel_loop3A_535 = arith.index_cast %parallel_loop3A_357 : i32 to index
        %parallel_loop3A_536 = arith.constant 192 : index
        %parallel_loop3A_537 = tpu.vector_load %arg14[%parallel_loop3A_535, %parallel_loop3A_536] {strides = array<i32>} : memref<32x512xf32, #tpu.memory_space<vmem>>, vector<1x16xf32>,
        %parallel_loop3A_538 = vector.shape_cast %parallel_loop3A_537 : vector<1x16xf32> to vector<16xf32>
        %parallel_loop3A_539 = vector.shape_cast %parallel_loop3A_534 : vector<16xf32> to vector<1x16xf32>
        tpu.vector_store %arg14[%parallel_loop3A_535, %parallel_loop3A_536], %parallel_loop3A_539 {strides = array<i32>} : memref<32x512xf32, #tpu.memory_space<vmem>>, vector<1x16xf32>,
        %parallel_loop3A_540 = arith.index_cast %parallel_loop3A_357 : i32 to index
        %parallel_loop3A_541 = arith.constant 208 : index
        %parallel_loop3A_542 = tpu.vector_load %arg10[%parallel_loop3A_540, %parallel_loop3A_541] {strides = array<i32>} : memref<32x512xf32, #tpu.memory_space<vmem>>, vector<1x16xf32>,
        %parallel_loop3A_543 = vector.shape_cast %parallel_loop3A_542 : vector<1x16xf32> to vector<16xf32>
        %parallel_loop3A_544 = arith.index_cast %sub3A_108 : i32 to index
        %parallel_loop3A_545 = arith.constant 208 : index
        %parallel_loop3A_546 = tpu.vector_load %arg7[%parallel_loop3A_544, %parallel_loop3A_545] {strides = array<i32>} : memref<16x512xf32, #tpu.memory_space<vmem>>, vector<1x16xf32>,
        %parallel_loop3A_547 = vector.shape_cast %parallel_loop3A_546 : vector<1x16xf32> to vector<16xf32>
        %parallel_loop3A_548 = arith.addf %parallel_loop3A_543, %parallel_loop3A_547 : vector<16xf32>
        %parallel_loop3A_549 = arith.index_cast %parallel_loop3A_357 : i32 to index
        %parallel_loop3A_550 = arith.constant 208 : index
        %parallel_loop3A_551 = tpu.vector_load %arg14[%parallel_loop3A_549, %parallel_loop3A_550] {strides = array<i32>} : memref<32x512xf32, #tpu.memory_space<vmem>>, vector<1x16xf32>,
        %parallel_loop3A_552 = vector.shape_cast %parallel_loop3A_551 : vector<1x16xf32> to vector<16xf32>
        %parallel_loop3A_553 = vector.shape_cast %parallel_loop3A_548 : vector<16xf32> to vector<1x16xf32>
        tpu.vector_store %arg14[%parallel_loop3A_549, %parallel_loop3A_550], %parallel_loop3A_553 {strides = array<i32>} : memref<32x512xf32, #tpu.memory_space<vmem>>, vector<1x16xf32>,
        %parallel_loop3A_554 = arith.index_cast %parallel_loop3A_357 : i32 to index
        %parallel_loop3A_555 = arith.constant 224 : index
        %parallel_loop3A_556 = tpu.vector_load %arg10[%parallel_loop3A_554, %parallel_loop3A_555] {strides = array<i32>} : memref<32x512xf32, #tpu.memory_space<vmem>>, vector<1x16xf32>,
        %parallel_loop3A_557 = vector.shape_cast %parallel_loop3A_556 : vector<1x16xf32> to vector<16xf32>
        %parallel_loop3A_558 = arith.index_cast %sub3A_108 : i32 to index
        %parallel_loop3A_559 = arith.constant 224 : index
        %parallel_loop3A_560 = tpu.vector_load %arg7[%parallel_loop3A_558, %parallel_loop3A_559] {strides = array<i32>} : memref<16x512xf32, #tpu.memory_space<vmem>>, vector<1x16xf32>,
        %parallel_loop3A_561 = vector.shape_cast %parallel_loop3A_560 : vector<1x16xf32> to vector<16xf32>
        %parallel_loop3A_562 = arith.addf %parallel_loop3A_557, %parallel_loop3A_561 : vector<16xf32>
        %parallel_loop3A_563 = arith.index_cast %parallel_loop3A_357 : i32 to index
        %parallel_loop3A_564 = arith.constant 224 : index
        %parallel_loop3A_565 = tpu.vector_load %arg14[%parallel_loop3A_563, %parallel_loop3A_564] {strides = array<i32>} : memref<32x512xf32, #tpu.memory_space<vmem>>, vector<1x16xf32>,
        %parallel_loop3A_566 = vector.shape_cast %parallel_loop3A_565 : vector<1x16xf32> to vector<16xf32>
        %parallel_loop3A_567 = vector.shape_cast %parallel_loop3A_562 : vector<16xf32> to vector<1x16xf32>
        tpu.vector_store %arg14[%parallel_loop3A_563, %parallel_loop3A_564], %parallel_loop3A_567 {strides = array<i32>} : memref<32x512xf32, #tpu.memory_space<vmem>>, vector<1x16xf32>,
        %parallel_loop3A_568 = arith.index_cast %parallel_loop3A_357 : i32 to index
        %parallel_loop3A_569 = arith.constant 240 : index
        %parallel_loop3A_570 = tpu.vector_load %arg10[%parallel_loop3A_568, %parallel_loop3A_569] {strides = array<i32>} : memref<32x512xf32, #tpu.memory_space<vmem>>, vector<1x16xf32>,
        %parallel_loop3A_571 = vector.shape_cast %parallel_loop3A_570 : vector<1x16xf32> to vector<16xf32>
        %parallel_loop3A_572 = arith.index_cast %sub3A_108 : i32 to index
        %parallel_loop3A_573 = arith.constant 240 : index
        %parallel_loop3A_574 = tpu.vector_load %arg7[%parallel_loop3A_572, %parallel_loop3A_573] {strides = array<i32>} : memref<16x512xf32, #tpu.memory_space<vmem>>, vector<1x16xf32>,
        %parallel_loop3A_575 = vector.shape_cast %parallel_loop3A_574 : vector<1x16xf32> to vector<16xf32>
        %parallel_loop3A_576 = arith.addf %parallel_loop3A_571, %parallel_loop3A_575 : vector<16xf32>
        %parallel_loop3A_577 = arith.index_cast %parallel_loop3A_357 : i32 to index
        %parallel_loop3A_578 = arith.constant 240 : index
        %parallel_loop3A_579 = tpu.vector_load %arg14[%parallel_loop3A_577, %parallel_loop3A_578] {strides = array<i32>} : memref<32x512xf32, #tpu.memory_space<vmem>>, vector<1x16xf32>,
        %parallel_loop3A_580 = vector.shape_cast %parallel_loop3A_579 : vector<1x16xf32> to vector<16xf32>
        %parallel_loop3A_581 = vector.shape_cast %parallel_loop3A_576 : vector<16xf32> to vector<1x16xf32>
        tpu.vector_store %arg14[%parallel_loop3A_577, %parallel_loop3A_578], %parallel_loop3A_581 {strides = array<i32>} : memref<32x512xf32, #tpu.memory_space<vmem>>, vector<1x16xf32>,
        %parallel_loop3A_582 = arith.index_cast %parallel_loop3A_357 : i32 to index
        %parallel_loop3A_583 = arith.constant 256 : index
        %parallel_loop3A_584 = tpu.vector_load %arg10[%parallel_loop3A_582, %parallel_loop3A_583] {strides = array<i32>} : memref<32x512xf32, #tpu.memory_space<vmem>>, vector<1x16xf32>,
        %parallel_loop3A_585 = vector.shape_cast %parallel_loop3A_584 : vector<1x16xf32> to vector<16xf32>
        %parallel_loop3A_586 = arith.index_cast %sub3A_108 : i32 to index
        %parallel_loop3A_587 = arith.constant 256 : index
        %parallel_loop3A_588 = tpu.vector_load %arg7[%parallel_loop3A_586, %parallel_loop3A_587] {strides = array<i32>} : memref<16x512xf32, #tpu.memory_space<vmem>>, vector<1x16xf32>,
        %parallel_loop3A_589 = vector.shape_cast %parallel_loop3A_588 : vector<1x16xf32> to vector<16xf32>
        %parallel_loop3A_590 = arith.addf %parallel_loop3A_585, %parallel_loop3A_589 : vector<16xf32>
        %parallel_loop3A_591 = arith.index_cast %parallel_loop3A_357 : i32 to index
        %parallel_loop3A_592 = arith.constant 256 : index
        %parallel_loop3A_593 = tpu.vector_load %arg14[%parallel_loop3A_591, %parallel_loop3A_592] {strides = array<i32>} : memref<32x512xf32, #tpu.memory_space<vmem>>, vector<1x16xf32>,
        %parallel_loop3A_594 = vector.shape_cast %parallel_loop3A_593 : vector<1x16xf32> to vector<16xf32>
        %parallel_loop3A_595 = vector.shape_cast %parallel_loop3A_590 : vector<16xf32> to vector<1x16xf32>
        tpu.vector_store %arg14[%parallel_loop3A_591, %parallel_loop3A_592], %parallel_loop3A_595 {strides = array<i32>} : memref<32x512xf32, #tpu.memory_space<vmem>>, vector<1x16xf32>,
        %parallel_loop3A_596 = arith.index_cast %parallel_loop3A_357 : i32 to index
        %parallel_loop3A_597 = arith.constant 272 : index
        %parallel_loop3A_598 = tpu.vector_load %arg10[%parallel_loop3A_596, %parallel_loop3A_597] {strides = array<i32>} : memref<32x512xf32, #tpu.memory_space<vmem>>, vector<1x16xf32>,
        %parallel_loop3A_599 = vector.shape_cast %parallel_loop3A_598 : vector<1x16xf32> to vector<16xf32>
        %parallel_loop3A_600 = arith.index_cast %sub3A_108 : i32 to index
        %parallel_loop3A_601 = arith.constant 272 : index
        %parallel_loop3A_602 = tpu.vector_load %arg7[%parallel_loop3A_600, %parallel_loop3A_601] {strides = array<i32>} : memref<16x512xf32, #tpu.memory_space<vmem>>, vector<1x16xf32>,
        %parallel_loop3A_603 = vector.shape_cast %parallel_loop3A_602 : vector<1x16xf32> to vector<16xf32>
        %parallel_loop3A_604 = arith.addf %parallel_loop3A_599, %parallel_loop3A_603 : vector<16xf32>
        %parallel_loop3A_605 = arith.index_cast %parallel_loop3A_357 : i32 to index
        %parallel_loop3A_606 = arith.constant 272 : index
        %parallel_loop3A_607 = tpu.vector_load %arg14[%parallel_loop3A_605, %parallel_loop3A_606] {strides = array<i32>} : memref<32x512xf32, #tpu.memory_space<vmem>>, vector<1x16xf32>,
        %parallel_loop3A_608 = vector.shape_cast %parallel_loop3A_607 : vector<1x16xf32> to vector<16xf32>
        %parallel_loop3A_609 = vector.shape_cast %parallel_loop3A_604 : vector<16xf32> to vector<1x16xf32>
        tpu.vector_store %arg14[%parallel_loop3A_605, %parallel_loop3A_606], %parallel_loop3A_609 {strides = array<i32>} : memref<32x512xf32, #tpu.memory_space<vmem>>, vector<1x16xf32>,
        %parallel_loop3A_610 = arith.index_cast %parallel_loop3A_357 : i32 to index
        %parallel_loop3A_611 = arith.constant 288 : index
        %parallel_loop3A_612 = tpu.vector_load %arg10[%parallel_loop3A_610, %parallel_loop3A_611] {strides = array<i32>} : memref<32x512xf32, #tpu.memory_space<vmem>>, vector<1x16xf32>,
        %parallel_loop3A_613 = vector.shape_cast %parallel_loop3A_612 : vector<1x16xf32> to vector<16xf32>
        %parallel_loop3A_614 = arith.index_cast %sub3A_108 : i32 to index
        %parallel_loop3A_615 = arith.constant 288 : index
        %parallel_loop3A_616 = tpu.vector_load %arg7[%parallel_loop3A_614, %parallel_loop3A_615] {strides = array<i32>} : memref<16x512xf32, #tpu.memory_space<vmem>>, vector<1x16xf32>,
        %parallel_loop3A_617 = vector.shape_cast %parallel_loop3A_616 : vector<1x16xf32> to vector<16xf32>
        %parallel_loop3A_618 = arith.addf %parallel_loop3A_613, %parallel_loop3A_617 : vector<16xf32>
        %parallel_loop3A_619 = arith.index_cast %parallel_loop3A_357 : i32 to index
        %parallel_loop3A_620 = arith.constant 288 : index
        %parallel_loop3A_621 = tpu.vector_load %arg14[%parallel_loop3A_619, %parallel_loop3A_620] {strides = array<i32>} : memref<32x512xf32, #tpu.memory_space<vmem>>, vector<1x16xf32>,
        %parallel_loop3A_622 = vector.shape_cast %parallel_loop3A_621 : vector<1x16xf32> to vector<16xf32>
        %parallel_loop3A_623 = vector.shape_cast %parallel_loop3A_618 : vector<16xf32> to vector<1x16xf32>
        tpu.vector_store %arg14[%parallel_loop3A_619, %parallel_loop3A_620], %parallel_loop3A_623 {strides = array<i32>} : memref<32x512xf32, #tpu.memory_space<vmem>>, vector<1x16xf32>,
        %parallel_loop3A_624 = arith.index_cast %parallel_loop3A_357 : i32 to index
        %parallel_loop3A_625 = arith.constant 304 : index
        %parallel_loop3A_626 = tpu.vector_load %arg10[%parallel_loop3A_624, %parallel_loop3A_625] {strides = array<i32>} : memref<32x512xf32, #tpu.memory_space<vmem>>, vector<1x16xf32>,
        %parallel_loop3A_627 = vector.shape_cast %parallel_loop3A_626 : vector<1x16xf32> to vector<16xf32>
        %parallel_loop3A_628 = arith.index_cast %sub3A_108 : i32 to index
        %parallel_loop3A_629 = arith.constant 304 : index
        %parallel_loop3A_630 = tpu.vector_load %arg7[%parallel_loop3A_628, %parallel_loop3A_629] {strides = array<i32>} : memref<16x512xf32, #tpu.memory_space<vmem>>, vector<1x16xf32>,
        %parallel_loop3A_631 = vector.shape_cast %parallel_loop3A_630 : vector<1x16xf32> to vector<16xf32>
        %parallel_loop3A_632 = arith.addf %parallel_loop3A_627, %parallel_loop3A_631 : vector<16xf32>
        %parallel_loop3A_633 = arith.index_cast %parallel_loop3A_357 : i32 to index
        %parallel_loop3A_634 = arith.constant 304 : index
        %parallel_loop3A_635 = tpu.vector_load %arg14[%parallel_loop3A_633, %parallel_loop3A_634] {strides = array<i32>} : memref<32x512xf32, #tpu.memory_space<vmem>>, vector<1x16xf32>,
        %parallel_loop3A_636 = vector.shape_cast %parallel_loop3A_635 : vector<1x16xf32> to vector<16xf32>
        %parallel_loop3A_637 = vector.shape_cast %parallel_loop3A_632 : vector<16xf32> to vector<1x16xf32>
        tpu.vector_store %arg14[%parallel_loop3A_633, %parallel_loop3A_634], %parallel_loop3A_637 {strides = array<i32>} : memref<32x512xf32, #tpu.memory_space<vmem>>, vector<1x16xf32>,
        %parallel_loop3A_638 = arith.index_cast %parallel_loop3A_357 : i32 to index
        %parallel_loop3A_639 = arith.constant 320 : index
        %parallel_loop3A_640 = tpu.vector_load %arg10[%parallel_loop3A_638, %parallel_loop3A_639] {strides = array<i32>} : memref<32x512xf32, #tpu.memory_space<vmem>>, vector<1x16xf32>,
        %parallel_loop3A_641 = vector.shape_cast %parallel_loop3A_640 : vector<1x16xf32> to vector<16xf32>
        %parallel_loop3A_642 = arith.index_cast %sub3A_108 : i32 to index
        %parallel_loop3A_643 = arith.constant 320 : index
        %parallel_loop3A_644 = tpu.vector_load %arg7[%parallel_loop3A_642, %parallel_loop3A_643] {strides = array<i32>} : memref<16x512xf32, #tpu.memory_space<vmem>>, vector<1x16xf32>,
        %parallel_loop3A_645 = vector.shape_cast %parallel_loop3A_644 : vector<1x16xf32> to vector<16xf32>
        %parallel_loop3A_646 = arith.addf %parallel_loop3A_641, %parallel_loop3A_645 : vector<16xf32>
        %parallel_loop3A_647 = arith.index_cast %parallel_loop3A_357 : i32 to index
        %parallel_loop3A_648 = arith.constant 320 : index
        %parallel_loop3A_649 = tpu.vector_load %arg14[%parallel_loop3A_647, %parallel_loop3A_648] {strides = array<i32>} : memref<32x512xf32, #tpu.memory_space<vmem>>, vector<1x16xf32>,
        %parallel_loop3A_650 = vector.shape_cast %parallel_loop3A_649 : vector<1x16xf32> to vector<16xf32>
        %parallel_loop3A_651 = vector.shape_cast %parallel_loop3A_646 : vector<16xf32> to vector<1x16xf32>
        tpu.vector_store %arg14[%parallel_loop3A_647, %parallel_loop3A_648], %parallel_loop3A_651 {strides = array<i32>} : memref<32x512xf32, #tpu.memory_space<vmem>>, vector<1x16xf32>,
        %parallel_loop3A_652 = arith.index_cast %parallel_loop3A_357 : i32 to index
        %parallel_loop3A_653 = arith.constant 336 : index
        %parallel_loop3A_654 = tpu.vector_load %arg10[%parallel_loop3A_652, %parallel_loop3A_653] {strides = array<i32>} : memref<32x512xf32, #tpu.memory_space<vmem>>, vector<1x16xf32>,
        %parallel_loop3A_655 = vector.shape_cast %parallel_loop3A_654 : vector<1x16xf32> to vector<16xf32>
        %parallel_loop3A_656 = arith.index_cast %sub3A_108 : i32 to index
        %parallel_loop3A_657 = arith.constant 336 : index
        %parallel_loop3A_658 = tpu.vector_load %arg7[%parallel_loop3A_656, %parallel_loop3A_657] {strides = array<i32>} : memref<16x512xf32, #tpu.memory_space<vmem>>, vector<1x16xf32>,
        %parallel_loop3A_659 = vector.shape_cast %parallel_loop3A_658 : vector<1x16xf32> to vector<16xf32>
        %parallel_loop3A_660 = arith.addf %parallel_loop3A_655, %parallel_loop3A_659 : vector<16xf32>
        %parallel_loop3A_661 = arith.index_cast %parallel_loop3A_357 : i32 to index
        %parallel_loop3A_662 = arith.constant 336 : index
        %parallel_loop3A_663 = tpu.vector_load %arg14[%parallel_loop3A_661, %parallel_loop3A_662] {strides = array<i32>} : memref<32x512xf32, #tpu.memory_space<vmem>>, vector<1x16xf32>,
        %parallel_loop3A_664 = vector.shape_cast %parallel_loop3A_663 : vector<1x16xf32> to vector<16xf32>
        %parallel_loop3A_665 = vector.shape_cast %parallel_loop3A_660 : vector<16xf32> to vector<1x16xf32>
        tpu.vector_store %arg14[%parallel_loop3A_661, %parallel_loop3A_662], %parallel_loop3A_665 {strides = array<i32>} : memref<32x512xf32, #tpu.memory_space<vmem>>, vector<1x16xf32>,
        %parallel_loop3A_666 = arith.index_cast %parallel_loop3A_357 : i32 to index
        %parallel_loop3A_667 = arith.constant 352 : index
        %parallel_loop3A_668 = tpu.vector_load %arg10[%parallel_loop3A_666, %parallel_loop3A_667] {strides = array<i32>} : memref<32x512xf32, #tpu.memory_space<vmem>>, vector<1x16xf32>,
        %parallel_loop3A_669 = vector.shape_cast %parallel_loop3A_668 : vector<1x16xf32> to vector<16xf32>
        %parallel_loop3A_670 = arith.index_cast %sub3A_108 : i32 to index
        %parallel_loop3A_671 = arith.constant 352 : index
        %parallel_loop3A_672 = tpu.vector_load %arg7[%parallel_loop3A_670, %parallel_loop3A_671] {strides = array<i32>} : memref<16x512xf32, #tpu.memory_space<vmem>>, vector<1x16xf32>,
        %parallel_loop3A_673 = vector.shape_cast %parallel_loop3A_672 : vector<1x16xf32> to vector<16xf32>
        %parallel_loop3A_674 = arith.addf %parallel_loop3A_669, %parallel_loop3A_673 : vector<16xf32>
        %parallel_loop3A_675 = arith.index_cast %parallel_loop3A_357 : i32 to index
        %parallel_loop3A_676 = arith.constant 352 : index
        %parallel_loop3A_677 = tpu.vector_load %arg14[%parallel_loop3A_675, %parallel_loop3A_676] {strides = array<i32>} : memref<32x512xf32, #tpu.memory_space<vmem>>, vector<1x16xf32>,
        %parallel_loop3A_678 = vector.shape_cast %parallel_loop3A_677 : vector<1x16xf32> to vector<16xf32>
        %parallel_loop3A_679 = vector.shape_cast %parallel_loop3A_674 : vector<16xf32> to vector<1x16xf32>
        tpu.vector_store %arg14[%parallel_loop3A_675, %parallel_loop3A_676], %parallel_loop3A_679 {strides = array<i32>} : memref<32x512xf32, #tpu.memory_space<vmem>>, vector<1x16xf32>,
        %parallel_loop3A_680 = arith.index_cast %parallel_loop3A_357 : i32 to index
        %parallel_loop3A_681 = arith.constant 368 : index
        %parallel_loop3A_682 = tpu.vector_load %arg10[%parallel_loop3A_680, %parallel_loop3A_681] {strides = array<i32>} : memref<32x512xf32, #tpu.memory_space<vmem>>, vector<1x16xf32>,
        %parallel_loop3A_683 = vector.shape_cast %parallel_loop3A_682 : vector<1x16xf32> to vector<16xf32>
        %parallel_loop3A_684 = arith.index_cast %sub3A_108 : i32 to index
        %parallel_loop3A_685 = arith.constant 368 : index
        %parallel_loop3A_686 = tpu.vector_load %arg7[%parallel_loop3A_684, %parallel_loop3A_685] {strides = array<i32>} : memref<16x512xf32, #tpu.memory_space<vmem>>, vector<1x16xf32>,
        %parallel_loop3A_687 = vector.shape_cast %parallel_loop3A_686 : vector<1x16xf32> to vector<16xf32>
        %parallel_loop3A_688 = arith.addf %parallel_loop3A_683, %parallel_loop3A_687 : vector<16xf32>
        %parallel_loop3A_689 = arith.index_cast %parallel_loop3A_357 : i32 to index
        %parallel_loop3A_690 = arith.constant 368 : index
        %parallel_loop3A_691 = tpu.vector_load %arg14[%parallel_loop3A_689, %parallel_loop3A_690] {strides = array<i32>} : memref<32x512xf32, #tpu.memory_space<vmem>>, vector<1x16xf32>,
        %parallel_loop3A_692 = vector.shape_cast %parallel_loop3A_691 : vector<1x16xf32> to vector<16xf32>
        %parallel_loop3A_693 = vector.shape_cast %parallel_loop3A_688 : vector<16xf32> to vector<1x16xf32>
        tpu.vector_store %arg14[%parallel_loop3A_689, %parallel_loop3A_690], %parallel_loop3A_693 {strides = array<i32>} : memref<32x512xf32, #tpu.memory_space<vmem>>, vector<1x16xf32>,
        %parallel_loop3A_694 = arith.index_cast %parallel_loop3A_357 : i32 to index
        %parallel_loop3A_695 = arith.constant 384 : index
        %parallel_loop3A_696 = tpu.vector_load %arg10[%parallel_loop3A_694, %parallel_loop3A_695] {strides = array<i32>} : memref<32x512xf32, #tpu.memory_space<vmem>>, vector<1x16xf32>,
        %parallel_loop3A_697 = vector.shape_cast %parallel_loop3A_696 : vector<1x16xf32> to vector<16xf32>
        %parallel_loop3A_698 = arith.index_cast %sub3A_108 : i32 to index
        %parallel_loop3A_699 = arith.constant 384 : index
        %parallel_loop3A_700 = tpu.vector_load %arg7[%parallel_loop3A_698, %parallel_loop3A_699] {strides = array<i32>} : memref<16x512xf32, #tpu.memory_space<vmem>>, vector<1x16xf32>,
        %parallel_loop3A_701 = vector.shape_cast %parallel_loop3A_700 : vector<1x16xf32> to vector<16xf32>
        %parallel_loop3A_702 = arith.addf %parallel_loop3A_697, %parallel_loop3A_701 : vector<16xf32>
        %parallel_loop3A_703 = arith.index_cast %parallel_loop3A_357 : i32 to index
        %parallel_loop3A_704 = arith.constant 384 : index
        %parallel_loop3A_705 = tpu.vector_load %arg14[%parallel_loop3A_703, %parallel_loop3A_704] {strides = array<i32>} : memref<32x512xf32, #tpu.memory_space<vmem>>, vector<1x16xf32>,
        %parallel_loop3A_706 = vector.shape_cast %parallel_loop3A_705 : vector<1x16xf32> to vector<16xf32>
        %parallel_loop3A_707 = vector.shape_cast %parallel_loop3A_702 : vector<16xf32> to vector<1x16xf32>
        tpu.vector_store %arg14[%parallel_loop3A_703, %parallel_loop3A_704], %parallel_loop3A_707 {strides = array<i32>} : memref<32x512xf32, #tpu.memory_space<vmem>>, vector<1x16xf32>,
        %parallel_loop3A_708 = arith.index_cast %parallel_loop3A_357 : i32 to index
        %parallel_loop3A_709 = arith.constant 400 : index
        %parallel_loop3A_710 = tpu.vector_load %arg10[%parallel_loop3A_708, %parallel_loop3A_709] {strides = array<i32>} : memref<32x512xf32, #tpu.memory_space<vmem>>, vector<1x16xf32>,
        %parallel_loop3A_711 = vector.shape_cast %parallel_loop3A_710 : vector<1x16xf32> to vector<16xf32>
        %parallel_loop3A_712 = arith.index_cast %sub3A_108 : i32 to index
        %parallel_loop3A_713 = arith.constant 400 : index
        %parallel_loop3A_714 = tpu.vector_load %arg7[%parallel_loop3A_712, %parallel_loop3A_713] {strides = array<i32>} : memref<16x512xf32, #tpu.memory_space<vmem>>, vector<1x16xf32>,
        %parallel_loop3A_715 = vector.shape_cast %parallel_loop3A_714 : vector<1x16xf32> to vector<16xf32>
        %parallel_loop3A_716 = arith.addf %parallel_loop3A_711, %parallel_loop3A_715 : vector<16xf32>
        %parallel_loop3A_717 = arith.index_cast %parallel_loop3A_357 : i32 to index
        %parallel_loop3A_718 = arith.constant 400 : index
        %parallel_loop3A_719 = tpu.vector_load %arg14[%parallel_loop3A_717, %parallel_loop3A_718] {strides = array<i32>} : memref<32x512xf32, #tpu.memory_space<vmem>>, vector<1x16xf32>,
        %parallel_loop3A_720 = vector.shape_cast %parallel_loop3A_719 : vector<1x16xf32> to vector<16xf32>
        %parallel_loop3A_721 = vector.shape_cast %parallel_loop3A_716 : vector<16xf32> to vector<1x16xf32>
        tpu.vector_store %arg14[%parallel_loop3A_717, %parallel_loop3A_718], %parallel_loop3A_721 {strides = array<i32>} : memref<32x512xf32, #tpu.memory_space<vmem>>, vector<1x16xf32>,
        %parallel_loop3A_722 = arith.index_cast %parallel_loop3A_357 : i32 to index
        %parallel_loop3A_723 = arith.constant 416 : index
        %parallel_loop3A_724 = tpu.vector_load %arg10[%parallel_loop3A_722, %parallel_loop3A_723] {strides = array<i32>} : memref<32x512xf32, #tpu.memory_space<vmem>>, vector<1x16xf32>,
        %parallel_loop3A_725 = vector.shape_cast %parallel_loop3A_724 : vector<1x16xf32> to vector<16xf32>
        %parallel_loop3A_726 = arith.index_cast %sub3A_108 : i32 to index
        %parallel_loop3A_727 = arith.constant 416 : index
        %parallel_loop3A_728 = tpu.vector_load %arg7[%parallel_loop3A_726, %parallel_loop3A_727] {strides = array<i32>} : memref<16x512xf32, #tpu.memory_space<vmem>>, vector<1x16xf32>,
        %parallel_loop3A_729 = vector.shape_cast %parallel_loop3A_728 : vector<1x16xf32> to vector<16xf32>
        %parallel_loop3A_730 = arith.addf %parallel_loop3A_725, %parallel_loop3A_729 : vector<16xf32>
        %parallel_loop3A_731 = arith.index_cast %parallel_loop3A_357 : i32 to index
        %parallel_loop3A_732 = arith.constant 416 : index
        %parallel_loop3A_733 = tpu.vector_load %arg14[%parallel_loop3A_731, %parallel_loop3A_732] {strides = array<i32>} : memref<32x512xf32, #tpu.memory_space<vmem>>, vector<1x16xf32>,
        %parallel_loop3A_734 = vector.shape_cast %parallel_loop3A_733 : vector<1x16xf32> to vector<16xf32>
        %parallel_loop3A_735 = vector.shape_cast %parallel_loop3A_730 : vector<16xf32> to vector<1x16xf32>
        tpu.vector_store %arg14[%parallel_loop3A_731, %parallel_loop3A_732], %parallel_loop3A_735 {strides = array<i32>} : memref<32x512xf32, #tpu.memory_space<vmem>>, vector<1x16xf32>,
        %parallel_loop3A_736 = arith.index_cast %parallel_loop3A_357 : i32 to index
        %parallel_loop3A_737 = arith.constant 432 : index
        %parallel_loop3A_738 = tpu.vector_load %arg10[%parallel_loop3A_736, %parallel_loop3A_737] {strides = array<i32>} : memref<32x512xf32, #tpu.memory_space<vmem>>, vector<1x16xf32>,
        %parallel_loop3A_739 = vector.shape_cast %parallel_loop3A_738 : vector<1x16xf32> to vector<16xf32>
        %parallel_loop3A_740 = arith.index_cast %sub3A_108 : i32 to index
        %parallel_loop3A_741 = arith.constant 432 : index
        %parallel_loop3A_742 = tpu.vector_load %arg7[%parallel_loop3A_740, %parallel_loop3A_741] {strides = array<i32>} : memref<16x512xf32, #tpu.memory_space<vmem>>, vector<1x16xf32>,
        %parallel_loop3A_743 = vector.shape_cast %parallel_loop3A_742 : vector<1x16xf32> to vector<16xf32>
        %parallel_loop3A_744 = arith.addf %parallel_loop3A_739, %parallel_loop3A_743 : vector<16xf32>
        %parallel_loop3A_745 = arith.index_cast %parallel_loop3A_357 : i32 to index
        %parallel_loop3A_746 = arith.constant 432 : index
        %parallel_loop3A_747 = tpu.vector_load %arg14[%parallel_loop3A_745, %parallel_loop3A_746] {strides = array<i32>} : memref<32x512xf32, #tpu.memory_space<vmem>>, vector<1x16xf32>,
        %parallel_loop3A_748 = vector.shape_cast %parallel_loop3A_747 : vector<1x16xf32> to vector<16xf32>
        %parallel_loop3A_749 = vector.shape_cast %parallel_loop3A_744 : vector<16xf32> to vector<1x16xf32>
        tpu.vector_store %arg14[%parallel_loop3A_745, %parallel_loop3A_746], %parallel_loop3A_749 {strides = array<i32>} : memref<32x512xf32, #tpu.memory_space<vmem>>, vector<1x16xf32>,
        %parallel_loop3A_750 = arith.index_cast %parallel_loop3A_357 : i32 to index
        %parallel_loop3A_751 = arith.constant 448 : index
        %parallel_loop3A_752 = tpu.vector_load %arg10[%parallel_loop3A_750, %parallel_loop3A_751] {strides = array<i32>} : memref<32x512xf32, #tpu.memory_space<vmem>>, vector<1x16xf32>,
        %parallel_loop3A_753 = vector.shape_cast %parallel_loop3A_752 : vector<1x16xf32> to vector<16xf32>
        %parallel_loop3A_754 = arith.index_cast %sub3A_108 : i32 to index
        %parallel_loop3A_755 = arith.constant 448 : index
        %parallel_loop3A_756 = tpu.vector_load %arg7[%parallel_loop3A_754, %parallel_loop3A_755] {strides = array<i32>} : memref<16x512xf32, #tpu.memory_space<vmem>>, vector<1x16xf32>,
        %parallel_loop3A_757 = vector.shape_cast %parallel_loop3A_756 : vector<1x16xf32> to vector<16xf32>
        %parallel_loop3A_758 = arith.addf %parallel_loop3A_753, %parallel_loop3A_757 : vector<16xf32>
        %parallel_loop3A_759 = arith.index_cast %parallel_loop3A_357 : i32 to index
        %parallel_loop3A_760 = arith.constant 448 : index
        %parallel_loop3A_761 = tpu.vector_load %arg14[%parallel_loop3A_759, %parallel_loop3A_760] {strides = array<i32>} : memref<32x512xf32, #tpu.memory_space<vmem>>, vector<1x16xf32>,
        %parallel_loop3A_762 = vector.shape_cast %parallel_loop3A_761 : vector<1x16xf32> to vector<16xf32>
        %parallel_loop3A_763 = vector.shape_cast %parallel_loop3A_758 : vector<16xf32> to vector<1x16xf32>
        tpu.vector_store %arg14[%parallel_loop3A_759, %parallel_loop3A_760], %parallel_loop3A_763 {strides = array<i32>} : memref<32x512xf32, #tpu.memory_space<vmem>>, vector<1x16xf32>,
        %parallel_loop3A_764 = arith.index_cast %parallel_loop3A_357 : i32 to index
        %parallel_loop3A_765 = arith.constant 464 : index
        %parallel_loop3A_766 = tpu.vector_load %arg10[%parallel_loop3A_764, %parallel_loop3A_765] {strides = array<i32>} : memref<32x512xf32, #tpu.memory_space<vmem>>, vector<1x16xf32>,
        %parallel_loop3A_767 = vector.shape_cast %parallel_loop3A_766 : vector<1x16xf32> to vector<16xf32>
        %parallel_loop3A_768 = arith.index_cast %sub3A_108 : i32 to index
        %parallel_loop3A_769 = arith.constant 464 : index
        %parallel_loop3A_770 = tpu.vector_load %arg7[%parallel_loop3A_768, %parallel_loop3A_769] {strides = array<i32>} : memref<16x512xf32, #tpu.memory_space<vmem>>, vector<1x16xf32>,
        %parallel_loop3A_771 = vector.shape_cast %parallel_loop3A_770 : vector<1x16xf32> to vector<16xf32>
        %parallel_loop3A_772 = arith.addf %parallel_loop3A_767, %parallel_loop3A_771 : vector<16xf32>
        %parallel_loop3A_773 = arith.index_cast %parallel_loop3A_357 : i32 to index
        %parallel_loop3A_774 = arith.constant 464 : index
        %parallel_loop3A_775 = tpu.vector_load %arg14[%parallel_loop3A_773, %parallel_loop3A_774] {strides = array<i32>} : memref<32x512xf32, #tpu.memory_space<vmem>>, vector<1x16xf32>,
        %parallel_loop3A_776 = vector.shape_cast %parallel_loop3A_775 : vector<1x16xf32> to vector<16xf32>
        %parallel_loop3A_777 = vector.shape_cast %parallel_loop3A_772 : vector<16xf32> to vector<1x16xf32>
        tpu.vector_store %arg14[%parallel_loop3A_773, %parallel_loop3A_774], %parallel_loop3A_777 {strides = array<i32>} : memref<32x512xf32, #tpu.memory_space<vmem>>, vector<1x16xf32>,
        %parallel_loop3A_778 = arith.index_cast %parallel_loop3A_357 : i32 to index
        %parallel_loop3A_779 = arith.constant 480 : index
        %parallel_loop3A_780 = tpu.vector_load %arg10[%parallel_loop3A_778, %parallel_loop3A_779] {strides = array<i32>} : memref<32x512xf32, #tpu.memory_space<vmem>>, vector<1x16xf32>,
        %parallel_loop3A_781 = vector.shape_cast %parallel_loop3A_780 : vector<1x16xf32> to vector<16xf32>
        %parallel_loop3A_782 = arith.index_cast %sub3A_108 : i32 to index
        %parallel_loop3A_783 = arith.constant 480 : index
        %parallel_loop3A_784 = tpu.vector_load %arg7[%parallel_loop3A_782, %parallel_loop3A_783] {strides = array<i32>} : memref<16x512xf32, #tpu.memory_space<vmem>>, vector<1x16xf32>,
        %parallel_loop3A_785 = vector.shape_cast %parallel_loop3A_784 : vector<1x16xf32> to vector<16xf32>
        %parallel_loop3A_786 = arith.addf %parallel_loop3A_781, %parallel_loop3A_785 : vector<16xf32>
        %parallel_loop3A_787 = arith.index_cast %parallel_loop3A_357 : i32 to index
        %parallel_loop3A_788 = arith.constant 480 : index
        %parallel_loop3A_789 = tpu.vector_load %arg14[%parallel_loop3A_787, %parallel_loop3A_788] {strides = array<i32>} : memref<32x512xf32, #tpu.memory_space<vmem>>, vector<1x16xf32>,
        %parallel_loop3A_790 = vector.shape_cast %parallel_loop3A_789 : vector<1x16xf32> to vector<16xf32>
        %parallel_loop3A_791 = vector.shape_cast %parallel_loop3A_786 : vector<16xf32> to vector<1x16xf32>
        tpu.vector_store %arg14[%parallel_loop3A_787, %parallel_loop3A_788], %parallel_loop3A_791 {strides = array<i32>} : memref<32x512xf32, #tpu.memory_space<vmem>>, vector<1x16xf32>,
        %parallel_loop3A_792 = arith.index_cast %parallel_loop3A_357 : i32 to index
        %parallel_loop3A_793 = arith.constant 496 : index
        %parallel_loop3A_794 = tpu.vector_load %arg10[%parallel_loop3A_792, %parallel_loop3A_793] {strides = array<i32>} : memref<32x512xf32, #tpu.memory_space<vmem>>, vector<1x16xf32>,
        %parallel_loop3A_795 = vector.shape_cast %parallel_loop3A_794 : vector<1x16xf32> to vector<16xf32>
        %parallel_loop3A_796 = arith.index_cast %sub3A_108 : i32 to index
        %parallel_loop3A_797 = arith.constant 496 : index
        %parallel_loop3A_798 = tpu.vector_load %arg7[%parallel_loop3A_796, %parallel_loop3A_797] {strides = array<i32>} : memref<16x512xf32, #tpu.memory_space<vmem>>, vector<1x16xf32>,
        %parallel_loop3A_799 = vector.shape_cast %parallel_loop3A_798 : vector<1x16xf32> to vector<16xf32>
        %parallel_loop3A_800 = arith.addf %parallel_loop3A_795, %parallel_loop3A_799 : vector<16xf32>
        %parallel_loop3A_801 = arith.index_cast %parallel_loop3A_357 : i32 to index
        %parallel_loop3A_802 = arith.constant 496 : index
        %parallel_loop3A_803 = tpu.vector_load %arg14[%parallel_loop3A_801, %parallel_loop3A_802] {strides = array<i32>} : memref<32x512xf32, #tpu.memory_space<vmem>>, vector<1x16xf32>,
        %parallel_loop3A_804 = vector.shape_cast %parallel_loop3A_803 : vector<1x16xf32> to vector<16xf32>
        %parallel_loop3A_805 = vector.shape_cast %parallel_loop3A_800 : vector<16xf32> to vector<1x16xf32>
        tpu.vector_store %arg14[%parallel_loop3A_801, %parallel_loop3A_802], %parallel_loop3A_805 {strides = array<i32>} : memref<32x512xf32, #tpu.memory_space<vmem>>, vector<1x16xf32>,
      } {sc.loop_unroll_factor = 1 : i64, sc.parallel_access}
      %dma_start3A_140 = arith.constant 0 : i32
      %dma_start3A_141 = arith.constant 0 : i32
      %dma_start3A_142 = tpu.memref_slice %arg5[%dma_start3A_140, %dma_start3A_141] : memref<315392x512xf32, #tpu.memory_space<hbm>> -> memref<315392x512xf32, #tpu.memory_space<hbm>>
      tpu.enqueue_indirect_dma source(%arg14 : memref<32x512xf32, #tpu.memory_space<vmem>>) target(%dma_start3A_142 : memref<315392x512xf32, #tpu.memory_space<hbm>>) offsets(%arg8 : memref<32xi32, #tpu.memory_space<vmem>>) semaphore(%arg20 : memref<!tpu.dma_semaphore, #tpu.memory_space<semaphore_mem>>)
      %add3A_143 = arith.constant 4 : i32
      %add3A_144 = arith.addi %add3A_89, %add3A_143 : i32
      %lt3A = arith.constant 308 : i32
      %lt3A_145 = arith.cmpi slt, %add3A_144, %lt3A : i32
      %convert_element_type3A_146 = arith.extui %lt3A_145 : i1 to i32
      %cond3A_147 = arith.constant 0 : i32
      %cond3A_148 = arith.cmpi ne, %convert_element_type3A_146, %cond3A_147 : i32
      scf.if %cond3A_148 {
        %add3A_357 = arith.constant 4 : i32
        %add3A_358 = arith.addi %add3A_89, %add3A_357 : i32
        %div3A_359 = arith.constant 4 : i32
        %div3A_360 = arith.divsi %add3A_358, %div3A_359 : i32
        %rem3A_361 = arith.constant 4 : i32
        %rem3A_362 = arith.remsi %add3A_358, %rem3A_361 : i32
        %mul3A_363 = arith.constant 32 : i32
        %mul3A_364 = arith.muli %rem3A_362, %mul3A_363 : i32
        %dma_start3A_365 = tpu.memref_slice %arg6[%div3A_360, %mul3A_364] : memref<77x128xi32, #tpu.memory_space<vmem>> -> memref<1x32xi32, #tpu.memory_space<vmem>>
        %dma_start3A_366 = tpu.memref_squeeze %dma_start3A_365 : memref<1x32xi32, #tpu.memory_space<vmem>> -> memref<32xi32, #tpu.memory_space<vmem>>
        %dma_start3A_367 = arith.constant 0 : i32
        %dma_start3A_368 = arith.constant 0 : i32
        %dma_start3A_369 = tpu.memref_slice %arg3[%dma_start3A_367, %dma_start3A_368] : memref<49408x512xf32, #tpu.memory_space<hbm>> -> memref<49408x512xf32, #tpu.memory_space<hbm>>
        tpu.enqueue_indirect_dma source(%dma_start3A_369 : memref<49408x512xf32, #tpu.memory_space<hbm>>) target(%arg10 : memref<32x512xf32, #tpu.memory_space<vmem>>) offsets(%dma_start3A_366 : memref<32xi32, #tpu.memory_space<vmem>>) semaphore(%arg16 : memref<!tpu.dma_semaphore, #tpu.memory_space<semaphore_mem>>)
      } else {
      }
      %mul3A_149 = arith.constant 4 : i32
      %mul3A_150 = arith.muli %scan3A_84, %mul3A_149 : i32
      %add3A_151 = arith.constant 1 : i32
      %add3A_152 = arith.addi %mul3A_150, %add3A_151 : i32
      %div3A_153 = arith.constant 4 : i32
      %div3A_154 = arith.divsi %add3A_152, %div3A_153 : i32
      %rem3A_155 = arith.constant 4 : i32
      %rem3A_156 = arith.remsi %add3A_152, %rem3A_155 : i32
      %mul3A_157 = arith.constant 32 : i32
      %mul3A_158 = arith.muli %rem3A_156, %mul3A_157 : i32
      %dma_wait3A_159 = tpu.memref_slice %arg6[%div3A_154, %mul3A_158] : memref<77x128xi32, #tpu.memory_space<vmem>> -> memref<1x32xi32, #tpu.memory_space<vmem>>
      %dma_wait3A_160 = tpu.memref_squeeze %dma_wait3A_159 : memref<1x32xi32, #tpu.memory_space<vmem>> -> memref<32xi32, #tpu.memory_space<vmem>>
      %dma_wait3A_161 = arith.constant 0 : i32
      %dma_wait3A_162 = arith.constant 0 : i32
      %dma_wait3A_163 = tpu.memref_slice %arg3[%dma_wait3A_161, %dma_wait3A_162] : memref<49408x512xf32, #tpu.memory_space<hbm>> -> memref<49408x512xf32, #tpu.memory_space<hbm>>
      tpu.wait_indirect_dma semaphore(%arg17 : memref<!tpu.dma_semaphore, #tpu.memory_space<semaphore_mem>>) src(%dma_wait3A_163 : memref<49408x512xf32, #tpu.memory_space<hbm>>) dst(%arg11 : memref<32x512xf32, #tpu.memory_space<vmem>>)
      %ge3A_164 = arith.constant 2 : i32
      %ge3A_165 = arith.cmpi sge, %add3A_152, %ge3A_164 : i32
      %convert_element_type3A_166 = arith.extui %ge3A_165 : i1 to i32
      %cond3A_167 = arith.constant 0 : i32
      %cond3A_168 = arith.cmpi ne, %convert_element_type3A_166, %cond3A_167 : i32
      scf.if %cond3A_168 {
        %sub3A_357 = arith.constant 2 : i32
        %sub3A_358 = arith.subi %add3A_152, %sub3A_357 : i32
        %dma_wait3A_359 = arith.constant 0 : i32
        %dma_wait3A_360 = arith.constant 0 : i32
        %dma_wait3A_361 = tpu.memref_slice %arg5[%dma_wait3A_359, %dma_wait3A_360] : memref<315392x512xf32, #tpu.memory_space<hbm>> -> memref<315392x512xf32, #tpu.memory_space<hbm>>
        tpu.wait_indirect_dma semaphore(%arg21 : memref<!tpu.dma_semaphore, #tpu.memory_space<semaphore_mem>>) src(%arg15 : memref<32x512xf32, #tpu.memory_space<vmem>>) dst(%dma_wait3A_361 : memref<315392x512xf32, #tpu.memory_space<hbm>>)
      } else {
      }
      %mul3A_169 = arith.constant 32 : i32
      %mul3A_170 = arith.muli %add3A_152, %mul3A_169 : i32
      %add3A_171 = arith.addi %mul3A_2, %mul3A_170 : i32
      %shift_right_logical3A_172 = arith.constant 12 : i32
      %shift_right_logical3A_173 = arith.shrui %add3A_171, %shift_right_logical3A_172 : i32
      %sub3A_174 = arith.subi %shift_right_logical3A_173, %multiple_of3A : i32
      %mul3A_175 = arith.constant 4096 : i32
      %mul3A_176 = arith.muli %shift_right_logical3A_173, %mul3A_175 : i32
      %sub3A_177 = arith.subi %add3A_171, %mul3A_176 : i32
      %mul3A_178 = arith.constant 77 : i32
      %mul3A_179 = arith.muli %sub3A_177, %mul3A_178 : i32
      %add3A_180 = arith.addi %mul3A_179, %shift_right_logical3A_173 : i32
      %add3A_181 = arith.constant 0 : i32
      %add3A_182 = vector.broadcast %add3A_181 : i32 to vector<16xi32>
      %add3A_183 = arith.addi %iota3A, %add3A_182 : vector<16xi32>
      %mul3A_184 = arith.constant 77 : i32
      %mul3A_185 = vector.broadcast %mul3A_184 : i32 to vector<16xi32>
      %mul3A_186 = arith.muli %add3A_183, %mul3A_185 : vector<16xi32>
      %add3A_187 = vector.broadcast %add3A_180 : i32 to vector<16xi32>
      %add3A_188 = arith.addi %add3A_187, %mul3A_186 : vector<16xi32>
      %swap3A_189 = arith.constant 0 : index
      %swap3A_190 = tpu.vector_load %arg9[%swap3A_189] {strides = array<i32>} : memref<32xi32, #tpu.memory_space<vmem>>, vector<16xi32>,
      %swap3A_191 = vector.shape_cast %swap3A_190 : vector<16xi32> to vector<16xi32>
      %swap3A_192 = vector.shape_cast %add3A_188 : vector<16xi32> to vector<16xi32>
      tpu.vector_store %arg9[%swap3A_189], %swap3A_192 {strides = array<i32>} : memref<32xi32, #tpu.memory_space<vmem>>, vector<16xi32>,
      %add3A_193 = arith.constant 16 : i32
      %add3A_194 = vector.broadcast %add3A_193 : i32 to vector<16xi32>
      %add3A_195 = arith.addi %iota3A, %add3A_194 : vector<16xi32>
      %mul3A_196 = arith.constant 77 : i32
      %mul3A_197 = vector.broadcast %mul3A_196 : i32 to vector<16xi32>
      %mul3A_198 = arith.muli %add3A_195, %mul3A_197 : vector<16xi32>
      %add3A_199 = vector.broadcast %add3A_180 : i32 to vector<16xi32>
      %add3A_200 = arith.addi %add3A_199, %mul3A_198 : vector<16xi32>
      %swap3A_201 = arith.constant 16 : index
      %swap3A_202 = tpu.vector_load %arg9[%swap3A_201] {strides = array<i32>} : memref<32xi32, #tpu.memory_space<vmem>>, vector<16xi32>,
      %swap3A_203 = vector.shape_cast %swap3A_202 : vector<16xi32> to vector<16xi32>
      %swap3A_204 = vector.shape_cast %add3A_200 : vector<16xi32> to vector<16xi32>
      tpu.vector_store %arg9[%swap3A_201], %swap3A_204 {strides = array<i32>} : memref<32xi32, #tpu.memory_space<vmem>>, vector<16xi32>,
      %parallel_loop3A_205 = arith.constant 0 : i32
      %parallel_loop3A_206 = arith.constant 32 : i32
      %parallel_loop3A_207 = arith.constant 1 : i32
      scf.for %parallel_loop3A_357 = %parallel_loop3A_205 to %parallel_loop3A_206 step %parallel_loop3A_207  : i32 {
        %parallel_loop3A_358 = arith.index_cast %parallel_loop3A_357 : i32 to index
        %parallel_loop3A_359 = arith.constant 0 : index
        %parallel_loop3A_360 = tpu.vector_load %arg11[%parallel_loop3A_358, %parallel_loop3A_359] {strides = array<i32>} : memref<32x512xf32, #tpu.memory_space<vmem>>, vector<1x16xf32>,
        %parallel_loop3A_361 = vector.shape_cast %parallel_loop3A_360 : vector<1x16xf32> to vector<16xf32>
        %parallel_loop3A_362 = arith.index_cast %sub3A_174 : i32 to index
        %parallel_loop3A_363 = arith.constant 0 : index
        %parallel_loop3A_364 = tpu.vector_load %arg7[%parallel_loop3A_362, %parallel_loop3A_363] {strides = array<i32>} : memref<16x512xf32, #tpu.memory_space<vmem>>, vector<1x16xf32>,
        %parallel_loop3A_365 = vector.shape_cast %parallel_loop3A_364 : vector<1x16xf32> to vector<16xf32>
        %parallel_loop3A_366 = arith.addf %parallel_loop3A_361, %parallel_loop3A_365 : vector<16xf32>
        %parallel_loop3A_367 = arith.index_cast %parallel_loop3A_357 : i32 to index
        %parallel_loop3A_368 = arith.constant 0 : index
        %parallel_loop3A_369 = tpu.vector_load %arg15[%parallel_loop3A_367, %parallel_loop3A_368] {strides = array<i32>} : memref<32x512xf32, #tpu.memory_space<vmem>>, vector<1x16xf32>,
        %parallel_loop3A_370 = vector.shape_cast %parallel_loop3A_369 : vector<1x16xf32> to vector<16xf32>
        %parallel_loop3A_371 = vector.shape_cast %parallel_loop3A_366 : vector<16xf32> to vector<1x16xf32>
        tpu.vector_store %arg15[%parallel_loop3A_367, %parallel_loop3A_368], %parallel_loop3A_371 {strides = array<i32>} : memref<32x512xf32, #tpu.memory_space<vmem>>, vector<1x16xf32>,
        %parallel_loop3A_372 = arith.index_cast %parallel_loop3A_357 : i32 to index
        %parallel_loop3A_373 = arith.constant 16 : index
        %parallel_loop3A_374 = tpu.vector_load %arg11[%parallel_loop3A_372, %parallel_loop3A_373] {strides = array<i32>} : memref<32x512xf32, #tpu.memory_space<vmem>>, vector<1x16xf32>,
        %parallel_loop3A_375 = vector.shape_cast %parallel_loop3A_374 : vector<1x16xf32> to vector<16xf32>
        %parallel_loop3A_376 = arith.index_cast %sub3A_174 : i32 to index
        %parallel_loop3A_377 = arith.constant 16 : index
        %parallel_loop3A_378 = tpu.vector_load %arg7[%parallel_loop3A_376, %parallel_loop3A_377] {strides = array<i32>} : memref<16x512xf32, #tpu.memory_space<vmem>>, vector<1x16xf32>,
        %parallel_loop3A_379 = vector.shape_cast %parallel_loop3A_378 : vector<1x16xf32> to vector<16xf32>
        %parallel_loop3A_380 = arith.addf %parallel_loop3A_375, %parallel_loop3A_379 : vector<16xf32>
        %parallel_loop3A_381 = arith.index_cast %parallel_loop3A_357 : i32 to index
        %parallel_loop3A_382 = arith.constant 16 : index
        %parallel_loop3A_383 = tpu.vector_load %arg15[%parallel_loop3A_381, %parallel_loop3A_382] {strides = array<i32>} : memref<32x512xf32, #tpu.memory_space<vmem>>, vector<1x16xf32>,
        %parallel_loop3A_384 = vector.shape_cast %parallel_loop3A_383 : vector<1x16xf32> to vector<16xf32>
        %parallel_loop3A_385 = vector.shape_cast %parallel_loop3A_380 : vector<16xf32> to vector<1x16xf32>
        tpu.vector_store %arg15[%parallel_loop3A_381, %parallel_loop3A_382], %parallel_loop3A_385 {strides = array<i32>} : memref<32x512xf32, #tpu.memory_space<vmem>>, vector<1x16xf32>,
        %parallel_loop3A_386 = arith.index_cast %parallel_loop3A_357 : i32 to index
        %parallel_loop3A_387 = arith.constant 32 : index
        %parallel_loop3A_388 = tpu.vector_load %arg11[%parallel_loop3A_386, %parallel_loop3A_387] {strides = array<i32>} : memref<32x512xf32, #tpu.memory_space<vmem>>, vector<1x16xf32>,
        %parallel_loop3A_389 = vector.shape_cast %parallel_loop3A_388 : vector<1x16xf32> to vector<16xf32>
        %parallel_loop3A_390 = arith.index_cast %sub3A_174 : i32 to index
        %parallel_loop3A_391 = arith.constant 32 : index
        %parallel_loop3A_392 = tpu.vector_load %arg7[%parallel_loop3A_390, %parallel_loop3A_391] {strides = array<i32>} : memref<16x512xf32, #tpu.memory_space<vmem>>, vector<1x16xf32>,
        %parallel_loop3A_393 = vector.shape_cast %parallel_loop3A_392 : vector<1x16xf32> to vector<16xf32>
        %parallel_loop3A_394 = arith.addf %parallel_loop3A_389, %parallel_loop3A_393 : vector<16xf32>
        %parallel_loop3A_395 = arith.index_cast %parallel_loop3A_357 : i32 to index
        %parallel_loop3A_396 = arith.constant 32 : index
        %parallel_loop3A_397 = tpu.vector_load %arg15[%parallel_loop3A_395, %parallel_loop3A_396] {strides = array<i32>} : memref<32x512xf32, #tpu.memory_space<vmem>>, vector<1x16xf32>,
        %parallel_loop3A_398 = vector.shape_cast %parallel_loop3A_397 : vector<1x16xf32> to vector<16xf32>
        %parallel_loop3A_399 = vector.shape_cast %parallel_loop3A_394 : vector<16xf32> to vector<1x16xf32>
        tpu.vector_store %arg15[%parallel_loop3A_395, %parallel_loop3A_396], %parallel_loop3A_399 {strides = array<i32>} : memref<32x512xf32, #tpu.memory_space<vmem>>, vector<1x16xf32>,
        %parallel_loop3A_400 = arith.index_cast %parallel_loop3A_357 : i32 to index
        %parallel_loop3A_401 = arith.constant 48 : index
        %parallel_loop3A_402 = tpu.vector_load %arg11[%parallel_loop3A_400, %parallel_loop3A_401] {strides = array<i32>} : memref<32x512xf32, #tpu.memory_space<vmem>>, vector<1x16xf32>,
        %parallel_loop3A_403 = vector.shape_cast %parallel_loop3A_402 : vector<1x16xf32> to vector<16xf32>
        %parallel_loop3A_404 = arith.index_cast %sub3A_174 : i32 to index
        %parallel_loop3A_405 = arith.constant 48 : index
        %parallel_loop3A_406 = tpu.vector_load %arg7[%parallel_loop3A_404, %parallel_loop3A_405] {strides = array<i32>} : memref<16x512xf32, #tpu.memory_space<vmem>>, vector<1x16xf32>,
        %parallel_loop3A_407 = vector.shape_cast %parallel_loop3A_406 : vector<1x16xf32> to vector<16xf32>
        %parallel_loop3A_408 = arith.addf %parallel_loop3A_403, %parallel_loop3A_407 : vector<16xf32>
        %parallel_loop3A_409 = arith.index_cast %parallel_loop3A_357 : i32 to index
        %parallel_loop3A_410 = arith.constant 48 : index
        %parallel_loop3A_411 = tpu.vector_load %arg15[%parallel_loop3A_409, %parallel_loop3A_410] {strides = array<i32>} : memref<32x512xf32, #tpu.memory_space<vmem>>, vector<1x16xf32>,
        %parallel_loop3A_412 = vector.shape_cast %parallel_loop3A_411 : vector<1x16xf32> to vector<16xf32>
        %parallel_loop3A_413 = vector.shape_cast %parallel_loop3A_408 : vector<16xf32> to vector<1x16xf32>
        tpu.vector_store %arg15[%parallel_loop3A_409, %parallel_loop3A_410], %parallel_loop3A_413 {strides = array<i32>} : memref<32x512xf32, #tpu.memory_space<vmem>>, vector<1x16xf32>,
        %parallel_loop3A_414 = arith.index_cast %parallel_loop3A_357 : i32 to index
        %parallel_loop3A_415 = arith.constant 64 : index
        %parallel_loop3A_416 = tpu.vector_load %arg11[%parallel_loop3A_414, %parallel_loop3A_415] {strides = array<i32>} : memref<32x512xf32, #tpu.memory_space<vmem>>, vector<1x16xf32>,
        %parallel_loop3A_417 = vector.shape_cast %parallel_loop3A_416 : vector<1x16xf32> to vector<16xf32>
        %parallel_loop3A_418 = arith.index_cast %sub3A_174 : i32 to index
        %parallel_loop3A_419 = arith.constant 64 : index
        %parallel_loop3A_420 = tpu.vector_load %arg7[%parallel_loop3A_418, %parallel_loop3A_419] {strides = array<i32>} : memref<16x512xf32, #tpu.memory_space<vmem>>, vector<1x16xf32>,
        %parallel_loop3A_421 = vector.shape_cast %parallel_loop3A_420 : vector<1x16xf32> to vector<16xf32>
        %parallel_loop3A_422 = arith.addf %parallel_loop3A_417, %parallel_loop3A_421 : vector<16xf32>
        %parallel_loop3A_423 = arith.index_cast %parallel_loop3A_357 : i32 to index
        %parallel_loop3A_424 = arith.constant 64 : index
        %parallel_loop3A_425 = tpu.vector_load %arg15[%parallel_loop3A_423, %parallel_loop3A_424] {strides = array<i32>} : memref<32x512xf32, #tpu.memory_space<vmem>>, vector<1x16xf32>,
        %parallel_loop3A_426 = vector.shape_cast %parallel_loop3A_425 : vector<1x16xf32> to vector<16xf32>
        %parallel_loop3A_427 = vector.shape_cast %parallel_loop3A_422 : vector<16xf32> to vector<1x16xf32>
        tpu.vector_store %arg15[%parallel_loop3A_423, %parallel_loop3A_424], %parallel_loop3A_427 {strides = array<i32>} : memref<32x512xf32, #tpu.memory_space<vmem>>, vector<1x16xf32>,
        %parallel_loop3A_428 = arith.index_cast %parallel_loop3A_357 : i32 to index
        %parallel_loop3A_429 = arith.constant 80 : index
        %parallel_loop3A_430 = tpu.vector_load %arg11[%parallel_loop3A_428, %parallel_loop3A_429] {strides = array<i32>} : memref<32x512xf32, #tpu.memory_space<vmem>>, vector<1x16xf32>,
        %parallel_loop3A_431 = vector.shape_cast %parallel_loop3A_430 : vector<1x16xf32> to vector<16xf32>
        %parallel_loop3A_432 = arith.index_cast %sub3A_174 : i32 to index
        %parallel_loop3A_433 = arith.constant 80 : index
        %parallel_loop3A_434 = tpu.vector_load %arg7[%parallel_loop3A_432, %parallel_loop3A_433] {strides = array<i32>} : memref<16x512xf32, #tpu.memory_space<vmem>>, vector<1x16xf32>,
        %parallel_loop3A_435 = vector.shape_cast %parallel_loop3A_434 : vector<1x16xf32> to vector<16xf32>
        %parallel_loop3A_436 = arith.addf %parallel_loop3A_431, %parallel_loop3A_435 : vector<16xf32>
        %parallel_loop3A_437 = arith.index_cast %parallel_loop3A_357 : i32 to index
        %parallel_loop3A_438 = arith.constant 80 : index
        %parallel_loop3A_439 = tpu.vector_load %arg15[%parallel_loop3A_437, %parallel_loop3A_438] {strides = array<i32>} : memref<32x512xf32, #tpu.memory_space<vmem>>, vector<1x16xf32>,
        %parallel_loop3A_440 = vector.shape_cast %parallel_loop3A_439 : vector<1x16xf32> to vector<16xf32>
        %parallel_loop3A_441 = vector.shape_cast %parallel_loop3A_436 : vector<16xf32> to vector<1x16xf32>
        tpu.vector_store %arg15[%parallel_loop3A_437, %parallel_loop3A_438], %parallel_loop3A_441 {strides = array<i32>} : memref<32x512xf32, #tpu.memory_space<vmem>>, vector<1x16xf32>,
        %parallel_loop3A_442 = arith.index_cast %parallel_loop3A_357 : i32 to index
        %parallel_loop3A_443 = arith.constant 96 : index
        %parallel_loop3A_444 = tpu.vector_load %arg11[%parallel_loop3A_442, %parallel_loop3A_443] {strides = array<i32>} : memref<32x512xf32, #tpu.memory_space<vmem>>, vector<1x16xf32>,
        %parallel_loop3A_445 = vector.shape_cast %parallel_loop3A_444 : vector<1x16xf32> to vector<16xf32>
        %parallel_loop3A_446 = arith.index_cast %sub3A_174 : i32 to index
        %parallel_loop3A_447 = arith.constant 96 : index
        %parallel_loop3A_448 = tpu.vector_load %arg7[%parallel_loop3A_446, %parallel_loop3A_447] {strides = array<i32>} : memref<16x512xf32, #tpu.memory_space<vmem>>, vector<1x16xf32>,
        %parallel_loop3A_449 = vector.shape_cast %parallel_loop3A_448 : vector<1x16xf32> to vector<16xf32>
        %parallel_loop3A_450 = arith.addf %parallel_loop3A_445, %parallel_loop3A_449 : vector<16xf32>
        %parallel_loop3A_451 = arith.index_cast %parallel_loop3A_357 : i32 to index
        %parallel_loop3A_452 = arith.constant 96 : index
        %parallel_loop3A_453 = tpu.vector_load %arg15[%parallel_loop3A_451, %parallel_loop3A_452] {strides = array<i32>} : memref<32x512xf32, #tpu.memory_space<vmem>>, vector<1x16xf32>,
        %parallel_loop3A_454 = vector.shape_cast %parallel_loop3A_453 : vector<1x16xf32> to vector<16xf32>
        %parallel_loop3A_455 = vector.shape_cast %parallel_loop3A_450 : vector<16xf32> to vector<1x16xf32>
        tpu.vector_store %arg15[%parallel_loop3A_451, %parallel_loop3A_452], %parallel_loop3A_455 {strides = array<i32>} : memref<32x512xf32, #tpu.memory_space<vmem>>, vector<1x16xf32>,
        %parallel_loop3A_456 = arith.index_cast %parallel_loop3A_357 : i32 to index
        %parallel_loop3A_457 = arith.constant 112 : index
        %parallel_loop3A_458 = tpu.vector_load %arg11[%parallel_loop3A_456, %parallel_loop3A_457] {strides = array<i32>} : memref<32x512xf32, #tpu.memory_space<vmem>>, vector<1x16xf32>,
        %parallel_loop3A_459 = vector.shape_cast %parallel_loop3A_458 : vector<1x16xf32> to vector<16xf32>
        %parallel_loop3A_460 = arith.index_cast %sub3A_174 : i32 to index
        %parallel_loop3A_461 = arith.constant 112 : index
        %parallel_loop3A_462 = tpu.vector_load %arg7[%parallel_loop3A_460, %parallel_loop3A_461] {strides = array<i32>} : memref<16x512xf32, #tpu.memory_space<vmem>>, vector<1x16xf32>,
        %parallel_loop3A_463 = vector.shape_cast %parallel_loop3A_462 : vector<1x16xf32> to vector<16xf32>
        %parallel_loop3A_464 = arith.addf %parallel_loop3A_459, %parallel_loop3A_463 : vector<16xf32>
        %parallel_loop3A_465 = arith.index_cast %parallel_loop3A_357 : i32 to index
        %parallel_loop3A_466 = arith.constant 112 : index
        %parallel_loop3A_467 = tpu.vector_load %arg15[%parallel_loop3A_465, %parallel_loop3A_466] {strides = array<i32>} : memref<32x512xf32, #tpu.memory_space<vmem>>, vector<1x16xf32>,
        %parallel_loop3A_468 = vector.shape_cast %parallel_loop3A_467 : vector<1x16xf32> to vector<16xf32>
        %parallel_loop3A_469 = vector.shape_cast %parallel_loop3A_464 : vector<16xf32> to vector<1x16xf32>
        tpu.vector_store %arg15[%parallel_loop3A_465, %parallel_loop3A_466], %parallel_loop3A_469 {strides = array<i32>} : memref<32x512xf32, #tpu.memory_space<vmem>>, vector<1x16xf32>,
        %parallel_loop3A_470 = arith.index_cast %parallel_loop3A_357 : i32 to index
        %parallel_loop3A_471 = arith.constant 128 : index
        %parallel_loop3A_472 = tpu.vector_load %arg11[%parallel_loop3A_470, %parallel_loop3A_471] {strides = array<i32>} : memref<32x512xf32, #tpu.memory_space<vmem>>, vector<1x16xf32>,
        %parallel_loop3A_473 = vector.shape_cast %parallel_loop3A_472 : vector<1x16xf32> to vector<16xf32>
        %parallel_loop3A_474 = arith.index_cast %sub3A_174 : i32 to index
        %parallel_loop3A_475 = arith.constant 128 : index
        %parallel_loop3A_476 = tpu.vector_load %arg7[%parallel_loop3A_474, %parallel_loop3A_475] {strides = array<i32>} : memref<16x512xf32, #tpu.memory_space<vmem>>, vector<1x16xf32>,
        %parallel_loop3A_477 = vector.shape_cast %parallel_loop3A_476 : vector<1x16xf32> to vector<16xf32>
        %parallel_loop3A_478 = arith.addf %parallel_loop3A_473, %parallel_loop3A_477 : vector<16xf32>
        %parallel_loop3A_479 = arith.index_cast %parallel_loop3A_357 : i32 to index
        %parallel_loop3A_480 = arith.constant 128 : index
        %parallel_loop3A_481 = tpu.vector_load %arg15[%parallel_loop3A_479, %parallel_loop3A_480] {strides = array<i32>} : memref<32x512xf32, #tpu.memory_space<vmem>>, vector<1x16xf32>,
        %parallel_loop3A_482 = vector.shape_cast %parallel_loop3A_481 : vector<1x16xf32> to vector<16xf32>
        %parallel_loop3A_483 = vector.shape_cast %parallel_loop3A_478 : vector<16xf32> to vector<1x16xf32>
        tpu.vector_store %arg15[%parallel_loop3A_479, %parallel_loop3A_480], %parallel_loop3A_483 {strides = array<i32>} : memref<32x512xf32, #tpu.memory_space<vmem>>, vector<1x16xf32>,
        %parallel_loop3A_484 = arith.index_cast %parallel_loop3A_357 : i32 to index
        %parallel_loop3A_485 = arith.constant 144 : index
        %parallel_loop3A_486 = tpu.vector_load %arg11[%parallel_loop3A_484, %parallel_loop3A_485] {strides = array<i32>} : memref<32x512xf32, #tpu.memory_space<vmem>>, vector<1x16xf32>,
        %parallel_loop3A_487 = vector.shape_cast %parallel_loop3A_486 : vector<1x16xf32> to vector<16xf32>
        %parallel_loop3A_488 = arith.index_cast %sub3A_174 : i32 to index
        %parallel_loop3A_489 = arith.constant 144 : index
        %parallel_loop3A_490 = tpu.vector_load %arg7[%parallel_loop3A_488, %parallel_loop3A_489] {strides = array<i32>} : memref<16x512xf32, #tpu.memory_space<vmem>>, vector<1x16xf32>,
        %parallel_loop3A_491 = vector.shape_cast %parallel_loop3A_490 : vector<1x16xf32> to vector<16xf32>
        %parallel_loop3A_492 = arith.addf %parallel_loop3A_487, %parallel_loop3A_491 : vector<16xf32>
        %parallel_loop3A_493 = arith.index_cast %parallel_loop3A_357 : i32 to index
        %parallel_loop3A_494 = arith.constant 144 : index
        %parallel_loop3A_495 = tpu.vector_load %arg15[%parallel_loop3A_493, %parallel_loop3A_494] {strides = array<i32>} : memref<32x512xf32, #tpu.memory_space<vmem>>, vector<1x16xf32>,
        %parallel_loop3A_496 = vector.shape_cast %parallel_loop3A_495 : vector<1x16xf32> to vector<16xf32>
        %parallel_loop3A_497 = vector.shape_cast %parallel_loop3A_492 : vector<16xf32> to vector<1x16xf32>
        tpu.vector_store %arg15[%parallel_loop3A_493, %parallel_loop3A_494], %parallel_loop3A_497 {strides = array<i32>} : memref<32x512xf32, #tpu.memory_space<vmem>>, vector<1x16xf32>,
        %parallel_loop3A_498 = arith.index_cast %parallel_loop3A_357 : i32 to index
        %parallel_loop3A_499 = arith.constant 160 : index
        %parallel_loop3A_500 = tpu.vector_load %arg11[%parallel_loop3A_498, %parallel_loop3A_499] {strides = array<i32>} : memref<32x512xf32, #tpu.memory_space<vmem>>, vector<1x16xf32>,
        %parallel_loop3A_501 = vector.shape_cast %parallel_loop3A_500 : vector<1x16xf32> to vector<16xf32>
        %parallel_loop3A_502 = arith.index_cast %sub3A_174 : i32 to index
        %parallel_loop3A_503 = arith.constant 160 : index
        %parallel_loop3A_504 = tpu.vector_load %arg7[%parallel_loop3A_502, %parallel_loop3A_503] {strides = array<i32>} : memref<16x512xf32, #tpu.memory_space<vmem>>, vector<1x16xf32>,
        %parallel_loop3A_505 = vector.shape_cast %parallel_loop3A_504 : vector<1x16xf32> to vector<16xf32>
        %parallel_loop3A_506 = arith.addf %parallel_loop3A_501, %parallel_loop3A_505 : vector<16xf32>
        %parallel_loop3A_507 = arith.index_cast %parallel_loop3A_357 : i32 to index
        %parallel_loop3A_508 = arith.constant 160 : index
        %parallel_loop3A_509 = tpu.vector_load %arg15[%parallel_loop3A_507, %parallel_loop3A_508] {strides = array<i32>} : memref<32x512xf32, #tpu.memory_space<vmem>>, vector<1x16xf32>,
        %parallel_loop3A_510 = vector.shape_cast %parallel_loop3A_509 : vector<1x16xf32> to vector<16xf32>
        %parallel_loop3A_511 = vector.shape_cast %parallel_loop3A_506 : vector<16xf32> to vector<1x16xf32>
        tpu.vector_store %arg15[%parallel_loop3A_507, %parallel_loop3A_508], %parallel_loop3A_511 {strides = array<i32>} : memref<32x512xf32, #tpu.memory_space<vmem>>, vector<1x16xf32>,
        %parallel_loop3A_512 = arith.index_cast %parallel_loop3A_357 : i32 to index
        %parallel_loop3A_513 = arith.constant 176 : index
        %parallel_loop3A_514 = tpu.vector_load %arg11[%parallel_loop3A_512, %parallel_loop3A_513] {strides = array<i32>} : memref<32x512xf32, #tpu.memory_space<vmem>>, vector<1x16xf32>,
        %parallel_loop3A_515 = vector.shape_cast %parallel_loop3A_514 : vector<1x16xf32> to vector<16xf32>
        %parallel_loop3A_516 = arith.index_cast %sub3A_174 : i32 to index
        %parallel_loop3A_517 = arith.constant 176 : index
        %parallel_loop3A_518 = tpu.vector_load %arg7[%parallel_loop3A_516, %parallel_loop3A_517] {strides = array<i32>} : memref<16x512xf32, #tpu.memory_space<vmem>>, vector<1x16xf32>,
        %parallel_loop3A_519 = vector.shape_cast %parallel_loop3A_518 : vector<1x16xf32> to vector<16xf32>
        %parallel_loop3A_520 = arith.addf %parallel_loop3A_515, %parallel_loop3A_519 : vector<16xf32>
        %parallel_loop3A_521 = arith.index_cast %parallel_loop3A_357 : i32 to index
        %parallel_loop3A_522 = arith.constant 176 : index
        %parallel_loop3A_523 = tpu.vector_load %arg15[%parallel_loop3A_521, %parallel_loop3A_522] {strides = array<i32>} : memref<32x512xf32, #tpu.memory_space<vmem>>, vector<1x16xf32>,
        %parallel_loop3A_524 = vector.shape_cast %parallel_loop3A_523 : vector<1x16xf32> to vector<16xf32>
        %parallel_loop3A_525 = vector.shape_cast %parallel_loop3A_520 : vector<16xf32> to vector<1x16xf32>
        tpu.vector_store %arg15[%parallel_loop3A_521, %parallel_loop3A_522], %parallel_loop3A_525 {strides = array<i32>} : memref<32x512xf32, #tpu.memory_space<vmem>>, vector<1x16xf32>,
        %parallel_loop3A_526 = arith.index_cast %parallel_loop3A_357 : i32 to index
        %parallel_loop3A_527 = arith.constant 192 : index
        %parallel_loop3A_528 = tpu.vector_load %arg11[%parallel_loop3A_526, %parallel_loop3A_527] {strides = array<i32>} : memref<32x512xf32, #tpu.memory_space<vmem>>, vector<1x16xf32>,
        %parallel_loop3A_529 = vector.shape_cast %parallel_loop3A_528 : vector<1x16xf32> to vector<16xf32>
        %parallel_loop3A_530 = arith.index_cast %sub3A_174 : i32 to index
        %parallel_loop3A_531 = arith.constant 192 : index
        %parallel_loop3A_532 = tpu.vector_load %arg7[%parallel_loop3A_530, %parallel_loop3A_531] {strides = array<i32>} : memref<16x512xf32, #tpu.memory_space<vmem>>, vector<1x16xf32>,
        %parallel_loop3A_533 = vector.shape_cast %parallel_loop3A_532 : vector<1x16xf32> to vector<16xf32>
        %parallel_loop3A_534 = arith.addf %parallel_loop3A_529, %parallel_loop3A_533 : vector<16xf32>
        %parallel_loop3A_535 = arith.index_cast %parallel_loop3A_357 : i32 to index
        %parallel_loop3A_536 = arith.constant 192 : index
        %parallel_loop3A_537 = tpu.vector_load %arg15[%parallel_loop3A_535, %parallel_loop3A_536] {strides = array<i32>} : memref<32x512xf32, #tpu.memory_space<vmem>>, vector<1x16xf32>,
        %parallel_loop3A_538 = vector.shape_cast %parallel_loop3A_537 : vector<1x16xf32> to vector<16xf32>
        %parallel_loop3A_539 = vector.shape_cast %parallel_loop3A_534 : vector<16xf32> to vector<1x16xf32>
        tpu.vector_store %arg15[%parallel_loop3A_535, %parallel_loop3A_536], %parallel_loop3A_539 {strides = array<i32>} : memref<32x512xf32, #tpu.memory_space<vmem>>, vector<1x16xf32>,
        %parallel_loop3A_540 = arith.index_cast %parallel_loop3A_357 : i32 to index
        %parallel_loop3A_541 = arith.constant 208 : index
        %parallel_loop3A_542 = tpu.vector_load %arg11[%parallel_loop3A_540, %parallel_loop3A_541] {strides = array<i32>} : memref<32x512xf32, #tpu.memory_space<vmem>>, vector<1x16xf32>,
        %parallel_loop3A_543 = vector.shape_cast %parallel_loop3A_542 : vector<1x16xf32> to vector<16xf32>
        %parallel_loop3A_544 = arith.index_cast %sub3A_174 : i32 to index
        %parallel_loop3A_545 = arith.constant 208 : index
        %parallel_loop3A_546 = tpu.vector_load %arg7[%parallel_loop3A_544, %parallel_loop3A_545] {strides = array<i32>} : memref<16x512xf32, #tpu.memory_space<vmem>>, vector<1x16xf32>,
        %parallel_loop3A_547 = vector.shape_cast %parallel_loop3A_546 : vector<1x16xf32> to vector<16xf32>
        %parallel_loop3A_548 = arith.addf %parallel_loop3A_543, %parallel_loop3A_547 : vector<16xf32>
        %parallel_loop3A_549 = arith.index_cast %parallel_loop3A_357 : i32 to index
        %parallel_loop3A_550 = arith.constant 208 : index
        %parallel_loop3A_551 = tpu.vector_load %arg15[%parallel_loop3A_549, %parallel_loop3A_550] {strides = array<i32>} : memref<32x512xf32, #tpu.memory_space<vmem>>, vector<1x16xf32>,
        %parallel_loop3A_552 = vector.shape_cast %parallel_loop3A_551 : vector<1x16xf32> to vector<16xf32>
        %parallel_loop3A_553 = vector.shape_cast %parallel_loop3A_548 : vector<16xf32> to vector<1x16xf32>
        tpu.vector_store %arg15[%parallel_loop3A_549, %parallel_loop3A_550], %parallel_loop3A_553 {strides = array<i32>} : memref<32x512xf32, #tpu.memory_space<vmem>>, vector<1x16xf32>,
        %parallel_loop3A_554 = arith.index_cast %parallel_loop3A_357 : i32 to index
        %parallel_loop3A_555 = arith.constant 224 : index
        %parallel_loop3A_556 = tpu.vector_load %arg11[%parallel_loop3A_554, %parallel_loop3A_555] {strides = array<i32>} : memref<32x512xf32, #tpu.memory_space<vmem>>, vector<1x16xf32>,
        %parallel_loop3A_557 = vector.shape_cast %parallel_loop3A_556 : vector<1x16xf32> to vector<16xf32>
        %parallel_loop3A_558 = arith.index_cast %sub3A_174 : i32 to index
        %parallel_loop3A_559 = arith.constant 224 : index
        %parallel_loop3A_560 = tpu.vector_load %arg7[%parallel_loop3A_558, %parallel_loop3A_559] {strides = array<i32>} : memref<16x512xf32, #tpu.memory_space<vmem>>, vector<1x16xf32>,
        %parallel_loop3A_561 = vector.shape_cast %parallel_loop3A_560 : vector<1x16xf32> to vector<16xf32>
        %parallel_loop3A_562 = arith.addf %parallel_loop3A_557, %parallel_loop3A_561 : vector<16xf32>
        %parallel_loop3A_563 = arith.index_cast %parallel_loop3A_357 : i32 to index
        %parallel_loop3A_564 = arith.constant 224 : index
        %parallel_loop3A_565 = tpu.vector_load %arg15[%parallel_loop3A_563, %parallel_loop3A_564] {strides = array<i32>} : memref<32x512xf32, #tpu.memory_space<vmem>>, vector<1x16xf32>,
        %parallel_loop3A_566 = vector.shape_cast %parallel_loop3A_565 : vector<1x16xf32> to vector<16xf32>
        %parallel_loop3A_567 = vector.shape_cast %parallel_loop3A_562 : vector<16xf32> to vector<1x16xf32>
        tpu.vector_store %arg15[%parallel_loop3A_563, %parallel_loop3A_564], %parallel_loop3A_567 {strides = array<i32>} : memref<32x512xf32, #tpu.memory_space<vmem>>, vector<1x16xf32>,
        %parallel_loop3A_568 = arith.index_cast %parallel_loop3A_357 : i32 to index
        %parallel_loop3A_569 = arith.constant 240 : index
        %parallel_loop3A_570 = tpu.vector_load %arg11[%parallel_loop3A_568, %parallel_loop3A_569] {strides = array<i32>} : memref<32x512xf32, #tpu.memory_space<vmem>>, vector<1x16xf32>,
        %parallel_loop3A_571 = vector.shape_cast %parallel_loop3A_570 : vector<1x16xf32> to vector<16xf32>
        %parallel_loop3A_572 = arith.index_cast %sub3A_174 : i32 to index
        %parallel_loop3A_573 = arith.constant 240 : index
        %parallel_loop3A_574 = tpu.vector_load %arg7[%parallel_loop3A_572, %parallel_loop3A_573] {strides = array<i32>} : memref<16x512xf32, #tpu.memory_space<vmem>>, vector<1x16xf32>,
        %parallel_loop3A_575 = vector.shape_cast %parallel_loop3A_574 : vector<1x16xf32> to vector<16xf32>
        %parallel_loop3A_576 = arith.addf %parallel_loop3A_571, %parallel_loop3A_575 : vector<16xf32>
        %parallel_loop3A_577 = arith.index_cast %parallel_loop3A_357 : i32 to index
        %parallel_loop3A_578 = arith.constant 240 : index
        %parallel_loop3A_579 = tpu.vector_load %arg15[%parallel_loop3A_577, %parallel_loop3A_578] {strides = array<i32>} : memref<32x512xf32, #tpu.memory_space<vmem>>, vector<1x16xf32>,
        %parallel_loop3A_580 = vector.shape_cast %parallel_loop3A_579 : vector<1x16xf32> to vector<16xf32>
        %parallel_loop3A_581 = vector.shape_cast %parallel_loop3A_576 : vector<16xf32> to vector<1x16xf32>
        tpu.vector_store %arg15[%parallel_loop3A_577, %parallel_loop3A_578], %parallel_loop3A_581 {strides = array<i32>} : memref<32x512xf32, #tpu.memory_space<vmem>>, vector<1x16xf32>,
        %parallel_loop3A_582 = arith.index_cast %parallel_loop3A_357 : i32 to index
        %parallel_loop3A_583 = arith.constant 256 : index
        %parallel_loop3A_584 = tpu.vector_load %arg11[%parallel_loop3A_582, %parallel_loop3A_583] {strides = array<i32>} : memref<32x512xf32, #tpu.memory_space<vmem>>, vector<1x16xf32>,
        %parallel_loop3A_585 = vector.shape_cast %parallel_loop3A_584 : vector<1x16xf32> to vector<16xf32>
        %parallel_loop3A_586 = arith.index_cast %sub3A_174 : i32 to index
        %parallel_loop3A_587 = arith.constant 256 : index
        %parallel_loop3A_588 = tpu.vector_load %arg7[%parallel_loop3A_586, %parallel_loop3A_587] {strides = array<i32>} : memref<16x512xf32, #tpu.memory_space<vmem>>, vector<1x16xf32>,
        %parallel_loop3A_589 = vector.shape_cast %parallel_loop3A_588 : vector<1x16xf32> to vector<16xf32>
        %parallel_loop3A_590 = arith.addf %parallel_loop3A_585, %parallel_loop3A_589 : vector<16xf32>
        %parallel_loop3A_591 = arith.index_cast %parallel_loop3A_357 : i32 to index
        %parallel_loop3A_592 = arith.constant 256 : index
        %parallel_loop3A_593 = tpu.vector_load %arg15[%parallel_loop3A_591, %parallel_loop3A_592] {strides = array<i32>} : memref<32x512xf32, #tpu.memory_space<vmem>>, vector<1x16xf32>,
        %parallel_loop3A_594 = vector.shape_cast %parallel_loop3A_593 : vector<1x16xf32> to vector<16xf32>
        %parallel_loop3A_595 = vector.shape_cast %parallel_loop3A_590 : vector<16xf32> to vector<1x16xf32>
        tpu.vector_store %arg15[%parallel_loop3A_591, %parallel_loop3A_592], %parallel_loop3A_595 {strides = array<i32>} : memref<32x512xf32, #tpu.memory_space<vmem>>, vector<1x16xf32>,
        %parallel_loop3A_596 = arith.index_cast %parallel_loop3A_357 : i32 to index
        %parallel_loop3A_597 = arith.constant 272 : index
        %parallel_loop3A_598 = tpu.vector_load %arg11[%parallel_loop3A_596, %parallel_loop3A_597] {strides = array<i32>} : memref<32x512xf32, #tpu.memory_space<vmem>>, vector<1x16xf32>,
        %parallel_loop3A_599 = vector.shape_cast %parallel_loop3A_598 : vector<1x16xf32> to vector<16xf32>
        %parallel_loop3A_600 = arith.index_cast %sub3A_174 : i32 to index
        %parallel_loop3A_601 = arith.constant 272 : index
        %parallel_loop3A_602 = tpu.vector_load %arg7[%parallel_loop3A_600, %parallel_loop3A_601] {strides = array<i32>} : memref<16x512xf32, #tpu.memory_space<vmem>>, vector<1x16xf32>,
        %parallel_loop3A_603 = vector.shape_cast %parallel_loop3A_602 : vector<1x16xf32> to vector<16xf32>
        %parallel_loop3A_604 = arith.addf %parallel_loop3A_599, %parallel_loop3A_603 : vector<16xf32>
        %parallel_loop3A_605 = arith.index_cast %parallel_loop3A_357 : i32 to index
        %parallel_loop3A_606 = arith.constant 272 : index
        %parallel_loop3A_607 = tpu.vector_load %arg15[%parallel_loop3A_605, %parallel_loop3A_606] {strides = array<i32>} : memref<32x512xf32, #tpu.memory_space<vmem>>, vector<1x16xf32>,
        %parallel_loop3A_608 = vector.shape_cast %parallel_loop3A_607 : vector<1x16xf32> to vector<16xf32>
        %parallel_loop3A_609 = vector.shape_cast %parallel_loop3A_604 : vector<16xf32> to vector<1x16xf32>
        tpu.vector_store %arg15[%parallel_loop3A_605, %parallel_loop3A_606], %parallel_loop3A_609 {strides = array<i32>} : memref<32x512xf32, #tpu.memory_space<vmem>>, vector<1x16xf32>,
        %parallel_loop3A_610 = arith.index_cast %parallel_loop3A_357 : i32 to index
        %parallel_loop3A_611 = arith.constant 288 : index
        %parallel_loop3A_612 = tpu.vector_load %arg11[%parallel_loop3A_610, %parallel_loop3A_611] {strides = array<i32>} : memref<32x512xf32, #tpu.memory_space<vmem>>, vector<1x16xf32>,
        %parallel_loop3A_613 = vector.shape_cast %parallel_loop3A_612 : vector<1x16xf32> to vector<16xf32>
        %parallel_loop3A_614 = arith.index_cast %sub3A_174 : i32 to index
        %parallel_loop3A_615 = arith.constant 288 : index
        %parallel_loop3A_616 = tpu.vector_load %arg7[%parallel_loop3A_614, %parallel_loop3A_615] {strides = array<i32>} : memref<16x512xf32, #tpu.memory_space<vmem>>, vector<1x16xf32>,
        %parallel_loop3A_617 = vector.shape_cast %parallel_loop3A_616 : vector<1x16xf32> to vector<16xf32>
        %parallel_loop3A_618 = arith.addf %parallel_loop3A_613, %parallel_loop3A_617 : vector<16xf32>
        %parallel_loop3A_619 = arith.index_cast %parallel_loop3A_357 : i32 to index
        %parallel_loop3A_620 = arith.constant 288 : index
        %parallel_loop3A_621 = tpu.vector_load %arg15[%parallel_loop3A_619, %parallel_loop3A_620] {strides = array<i32>} : memref<32x512xf32, #tpu.memory_space<vmem>>, vector<1x16xf32>,
        %parallel_loop3A_622 = vector.shape_cast %parallel_loop3A_621 : vector<1x16xf32> to vector<16xf32>
        %parallel_loop3A_623 = vector.shape_cast %parallel_loop3A_618 : vector<16xf32> to vector<1x16xf32>
        tpu.vector_store %arg15[%parallel_loop3A_619, %parallel_loop3A_620], %parallel_loop3A_623 {strides = array<i32>} : memref<32x512xf32, #tpu.memory_space<vmem>>, vector<1x16xf32>,
        %parallel_loop3A_624 = arith.index_cast %parallel_loop3A_357 : i32 to index
        %parallel_loop3A_625 = arith.constant 304 : index
        %parallel_loop3A_626 = tpu.vector_load %arg11[%parallel_loop3A_624, %parallel_loop3A_625] {strides = array<i32>} : memref<32x512xf32, #tpu.memory_space<vmem>>, vector<1x16xf32>,
        %parallel_loop3A_627 = vector.shape_cast %parallel_loop3A_626 : vector<1x16xf32> to vector<16xf32>
        %parallel_loop3A_628 = arith.index_cast %sub3A_174 : i32 to index
        %parallel_loop3A_629 = arith.constant 304 : index
        %parallel_loop3A_630 = tpu.vector_load %arg7[%parallel_loop3A_628, %parallel_loop3A_629] {strides = array<i32>} : memref<16x512xf32, #tpu.memory_space<vmem>>, vector<1x16xf32>,
        %parallel_loop3A_631 = vector.shape_cast %parallel_loop3A_630 : vector<1x16xf32> to vector<16xf32>
        %parallel_loop3A_632 = arith.addf %parallel_loop3A_627, %parallel_loop3A_631 : vector<16xf32>
        %parallel_loop3A_633 = arith.index_cast %parallel_loop3A_357 : i32 to index
        %parallel_loop3A_634 = arith.constant 304 : index
        %parallel_loop3A_635 = tpu.vector_load %arg15[%parallel_loop3A_633, %parallel_loop3A_634] {strides = array<i32>} : memref<32x512xf32, #tpu.memory_space<vmem>>, vector<1x16xf32>,
        %parallel_loop3A_636 = vector.shape_cast %parallel_loop3A_635 : vector<1x16xf32> to vector<16xf32>
        %parallel_loop3A_637 = vector.shape_cast %parallel_loop3A_632 : vector<16xf32> to vector<1x16xf32>
        tpu.vector_store %arg15[%parallel_loop3A_633, %parallel_loop3A_634], %parallel_loop3A_637 {strides = array<i32>} : memref<32x512xf32, #tpu.memory_space<vmem>>, vector<1x16xf32>,
        %parallel_loop3A_638 = arith.index_cast %parallel_loop3A_357 : i32 to index
        %parallel_loop3A_639 = arith.constant 320 : index
        %parallel_loop3A_640 = tpu.vector_load %arg11[%parallel_loop3A_638, %parallel_loop3A_639] {strides = array<i32>} : memref<32x512xf32, #tpu.memory_space<vmem>>, vector<1x16xf32>,
        %parallel_loop3A_641 = vector.shape_cast %parallel_loop3A_640 : vector<1x16xf32> to vector<16xf32>
        %parallel_loop3A_642 = arith.index_cast %sub3A_174 : i32 to index
        %parallel_loop3A_643 = arith.constant 320 : index
        %parallel_loop3A_644 = tpu.vector_load %arg7[%parallel_loop3A_642, %parallel_loop3A_643] {strides = array<i32>} : memref<16x512xf32, #tpu.memory_space<vmem>>, vector<1x16xf32>,
        %parallel_loop3A_645 = vector.shape_cast %parallel_loop3A_644 : vector<1x16xf32> to vector<16xf32>
        %parallel_loop3A_646 = arith.addf %parallel_loop3A_641, %parallel_loop3A_645 : vector<16xf32>
        %parallel_loop3A_647 = arith.index_cast %parallel_loop3A_357 : i32 to index
        %parallel_loop3A_648 = arith.constant 320 : index
        %parallel_loop3A_649 = tpu.vector_load %arg15[%parallel_loop3A_647, %parallel_loop3A_648] {strides = array<i32>} : memref<32x512xf32, #tpu.memory_space<vmem>>, vector<1x16xf32>,
        %parallel_loop3A_650 = vector.shape_cast %parallel_loop3A_649 : vector<1x16xf32> to vector<16xf32>
        %parallel_loop3A_651 = vector.shape_cast %parallel_loop3A_646 : vector<16xf32> to vector<1x16xf32>
        tpu.vector_store %arg15[%parallel_loop3A_647, %parallel_loop3A_648], %parallel_loop3A_651 {strides = array<i32>} : memref<32x512xf32, #tpu.memory_space<vmem>>, vector<1x16xf32>,
        %parallel_loop3A_652 = arith.index_cast %parallel_loop3A_357 : i32 to index
        %parallel_loop3A_653 = arith.constant 336 : index
        %parallel_loop3A_654 = tpu.vector_load %arg11[%parallel_loop3A_652, %parallel_loop3A_653] {strides = array<i32>} : memref<32x512xf32, #tpu.memory_space<vmem>>, vector<1x16xf32>,
        %parallel_loop3A_655 = vector.shape_cast %parallel_loop3A_654 : vector<1x16xf32> to vector<16xf32>
        %parallel_loop3A_656 = arith.index_cast %sub3A_174 : i32 to index
        %parallel_loop3A_657 = arith.constant 336 : index
        %parallel_loop3A_658 = tpu.vector_load %arg7[%parallel_loop3A_656, %parallel_loop3A_657] {strides = array<i32>} : memref<16x512xf32, #tpu.memory_space<vmem>>, vector<1x16xf32>,
        %parallel_loop3A_659 = vector.shape_cast %parallel_loop3A_658 : vector<1x16xf32> to vector<16xf32>
        %parallel_loop3A_660 = arith.addf %parallel_loop3A_655, %parallel_loop3A_659 : vector<16xf32>
        %parallel_loop3A_661 = arith.index_cast %parallel_loop3A_357 : i32 to index
        %parallel_loop3A_662 = arith.constant 336 : index
        %parallel_loop3A_663 = tpu.vector_load %arg15[%parallel_loop3A_661, %parallel_loop3A_662] {strides = array<i32>} : memref<32x512xf32, #tpu.memory_space<vmem>>, vector<1x16xf32>,
        %parallel_loop3A_664 = vector.shape_cast %parallel_loop3A_663 : vector<1x16xf32> to vector<16xf32>
        %parallel_loop3A_665 = vector.shape_cast %parallel_loop3A_660 : vector<16xf32> to vector<1x16xf32>
        tpu.vector_store %arg15[%parallel_loop3A_661, %parallel_loop3A_662], %parallel_loop3A_665 {strides = array<i32>} : memref<32x512xf32, #tpu.memory_space<vmem>>, vector<1x16xf32>,
        %parallel_loop3A_666 = arith.index_cast %parallel_loop3A_357 : i32 to index
        %parallel_loop3A_667 = arith.constant 352 : index
        %parallel_loop3A_668 = tpu.vector_load %arg11[%parallel_loop3A_666, %parallel_loop3A_667] {strides = array<i32>} : memref<32x512xf32, #tpu.memory_space<vmem>>, vector<1x16xf32>,
        %parallel_loop3A_669 = vector.shape_cast %parallel_loop3A_668 : vector<1x16xf32> to vector<16xf32>
        %parallel_loop3A_670 = arith.index_cast %sub3A_174 : i32 to index
        %parallel_loop3A_671 = arith.constant 352 : index
        %parallel_loop3A_672 = tpu.vector_load %arg7[%parallel_loop3A_670, %parallel_loop3A_671] {strides = array<i32>} : memref<16x512xf32, #tpu.memory_space<vmem>>, vector<1x16xf32>,
        %parallel_loop3A_673 = vector.shape_cast %parallel_loop3A_672 : vector<1x16xf32> to vector<16xf32>
        %parallel_loop3A_674 = arith.addf %parallel_loop3A_669, %parallel_loop3A_673 : vector<16xf32>
        %parallel_loop3A_675 = arith.index_cast %parallel_loop3A_357 : i32 to index
        %parallel_loop3A_676 = arith.constant 352 : index
        %parallel_loop3A_677 = tpu.vector_load %arg15[%parallel_loop3A_675, %parallel_loop3A_676] {strides = array<i32>} : memref<32x512xf32, #tpu.memory_space<vmem>>, vector<1x16xf32>,
        %parallel_loop3A_678 = vector.shape_cast %parallel_loop3A_677 : vector<1x16xf32> to vector<16xf32>
        %parallel_loop3A_679 = vector.shape_cast %parallel_loop3A_674 : vector<16xf32> to vector<1x16xf32>
        tpu.vector_store %arg15[%parallel_loop3A_675, %parallel_loop3A_676], %parallel_loop3A_679 {strides = array<i32>} : memref<32x512xf32, #tpu.memory_space<vmem>>, vector<1x16xf32>,
        %parallel_loop3A_680 = arith.index_cast %parallel_loop3A_357 : i32 to index
        %parallel_loop3A_681 = arith.constant 368 : index
        %parallel_loop3A_682 = tpu.vector_load %arg11[%parallel_loop3A_680, %parallel_loop3A_681] {strides = array<i32>} : memref<32x512xf32, #tpu.memory_space<vmem>>, vector<1x16xf32>,
        %parallel_loop3A_683 = vector.shape_cast %parallel_loop3A_682 : vector<1x16xf32> to vector<16xf32>
        %parallel_loop3A_684 = arith.index_cast %sub3A_174 : i32 to index
        %parallel_loop3A_685 = arith.constant 368 : index
        %parallel_loop3A_686 = tpu.vector_load %arg7[%parallel_loop3A_684, %parallel_loop3A_685] {strides = array<i32>} : memref<16x512xf32, #tpu.memory_space<vmem>>, vector<1x16xf32>,
        %parallel_loop3A_687 = vector.shape_cast %parallel_loop3A_686 : vector<1x16xf32> to vector<16xf32>
        %parallel_loop3A_688 = arith.addf %parallel_loop3A_683, %parallel_loop3A_687 : vector<16xf32>
        %parallel_loop3A_689 = arith.index_cast %parallel_loop3A_357 : i32 to index
        %parallel_loop3A_690 = arith.constant 368 : index
        %parallel_loop3A_691 = tpu.vector_load %arg15[%parallel_loop3A_689, %parallel_loop3A_690] {strides = array<i32>} : memref<32x512xf32, #tpu.memory_space<vmem>>, vector<1x16xf32>,
        %parallel_loop3A_692 = vector.shape_cast %parallel_loop3A_691 : vector<1x16xf32> to vector<16xf32>
        %parallel_loop3A_693 = vector.shape_cast %parallel_loop3A_688 : vector<16xf32> to vector<1x16xf32>
        tpu.vector_store %arg15[%parallel_loop3A_689, %parallel_loop3A_690], %parallel_loop3A_693 {strides = array<i32>} : memref<32x512xf32, #tpu.memory_space<vmem>>, vector<1x16xf32>,
        %parallel_loop3A_694 = arith.index_cast %parallel_loop3A_357 : i32 to index
        %parallel_loop3A_695 = arith.constant 384 : index
        %parallel_loop3A_696 = tpu.vector_load %arg11[%parallel_loop3A_694, %parallel_loop3A_695] {strides = array<i32>} : memref<32x512xf32, #tpu.memory_space<vmem>>, vector<1x16xf32>,
        %parallel_loop3A_697 = vector.shape_cast %parallel_loop3A_696 : vector<1x16xf32> to vector<16xf32>
        %parallel_loop3A_698 = arith.index_cast %sub3A_174 : i32 to index
        %parallel_loop3A_699 = arith.constant 384 : index
        %parallel_loop3A_700 = tpu.vector_load %arg7[%parallel_loop3A_698, %parallel_loop3A_699] {strides = array<i32>} : memref<16x512xf32, #tpu.memory_space<vmem>>, vector<1x16xf32>,
        %parallel_loop3A_701 = vector.shape_cast %parallel_loop3A_700 : vector<1x16xf32> to vector<16xf32>
        %parallel_loop3A_702 = arith.addf %parallel_loop3A_697, %parallel_loop3A_701 : vector<16xf32>
        %parallel_loop3A_703 = arith.index_cast %parallel_loop3A_357 : i32 to index
        %parallel_loop3A_704 = arith.constant 384 : index
        %parallel_loop3A_705 = tpu.vector_load %arg15[%parallel_loop3A_703, %parallel_loop3A_704] {strides = array<i32>} : memref<32x512xf32, #tpu.memory_space<vmem>>, vector<1x16xf32>,
        %parallel_loop3A_706 = vector.shape_cast %parallel_loop3A_705 : vector<1x16xf32> to vector<16xf32>
        %parallel_loop3A_707 = vector.shape_cast %parallel_loop3A_702 : vector<16xf32> to vector<1x16xf32>
        tpu.vector_store %arg15[%parallel_loop3A_703, %parallel_loop3A_704], %parallel_loop3A_707 {strides = array<i32>} : memref<32x512xf32, #tpu.memory_space<vmem>>, vector<1x16xf32>,
        %parallel_loop3A_708 = arith.index_cast %parallel_loop3A_357 : i32 to index
        %parallel_loop3A_709 = arith.constant 400 : index
        %parallel_loop3A_710 = tpu.vector_load %arg11[%parallel_loop3A_708, %parallel_loop3A_709] {strides = array<i32>} : memref<32x512xf32, #tpu.memory_space<vmem>>, vector<1x16xf32>,
        %parallel_loop3A_711 = vector.shape_cast %parallel_loop3A_710 : vector<1x16xf32> to vector<16xf32>
        %parallel_loop3A_712 = arith.index_cast %sub3A_174 : i32 to index
        %parallel_loop3A_713 = arith.constant 400 : index
        %parallel_loop3A_714 = tpu.vector_load %arg7[%parallel_loop3A_712, %parallel_loop3A_713] {strides = array<i32>} : memref<16x512xf32, #tpu.memory_space<vmem>>, vector<1x16xf32>,
        %parallel_loop3A_715 = vector.shape_cast %parallel_loop3A_714 : vector<1x16xf32> to vector<16xf32>
        %parallel_loop3A_716 = arith.addf %parallel_loop3A_711, %parallel_loop3A_715 : vector<16xf32>
        %parallel_loop3A_717 = arith.index_cast %parallel_loop3A_357 : i32 to index
        %parallel_loop3A_718 = arith.constant 400 : index
        %parallel_loop3A_719 = tpu.vector_load %arg15[%parallel_loop3A_717, %parallel_loop3A_718] {strides = array<i32>} : memref<32x512xf32, #tpu.memory_space<vmem>>, vector<1x16xf32>,
        %parallel_loop3A_720 = vector.shape_cast %parallel_loop3A_719 : vector<1x16xf32> to vector<16xf32>
        %parallel_loop3A_721 = vector.shape_cast %parallel_loop3A_716 : vector<16xf32> to vector<1x16xf32>
        tpu.vector_store %arg15[%parallel_loop3A_717, %parallel_loop3A_718], %parallel_loop3A_721 {strides = array<i32>} : memref<32x512xf32, #tpu.memory_space<vmem>>, vector<1x16xf32>,
        %parallel_loop3A_722 = arith.index_cast %parallel_loop3A_357 : i32 to index
        %parallel_loop3A_723 = arith.constant 416 : index
        %parallel_loop3A_724 = tpu.vector_load %arg11[%parallel_loop3A_722, %parallel_loop3A_723] {strides = array<i32>} : memref<32x512xf32, #tpu.memory_space<vmem>>, vector<1x16xf32>,
        %parallel_loop3A_725 = vector.shape_cast %parallel_loop3A_724 : vector<1x16xf32> to vector<16xf32>
        %parallel_loop3A_726 = arith.index_cast %sub3A_174 : i32 to index
        %parallel_loop3A_727 = arith.constant 416 : index
        %parallel_loop3A_728 = tpu.vector_load %arg7[%parallel_loop3A_726, %parallel_loop3A_727] {strides = array<i32>} : memref<16x512xf32, #tpu.memory_space<vmem>>, vector<1x16xf32>,
        %parallel_loop3A_729 = vector.shape_cast %parallel_loop3A_728 : vector<1x16xf32> to vector<16xf32>
        %parallel_loop3A_730 = arith.addf %parallel_loop3A_725, %parallel_loop3A_729 : vector<16xf32>
        %parallel_loop3A_731 = arith.index_cast %parallel_loop3A_357 : i32 to index
        %parallel_loop3A_732 = arith.constant 416 : index
        %parallel_loop3A_733 = tpu.vector_load %arg15[%parallel_loop3A_731, %parallel_loop3A_732] {strides = array<i32>} : memref<32x512xf32, #tpu.memory_space<vmem>>, vector<1x16xf32>,
        %parallel_loop3A_734 = vector.shape_cast %parallel_loop3A_733 : vector<1x16xf32> to vector<16xf32>
        %parallel_loop3A_735 = vector.shape_cast %parallel_loop3A_730 : vector<16xf32> to vector<1x16xf32>
        tpu.vector_store %arg15[%parallel_loop3A_731, %parallel_loop3A_732], %parallel_loop3A_735 {strides = array<i32>} : memref<32x512xf32, #tpu.memory_space<vmem>>, vector<1x16xf32>,
        %parallel_loop3A_736 = arith.index_cast %parallel_loop3A_357 : i32 to index
        %parallel_loop3A_737 = arith.constant 432 : index
        %parallel_loop3A_738 = tpu.vector_load %arg11[%parallel_loop3A_736, %parallel_loop3A_737] {strides = array<i32>} : memref<32x512xf32, #tpu.memory_space<vmem>>, vector<1x16xf32>,
        %parallel_loop3A_739 = vector.shape_cast %parallel_loop3A_738 : vector<1x16xf32> to vector<16xf32>
        %parallel_loop3A_740 = arith.index_cast %sub3A_174 : i32 to index
        %parallel_loop3A_741 = arith.constant 432 : index
        %parallel_loop3A_742 = tpu.vector_load %arg7[%parallel_loop3A_740, %parallel_loop3A_741] {strides = array<i32>} : memref<16x512xf32, #tpu.memory_space<vmem>>, vector<1x16xf32>,
        %parallel_loop3A_743 = vector.shape_cast %parallel_loop3A_742 : vector<1x16xf32> to vector<16xf32>
        %parallel_loop3A_744 = arith.addf %parallel_loop3A_739, %parallel_loop3A_743 : vector<16xf32>
        %parallel_loop3A_745 = arith.index_cast %parallel_loop3A_357 : i32 to index
        %parallel_loop3A_746 = arith.constant 432 : index
        %parallel_loop3A_747 = tpu.vector_load %arg15[%parallel_loop3A_745, %parallel_loop3A_746] {strides = array<i32>} : memref<32x512xf32, #tpu.memory_space<vmem>>, vector<1x16xf32>,
        %parallel_loop3A_748 = vector.shape_cast %parallel_loop3A_747 : vector<1x16xf32> to vector<16xf32>
        %parallel_loop3A_749 = vector.shape_cast %parallel_loop3A_744 : vector<16xf32> to vector<1x16xf32>
        tpu.vector_store %arg15[%parallel_loop3A_745, %parallel_loop3A_746], %parallel_loop3A_749 {strides = array<i32>} : memref<32x512xf32, #tpu.memory_space<vmem>>, vector<1x16xf32>,
        %parallel_loop3A_750 = arith.index_cast %parallel_loop3A_357 : i32 to index
        %parallel_loop3A_751 = arith.constant 448 : index
        %parallel_loop3A_752 = tpu.vector_load %arg11[%parallel_loop3A_750, %parallel_loop3A_751] {strides = array<i32>} : memref<32x512xf32, #tpu.memory_space<vmem>>, vector<1x16xf32>,
        %parallel_loop3A_753 = vector.shape_cast %parallel_loop3A_752 : vector<1x16xf32> to vector<16xf32>
        %parallel_loop3A_754 = arith.index_cast %sub3A_174 : i32 to index
        %parallel_loop3A_755 = arith.constant 448 : index
        %parallel_loop3A_756 = tpu.vector_load %arg7[%parallel_loop3A_754, %parallel_loop3A_755] {strides = array<i32>} : memref<16x512xf32, #tpu.memory_space<vmem>>, vector<1x16xf32>,
        %parallel_loop3A_757 = vector.shape_cast %parallel_loop3A_756 : vector<1x16xf32> to vector<16xf32>
        %parallel_loop3A_758 = arith.addf %parallel_loop3A_753, %parallel_loop3A_757 : vector<16xf32>
        %parallel_loop3A_759 = arith.index_cast %parallel_loop3A_357 : i32 to index
        %parallel_loop3A_760 = arith.constant 448 : index
        %parallel_loop3A_761 = tpu.vector_load %arg15[%parallel_loop3A_759, %parallel_loop3A_760] {strides = array<i32>} : memref<32x512xf32, #tpu.memory_space<vmem>>, vector<1x16xf32>,
        %parallel_loop3A_762 = vector.shape_cast %parallel_loop3A_761 : vector<1x16xf32> to vector<16xf32>
        %parallel_loop3A_763 = vector.shape_cast %parallel_loop3A_758 : vector<16xf32> to vector<1x16xf32>
        tpu.vector_store %arg15[%parallel_loop3A_759, %parallel_loop3A_760], %parallel_loop3A_763 {strides = array<i32>} : memref<32x512xf32, #tpu.memory_space<vmem>>, vector<1x16xf32>,
        %parallel_loop3A_764 = arith.index_cast %parallel_loop3A_357 : i32 to index
        %parallel_loop3A_765 = arith.constant 464 : index
        %parallel_loop3A_766 = tpu.vector_load %arg11[%parallel_loop3A_764, %parallel_loop3A_765] {strides = array<i32>} : memref<32x512xf32, #tpu.memory_space<vmem>>, vector<1x16xf32>,
        %parallel_loop3A_767 = vector.shape_cast %parallel_loop3A_766 : vector<1x16xf32> to vector<16xf32>
        %parallel_loop3A_768 = arith.index_cast %sub3A_174 : i32 to index
        %parallel_loop3A_769 = arith.constant 464 : index
        %parallel_loop3A_770 = tpu.vector_load %arg7[%parallel_loop3A_768, %parallel_loop3A_769] {strides = array<i32>} : memref<16x512xf32, #tpu.memory_space<vmem>>, vector<1x16xf32>,
        %parallel_loop3A_771 = vector.shape_cast %parallel_loop3A_770 : vector<1x16xf32> to vector<16xf32>
        %parallel_loop3A_772 = arith.addf %parallel_loop3A_767, %parallel_loop3A_771 : vector<16xf32>
        %parallel_loop3A_773 = arith.index_cast %parallel_loop3A_357 : i32 to index
        %parallel_loop3A_774 = arith.constant 464 : index
        %parallel_loop3A_775 = tpu.vector_load %arg15[%parallel_loop3A_773, %parallel_loop3A_774] {strides = array<i32>} : memref<32x512xf32, #tpu.memory_space<vmem>>, vector<1x16xf32>,
        %parallel_loop3A_776 = vector.shape_cast %parallel_loop3A_775 : vector<1x16xf32> to vector<16xf32>
        %parallel_loop3A_777 = vector.shape_cast %parallel_loop3A_772 : vector<16xf32> to vector<1x16xf32>
        tpu.vector_store %arg15[%parallel_loop3A_773, %parallel_loop3A_774], %parallel_loop3A_777 {strides = array<i32>} : memref<32x512xf32, #tpu.memory_space<vmem>>, vector<1x16xf32>,
        %parallel_loop3A_778 = arith.index_cast %parallel_loop3A_357 : i32 to index
        %parallel_loop3A_779 = arith.constant 480 : index
        %parallel_loop3A_780 = tpu.vector_load %arg11[%parallel_loop3A_778, %parallel_loop3A_779] {strides = array<i32>} : memref<32x512xf32, #tpu.memory_space<vmem>>, vector<1x16xf32>,
        %parallel_loop3A_781 = vector.shape_cast %parallel_loop3A_780 : vector<1x16xf32> to vector<16xf32>
        %parallel_loop3A_782 = arith.index_cast %sub3A_174 : i32 to index
        %parallel_loop3A_783 = arith.constant 480 : index
        %parallel_loop3A_784 = tpu.vector_load %arg7[%parallel_loop3A_782, %parallel_loop3A_783] {strides = array<i32>} : memref<16x512xf32, #tpu.memory_space<vmem>>, vector<1x16xf32>,
        %parallel_loop3A_785 = vector.shape_cast %parallel_loop3A_784 : vector<1x16xf32> to vector<16xf32>
        %parallel_loop3A_786 = arith.addf %parallel_loop3A_781, %parallel_loop3A_785 : vector<16xf32>
        %parallel_loop3A_787 = arith.index_cast %parallel_loop3A_357 : i32 to index
        %parallel_loop3A_788 = arith.constant 480 : index
        %parallel_loop3A_789 = tpu.vector_load %arg15[%parallel_loop3A_787, %parallel_loop3A_788] {strides = array<i32>} : memref<32x512xf32, #tpu.memory_space<vmem>>, vector<1x16xf32>,
        %parallel_loop3A_790 = vector.shape_cast %parallel_loop3A_789 : vector<1x16xf32> to vector<16xf32>
        %parallel_loop3A_791 = vector.shape_cast %parallel_loop3A_786 : vector<16xf32> to vector<1x16xf32>
        tpu.vector_store %arg15[%parallel_loop3A_787, %parallel_loop3A_788], %parallel_loop3A_791 {strides = array<i32>} : memref<32x512xf32, #tpu.memory_space<vmem>>, vector<1x16xf32>,
        %parallel_loop3A_792 = arith.index_cast %parallel_loop3A_357 : i32 to index
        %parallel_loop3A_793 = arith.constant 496 : index
        %parallel_loop3A_794 = tpu.vector_load %arg11[%parallel_loop3A_792, %parallel_loop3A_793] {strides = array<i32>} : memref<32x512xf32, #tpu.memory_space<vmem>>, vector<1x16xf32>,
        %parallel_loop3A_795 = vector.shape_cast %parallel_loop3A_794 : vector<1x16xf32> to vector<16xf32>
        %parallel_loop3A_796 = arith.index_cast %sub3A_174 : i32 to index
        %parallel_loop3A_797 = arith.constant 496 : index
        %parallel_loop3A_798 = tpu.vector_load %arg7[%parallel_loop3A_796, %parallel_loop3A_797] {strides = array<i32>} : memref<16x512xf32, #tpu.memory_space<vmem>>, vector<1x16xf32>,
        %parallel_loop3A_799 = vector.shape_cast %parallel_loop3A_798 : vector<1x16xf32> to vector<16xf32>
        %parallel_loop3A_800 = arith.addf %parallel_loop3A_795, %parallel_loop3A_799 : vector<16xf32>
        %parallel_loop3A_801 = arith.index_cast %parallel_loop3A_357 : i32 to index
        %parallel_loop3A_802 = arith.constant 496 : index
        %parallel_loop3A_803 = tpu.vector_load %arg15[%parallel_loop3A_801, %parallel_loop3A_802] {strides = array<i32>} : memref<32x512xf32, #tpu.memory_space<vmem>>, vector<1x16xf32>,
        %parallel_loop3A_804 = vector.shape_cast %parallel_loop3A_803 : vector<1x16xf32> to vector<16xf32>
        %parallel_loop3A_805 = vector.shape_cast %parallel_loop3A_800 : vector<16xf32> to vector<1x16xf32>
        tpu.vector_store %arg15[%parallel_loop3A_801, %parallel_loop3A_802], %parallel_loop3A_805 {strides = array<i32>} : memref<32x512xf32, #tpu.memory_space<vmem>>, vector<1x16xf32>,
      } {sc.loop_unroll_factor = 1 : i64, sc.parallel_access}
      %dma_start3A_208 = arith.constant 0 : i32
      %dma_start3A_209 = arith.constant 0 : i32
      %dma_start3A_210 = tpu.memref_slice %arg5[%dma_start3A_208, %dma_start3A_209] : memref<315392x512xf32, #tpu.memory_space<hbm>> -> memref<315392x512xf32, #tpu.memory_space<hbm>>
      tpu.enqueue_indirect_dma source(%arg15 : memref<32x512xf32, #tpu.memory_space<vmem>>) target(%dma_start3A_210 : memref<315392x512xf32, #tpu.memory_space<hbm>>) offsets(%arg9 : memref<32xi32, #tpu.memory_space<vmem>>) semaphore(%arg21 : memref<!tpu.dma_semaphore, #tpu.memory_space<semaphore_mem>>)
      %add3A_211 = arith.constant 4 : i32
      %add3A_212 = arith.addi %add3A_152, %add3A_211 : i32
      %lt3A_213 = arith.constant 308 : i32
      %lt3A_214 = arith.cmpi slt, %add3A_212, %lt3A_213 : i32
      %convert_element_type3A_215 = arith.extui %lt3A_214 : i1 to i32
      %cond3A_216 = arith.constant 0 : i32
      %cond3A_217 = arith.cmpi ne, %convert_element_type3A_215, %cond3A_216 : i32
      scf.if %cond3A_217 {
        %add3A_357 = arith.constant 4 : i32
        %add3A_358 = arith.addi %add3A_152, %add3A_357 : i32
        %div3A_359 = arith.constant 4 : i32
        %div3A_360 = arith.divsi %add3A_358, %div3A_359 : i32
        %rem3A_361 = arith.constant 4 : i32
        %rem3A_362 = arith.remsi %add3A_358, %rem3A_361 : i32
        %mul3A_363 = arith.constant 32 : i32
        %mul3A_364 = arith.muli %rem3A_362, %mul3A_363 : i32
        %dma_start3A_365 = tpu.memref_slice %arg6[%div3A_360, %mul3A_364] : memref<77x128xi32, #tpu.memory_space<vmem>> -> memref<1x32xi32, #tpu.memory_space<vmem>>
        %dma_start3A_366 = tpu.memref_squeeze %dma_start3A_365 : memref<1x32xi32, #tpu.memory_space<vmem>> -> memref<32xi32, #tpu.memory_space<vmem>>
        %dma_start3A_367 = arith.constant 0 : i32
        %dma_start3A_368 = arith.constant 0 : i32
        %dma_start3A_369 = tpu.memref_slice %arg3[%dma_start3A_367, %dma_start3A_368] : memref<49408x512xf32, #tpu.memory_space<hbm>> -> memref<49408x512xf32, #tpu.memory_space<hbm>>
        tpu.enqueue_indirect_dma source(%dma_start3A_369 : memref<49408x512xf32, #tpu.memory_space<hbm>>) target(%arg11 : memref<32x512xf32, #tpu.memory_space<vmem>>) offsets(%dma_start3A_366 : memref<32xi32, #tpu.memory_space<vmem>>) semaphore(%arg17 : memref<!tpu.dma_semaphore, #tpu.memory_space<semaphore_mem>>)
      } else {
      }
      %mul3A_218 = arith.constant 4 : i32
      %mul3A_219 = arith.muli %scan3A_84, %mul3A_218 : i32
      %add3A_220 = arith.constant 2 : i32
      %add3A_221 = arith.addi %mul3A_219, %add3A_220 : i32
      %div3A_222 = arith.constant 4 : i32
      %div3A_223 = arith.divsi %add3A_221, %div3A_222 : i32
      %rem3A_224 = arith.constant 4 : i32
      %rem3A_225 = arith.remsi %add3A_221, %rem3A_224 : i32
      %mul3A_226 = arith.constant 32 : i32
      %mul3A_227 = arith.muli %rem3A_225, %mul3A_226 : i32
      %dma_wait3A_228 = tpu.memref_slice %arg6[%div3A_223, %mul3A_227] : memref<77x128xi32, #tpu.memory_space<vmem>> -> memref<1x32xi32, #tpu.memory_space<vmem>>
      %dma_wait3A_229 = tpu.memref_squeeze %dma_wait3A_228 : memref<1x32xi32, #tpu.memory_space<vmem>> -> memref<32xi32, #tpu.memory_space<vmem>>
      %dma_wait3A_230 = arith.constant 0 : i32
      %dma_wait3A_231 = arith.constant 0 : i32
      %dma_wait3A_232 = tpu.memref_slice %arg3[%dma_wait3A_230, %dma_wait3A_231] : memref<49408x512xf32, #tpu.memory_space<hbm>> -> memref<49408x512xf32, #tpu.memory_space<hbm>>
      tpu.wait_indirect_dma semaphore(%arg18 : memref<!tpu.dma_semaphore, #tpu.memory_space<semaphore_mem>>) src(%dma_wait3A_232 : memref<49408x512xf32, #tpu.memory_space<hbm>>) dst(%arg12 : memref<32x512xf32, #tpu.memory_space<vmem>>)
      %ge3A_233 = arith.constant 2 : i32
      %ge3A_234 = arith.cmpi sge, %add3A_221, %ge3A_233 : i32
      %convert_element_type3A_235 = arith.extui %ge3A_234 : i1 to i32
      %cond3A_236 = arith.constant 0 : i32
      %cond3A_237 = arith.cmpi ne, %convert_element_type3A_235, %cond3A_236 : i32
      scf.if %cond3A_237 {
        %sub3A_357 = arith.constant 2 : i32
        %sub3A_358 = arith.subi %add3A_221, %sub3A_357 : i32
        %dma_wait3A_359 = arith.constant 0 : i32
        %dma_wait3A_360 = arith.constant 0 : i32
        %dma_wait3A_361 = tpu.memref_slice %arg5[%dma_wait3A_359, %dma_wait3A_360] : memref<315392x512xf32, #tpu.memory_space<hbm>> -> memref<315392x512xf32, #tpu.memory_space<hbm>>
        tpu.wait_indirect_dma semaphore(%arg20 : memref<!tpu.dma_semaphore, #tpu.memory_space<semaphore_mem>>) src(%arg14 : memref<32x512xf32, #tpu.memory_space<vmem>>) dst(%dma_wait3A_361 : memref<315392x512xf32, #tpu.memory_space<hbm>>)
      } else {
      }
      %mul3A_238 = arith.constant 32 : i32
      %mul3A_239 = arith.muli %add3A_221, %mul3A_238 : i32
      %add3A_240 = arith.addi %mul3A_2, %mul3A_239 : i32
      %shift_right_logical3A_241 = arith.constant 12 : i32
      %shift_right_logical3A_242 = arith.shrui %add3A_240, %shift_right_logical3A_241 : i32
      %sub3A_243 = arith.subi %shift_right_logical3A_242, %multiple_of3A : i32
      %mul3A_244 = arith.constant 4096 : i32
      %mul3A_245 = arith.muli %shift_right_logical3A_242, %mul3A_244 : i32
      %sub3A_246 = arith.subi %add3A_240, %mul3A_245 : i32
      %mul3A_247 = arith.constant 77 : i32
      %mul3A_248 = arith.muli %sub3A_246, %mul3A_247 : i32
      %add3A_249 = arith.addi %mul3A_248, %shift_right_logical3A_242 : i32
      %add3A_250 = arith.constant 0 : i32
      %add3A_251 = vector.broadcast %add3A_250 : i32 to vector<16xi32>
      %add3A_252 = arith.addi %iota3A, %add3A_251 : vector<16xi32>
      %mul3A_253 = arith.constant 77 : i32
      %mul3A_254 = vector.broadcast %mul3A_253 : i32 to vector<16xi32>
      %mul3A_255 = arith.muli %add3A_252, %mul3A_254 : vector<16xi32>
      %add3A_256 = vector.broadcast %add3A_249 : i32 to vector<16xi32>
      %add3A_257 = arith.addi %add3A_256, %mul3A_255 : vector<16xi32>
      %swap3A_258 = arith.constant 0 : index
      %swap3A_259 = tpu.vector_load %arg8[%swap3A_258] {strides = array<i32>} : memref<32xi32, #tpu.memory_space<vmem>>, vector<16xi32>,
      %swap3A_260 = vector.shape_cast %swap3A_259 : vector<16xi32> to vector<16xi32>
      %swap3A_261 = vector.shape_cast %add3A_257 : vector<16xi32> to vector<16xi32>
      tpu.vector_store %arg8[%swap3A_258], %swap3A_261 {strides = array<i32>} : memref<32xi32, #tpu.memory_space<vmem>>, vector<16xi32>,
      %add3A_262 = arith.constant 16 : i32
      %add3A_263 = vector.broadcast %add3A_262 : i32 to vector<16xi32>
      %add3A_264 = arith.addi %iota3A, %add3A_263 : vector<16xi32>
      %mul3A_265 = arith.constant 77 : i32
      %mul3A_266 = vector.broadcast %mul3A_265 : i32 to vector<16xi32>
      %mul3A_267 = arith.muli %add3A_264, %mul3A_266 : vector<16xi32>
      %add3A_268 = vector.broadcast %add3A_249 : i32 to vector<16xi32>
      %add3A_269 = arith.addi %add3A_268, %mul3A_267 : vector<16xi32>
      %swap3A_270 = arith.constant 16 : index
      %swap3A_271 = tpu.vector_load %arg8[%swap3A_270] {strides = array<i32>} : memref<32xi32, #tpu.memory_space<vmem>>, vector<16xi32>,
      %swap3A_272 = vector.shape_cast %swap3A_271 : vector<16xi32> to vector<16xi32>
      %swap3A_273 = vector.shape_cast %add3A_269 : vector<16xi32> to vector<16xi32>
      tpu.vector_store %arg8[%swap3A_270], %swap3A_273 {strides = array<i32>} : memref<32xi32, #tpu.memory_space<vmem>>, vector<16xi32>,
      %parallel_loop3A_274 = arith.constant 0 : i32
      %parallel_loop3A_275 = arith.constant 32 : i32
      %parallel_loop3A_276 = arith.constant 1 : i32
      scf.for %parallel_loop3A_357 = %parallel_loop3A_274 to %parallel_loop3A_275 step %parallel_loop3A_276  : i32 {
        %parallel_loop3A_358 = arith.index_cast %parallel_loop3A_357 : i32 to index
        %parallel_loop3A_359 = arith.constant 0 : index
        %parallel_loop3A_360 = tpu.vector_load %arg12[%parallel_loop3A_358, %parallel_loop3A_359] {strides = array<i32>} : memref<32x512xf32, #tpu.memory_space<vmem>>, vector<1x16xf32>,
        %parallel_loop3A_361 = vector.shape_cast %parallel_loop3A_360 : vector<1x16xf32> to vector<16xf32>
        %parallel_loop3A_362 = arith.index_cast %sub3A_243 : i32 to index
        %parallel_loop3A_363 = arith.constant 0 : index
        %parallel_loop3A_364 = tpu.vector_load %arg7[%parallel_loop3A_362, %parallel_loop3A_363] {strides = array<i32>} : memref<16x512xf32, #tpu.memory_space<vmem>>, vector<1x16xf32>,
        %parallel_loop3A_365 = vector.shape_cast %parallel_loop3A_364 : vector<1x16xf32> to vector<16xf32>
        %parallel_loop3A_366 = arith.addf %parallel_loop3A_361, %parallel_loop3A_365 : vector<16xf32>
        %parallel_loop3A_367 = arith.index_cast %parallel_loop3A_357 : i32 to index
        %parallel_loop3A_368 = arith.constant 0 : index
        %parallel_loop3A_369 = tpu.vector_load %arg14[%parallel_loop3A_367, %parallel_loop3A_368] {strides = array<i32>} : memref<32x512xf32, #tpu.memory_space<vmem>>, vector<1x16xf32>,
        %parallel_loop3A_370 = vector.shape_cast %parallel_loop3A_369 : vector<1x16xf32> to vector<16xf32>
        %parallel_loop3A_371 = vector.shape_cast %parallel_loop3A_366 : vector<16xf32> to vector<1x16xf32>
        tpu.vector_store %arg14[%parallel_loop3A_367, %parallel_loop3A_368], %parallel_loop3A_371 {strides = array<i32>} : memref<32x512xf32, #tpu.memory_space<vmem>>, vector<1x16xf32>,
        %parallel_loop3A_372 = arith.index_cast %parallel_loop3A_357 : i32 to index
        %parallel_loop3A_373 = arith.constant 16 : index
        %parallel_loop3A_374 = tpu.vector_load %arg12[%parallel_loop3A_372, %parallel_loop3A_373] {strides = array<i32>} : memref<32x512xf32, #tpu.memory_space<vmem>>, vector<1x16xf32>,
        %parallel_loop3A_375 = vector.shape_cast %parallel_loop3A_374 : vector<1x16xf32> to vector<16xf32>
        %parallel_loop3A_376 = arith.index_cast %sub3A_243 : i32 to index
        %parallel_loop3A_377 = arith.constant 16 : index
        %parallel_loop3A_378 = tpu.vector_load %arg7[%parallel_loop3A_376, %parallel_loop3A_377] {strides = array<i32>} : memref<16x512xf32, #tpu.memory_space<vmem>>, vector<1x16xf32>,
        %parallel_loop3A_379 = vector.shape_cast %parallel_loop3A_378 : vector<1x16xf32> to vector<16xf32>
        %parallel_loop3A_380 = arith.addf %parallel_loop3A_375, %parallel_loop3A_379 : vector<16xf32>
        %parallel_loop3A_381 = arith.index_cast %parallel_loop3A_357 : i32 to index
        %parallel_loop3A_382 = arith.constant 16 : index
        %parallel_loop3A_383 = tpu.vector_load %arg14[%parallel_loop3A_381, %parallel_loop3A_382] {strides = array<i32>} : memref<32x512xf32, #tpu.memory_space<vmem>>, vector<1x16xf32>,
        %parallel_loop3A_384 = vector.shape_cast %parallel_loop3A_383 : vector<1x16xf32> to vector<16xf32>
        %parallel_loop3A_385 = vector.shape_cast %parallel_loop3A_380 : vector<16xf32> to vector<1x16xf32>
        tpu.vector_store %arg14[%parallel_loop3A_381, %parallel_loop3A_382], %parallel_loop3A_385 {strides = array<i32>} : memref<32x512xf32, #tpu.memory_space<vmem>>, vector<1x16xf32>,
        %parallel_loop3A_386 = arith.index_cast %parallel_loop3A_357 : i32 to index
        %parallel_loop3A_387 = arith.constant 32 : index
        %parallel_loop3A_388 = tpu.vector_load %arg12[%parallel_loop3A_386, %parallel_loop3A_387] {strides = array<i32>} : memref<32x512xf32, #tpu.memory_space<vmem>>, vector<1x16xf32>,
        %parallel_loop3A_389 = vector.shape_cast %parallel_loop3A_388 : vector<1x16xf32> to vector<16xf32>
        %parallel_loop3A_390 = arith.index_cast %sub3A_243 : i32 to index
        %parallel_loop3A_391 = arith.constant 32 : index
        %parallel_loop3A_392 = tpu.vector_load %arg7[%parallel_loop3A_390, %parallel_loop3A_391] {strides = array<i32>} : memref<16x512xf32, #tpu.memory_space<vmem>>, vector<1x16xf32>,
        %parallel_loop3A_393 = vector.shape_cast %parallel_loop3A_392 : vector<1x16xf32> to vector<16xf32>
        %parallel_loop3A_394 = arith.addf %parallel_loop3A_389, %parallel_loop3A_393 : vector<16xf32>
        %parallel_loop3A_395 = arith.index_cast %parallel_loop3A_357 : i32 to index
        %parallel_loop3A_396 = arith.constant 32 : index
        %parallel_loop3A_397 = tpu.vector_load %arg14[%parallel_loop3A_395, %parallel_loop3A_396] {strides = array<i32>} : memref<32x512xf32, #tpu.memory_space<vmem>>, vector<1x16xf32>,
        %parallel_loop3A_398 = vector.shape_cast %parallel_loop3A_397 : vector<1x16xf32> to vector<16xf32>
        %parallel_loop3A_399 = vector.shape_cast %parallel_loop3A_394 : vector<16xf32> to vector<1x16xf32>
        tpu.vector_store %arg14[%parallel_loop3A_395, %parallel_loop3A_396], %parallel_loop3A_399 {strides = array<i32>} : memref<32x512xf32, #tpu.memory_space<vmem>>, vector<1x16xf32>,
        %parallel_loop3A_400 = arith.index_cast %parallel_loop3A_357 : i32 to index
        %parallel_loop3A_401 = arith.constant 48 : index
        %parallel_loop3A_402 = tpu.vector_load %arg12[%parallel_loop3A_400, %parallel_loop3A_401] {strides = array<i32>} : memref<32x512xf32, #tpu.memory_space<vmem>>, vector<1x16xf32>,
        %parallel_loop3A_403 = vector.shape_cast %parallel_loop3A_402 : vector<1x16xf32> to vector<16xf32>
        %parallel_loop3A_404 = arith.index_cast %sub3A_243 : i32 to index
        %parallel_loop3A_405 = arith.constant 48 : index
        %parallel_loop3A_406 = tpu.vector_load %arg7[%parallel_loop3A_404, %parallel_loop3A_405] {strides = array<i32>} : memref<16x512xf32, #tpu.memory_space<vmem>>, vector<1x16xf32>,
        %parallel_loop3A_407 = vector.shape_cast %parallel_loop3A_406 : vector<1x16xf32> to vector<16xf32>
        %parallel_loop3A_408 = arith.addf %parallel_loop3A_403, %parallel_loop3A_407 : vector<16xf32>
        %parallel_loop3A_409 = arith.index_cast %parallel_loop3A_357 : i32 to index
        %parallel_loop3A_410 = arith.constant 48 : index
        %parallel_loop3A_411 = tpu.vector_load %arg14[%parallel_loop3A_409, %parallel_loop3A_410] {strides = array<i32>} : memref<32x512xf32, #tpu.memory_space<vmem>>, vector<1x16xf32>,
        %parallel_loop3A_412 = vector.shape_cast %parallel_loop3A_411 : vector<1x16xf32> to vector<16xf32>
        %parallel_loop3A_413 = vector.shape_cast %parallel_loop3A_408 : vector<16xf32> to vector<1x16xf32>
        tpu.vector_store %arg14[%parallel_loop3A_409, %parallel_loop3A_410], %parallel_loop3A_413 {strides = array<i32>} : memref<32x512xf32, #tpu.memory_space<vmem>>, vector<1x16xf32>,
        %parallel_loop3A_414 = arith.index_cast %parallel_loop3A_357 : i32 to index
        %parallel_loop3A_415 = arith.constant 64 : index
        %parallel_loop3A_416 = tpu.vector_load %arg12[%parallel_loop3A_414, %parallel_loop3A_415] {strides = array<i32>} : memref<32x512xf32, #tpu.memory_space<vmem>>, vector<1x16xf32>,
        %parallel_loop3A_417 = vector.shape_cast %parallel_loop3A_416 : vector<1x16xf32> to vector<16xf32>
        %parallel_loop3A_418 = arith.index_cast %sub3A_243 : i32 to index
        %parallel_loop3A_419 = arith.constant 64 : index
        %parallel_loop3A_420 = tpu.vector_load %arg7[%parallel_loop3A_418, %parallel_loop3A_419] {strides = array<i32>} : memref<16x512xf32, #tpu.memory_space<vmem>>, vector<1x16xf32>,
        %parallel_loop3A_421 = vector.shape_cast %parallel_loop3A_420 : vector<1x16xf32> to vector<16xf32>
        %parallel_loop3A_422 = arith.addf %parallel_loop3A_417, %parallel_loop3A_421 : vector<16xf32>
        %parallel_loop3A_423 = arith.index_cast %parallel_loop3A_357 : i32 to index
        %parallel_loop3A_424 = arith.constant 64 : index
        %parallel_loop3A_425 = tpu.vector_load %arg14[%parallel_loop3A_423, %parallel_loop3A_424] {strides = array<i32>} : memref<32x512xf32, #tpu.memory_space<vmem>>, vector<1x16xf32>,
        %parallel_loop3A_426 = vector.shape_cast %parallel_loop3A_425 : vector<1x16xf32> to vector<16xf32>
        %parallel_loop3A_427 = vector.shape_cast %parallel_loop3A_422 : vector<16xf32> to vector<1x16xf32>
        tpu.vector_store %arg14[%parallel_loop3A_423, %parallel_loop3A_424], %parallel_loop3A_427 {strides = array<i32>} : memref<32x512xf32, #tpu.memory_space<vmem>>, vector<1x16xf32>,
        %parallel_loop3A_428 = arith.index_cast %parallel_loop3A_357 : i32 to index
        %parallel_loop3A_429 = arith.constant 80 : index
        %parallel_loop3A_430 = tpu.vector_load %arg12[%parallel_loop3A_428, %parallel_loop3A_429] {strides = array<i32>} : memref<32x512xf32, #tpu.memory_space<vmem>>, vector<1x16xf32>,
        %parallel_loop3A_431 = vector.shape_cast %parallel_loop3A_430 : vector<1x16xf32> to vector<16xf32>
        %parallel_loop3A_432 = arith.index_cast %sub3A_243 : i32 to index
        %parallel_loop3A_433 = arith.constant 80 : index
        %parallel_loop3A_434 = tpu.vector_load %arg7[%parallel_loop3A_432, %parallel_loop3A_433] {strides = array<i32>} : memref<16x512xf32, #tpu.memory_space<vmem>>, vector<1x16xf32>,
        %parallel_loop3A_435 = vector.shape_cast %parallel_loop3A_434 : vector<1x16xf32> to vector<16xf32>
        %parallel_loop3A_436 = arith.addf %parallel_loop3A_431, %parallel_loop3A_435 : vector<16xf32>
        %parallel_loop3A_437 = arith.index_cast %parallel_loop3A_357 : i32 to index
        %parallel_loop3A_438 = arith.constant 80 : index
        %parallel_loop3A_439 = tpu.vector_load %arg14[%parallel_loop3A_437, %parallel_loop3A_438] {strides = array<i32>} : memref<32x512xf32, #tpu.memory_space<vmem>>, vector<1x16xf32>,
        %parallel_loop3A_440 = vector.shape_cast %parallel_loop3A_439 : vector<1x16xf32> to vector<16xf32>
        %parallel_loop3A_441 = vector.shape_cast %parallel_loop3A_436 : vector<16xf32> to vector<1x16xf32>
        tpu.vector_store %arg14[%parallel_loop3A_437, %parallel_loop3A_438], %parallel_loop3A_441 {strides = array<i32>} : memref<32x512xf32, #tpu.memory_space<vmem>>, vector<1x16xf32>,
        %parallel_loop3A_442 = arith.index_cast %parallel_loop3A_357 : i32 to index
        %parallel_loop3A_443 = arith.constant 96 : index
        %parallel_loop3A_444 = tpu.vector_load %arg12[%parallel_loop3A_442, %parallel_loop3A_443] {strides = array<i32>} : memref<32x512xf32, #tpu.memory_space<vmem>>, vector<1x16xf32>,
        %parallel_loop3A_445 = vector.shape_cast %parallel_loop3A_444 : vector<1x16xf32> to vector<16xf32>
        %parallel_loop3A_446 = arith.index_cast %sub3A_243 : i32 to index
        %parallel_loop3A_447 = arith.constant 96 : index
        %parallel_loop3A_448 = tpu.vector_load %arg7[%parallel_loop3A_446, %parallel_loop3A_447] {strides = array<i32>} : memref<16x512xf32, #tpu.memory_space<vmem>>, vector<1x16xf32>,
        %parallel_loop3A_449 = vector.shape_cast %parallel_loop3A_448 : vector<1x16xf32> to vector<16xf32>
        %parallel_loop3A_450 = arith.addf %parallel_loop3A_445, %parallel_loop3A_449 : vector<16xf32>
        %parallel_loop3A_451 = arith.index_cast %parallel_loop3A_357 : i32 to index
        %parallel_loop3A_452 = arith.constant 96 : index
        %parallel_loop3A_453 = tpu.vector_load %arg14[%parallel_loop3A_451, %parallel_loop3A_452] {strides = array<i32>} : memref<32x512xf32, #tpu.memory_space<vmem>>, vector<1x16xf32>,
        %parallel_loop3A_454 = vector.shape_cast %parallel_loop3A_453 : vector<1x16xf32> to vector<16xf32>
        %parallel_loop3A_455 = vector.shape_cast %parallel_loop3A_450 : vector<16xf32> to vector<1x16xf32>
        tpu.vector_store %arg14[%parallel_loop3A_451, %parallel_loop3A_452], %parallel_loop3A_455 {strides = array<i32>} : memref<32x512xf32, #tpu.memory_space<vmem>>, vector<1x16xf32>,
        %parallel_loop3A_456 = arith.index_cast %parallel_loop3A_357 : i32 to index
        %parallel_loop3A_457 = arith.constant 112 : index
        %parallel_loop3A_458 = tpu.vector_load %arg12[%parallel_loop3A_456, %parallel_loop3A_457] {strides = array<i32>} : memref<32x512xf32, #tpu.memory_space<vmem>>, vector<1x16xf32>,
        %parallel_loop3A_459 = vector.shape_cast %parallel_loop3A_458 : vector<1x16xf32> to vector<16xf32>
        %parallel_loop3A_460 = arith.index_cast %sub3A_243 : i32 to index
        %parallel_loop3A_461 = arith.constant 112 : index
        %parallel_loop3A_462 = tpu.vector_load %arg7[%parallel_loop3A_460, %parallel_loop3A_461] {strides = array<i32>} : memref<16x512xf32, #tpu.memory_space<vmem>>, vector<1x16xf32>,
        %parallel_loop3A_463 = vector.shape_cast %parallel_loop3A_462 : vector<1x16xf32> to vector<16xf32>
        %parallel_loop3A_464 = arith.addf %parallel_loop3A_459, %parallel_loop3A_463 : vector<16xf32>
        %parallel_loop3A_465 = arith.index_cast %parallel_loop3A_357 : i32 to index
        %parallel_loop3A_466 = arith.constant 112 : index
        %parallel_loop3A_467 = tpu.vector_load %arg14[%parallel_loop3A_465, %parallel_loop3A_466] {strides = array<i32>} : memref<32x512xf32, #tpu.memory_space<vmem>>, vector<1x16xf32>,
        %parallel_loop3A_468 = vector.shape_cast %parallel_loop3A_467 : vector<1x16xf32> to vector<16xf32>
        %parallel_loop3A_469 = vector.shape_cast %parallel_loop3A_464 : vector<16xf32> to vector<1x16xf32>
        tpu.vector_store %arg14[%parallel_loop3A_465, %parallel_loop3A_466], %parallel_loop3A_469 {strides = array<i32>} : memref<32x512xf32, #tpu.memory_space<vmem>>, vector<1x16xf32>,
        %parallel_loop3A_470 = arith.index_cast %parallel_loop3A_357 : i32 to index
        %parallel_loop3A_471 = arith.constant 128 : index
        %parallel_loop3A_472 = tpu.vector_load %arg12[%parallel_loop3A_470, %parallel_loop3A_471] {strides = array<i32>} : memref<32x512xf32, #tpu.memory_space<vmem>>, vector<1x16xf32>,
        %parallel_loop3A_473 = vector.shape_cast %parallel_loop3A_472 : vector<1x16xf32> to vector<16xf32>
        %parallel_loop3A_474 = arith.index_cast %sub3A_243 : i32 to index
        %parallel_loop3A_475 = arith.constant 128 : index
        %parallel_loop3A_476 = tpu.vector_load %arg7[%parallel_loop3A_474, %parallel_loop3A_475] {strides = array<i32>} : memref<16x512xf32, #tpu.memory_space<vmem>>, vector<1x16xf32>,
        %parallel_loop3A_477 = vector.shape_cast %parallel_loop3A_476 : vector<1x16xf32> to vector<16xf32>
        %parallel_loop3A_478 = arith.addf %parallel_loop3A_473, %parallel_loop3A_477 : vector<16xf32>
        %parallel_loop3A_479 = arith.index_cast %parallel_loop3A_357 : i32 to index
        %parallel_loop3A_480 = arith.constant 128 : index
        %parallel_loop3A_481 = tpu.vector_load %arg14[%parallel_loop3A_479, %parallel_loop3A_480] {strides = array<i32>} : memref<32x512xf32, #tpu.memory_space<vmem>>, vector<1x16xf32>,
        %parallel_loop3A_482 = vector.shape_cast %parallel_loop3A_481 : vector<1x16xf32> to vector<16xf32>
        %parallel_loop3A_483 = vector.shape_cast %parallel_loop3A_478 : vector<16xf32> to vector<1x16xf32>
        tpu.vector_store %arg14[%parallel_loop3A_479, %parallel_loop3A_480], %parallel_loop3A_483 {strides = array<i32>} : memref<32x512xf32, #tpu.memory_space<vmem>>, vector<1x16xf32>,
        %parallel_loop3A_484 = arith.index_cast %parallel_loop3A_357 : i32 to index
        %parallel_loop3A_485 = arith.constant 144 : index
        %parallel_loop3A_486 = tpu.vector_load %arg12[%parallel_loop3A_484, %parallel_loop3A_485] {strides = array<i32>} : memref<32x512xf32, #tpu.memory_space<vmem>>, vector<1x16xf32>,
        %parallel_loop3A_487 = vector.shape_cast %parallel_loop3A_486 : vector<1x16xf32> to vector<16xf32>
        %parallel_loop3A_488 = arith.index_cast %sub3A_243 : i32 to index
        %parallel_loop3A_489 = arith.constant 144 : index
        %parallel_loop3A_490 = tpu.vector_load %arg7[%parallel_loop3A_488, %parallel_loop3A_489] {strides = array<i32>} : memref<16x512xf32, #tpu.memory_space<vmem>>, vector<1x16xf32>,
        %parallel_loop3A_491 = vector.shape_cast %parallel_loop3A_490 : vector<1x16xf32> to vector<16xf32>
        %parallel_loop3A_492 = arith.addf %parallel_loop3A_487, %parallel_loop3A_491 : vector<16xf32>
        %parallel_loop3A_493 = arith.index_cast %parallel_loop3A_357 : i32 to index
        %parallel_loop3A_494 = arith.constant 144 : index
        %parallel_loop3A_495 = tpu.vector_load %arg14[%parallel_loop3A_493, %parallel_loop3A_494] {strides = array<i32>} : memref<32x512xf32, #tpu.memory_space<vmem>>, vector<1x16xf32>,
        %parallel_loop3A_496 = vector.shape_cast %parallel_loop3A_495 : vector<1x16xf32> to vector<16xf32>
        %parallel_loop3A_497 = vector.shape_cast %parallel_loop3A_492 : vector<16xf32> to vector<1x16xf32>
        tpu.vector_store %arg14[%parallel_loop3A_493, %parallel_loop3A_494], %parallel_loop3A_497 {strides = array<i32>} : memref<32x512xf32, #tpu.memory_space<vmem>>, vector<1x16xf32>,
        %parallel_loop3A_498 = arith.index_cast %parallel_loop3A_357 : i32 to index
        %parallel_loop3A_499 = arith.constant 160 : index
        %parallel_loop3A_500 = tpu.vector_load %arg12[%parallel_loop3A_498, %parallel_loop3A_499] {strides = array<i32>} : memref<32x512xf32, #tpu.memory_space<vmem>>, vector<1x16xf32>,
        %parallel_loop3A_501 = vector.shape_cast %parallel_loop3A_500 : vector<1x16xf32> to vector<16xf32>
        %parallel_loop3A_502 = arith.index_cast %sub3A_243 : i32 to index
        %parallel_loop3A_503 = arith.constant 160 : index
        %parallel_loop3A_504 = tpu.vector_load %arg7[%parallel_loop3A_502, %parallel_loop3A_503] {strides = array<i32>} : memref<16x512xf32, #tpu.memory_space<vmem>>, vector<1x16xf32>,
        %parallel_loop3A_505 = vector.shape_cast %parallel_loop3A_504 : vector<1x16xf32> to vector<16xf32>
        %parallel_loop3A_506 = arith.addf %parallel_loop3A_501, %parallel_loop3A_505 : vector<16xf32>
        %parallel_loop3A_507 = arith.index_cast %parallel_loop3A_357 : i32 to index
        %parallel_loop3A_508 = arith.constant 160 : index
        %parallel_loop3A_509 = tpu.vector_load %arg14[%parallel_loop3A_507, %parallel_loop3A_508] {strides = array<i32>} : memref<32x512xf32, #tpu.memory_space<vmem>>, vector<1x16xf32>,
        %parallel_loop3A_510 = vector.shape_cast %parallel_loop3A_509 : vector<1x16xf32> to vector<16xf32>
        %parallel_loop3A_511 = vector.shape_cast %parallel_loop3A_506 : vector<16xf32> to vector<1x16xf32>
        tpu.vector_store %arg14[%parallel_loop3A_507, %parallel_loop3A_508], %parallel_loop3A_511 {strides = array<i32>} : memref<32x512xf32, #tpu.memory_space<vmem>>, vector<1x16xf32>,
        %parallel_loop3A_512 = arith.index_cast %parallel_loop3A_357 : i32 to index
        %parallel_loop3A_513 = arith.constant 176 : index
        %parallel_loop3A_514 = tpu.vector_load %arg12[%parallel_loop3A_512, %parallel_loop3A_513] {strides = array<i32>} : memref<32x512xf32, #tpu.memory_space<vmem>>, vector<1x16xf32>,
        %parallel_loop3A_515 = vector.shape_cast %parallel_loop3A_514 : vector<1x16xf32> to vector<16xf32>
        %parallel_loop3A_516 = arith.index_cast %sub3A_243 : i32 to index
        %parallel_loop3A_517 = arith.constant 176 : index
        %parallel_loop3A_518 = tpu.vector_load %arg7[%parallel_loop3A_516, %parallel_loop3A_517] {strides = array<i32>} : memref<16x512xf32, #tpu.memory_space<vmem>>, vector<1x16xf32>,
        %parallel_loop3A_519 = vector.shape_cast %parallel_loop3A_518 : vector<1x16xf32> to vector<16xf32>
        %parallel_loop3A_520 = arith.addf %parallel_loop3A_515, %parallel_loop3A_519 : vector<16xf32>
        %parallel_loop3A_521 = arith.index_cast %parallel_loop3A_357 : i32 to index
        %parallel_loop3A_522 = arith.constant 176 : index
        %parallel_loop3A_523 = tpu.vector_load %arg14[%parallel_loop3A_521, %parallel_loop3A_522] {strides = array<i32>} : memref<32x512xf32, #tpu.memory_space<vmem>>, vector<1x16xf32>,
        %parallel_loop3A_524 = vector.shape_cast %parallel_loop3A_523 : vector<1x16xf32> to vector<16xf32>
        %parallel_loop3A_525 = vector.shape_cast %parallel_loop3A_520 : vector<16xf32> to vector<1x16xf32>
        tpu.vector_store %arg14[%parallel_loop3A_521, %parallel_loop3A_522], %parallel_loop3A_525 {strides = array<i32>} : memref<32x512xf32, #tpu.memory_space<vmem>>, vector<1x16xf32>,
        %parallel_loop3A_526 = arith.index_cast %parallel_loop3A_357 : i32 to index
        %parallel_loop3A_527 = arith.constant 192 : index
        %parallel_loop3A_528 = tpu.vector_load %arg12[%parallel_loop3A_526, %parallel_loop3A_527] {strides = array<i32>} : memref<32x512xf32, #tpu.memory_space<vmem>>, vector<1x16xf32>,
        %parallel_loop3A_529 = vector.shape_cast %parallel_loop3A_528 : vector<1x16xf32> to vector<16xf32>
        %parallel_loop3A_530 = arith.index_cast %sub3A_243 : i32 to index
        %parallel_loop3A_531 = arith.constant 192 : index
        %parallel_loop3A_532 = tpu.vector_load %arg7[%parallel_loop3A_530, %parallel_loop3A_531] {strides = array<i32>} : memref<16x512xf32, #tpu.memory_space<vmem>>, vector<1x16xf32>,
        %parallel_loop3A_533 = vector.shape_cast %parallel_loop3A_532 : vector<1x16xf32> to vector<16xf32>
        %parallel_loop3A_534 = arith.addf %parallel_loop3A_529, %parallel_loop3A_533 : vector<16xf32>
        %parallel_loop3A_535 = arith.index_cast %parallel_loop3A_357 : i32 to index
        %parallel_loop3A_536 = arith.constant 192 : index
        %parallel_loop3A_537 = tpu.vector_load %arg14[%parallel_loop3A_535, %parallel_loop3A_536] {strides = array<i32>} : memref<32x512xf32, #tpu.memory_space<vmem>>, vector<1x16xf32>,
        %parallel_loop3A_538 = vector.shape_cast %parallel_loop3A_537 : vector<1x16xf32> to vector<16xf32>
        %parallel_loop3A_539 = vector.shape_cast %parallel_loop3A_534 : vector<16xf32> to vector<1x16xf32>
        tpu.vector_store %arg14[%parallel_loop3A_535, %parallel_loop3A_536], %parallel_loop3A_539 {strides = array<i32>} : memref<32x512xf32, #tpu.memory_space<vmem>>, vector<1x16xf32>,
        %parallel_loop3A_540 = arith.index_cast %parallel_loop3A_357 : i32 to index
        %parallel_loop3A_541 = arith.constant 208 : index
        %parallel_loop3A_542 = tpu.vector_load %arg12[%parallel_loop3A_540, %parallel_loop3A_541] {strides = array<i32>} : memref<32x512xf32, #tpu.memory_space<vmem>>, vector<1x16xf32>,
        %parallel_loop3A_543 = vector.shape_cast %parallel_loop3A_542 : vector<1x16xf32> to vector<16xf32>
        %parallel_loop3A_544 = arith.index_cast %sub3A_243 : i32 to index
        %parallel_loop3A_545 = arith.constant 208 : index
        %parallel_loop3A_546 = tpu.vector_load %arg7[%parallel_loop3A_544, %parallel_loop3A_545] {strides = array<i32>} : memref<16x512xf32, #tpu.memory_space<vmem>>, vector<1x16xf32>,
        %parallel_loop3A_547 = vector.shape_cast %parallel_loop3A_546 : vector<1x16xf32> to vector<16xf32>
        %parallel_loop3A_548 = arith.addf %parallel_loop3A_543, %parallel_loop3A_547 : vector<16xf32>
        %parallel_loop3A_549 = arith.index_cast %parallel_loop3A_357 : i32 to index
        %parallel_loop3A_550 = arith.constant 208 : index
        %parallel_loop3A_551 = tpu.vector_load %arg14[%parallel_loop3A_549, %parallel_loop3A_550] {strides = array<i32>} : memref<32x512xf32, #tpu.memory_space<vmem>>, vector<1x16xf32>,
        %parallel_loop3A_552 = vector.shape_cast %parallel_loop3A_551 : vector<1x16xf32> to vector<16xf32>
        %parallel_loop3A_553 = vector.shape_cast %parallel_loop3A_548 : vector<16xf32> to vector<1x16xf32>
        tpu.vector_store %arg14[%parallel_loop3A_549, %parallel_loop3A_550], %parallel_loop3A_553 {strides = array<i32>} : memref<32x512xf32, #tpu.memory_space<vmem>>, vector<1x16xf32>,
        %parallel_loop3A_554 = arith.index_cast %parallel_loop3A_357 : i32 to index
        %parallel_loop3A_555 = arith.constant 224 : index
        %parallel_loop3A_556 = tpu.vector_load %arg12[%parallel_loop3A_554, %parallel_loop3A_555] {strides = array<i32>} : memref<32x512xf32, #tpu.memory_space<vmem>>, vector<1x16xf32>,
        %parallel_loop3A_557 = vector.shape_cast %parallel_loop3A_556 : vector<1x16xf32> to vector<16xf32>
        %parallel_loop3A_558 = arith.index_cast %sub3A_243 : i32 to index
        %parallel_loop3A_559 = arith.constant 224 : index
        %parallel_loop3A_560 = tpu.vector_load %arg7[%parallel_loop3A_558, %parallel_loop3A_559] {strides = array<i32>} : memref<16x512xf32, #tpu.memory_space<vmem>>, vector<1x16xf32>,
        %parallel_loop3A_561 = vector.shape_cast %parallel_loop3A_560 : vector<1x16xf32> to vector<16xf32>
        %parallel_loop3A_562 = arith.addf %parallel_loop3A_557, %parallel_loop3A_561 : vector<16xf32>
        %parallel_loop3A_563 = arith.index_cast %parallel_loop3A_357 : i32 to index
        %parallel_loop3A_564 = arith.constant 224 : index
        %parallel_loop3A_565 = tpu.vector_load %arg14[%parallel_loop3A_563, %parallel_loop3A_564] {strides = array<i32>} : memref<32x512xf32, #tpu.memory_space<vmem>>, vector<1x16xf32>,
        %parallel_loop3A_566 = vector.shape_cast %parallel_loop3A_565 : vector<1x16xf32> to vector<16xf32>
        %parallel_loop3A_567 = vector.shape_cast %parallel_loop3A_562 : vector<16xf32> to vector<1x16xf32>
        tpu.vector_store %arg14[%parallel_loop3A_563, %parallel_loop3A_564], %parallel_loop3A_567 {strides = array<i32>} : memref<32x512xf32, #tpu.memory_space<vmem>>, vector<1x16xf32>,
        %parallel_loop3A_568 = arith.index_cast %parallel_loop3A_357 : i32 to index
        %parallel_loop3A_569 = arith.constant 240 : index
        %parallel_loop3A_570 = tpu.vector_load %arg12[%parallel_loop3A_568, %parallel_loop3A_569] {strides = array<i32>} : memref<32x512xf32, #tpu.memory_space<vmem>>, vector<1x16xf32>,
        %parallel_loop3A_571 = vector.shape_cast %parallel_loop3A_570 : vector<1x16xf32> to vector<16xf32>
        %parallel_loop3A_572 = arith.index_cast %sub3A_243 : i32 to index
        %parallel_loop3A_573 = arith.constant 240 : index
        %parallel_loop3A_574 = tpu.vector_load %arg7[%parallel_loop3A_572, %parallel_loop3A_573] {strides = array<i32>} : memref<16x512xf32, #tpu.memory_space<vmem>>, vector<1x16xf32>,
        %parallel_loop3A_575 = vector.shape_cast %parallel_loop3A_574 : vector<1x16xf32> to vector<16xf32>
        %parallel_loop3A_576 = arith.addf %parallel_loop3A_571, %parallel_loop3A_575 : vector<16xf32>
        %parallel_loop3A_577 = arith.index_cast %parallel_loop3A_357 : i32 to index
        %parallel_loop3A_578 = arith.constant 240 : index
        %parallel_loop3A_579 = tpu.vector_load %arg14[%parallel_loop3A_577, %parallel_loop3A_578] {strides = array<i32>} : memref<32x512xf32, #tpu.memory_space<vmem>>, vector<1x16xf32>,
        %parallel_loop3A_580 = vector.shape_cast %parallel_loop3A_579 : vector<1x16xf32> to vector<16xf32>
        %parallel_loop3A_581 = vector.shape_cast %parallel_loop3A_576 : vector<16xf32> to vector<1x16xf32>
        tpu.vector_store %arg14[%parallel_loop3A_577, %parallel_loop3A_578], %parallel_loop3A_581 {strides = array<i32>} : memref<32x512xf32, #tpu.memory_space<vmem>>, vector<1x16xf32>,
        %parallel_loop3A_582 = arith.index_cast %parallel_loop3A_357 : i32 to index
        %parallel_loop3A_583 = arith.constant 256 : index
        %parallel_loop3A_584 = tpu.vector_load %arg12[%parallel_loop3A_582, %parallel_loop3A_583] {strides = array<i32>} : memref<32x512xf32, #tpu.memory_space<vmem>>, vector<1x16xf32>,
        %parallel_loop3A_585 = vector.shape_cast %parallel_loop3A_584 : vector<1x16xf32> to vector<16xf32>
        %parallel_loop3A_586 = arith.index_cast %sub3A_243 : i32 to index
        %parallel_loop3A_587 = arith.constant 256 : index
        %parallel_loop3A_588 = tpu.vector_load %arg7[%parallel_loop3A_586, %parallel_loop3A_587] {strides = array<i32>} : memref<16x512xf32, #tpu.memory_space<vmem>>, vector<1x16xf32>,
        %parallel_loop3A_589 = vector.shape_cast %parallel_loop3A_588 : vector<1x16xf32> to vector<16xf32>
        %parallel_loop3A_590 = arith.addf %parallel_loop3A_585, %parallel_loop3A_589 : vector<16xf32>
        %parallel_loop3A_591 = arith.index_cast %parallel_loop3A_357 : i32 to index
        %parallel_loop3A_592 = arith.constant 256 : index
        %parallel_loop3A_593 = tpu.vector_load %arg14[%parallel_loop3A_591, %parallel_loop3A_592] {strides = array<i32>} : memref<32x512xf32, #tpu.memory_space<vmem>>, vector<1x16xf32>,
        %parallel_loop3A_594 = vector.shape_cast %parallel_loop3A_593 : vector<1x16xf32> to vector<16xf32>
        %parallel_loop3A_595 = vector.shape_cast %parallel_loop3A_590 : vector<16xf32> to vector<1x16xf32>
        tpu.vector_store %arg14[%parallel_loop3A_591, %parallel_loop3A_592], %parallel_loop3A_595 {strides = array<i32>} : memref<32x512xf32, #tpu.memory_space<vmem>>, vector<1x16xf32>,
        %parallel_loop3A_596 = arith.index_cast %parallel_loop3A_357 : i32 to index
        %parallel_loop3A_597 = arith.constant 272 : index
        %parallel_loop3A_598 = tpu.vector_load %arg12[%parallel_loop3A_596, %parallel_loop3A_597] {strides = array<i32>} : memref<32x512xf32, #tpu.memory_space<vmem>>, vector<1x16xf32>,
        %parallel_loop3A_599 = vector.shape_cast %parallel_loop3A_598 : vector<1x16xf32> to vector<16xf32>
        %parallel_loop3A_600 = arith.index_cast %sub3A_243 : i32 to index
        %parallel_loop3A_601 = arith.constant 272 : index
        %parallel_loop3A_602 = tpu.vector_load %arg7[%parallel_loop3A_600, %parallel_loop3A_601] {strides = array<i32>} : memref<16x512xf32, #tpu.memory_space<vmem>>, vector<1x16xf32>,
        %parallel_loop3A_603 = vector.shape_cast %parallel_loop3A_602 : vector<1x16xf32> to vector<16xf32>
        %parallel_loop3A_604 = arith.addf %parallel_loop3A_599, %parallel_loop3A_603 : vector<16xf32>
        %parallel_loop3A_605 = arith.index_cast %parallel_loop3A_357 : i32 to index
        %parallel_loop3A_606 = arith.constant 272 : index
        %parallel_loop3A_607 = tpu.vector_load %arg14[%parallel_loop3A_605, %parallel_loop3A_606] {strides = array<i32>} : memref<32x512xf32, #tpu.memory_space<vmem>>, vector<1x16xf32>,
        %parallel_loop3A_608 = vector.shape_cast %parallel_loop3A_607 : vector<1x16xf32> to vector<16xf32>
        %parallel_loop3A_609 = vector.shape_cast %parallel_loop3A_604 : vector<16xf32> to vector<1x16xf32>
        tpu.vector_store %arg14[%parallel_loop3A_605, %parallel_loop3A_606], %parallel_loop3A_609 {strides = array<i32>} : memref<32x512xf32, #tpu.memory_space<vmem>>, vector<1x16xf32>,
        %parallel_loop3A_610 = arith.index_cast %parallel_loop3A_357 : i32 to index
        %parallel_loop3A_611 = arith.constant 288 : index
        %parallel_loop3A_612 = tpu.vector_load %arg12[%parallel_loop3A_610, %parallel_loop3A_611] {strides = array<i32>} : memref<32x512xf32, #tpu.memory_space<vmem>>, vector<1x16xf32>,
        %parallel_loop3A_613 = vector.shape_cast %parallel_loop3A_612 : vector<1x16xf32> to vector<16xf32>
        %parallel_loop3A_614 = arith.index_cast %sub3A_243 : i32 to index
        %parallel_loop3A_615 = arith.constant 288 : index
        %parallel_loop3A_616 = tpu.vector_load %arg7[%parallel_loop3A_614, %parallel_loop3A_615] {strides = array<i32>} : memref<16x512xf32, #tpu.memory_space<vmem>>, vector<1x16xf32>,
        %parallel_loop3A_617 = vector.shape_cast %parallel_loop3A_616 : vector<1x16xf32> to vector<16xf32>
        %parallel_loop3A_618 = arith.addf %parallel_loop3A_613, %parallel_loop3A_617 : vector<16xf32>
        %parallel_loop3A_619 = arith.index_cast %parallel_loop3A_357 : i32 to index
        %parallel_loop3A_620 = arith.constant 288 : index
        %parallel_loop3A_621 = tpu.vector_load %arg14[%parallel_loop3A_619, %parallel_loop3A_620] {strides = array<i32>} : memref<32x512xf32, #tpu.memory_space<vmem>>, vector<1x16xf32>,
        %parallel_loop3A_622 = vector.shape_cast %parallel_loop3A_621 : vector<1x16xf32> to vector<16xf32>
        %parallel_loop3A_623 = vector.shape_cast %parallel_loop3A_618 : vector<16xf32> to vector<1x16xf32>
        tpu.vector_store %arg14[%parallel_loop3A_619, %parallel_loop3A_620], %parallel_loop3A_623 {strides = array<i32>} : memref<32x512xf32, #tpu.memory_space<vmem>>, vector<1x16xf32>,
        %parallel_loop3A_624 = arith.index_cast %parallel_loop3A_357 : i32 to index
        %parallel_loop3A_625 = arith.constant 304 : index
        %parallel_loop3A_626 = tpu.vector_load %arg12[%parallel_loop3A_624, %parallel_loop3A_625] {strides = array<i32>} : memref<32x512xf32, #tpu.memory_space<vmem>>, vector<1x16xf32>,
        %parallel_loop3A_627 = vector.shape_cast %parallel_loop3A_626 : vector<1x16xf32> to vector<16xf32>
        %parallel_loop3A_628 = arith.index_cast %sub3A_243 : i32 to index
        %parallel_loop3A_629 = arith.constant 304 : index
        %parallel_loop3A_630 = tpu.vector_load %arg7[%parallel_loop3A_628, %parallel_loop3A_629] {strides = array<i32>} : memref<16x512xf32, #tpu.memory_space<vmem>>, vector<1x16xf32>,
        %parallel_loop3A_631 = vector.shape_cast %parallel_loop3A_630 : vector<1x16xf32> to vector<16xf32>
        %parallel_loop3A_632 = arith.addf %parallel_loop3A_627, %parallel_loop3A_631 : vector<16xf32>
        %parallel_loop3A_633 = arith.index_cast %parallel_loop3A_357 : i32 to index
        %parallel_loop3A_634 = arith.constant 304 : index
        %parallel_loop3A_635 = tpu.vector_load %arg14[%parallel_loop3A_633, %parallel_loop3A_634] {strides = array<i32>} : memref<32x512xf32, #tpu.memory_space<vmem>>, vector<1x16xf32>,
        %parallel_loop3A_636 = vector.shape_cast %parallel_loop3A_635 : vector<1x16xf32> to vector<16xf32>
        %parallel_loop3A_637 = vector.shape_cast %parallel_loop3A_632 : vector<16xf32> to vector<1x16xf32>
        tpu.vector_store %arg14[%parallel_loop3A_633, %parallel_loop3A_634], %parallel_loop3A_637 {strides = array<i32>} : memref<32x512xf32, #tpu.memory_space<vmem>>, vector<1x16xf32>,
        %parallel_loop3A_638 = arith.index_cast %parallel_loop3A_357 : i32 to index
        %parallel_loop3A_639 = arith.constant 320 : index
        %parallel_loop3A_640 = tpu.vector_load %arg12[%parallel_loop3A_638, %parallel_loop3A_639] {strides = array<i32>} : memref<32x512xf32, #tpu.memory_space<vmem>>, vector<1x16xf32>,
        %parallel_loop3A_641 = vector.shape_cast %parallel_loop3A_640 : vector<1x16xf32> to vector<16xf32>
        %parallel_loop3A_642 = arith.index_cast %sub3A_243 : i32 to index
        %parallel_loop3A_643 = arith.constant 320 : index
        %parallel_loop3A_644 = tpu.vector_load %arg7[%parallel_loop3A_642, %parallel_loop3A_643] {strides = array<i32>} : memref<16x512xf32, #tpu.memory_space<vmem>>, vector<1x16xf32>,
        %parallel_loop3A_645 = vector.shape_cast %parallel_loop3A_644 : vector<1x16xf32> to vector<16xf32>
        %parallel_loop3A_646 = arith.addf %parallel_loop3A_641, %parallel_loop3A_645 : vector<16xf32>
        %parallel_loop3A_647 = arith.index_cast %parallel_loop3A_357 : i32 to index
        %parallel_loop3A_648 = arith.constant 320 : index
        %parallel_loop3A_649 = tpu.vector_load %arg14[%parallel_loop3A_647, %parallel_loop3A_648] {strides = array<i32>} : memref<32x512xf32, #tpu.memory_space<vmem>>, vector<1x16xf32>,
        %parallel_loop3A_650 = vector.shape_cast %parallel_loop3A_649 : vector<1x16xf32> to vector<16xf32>
        %parallel_loop3A_651 = vector.shape_cast %parallel_loop3A_646 : vector<16xf32> to vector<1x16xf32>
        tpu.vector_store %arg14[%parallel_loop3A_647, %parallel_loop3A_648], %parallel_loop3A_651 {strides = array<i32>} : memref<32x512xf32, #tpu.memory_space<vmem>>, vector<1x16xf32>,
        %parallel_loop3A_652 = arith.index_cast %parallel_loop3A_357 : i32 to index
        %parallel_loop3A_653 = arith.constant 336 : index
        %parallel_loop3A_654 = tpu.vector_load %arg12[%parallel_loop3A_652, %parallel_loop3A_653] {strides = array<i32>} : memref<32x512xf32, #tpu.memory_space<vmem>>, vector<1x16xf32>,
        %parallel_loop3A_655 = vector.shape_cast %parallel_loop3A_654 : vector<1x16xf32> to vector<16xf32>
        %parallel_loop3A_656 = arith.index_cast %sub3A_243 : i32 to index
        %parallel_loop3A_657 = arith.constant 336 : index
        %parallel_loop3A_658 = tpu.vector_load %arg7[%parallel_loop3A_656, %parallel_loop3A_657] {strides = array<i32>} : memref<16x512xf32, #tpu.memory_space<vmem>>, vector<1x16xf32>,
        %parallel_loop3A_659 = vector.shape_cast %parallel_loop3A_658 : vector<1x16xf32> to vector<16xf32>
        %parallel_loop3A_660 = arith.addf %parallel_loop3A_655, %parallel_loop3A_659 : vector<16xf32>
        %parallel_loop3A_661 = arith.index_cast %parallel_loop3A_357 : i32 to index
        %parallel_loop3A_662 = arith.constant 336 : index
        %parallel_loop3A_663 = tpu.vector_load %arg14[%parallel_loop3A_661, %parallel_loop3A_662] {strides = array<i32>} : memref<32x512xf32, #tpu.memory_space<vmem>>, vector<1x16xf32>,
        %parallel_loop3A_664 = vector.shape_cast %parallel_loop3A_663 : vector<1x16xf32> to vector<16xf32>
        %parallel_loop3A_665 = vector.shape_cast %parallel_loop3A_660 : vector<16xf32> to vector<1x16xf32>
        tpu.vector_store %arg14[%parallel_loop3A_661, %parallel_loop3A_662], %parallel_loop3A_665 {strides = array<i32>} : memref<32x512xf32, #tpu.memory_space<vmem>>, vector<1x16xf32>,
        %parallel_loop3A_666 = arith.index_cast %parallel_loop3A_357 : i32 to index
        %parallel_loop3A_667 = arith.constant 352 : index
        %parallel_loop3A_668 = tpu.vector_load %arg12[%parallel_loop3A_666, %parallel_loop3A_667] {strides = array<i32>} : memref<32x512xf32, #tpu.memory_space<vmem>>, vector<1x16xf32>,
        %parallel_loop3A_669 = vector.shape_cast %parallel_loop3A_668 : vector<1x16xf32> to vector<16xf32>
        %parallel_loop3A_670 = arith.index_cast %sub3A_243 : i32 to index
        %parallel_loop3A_671 = arith.constant 352 : index
        %parallel_loop3A_672 = tpu.vector_load %arg7[%parallel_loop3A_670, %parallel_loop3A_671] {strides = array<i32>} : memref<16x512xf32, #tpu.memory_space<vmem>>, vector<1x16xf32>,
        %parallel_loop3A_673 = vector.shape_cast %parallel_loop3A_672 : vector<1x16xf32> to vector<16xf32>
        %parallel_loop3A_674 = arith.addf %parallel_loop3A_669, %parallel_loop3A_673 : vector<16xf32>
        %parallel_loop3A_675 = arith.index_cast %parallel_loop3A_357 : i32 to index
        %parallel_loop3A_676 = arith.constant 352 : index
        %parallel_loop3A_677 = tpu.vector_load %arg14[%parallel_loop3A_675, %parallel_loop3A_676] {strides = array<i32>} : memref<32x512xf32, #tpu.memory_space<vmem>>, vector<1x16xf32>,
        %parallel_loop3A_678 = vector.shape_cast %parallel_loop3A_677 : vector<1x16xf32> to vector<16xf32>
        %parallel_loop3A_679 = vector.shape_cast %parallel_loop3A_674 : vector<16xf32> to vector<1x16xf32>
        tpu.vector_store %arg14[%parallel_loop3A_675, %parallel_loop3A_676], %parallel_loop3A_679 {strides = array<i32>} : memref<32x512xf32, #tpu.memory_space<vmem>>, vector<1x16xf32>,
        %parallel_loop3A_680 = arith.index_cast %parallel_loop3A_357 : i32 to index
        %parallel_loop3A_681 = arith.constant 368 : index
        %parallel_loop3A_682 = tpu.vector_load %arg12[%parallel_loop3A_680, %parallel_loop3A_681] {strides = array<i32>} : memref<32x512xf32, #tpu.memory_space<vmem>>, vector<1x16xf32>,
        %parallel_loop3A_683 = vector.shape_cast %parallel_loop3A_682 : vector<1x16xf32> to vector<16xf32>
        %parallel_loop3A_684 = arith.index_cast %sub3A_243 : i32 to index
        %parallel_loop3A_685 = arith.constant 368 : index
        %parallel_loop3A_686 = tpu.vector_load %arg7[%parallel_loop3A_684, %parallel_loop3A_685] {strides = array<i32>} : memref<16x512xf32, #tpu.memory_space<vmem>>, vector<1x16xf32>,
        %parallel_loop3A_687 = vector.shape_cast %parallel_loop3A_686 : vector<1x16xf32> to vector<16xf32>
        %parallel_loop3A_688 = arith.addf %parallel_loop3A_683, %parallel_loop3A_687 : vector<16xf32>
        %parallel_loop3A_689 = arith.index_cast %parallel_loop3A_357 : i32 to index
        %parallel_loop3A_690 = arith.constant 368 : index
        %parallel_loop3A_691 = tpu.vector_load %arg14[%parallel_loop3A_689, %parallel_loop3A_690] {strides = array<i32>} : memref<32x512xf32, #tpu.memory_space<vmem>>, vector<1x16xf32>,
        %parallel_loop3A_692 = vector.shape_cast %parallel_loop3A_691 : vector<1x16xf32> to vector<16xf32>
        %parallel_loop3A_693 = vector.shape_cast %parallel_loop3A_688 : vector<16xf32> to vector<1x16xf32>
        tpu.vector_store %arg14[%parallel_loop3A_689, %parallel_loop3A_690], %parallel_loop3A_693 {strides = array<i32>} : memref<32x512xf32, #tpu.memory_space<vmem>>, vector<1x16xf32>,
        %parallel_loop3A_694 = arith.index_cast %parallel_loop3A_357 : i32 to index
        %parallel_loop3A_695 = arith.constant 384 : index
        %parallel_loop3A_696 = tpu.vector_load %arg12[%parallel_loop3A_694, %parallel_loop3A_695] {strides = array<i32>} : memref<32x512xf32, #tpu.memory_space<vmem>>, vector<1x16xf32>,
        %parallel_loop3A_697 = vector.shape_cast %parallel_loop3A_696 : vector<1x16xf32> to vector<16xf32>
        %parallel_loop3A_698 = arith.index_cast %sub3A_243 : i32 to index
        %parallel_loop3A_699 = arith.constant 384 : index
        %parallel_loop3A_700 = tpu.vector_load %arg7[%parallel_loop3A_698, %parallel_loop3A_699] {strides = array<i32>} : memref<16x512xf32, #tpu.memory_space<vmem>>, vector<1x16xf32>,
        %parallel_loop3A_701 = vector.shape_cast %parallel_loop3A_700 : vector<1x16xf32> to vector<16xf32>
        %parallel_loop3A_702 = arith.addf %parallel_loop3A_697, %parallel_loop3A_701 : vector<16xf32>
        %parallel_loop3A_703 = arith.index_cast %parallel_loop3A_357 : i32 to index
        %parallel_loop3A_704 = arith.constant 384 : index
        %parallel_loop3A_705 = tpu.vector_load %arg14[%parallel_loop3A_703, %parallel_loop3A_704] {strides = array<i32>} : memref<32x512xf32, #tpu.memory_space<vmem>>, vector<1x16xf32>,
        %parallel_loop3A_706 = vector.shape_cast %parallel_loop3A_705 : vector<1x16xf32> to vector<16xf32>
        %parallel_loop3A_707 = vector.shape_cast %parallel_loop3A_702 : vector<16xf32> to vector<1x16xf32>
        tpu.vector_store %arg14[%parallel_loop3A_703, %parallel_loop3A_704], %parallel_loop3A_707 {strides = array<i32>} : memref<32x512xf32, #tpu.memory_space<vmem>>, vector<1x16xf32>,
        %parallel_loop3A_708 = arith.index_cast %parallel_loop3A_357 : i32 to index
        %parallel_loop3A_709 = arith.constant 400 : index
        %parallel_loop3A_710 = tpu.vector_load %arg12[%parallel_loop3A_708, %parallel_loop3A_709] {strides = array<i32>} : memref<32x512xf32, #tpu.memory_space<vmem>>, vector<1x16xf32>,
        %parallel_loop3A_711 = vector.shape_cast %parallel_loop3A_710 : vector<1x16xf32> to vector<16xf32>
        %parallel_loop3A_712 = arith.index_cast %sub3A_243 : i32 to index
        %parallel_loop3A_713 = arith.constant 400 : index
        %parallel_loop3A_714 = tpu.vector_load %arg7[%parallel_loop3A_712, %parallel_loop3A_713] {strides = array<i32>} : memref<16x512xf32, #tpu.memory_space<vmem>>, vector<1x16xf32>,
        %parallel_loop3A_715 = vector.shape_cast %parallel_loop3A_714 : vector<1x16xf32> to vector<16xf32>
        %parallel_loop3A_716 = arith.addf %parallel_loop3A_711, %parallel_loop3A_715 : vector<16xf32>
        %parallel_loop3A_717 = arith.index_cast %parallel_loop3A_357 : i32 to index
        %parallel_loop3A_718 = arith.constant 400 : index
        %parallel_loop3A_719 = tpu.vector_load %arg14[%parallel_loop3A_717, %parallel_loop3A_718] {strides = array<i32>} : memref<32x512xf32, #tpu.memory_space<vmem>>, vector<1x16xf32>,
        %parallel_loop3A_720 = vector.shape_cast %parallel_loop3A_719 : vector<1x16xf32> to vector<16xf32>
        %parallel_loop3A_721 = vector.shape_cast %parallel_loop3A_716 : vector<16xf32> to vector<1x16xf32>
        tpu.vector_store %arg14[%parallel_loop3A_717, %parallel_loop3A_718], %parallel_loop3A_721 {strides = array<i32>} : memref<32x512xf32, #tpu.memory_space<vmem>>, vector<1x16xf32>,
        %parallel_loop3A_722 = arith.index_cast %parallel_loop3A_357 : i32 to index
        %parallel_loop3A_723 = arith.constant 416 : index
        %parallel_loop3A_724 = tpu.vector_load %arg12[%parallel_loop3A_722, %parallel_loop3A_723] {strides = array<i32>} : memref<32x512xf32, #tpu.memory_space<vmem>>, vector<1x16xf32>,
        %parallel_loop3A_725 = vector.shape_cast %parallel_loop3A_724 : vector<1x16xf32> to vector<16xf32>
        %parallel_loop3A_726 = arith.index_cast %sub3A_243 : i32 to index
        %parallel_loop3A_727 = arith.constant 416 : index
        %parallel_loop3A_728 = tpu.vector_load %arg7[%parallel_loop3A_726, %parallel_loop3A_727] {strides = array<i32>} : memref<16x512xf32, #tpu.memory_space<vmem>>, vector<1x16xf32>,
        %parallel_loop3A_729 = vector.shape_cast %parallel_loop3A_728 : vector<1x16xf32> to vector<16xf32>
        %parallel_loop3A_730 = arith.addf %parallel_loop3A_725, %parallel_loop3A_729 : vector<16xf32>
        %parallel_loop3A_731 = arith.index_cast %parallel_loop3A_357 : i32 to index
        %parallel_loop3A_732 = arith.constant 416 : index
        %parallel_loop3A_733 = tpu.vector_load %arg14[%parallel_loop3A_731, %parallel_loop3A_732] {strides = array<i32>} : memref<32x512xf32, #tpu.memory_space<vmem>>, vector<1x16xf32>,
        %parallel_loop3A_734 = vector.shape_cast %parallel_loop3A_733 : vector<1x16xf32> to vector<16xf32>
        %parallel_loop3A_735 = vector.shape_cast %parallel_loop3A_730 : vector<16xf32> to vector<1x16xf32>
        tpu.vector_store %arg14[%parallel_loop3A_731, %parallel_loop3A_732], %parallel_loop3A_735 {strides = array<i32>} : memref<32x512xf32, #tpu.memory_space<vmem>>, vector<1x16xf32>,
        %parallel_loop3A_736 = arith.index_cast %parallel_loop3A_357 : i32 to index
        %parallel_loop3A_737 = arith.constant 432 : index
        %parallel_loop3A_738 = tpu.vector_load %arg12[%parallel_loop3A_736, %parallel_loop3A_737] {strides = array<i32>} : memref<32x512xf32, #tpu.memory_space<vmem>>, vector<1x16xf32>,
        %parallel_loop3A_739 = vector.shape_cast %parallel_loop3A_738 : vector<1x16xf32> to vector<16xf32>
        %parallel_loop3A_740 = arith.index_cast %sub3A_243 : i32 to index
        %parallel_loop3A_741 = arith.constant 432 : index
        %parallel_loop3A_742 = tpu.vector_load %arg7[%parallel_loop3A_740, %parallel_loop3A_741] {strides = array<i32>} : memref<16x512xf32, #tpu.memory_space<vmem>>, vector<1x16xf32>,
        %parallel_loop3A_743 = vector.shape_cast %parallel_loop3A_742 : vector<1x16xf32> to vector<16xf32>
        %parallel_loop3A_744 = arith.addf %parallel_loop3A_739, %parallel_loop3A_743 : vector<16xf32>
        %parallel_loop3A_745 = arith.index_cast %parallel_loop3A_357 : i32 to index
        %parallel_loop3A_746 = arith.constant 432 : index
        %parallel_loop3A_747 = tpu.vector_load %arg14[%parallel_loop3A_745, %parallel_loop3A_746] {strides = array<i32>} : memref<32x512xf32, #tpu.memory_space<vmem>>, vector<1x16xf32>,
        %parallel_loop3A_748 = vector.shape_cast %parallel_loop3A_747 : vector<1x16xf32> to vector<16xf32>
        %parallel_loop3A_749 = vector.shape_cast %parallel_loop3A_744 : vector<16xf32> to vector<1x16xf32>
        tpu.vector_store %arg14[%parallel_loop3A_745, %parallel_loop3A_746], %parallel_loop3A_749 {strides = array<i32>} : memref<32x512xf32, #tpu.memory_space<vmem>>, vector<1x16xf32>,
        %parallel_loop3A_750 = arith.index_cast %parallel_loop3A_357 : i32 to index
        %parallel_loop3A_751 = arith.constant 448 : index
        %parallel_loop3A_752 = tpu.vector_load %arg12[%parallel_loop3A_750, %parallel_loop3A_751] {strides = array<i32>} : memref<32x512xf32, #tpu.memory_space<vmem>>, vector<1x16xf32>,
        %parallel_loop3A_753 = vector.shape_cast %parallel_loop3A_752 : vector<1x16xf32> to vector<16xf32>
        %parallel_loop3A_754 = arith.index_cast %sub3A_243 : i32 to index
        %parallel_loop3A_755 = arith.constant 448 : index
        %parallel_loop3A_756 = tpu.vector_load %arg7[%parallel_loop3A_754, %parallel_loop3A_755] {strides = array<i32>} : memref<16x512xf32, #tpu.memory_space<vmem>>, vector<1x16xf32>,
        %parallel_loop3A_757 = vector.shape_cast %parallel_loop3A_756 : vector<1x16xf32> to vector<16xf32>
        %parallel_loop3A_758 = arith.addf %parallel_loop3A_753, %parallel_loop3A_757 : vector<16xf32>
        %parallel_loop3A_759 = arith.index_cast %parallel_loop3A_357 : i32 to index
        %parallel_loop3A_760 = arith.constant 448 : index
        %parallel_loop3A_761 = tpu.vector_load %arg14[%parallel_loop3A_759, %parallel_loop3A_760] {strides = array<i32>} : memref<32x512xf32, #tpu.memory_space<vmem>>, vector<1x16xf32>,
        %parallel_loop3A_762 = vector.shape_cast %parallel_loop3A_761 : vector<1x16xf32> to vector<16xf32>
        %parallel_loop3A_763 = vector.shape_cast %parallel_loop3A_758 : vector<16xf32> to vector<1x16xf32>
        tpu.vector_store %arg14[%parallel_loop3A_759, %parallel_loop3A_760], %parallel_loop3A_763 {strides = array<i32>} : memref<32x512xf32, #tpu.memory_space<vmem>>, vector<1x16xf32>,
        %parallel_loop3A_764 = arith.index_cast %parallel_loop3A_357 : i32 to index
        %parallel_loop3A_765 = arith.constant 464 : index
        %parallel_loop3A_766 = tpu.vector_load %arg12[%parallel_loop3A_764, %parallel_loop3A_765] {strides = array<i32>} : memref<32x512xf32, #tpu.memory_space<vmem>>, vector<1x16xf32>,
        %parallel_loop3A_767 = vector.shape_cast %parallel_loop3A_766 : vector<1x16xf32> to vector<16xf32>
        %parallel_loop3A_768 = arith.index_cast %sub3A_243 : i32 to index
        %parallel_loop3A_769 = arith.constant 464 : index
        %parallel_loop3A_770 = tpu.vector_load %arg7[%parallel_loop3A_768, %parallel_loop3A_769] {strides = array<i32>} : memref<16x512xf32, #tpu.memory_space<vmem>>, vector<1x16xf32>,
        %parallel_loop3A_771 = vector.shape_cast %parallel_loop3A_770 : vector<1x16xf32> to vector<16xf32>
        %parallel_loop3A_772 = arith.addf %parallel_loop3A_767, %parallel_loop3A_771 : vector<16xf32>
        %parallel_loop3A_773 = arith.index_cast %parallel_loop3A_357 : i32 to index
        %parallel_loop3A_774 = arith.constant 464 : index
        %parallel_loop3A_775 = tpu.vector_load %arg14[%parallel_loop3A_773, %parallel_loop3A_774] {strides = array<i32>} : memref<32x512xf32, #tpu.memory_space<vmem>>, vector<1x16xf32>,
        %parallel_loop3A_776 = vector.shape_cast %parallel_loop3A_775 : vector<1x16xf32> to vector<16xf32>
        %parallel_loop3A_777 = vector.shape_cast %parallel_loop3A_772 : vector<16xf32> to vector<1x16xf32>
        tpu.vector_store %arg14[%parallel_loop3A_773, %parallel_loop3A_774], %parallel_loop3A_777 {strides = array<i32>} : memref<32x512xf32, #tpu.memory_space<vmem>>, vector<1x16xf32>,
        %parallel_loop3A_778 = arith.index_cast %parallel_loop3A_357 : i32 to index
        %parallel_loop3A_779 = arith.constant 480 : index
        %parallel_loop3A_780 = tpu.vector_load %arg12[%parallel_loop3A_778, %parallel_loop3A_779] {strides = array<i32>} : memref<32x512xf32, #tpu.memory_space<vmem>>, vector<1x16xf32>,
        %parallel_loop3A_781 = vector.shape_cast %parallel_loop3A_780 : vector<1x16xf32> to vector<16xf32>
        %parallel_loop3A_782 = arith.index_cast %sub3A_243 : i32 to index
        %parallel_loop3A_783 = arith.constant 480 : index
        %parallel_loop3A_784 = tpu.vector_load %arg7[%parallel_loop3A_782, %parallel_loop3A_783] {strides = array<i32>} : memref<16x512xf32, #tpu.memory_space<vmem>>, vector<1x16xf32>,
        %parallel_loop3A_785 = vector.shape_cast %parallel_loop3A_784 : vector<1x16xf32> to vector<16xf32>
        %parallel_loop3A_786 = arith.addf %parallel_loop3A_781, %parallel_loop3A_785 : vector<16xf32>
        %parallel_loop3A_787 = arith.index_cast %parallel_loop3A_357 : i32 to index
        %parallel_loop3A_788 = arith.constant 480 : index
        %parallel_loop3A_789 = tpu.vector_load %arg14[%parallel_loop3A_787, %parallel_loop3A_788] {strides = array<i32>} : memref<32x512xf32, #tpu.memory_space<vmem>>, vector<1x16xf32>,
        %parallel_loop3A_790 = vector.shape_cast %parallel_loop3A_789 : vector<1x16xf32> to vector<16xf32>
        %parallel_loop3A_791 = vector.shape_cast %parallel_loop3A_786 : vector<16xf32> to vector<1x16xf32>
        tpu.vector_store %arg14[%parallel_loop3A_787, %parallel_loop3A_788], %parallel_loop3A_791 {strides = array<i32>} : memref<32x512xf32, #tpu.memory_space<vmem>>, vector<1x16xf32>,
        %parallel_loop3A_792 = arith.index_cast %parallel_loop3A_357 : i32 to index
        %parallel_loop3A_793 = arith.constant 496 : index
        %parallel_loop3A_794 = tpu.vector_load %arg12[%parallel_loop3A_792, %parallel_loop3A_793] {strides = array<i32>} : memref<32x512xf32, #tpu.memory_space<vmem>>, vector<1x16xf32>,
        %parallel_loop3A_795 = vector.shape_cast %parallel_loop3A_794 : vector<1x16xf32> to vector<16xf32>
        %parallel_loop3A_796 = arith.index_cast %sub3A_243 : i32 to index
        %parallel_loop3A_797 = arith.constant 496 : index
        %parallel_loop3A_798 = tpu.vector_load %arg7[%parallel_loop3A_796, %parallel_loop3A_797] {strides = array<i32>} : memref<16x512xf32, #tpu.memory_space<vmem>>, vector<1x16xf32>,
        %parallel_loop3A_799 = vector.shape_cast %parallel_loop3A_798 : vector<1x16xf32> to vector<16xf32>
        %parallel_loop3A_800 = arith.addf %parallel_loop3A_795, %parallel_loop3A_799 : vector<16xf32>
        %parallel_loop3A_801 = arith.index_cast %parallel_loop3A_357 : i32 to index
        %parallel_loop3A_802 = arith.constant 496 : index
        %parallel_loop3A_803 = tpu.vector_load %arg14[%parallel_loop3A_801, %parallel_loop3A_802] {strides = array<i32>} : memref<32x512xf32, #tpu.memory_space<vmem>>, vector<1x16xf32>,
        %parallel_loop3A_804 = vector.shape_cast %parallel_loop3A_803 : vector<1x16xf32> to vector<16xf32>
        %parallel_loop3A_805 = vector.shape_cast %parallel_loop3A_800 : vector<16xf32> to vector<1x16xf32>
        tpu.vector_store %arg14[%parallel_loop3A_801, %parallel_loop3A_802], %parallel_loop3A_805 {strides = array<i32>} : memref<32x512xf32, #tpu.memory_space<vmem>>, vector<1x16xf32>,
      } {sc.loop_unroll_factor = 1 : i64, sc.parallel_access}
      %dma_start3A_277 = arith.constant 0 : i32
      %dma_start3A_278 = arith.constant 0 : i32
      %dma_start3A_279 = tpu.memref_slice %arg5[%dma_start3A_277, %dma_start3A_278] : memref<315392x512xf32, #tpu.memory_space<hbm>> -> memref<315392x512xf32, #tpu.memory_space<hbm>>
      tpu.enqueue_indirect_dma source(%arg14 : memref<32x512xf32, #tpu.memory_space<vmem>>) target(%dma_start3A_279 : memref<315392x512xf32, #tpu.memory_space<hbm>>) offsets(%arg8 : memref<32xi32, #tpu.memory_space<vmem>>) semaphore(%arg20 : memref<!tpu.dma_semaphore, #tpu.memory_space<semaphore_mem>>)
      %add3A_280 = arith.constant 4 : i32
      %add3A_281 = arith.addi %add3A_221, %add3A_280 : i32
      %lt3A_282 = arith.constant 308 : i32
      %lt3A_283 = arith.cmpi slt, %add3A_281, %lt3A_282 : i32
      %convert_element_type3A_284 = arith.extui %lt3A_283 : i1 to i32
      %cond3A_285 = arith.constant 0 : i32
      %cond3A_286 = arith.cmpi ne, %convert_element_type3A_284, %cond3A_285 : i32
      scf.if %cond3A_286 {
        %add3A_357 = arith.constant 4 : i32
        %add3A_358 = arith.addi %add3A_221, %add3A_357 : i32
        %div3A_359 = arith.constant 4 : i32
        %div3A_360 = arith.divsi %add3A_358, %div3A_359 : i32
        %rem3A_361 = arith.constant 4 : i32
        %rem3A_362 = arith.remsi %add3A_358, %rem3A_361 : i32
        %mul3A_363 = arith.constant 32 : i32
        %mul3A_364 = arith.muli %rem3A_362, %mul3A_363 : i32
        %dma_start3A_365 = tpu.memref_slice %arg6[%div3A_360, %mul3A_364] : memref<77x128xi32, #tpu.memory_space<vmem>> -> memref<1x32xi32, #tpu.memory_space<vmem>>
        %dma_start3A_366 = tpu.memref_squeeze %dma_start3A_365 : memref<1x32xi32, #tpu.memory_space<vmem>> -> memref<32xi32, #tpu.memory_space<vmem>>
        %dma_start3A_367 = arith.constant 0 : i32
        %dma_start3A_368 = arith.constant 0 : i32
        %dma_start3A_369 = tpu.memref_slice %arg3[%dma_start3A_367, %dma_start3A_368] : memref<49408x512xf32, #tpu.memory_space<hbm>> -> memref<49408x512xf32, #tpu.memory_space<hbm>>
        tpu.enqueue_indirect_dma source(%dma_start3A_369 : memref<49408x512xf32, #tpu.memory_space<hbm>>) target(%arg12 : memref<32x512xf32, #tpu.memory_space<vmem>>) offsets(%dma_start3A_366 : memref<32xi32, #tpu.memory_space<vmem>>) semaphore(%arg18 : memref<!tpu.dma_semaphore, #tpu.memory_space<semaphore_mem>>)
      } else {
      }
      %mul3A_287 = arith.constant 4 : i32
      %mul3A_288 = arith.muli %scan3A_84, %mul3A_287 : i32
      %add3A_289 = arith.constant 3 : i32
      %add3A_290 = arith.addi %mul3A_288, %add3A_289 : i32
      %div3A_291 = arith.constant 4 : i32
      %div3A_292 = arith.divsi %add3A_290, %div3A_291 : i32
      %rem3A_293 = arith.constant 4 : i32
      %rem3A_294 = arith.remsi %add3A_290, %rem3A_293 : i32
      %mul3A_295 = arith.constant 32 : i32
      %mul3A_296 = arith.muli %rem3A_294, %mul3A_295 : i32
      %dma_wait3A_297 = tpu.memref_slice %arg6[%div3A_292, %mul3A_296] : memref<77x128xi32, #tpu.memory_space<vmem>> -> memref<1x32xi32, #tpu.memory_space<vmem>>
      %dma_wait3A_298 = tpu.memref_squeeze %dma_wait3A_297 : memref<1x32xi32, #tpu.memory_space<vmem>> -> memref<32xi32, #tpu.memory_space<vmem>>
      %dma_wait3A_299 = arith.constant 0 : i32
      %dma_wait3A_300 = arith.constant 0 : i32
      %dma_wait3A_301 = tpu.memref_slice %arg3[%dma_wait3A_299, %dma_wait3A_300] : memref<49408x512xf32, #tpu.memory_space<hbm>> -> memref<49408x512xf32, #tpu.memory_space<hbm>>
      tpu.wait_indirect_dma semaphore(%arg19 : memref<!tpu.dma_semaphore, #tpu.memory_space<semaphore_mem>>) src(%dma_wait3A_301 : memref<49408x512xf32, #tpu.memory_space<hbm>>) dst(%arg13 : memref<32x512xf32, #tpu.memory_space<vmem>>)
      %ge3A_302 = arith.constant 2 : i32
      %ge3A_303 = arith.cmpi sge, %add3A_290, %ge3A_302 : i32
      %convert_element_type3A_304 = arith.extui %ge3A_303 : i1 to i32
      %cond3A_305 = arith.constant 0 : i32
      %cond3A_306 = arith.cmpi ne, %convert_element_type3A_304, %cond3A_305 : i32
      scf.if %cond3A_306 {
        %sub3A_357 = arith.constant 2 : i32
        %sub3A_358 = arith.subi %add3A_290, %sub3A_357 : i32
        %dma_wait3A_359 = arith.constant 0 : i32
        %dma_wait3A_360 = arith.constant 0 : i32
        %dma_wait3A_361 = tpu.memref_slice %arg5[%dma_wait3A_359, %dma_wait3A_360] : memref<315392x512xf32, #tpu.memory_space<hbm>> -> memref<315392x512xf32, #tpu.memory_space<hbm>>
        tpu.wait_indirect_dma semaphore(%arg21 : memref<!tpu.dma_semaphore, #tpu.memory_space<semaphore_mem>>) src(%arg15 : memref<32x512xf32, #tpu.memory_space<vmem>>) dst(%dma_wait3A_361 : memref<315392x512xf32, #tpu.memory_space<hbm>>)
      } else {
      }
      %mul3A_307 = arith.constant 32 : i32
      %mul3A_308 = arith.muli %add3A_290, %mul3A_307 : i32
      %add3A_309 = arith.addi %mul3A_2, %mul3A_308 : i32
      %shift_right_logical3A_310 = arith.constant 12 : i32
      %shift_right_logical3A_311 = arith.shrui %add3A_309, %shift_right_logical3A_310 : i32
      %sub3A_312 = arith.subi %shift_right_logical3A_311, %multiple_of3A : i32
      %mul3A_313 = arith.constant 4096 : i32
      %mul3A_314 = arith.muli %shift_right_logical3A_311, %mul3A_313 : i32
      %sub3A_315 = arith.subi %add3A_309, %mul3A_314 : i32
      %mul3A_316 = arith.constant 77 : i32
      %mul3A_317 = arith.muli %sub3A_315, %mul3A_316 : i32
      %add3A_318 = arith.addi %mul3A_317, %shift_right_logical3A_311 : i32
      %add3A_319 = arith.constant 0 : i32
      %add3A_320 = vector.broadcast %add3A_319 : i32 to vector<16xi32>
      %add3A_321 = arith.addi %iota3A, %add3A_320 : vector<16xi32>
      %mul3A_322 = arith.constant 77 : i32
      %mul3A_323 = vector.broadcast %mul3A_322 : i32 to vector<16xi32>
      %mul3A_324 = arith.muli %add3A_321, %mul3A_323 : vector<16xi32>
      %add3A_325 = vector.broadcast %add3A_318 : i32 to vector<16xi32>
      %add3A_326 = arith.addi %add3A_325, %mul3A_324 : vector<16xi32>
      %swap3A_327 = arith.constant 0 : index
      %swap3A_328 = tpu.vector_load %arg9[%swap3A_327] {strides = array<i32>} : memref<32xi32, #tpu.memory_space<vmem>>, vector<16xi32>,
      %swap3A_329 = vector.shape_cast %swap3A_328 : vector<16xi32> to vector<16xi32>
      %swap3A_330 = vector.shape_cast %add3A_326 : vector<16xi32> to vector<16xi32>
      tpu.vector_store %arg9[%swap3A_327], %swap3A_330 {strides = array<i32>} : memref<32xi32, #tpu.memory_space<vmem>>, vector<16xi32>,
      %add3A_331 = arith.constant 16 : i32
      %add3A_332 = vector.broadcast %add3A_331 : i32 to vector<16xi32>
      %add3A_333 = arith.addi %iota3A, %add3A_332 : vector<16xi32>
      %mul3A_334 = arith.constant 77 : i32
      %mul3A_335 = vector.broadcast %mul3A_334 : i32 to vector<16xi32>
      %mul3A_336 = arith.muli %add3A_333, %mul3A_335 : vector<16xi32>
      %add3A_337 = vector.broadcast %add3A_318 : i32 to vector<16xi32>
      %add3A_338 = arith.addi %add3A_337, %mul3A_336 : vector<16xi32>
      %swap3A_339 = arith.constant 16 : index
      %swap3A_340 = tpu.vector_load %arg9[%swap3A_339] {strides = array<i32>} : memref<32xi32, #tpu.memory_space<vmem>>, vector<16xi32>,
      %swap3A_341 = vector.shape_cast %swap3A_340 : vector<16xi32> to vector<16xi32>
      %swap3A_342 = vector.shape_cast %add3A_338 : vector<16xi32> to vector<16xi32>
      tpu.vector_store %arg9[%swap3A_339], %swap3A_342 {strides = array<i32>} : memref<32xi32, #tpu.memory_space<vmem>>, vector<16xi32>,
      %parallel_loop3A_343 = arith.constant 0 : i32
      %parallel_loop3A_344 = arith.constant 32 : i32
      %parallel_loop3A_345 = arith.constant 1 : i32
      scf.for %parallel_loop3A_357 = %parallel_loop3A_343 to %parallel_loop3A_344 step %parallel_loop3A_345  : i32 {
        %parallel_loop3A_358 = arith.index_cast %parallel_loop3A_357 : i32 to index
        %parallel_loop3A_359 = arith.constant 0 : index
        %parallel_loop3A_360 = tpu.vector_load %arg13[%parallel_loop3A_358, %parallel_loop3A_359] {strides = array<i32>} : memref<32x512xf32, #tpu.memory_space<vmem>>, vector<1x16xf32>,
        %parallel_loop3A_361 = vector.shape_cast %parallel_loop3A_360 : vector<1x16xf32> to vector<16xf32>
        %parallel_loop3A_362 = arith.index_cast %sub3A_312 : i32 to index
        %parallel_loop3A_363 = arith.constant 0 : index
        %parallel_loop3A_364 = tpu.vector_load %arg7[%parallel_loop3A_362, %parallel_loop3A_363] {strides = array<i32>} : memref<16x512xf32, #tpu.memory_space<vmem>>, vector<1x16xf32>,
        %parallel_loop3A_365 = vector.shape_cast %parallel_loop3A_364 : vector<1x16xf32> to vector<16xf32>
        %parallel_loop3A_366 = arith.addf %parallel_loop3A_361, %parallel_loop3A_365 : vector<16xf32>
        %parallel_loop3A_367 = arith.index_cast %parallel_loop3A_357 : i32 to index
        %parallel_loop3A_368 = arith.constant 0 : index
        %parallel_loop3A_369 = tpu.vector_load %arg15[%parallel_loop3A_367, %parallel_loop3A_368] {strides = array<i32>} : memref<32x512xf32, #tpu.memory_space<vmem>>, vector<1x16xf32>,
        %parallel_loop3A_370 = vector.shape_cast %parallel_loop3A_369 : vector<1x16xf32> to vector<16xf32>
        %parallel_loop3A_371 = vector.shape_cast %parallel_loop3A_366 : vector<16xf32> to vector<1x16xf32>
        tpu.vector_store %arg15[%parallel_loop3A_367, %parallel_loop3A_368], %parallel_loop3A_371 {strides = array<i32>} : memref<32x512xf32, #tpu.memory_space<vmem>>, vector<1x16xf32>,
        %parallel_loop3A_372 = arith.index_cast %parallel_loop3A_357 : i32 to index
        %parallel_loop3A_373 = arith.constant 16 : index
        %parallel_loop3A_374 = tpu.vector_load %arg13[%parallel_loop3A_372, %parallel_loop3A_373] {strides = array<i32>} : memref<32x512xf32, #tpu.memory_space<vmem>>, vector<1x16xf32>,
        %parallel_loop3A_375 = vector.shape_cast %parallel_loop3A_374 : vector<1x16xf32> to vector<16xf32>
        %parallel_loop3A_376 = arith.index_cast %sub3A_312 : i32 to index
        %parallel_loop3A_377 = arith.constant 16 : index
        %parallel_loop3A_378 = tpu.vector_load %arg7[%parallel_loop3A_376, %parallel_loop3A_377] {strides = array<i32>} : memref<16x512xf32, #tpu.memory_space<vmem>>, vector<1x16xf32>,
        %parallel_loop3A_379 = vector.shape_cast %parallel_loop3A_378 : vector<1x16xf32> to vector<16xf32>
        %parallel_loop3A_380 = arith.addf %parallel_loop3A_375, %parallel_loop3A_379 : vector<16xf32>
        %parallel_loop3A_381 = arith.index_cast %parallel_loop3A_357 : i32 to index
        %parallel_loop3A_382 = arith.constant 16 : index
        %parallel_loop3A_383 = tpu.vector_load %arg15[%parallel_loop3A_381, %parallel_loop3A_382] {strides = array<i32>} : memref<32x512xf32, #tpu.memory_space<vmem>>, vector<1x16xf32>,
        %parallel_loop3A_384 = vector.shape_cast %parallel_loop3A_383 : vector<1x16xf32> to vector<16xf32>
        %parallel_loop3A_385 = vector.shape_cast %parallel_loop3A_380 : vector<16xf32> to vector<1x16xf32>
        tpu.vector_store %arg15[%parallel_loop3A_381, %parallel_loop3A_382], %parallel_loop3A_385 {strides = array<i32>} : memref<32x512xf32, #tpu.memory_space<vmem>>, vector<1x16xf32>,
        %parallel_loop3A_386 = arith.index_cast %parallel_loop3A_357 : i32 to index
        %parallel_loop3A_387 = arith.constant 32 : index
        %parallel_loop3A_388 = tpu.vector_load %arg13[%parallel_loop3A_386, %parallel_loop3A_387] {strides = array<i32>} : memref<32x512xf32, #tpu.memory_space<vmem>>, vector<1x16xf32>,
        %parallel_loop3A_389 = vector.shape_cast %parallel_loop3A_388 : vector<1x16xf32> to vector<16xf32>
        %parallel_loop3A_390 = arith.index_cast %sub3A_312 : i32 to index
        %parallel_loop3A_391 = arith.constant 32 : index
        %parallel_loop3A_392 = tpu.vector_load %arg7[%parallel_loop3A_390, %parallel_loop3A_391] {strides = array<i32>} : memref<16x512xf32, #tpu.memory_space<vmem>>, vector<1x16xf32>,
        %parallel_loop3A_393 = vector.shape_cast %parallel_loop3A_392 : vector<1x16xf32> to vector<16xf32>
        %parallel_loop3A_394 = arith.addf %parallel_loop3A_389, %parallel_loop3A_393 : vector<16xf32>
        %parallel_loop3A_395 = arith.index_cast %parallel_loop3A_357 : i32 to index
        %parallel_loop3A_396 = arith.constant 32 : index
        %parallel_loop3A_397 = tpu.vector_load %arg15[%parallel_loop3A_395, %parallel_loop3A_396] {strides = array<i32>} : memref<32x512xf32, #tpu.memory_space<vmem>>, vector<1x16xf32>,
        %parallel_loop3A_398 = vector.shape_cast %parallel_loop3A_397 : vector<1x16xf32> to vector<16xf32>
        %parallel_loop3A_399 = vector.shape_cast %parallel_loop3A_394 : vector<16xf32> to vector<1x16xf32>
        tpu.vector_store %arg15[%parallel_loop3A_395, %parallel_loop3A_396], %parallel_loop3A_399 {strides = array<i32>} : memref<32x512xf32, #tpu.memory_space<vmem>>, vector<1x16xf32>,
        %parallel_loop3A_400 = arith.index_cast %parallel_loop3A_357 : i32 to index
        %parallel_loop3A_401 = arith.constant 48 : index
        %parallel_loop3A_402 = tpu.vector_load %arg13[%parallel_loop3A_400, %parallel_loop3A_401] {strides = array<i32>} : memref<32x512xf32, #tpu.memory_space<vmem>>, vector<1x16xf32>,
        %parallel_loop3A_403 = vector.shape_cast %parallel_loop3A_402 : vector<1x16xf32> to vector<16xf32>
        %parallel_loop3A_404 = arith.index_cast %sub3A_312 : i32 to index
        %parallel_loop3A_405 = arith.constant 48 : index
        %parallel_loop3A_406 = tpu.vector_load %arg7[%parallel_loop3A_404, %parallel_loop3A_405] {strides = array<i32>} : memref<16x512xf32, #tpu.memory_space<vmem>>, vector<1x16xf32>,
        %parallel_loop3A_407 = vector.shape_cast %parallel_loop3A_406 : vector<1x16xf32> to vector<16xf32>
        %parallel_loop3A_408 = arith.addf %parallel_loop3A_403, %parallel_loop3A_407 : vector<16xf32>
        %parallel_loop3A_409 = arith.index_cast %parallel_loop3A_357 : i32 to index
        %parallel_loop3A_410 = arith.constant 48 : index
        %parallel_loop3A_411 = tpu.vector_load %arg15[%parallel_loop3A_409, %parallel_loop3A_410] {strides = array<i32>} : memref<32x512xf32, #tpu.memory_space<vmem>>, vector<1x16xf32>,
        %parallel_loop3A_412 = vector.shape_cast %parallel_loop3A_411 : vector<1x16xf32> to vector<16xf32>
        %parallel_loop3A_413 = vector.shape_cast %parallel_loop3A_408 : vector<16xf32> to vector<1x16xf32>
        tpu.vector_store %arg15[%parallel_loop3A_409, %parallel_loop3A_410], %parallel_loop3A_413 {strides = array<i32>} : memref<32x512xf32, #tpu.memory_space<vmem>>, vector<1x16xf32>,
        %parallel_loop3A_414 = arith.index_cast %parallel_loop3A_357 : i32 to index
        %parallel_loop3A_415 = arith.constant 64 : index
        %parallel_loop3A_416 = tpu.vector_load %arg13[%parallel_loop3A_414, %parallel_loop3A_415] {strides = array<i32>} : memref<32x512xf32, #tpu.memory_space<vmem>>, vector<1x16xf32>,
        %parallel_loop3A_417 = vector.shape_cast %parallel_loop3A_416 : vector<1x16xf32> to vector<16xf32>
        %parallel_loop3A_418 = arith.index_cast %sub3A_312 : i32 to index
        %parallel_loop3A_419 = arith.constant 64 : index
        %parallel_loop3A_420 = tpu.vector_load %arg7[%parallel_loop3A_418, %parallel_loop3A_419] {strides = array<i32>} : memref<16x512xf32, #tpu.memory_space<vmem>>, vector<1x16xf32>,
        %parallel_loop3A_421 = vector.shape_cast %parallel_loop3A_420 : vector<1x16xf32> to vector<16xf32>
        %parallel_loop3A_422 = arith.addf %parallel_loop3A_417, %parallel_loop3A_421 : vector<16xf32>
        %parallel_loop3A_423 = arith.index_cast %parallel_loop3A_357 : i32 to index
        %parallel_loop3A_424 = arith.constant 64 : index
        %parallel_loop3A_425 = tpu.vector_load %arg15[%parallel_loop3A_423, %parallel_loop3A_424] {strides = array<i32>} : memref<32x512xf32, #tpu.memory_space<vmem>>, vector<1x16xf32>,
        %parallel_loop3A_426 = vector.shape_cast %parallel_loop3A_425 : vector<1x16xf32> to vector<16xf32>
        %parallel_loop3A_427 = vector.shape_cast %parallel_loop3A_422 : vector<16xf32> to vector<1x16xf32>
        tpu.vector_store %arg15[%parallel_loop3A_423, %parallel_loop3A_424], %parallel_loop3A_427 {strides = array<i32>} : memref<32x512xf32, #tpu.memory_space<vmem>>, vector<1x16xf32>,
        %parallel_loop3A_428 = arith.index_cast %parallel_loop3A_357 : i32 to index
        %parallel_loop3A_429 = arith.constant 80 : index
        %parallel_loop3A_430 = tpu.vector_load %arg13[%parallel_loop3A_428, %parallel_loop3A_429] {strides = array<i32>} : memref<32x512xf32, #tpu.memory_space<vmem>>, vector<1x16xf32>,
        %parallel_loop3A_431 = vector.shape_cast %parallel_loop3A_430 : vector<1x16xf32> to vector<16xf32>
        %parallel_loop3A_432 = arith.index_cast %sub3A_312 : i32 to index
        %parallel_loop3A_433 = arith.constant 80 : index
        %parallel_loop3A_434 = tpu.vector_load %arg7[%parallel_loop3A_432, %parallel_loop3A_433] {strides = array<i32>} : memref<16x512xf32, #tpu.memory_space<vmem>>, vector<1x16xf32>,
        %parallel_loop3A_435 = vector.shape_cast %parallel_loop3A_434 : vector<1x16xf32> to vector<16xf32>
        %parallel_loop3A_436 = arith.addf %parallel_loop3A_431, %parallel_loop3A_435 : vector<16xf32>
        %parallel_loop3A_437 = arith.index_cast %parallel_loop3A_357 : i32 to index
        %parallel_loop3A_438 = arith.constant 80 : index
        %parallel_loop3A_439 = tpu.vector_load %arg15[%parallel_loop3A_437, %parallel_loop3A_438] {strides = array<i32>} : memref<32x512xf32, #tpu.memory_space<vmem>>, vector<1x16xf32>,
        %parallel_loop3A_440 = vector.shape_cast %parallel_loop3A_439 : vector<1x16xf32> to vector<16xf32>
        %parallel_loop3A_441 = vector.shape_cast %parallel_loop3A_436 : vector<16xf32> to vector<1x16xf32>
        tpu.vector_store %arg15[%parallel_loop3A_437, %parallel_loop3A_438], %parallel_loop3A_441 {strides = array<i32>} : memref<32x512xf32, #tpu.memory_space<vmem>>, vector<1x16xf32>,
        %parallel_loop3A_442 = arith.index_cast %parallel_loop3A_357 : i32 to index
        %parallel_loop3A_443 = arith.constant 96 : index
        %parallel_loop3A_444 = tpu.vector_load %arg13[%parallel_loop3A_442, %parallel_loop3A_443] {strides = array<i32>} : memref<32x512xf32, #tpu.memory_space<vmem>>, vector<1x16xf32>,
        %parallel_loop3A_445 = vector.shape_cast %parallel_loop3A_444 : vector<1x16xf32> to vector<16xf32>
        %parallel_loop3A_446 = arith.index_cast %sub3A_312 : i32 to index
        %parallel_loop3A_447 = arith.constant 96 : index
        %parallel_loop3A_448 = tpu.vector_load %arg7[%parallel_loop3A_446, %parallel_loop3A_447] {strides = array<i32>} : memref<16x512xf32, #tpu.memory_space<vmem>>, vector<1x16xf32>,
        %parallel_loop3A_449 = vector.shape_cast %parallel_loop3A_448 : vector<1x16xf32> to vector<16xf32>
        %parallel_loop3A_450 = arith.addf %parallel_loop3A_445, %parallel_loop3A_449 : vector<16xf32>
        %parallel_loop3A_451 = arith.index_cast %parallel_loop3A_357 : i32 to index
        %parallel_loop3A_452 = arith.constant 96 : index
        %parallel_loop3A_453 = tpu.vector_load %arg15[%parallel_loop3A_451, %parallel_loop3A_452] {strides = array<i32>} : memref<32x512xf32, #tpu.memory_space<vmem>>, vector<1x16xf32>,
        %parallel_loop3A_454 = vector.shape_cast %parallel_loop3A_453 : vector<1x16xf32> to vector<16xf32>
        %parallel_loop3A_455 = vector.shape_cast %parallel_loop3A_450 : vector<16xf32> to vector<1x16xf32>
        tpu.vector_store %arg15[%parallel_loop3A_451, %parallel_loop3A_452], %parallel_loop3A_455 {strides = array<i32>} : memref<32x512xf32, #tpu.memory_space<vmem>>, vector<1x16xf32>,
        %parallel_loop3A_456 = arith.index_cast %parallel_loop3A_357 : i32 to index
        %parallel_loop3A_457 = arith.constant 112 : index
        %parallel_loop3A_458 = tpu.vector_load %arg13[%parallel_loop3A_456, %parallel_loop3A_457] {strides = array<i32>} : memref<32x512xf32, #tpu.memory_space<vmem>>, vector<1x16xf32>,
        %parallel_loop3A_459 = vector.shape_cast %parallel_loop3A_458 : vector<1x16xf32> to vector<16xf32>
        %parallel_loop3A_460 = arith.index_cast %sub3A_312 : i32 to index
        %parallel_loop3A_461 = arith.constant 112 : index
        %parallel_loop3A_462 = tpu.vector_load %arg7[%parallel_loop3A_460, %parallel_loop3A_461] {strides = array<i32>} : memref<16x512xf32, #tpu.memory_space<vmem>>, vector<1x16xf32>,
        %parallel_loop3A_463 = vector.shape_cast %parallel_loop3A_462 : vector<1x16xf32> to vector<16xf32>
        %parallel_loop3A_464 = arith.addf %parallel_loop3A_459, %parallel_loop3A_463 : vector<16xf32>
        %parallel_loop3A_465 = arith.index_cast %parallel_loop3A_357 : i32 to index
        %parallel_loop3A_466 = arith.constant 112 : index
        %parallel_loop3A_467 = tpu.vector_load %arg15[%parallel_loop3A_465, %parallel_loop3A_466] {strides = array<i32>} : memref<32x512xf32, #tpu.memory_space<vmem>>, vector<1x16xf32>,
        %parallel_loop3A_468 = vector.shape_cast %parallel_loop3A_467 : vector<1x16xf32> to vector<16xf32>
        %parallel_loop3A_469 = vector.shape_cast %parallel_loop3A_464 : vector<16xf32> to vector<1x16xf32>
        tpu.vector_store %arg15[%parallel_loop3A_465, %parallel_loop3A_466], %parallel_loop3A_469 {strides = array<i32>} : memref<32x512xf32, #tpu.memory_space<vmem>>, vector<1x16xf32>,
        %parallel_loop3A_470 = arith.index_cast %parallel_loop3A_357 : i32 to index
        %parallel_loop3A_471 = arith.constant 128 : index
        %parallel_loop3A_472 = tpu.vector_load %arg13[%parallel_loop3A_470, %parallel_loop3A_471] {strides = array<i32>} : memref<32x512xf32, #tpu.memory_space<vmem>>, vector<1x16xf32>,
        %parallel_loop3A_473 = vector.shape_cast %parallel_loop3A_472 : vector<1x16xf32> to vector<16xf32>
        %parallel_loop3A_474 = arith.index_cast %sub3A_312 : i32 to index
        %parallel_loop3A_475 = arith.constant 128 : index
        %parallel_loop3A_476 = tpu.vector_load %arg7[%parallel_loop3A_474, %parallel_loop3A_475] {strides = array<i32>} : memref<16x512xf32, #tpu.memory_space<vmem>>, vector<1x16xf32>,
        %parallel_loop3A_477 = vector.shape_cast %parallel_loop3A_476 : vector<1x16xf32> to vector<16xf32>
        %parallel_loop3A_478 = arith.addf %parallel_loop3A_473, %parallel_loop3A_477 : vector<16xf32>
        %parallel_loop3A_479 = arith.index_cast %parallel_loop3A_357 : i32 to index
        %parallel_loop3A_480 = arith.constant 128 : index
        %parallel_loop3A_481 = tpu.vector_load %arg15[%parallel_loop3A_479, %parallel_loop3A_480] {strides = array<i32>} : memref<32x512xf32, #tpu.memory_space<vmem>>, vector<1x16xf32>,
        %parallel_loop3A_482 = vector.shape_cast %parallel_loop3A_481 : vector<1x16xf32> to vector<16xf32>
        %parallel_loop3A_483 = vector.shape_cast %parallel_loop3A_478 : vector<16xf32> to vector<1x16xf32>
        tpu.vector_store %arg15[%parallel_loop3A_479, %parallel_loop3A_480], %parallel_loop3A_483 {strides = array<i32>} : memref<32x512xf32, #tpu.memory_space<vmem>>, vector<1x16xf32>,
        %parallel_loop3A_484 = arith.index_cast %parallel_loop3A_357 : i32 to index
        %parallel_loop3A_485 = arith.constant 144 : index
        %parallel_loop3A_486 = tpu.vector_load %arg13[%parallel_loop3A_484, %parallel_loop3A_485] {strides = array<i32>} : memref<32x512xf32, #tpu.memory_space<vmem>>, vector<1x16xf32>,
        %parallel_loop3A_487 = vector.shape_cast %parallel_loop3A_486 : vector<1x16xf32> to vector<16xf32>
        %parallel_loop3A_488 = arith.index_cast %sub3A_312 : i32 to index
        %parallel_loop3A_489 = arith.constant 144 : index
        %parallel_loop3A_490 = tpu.vector_load %arg7[%parallel_loop3A_488, %parallel_loop3A_489] {strides = array<i32>} : memref<16x512xf32, #tpu.memory_space<vmem>>, vector<1x16xf32>,
        %parallel_loop3A_491 = vector.shape_cast %parallel_loop3A_490 : vector<1x16xf32> to vector<16xf32>
        %parallel_loop3A_492 = arith.addf %parallel_loop3A_487, %parallel_loop3A_491 : vector<16xf32>
        %parallel_loop3A_493 = arith.index_cast %parallel_loop3A_357 : i32 to index
        %parallel_loop3A_494 = arith.constant 144 : index
        %parallel_loop3A_495 = tpu.vector_load %arg15[%parallel_loop3A_493, %parallel_loop3A_494] {strides = array<i32>} : memref<32x512xf32, #tpu.memory_space<vmem>>, vector<1x16xf32>,
        %parallel_loop3A_496 = vector.shape_cast %parallel_loop3A_495 : vector<1x16xf32> to vector<16xf32>
        %parallel_loop3A_497 = vector.shape_cast %parallel_loop3A_492 : vector<16xf32> to vector<1x16xf32>
        tpu.vector_store %arg15[%parallel_loop3A_493, %parallel_loop3A_494], %parallel_loop3A_497 {strides = array<i32>} : memref<32x512xf32, #tpu.memory_space<vmem>>, vector<1x16xf32>,
        %parallel_loop3A_498 = arith.index_cast %parallel_loop3A_357 : i32 to index
        %parallel_loop3A_499 = arith.constant 160 : index
        %parallel_loop3A_500 = tpu.vector_load %arg13[%parallel_loop3A_498, %parallel_loop3A_499] {strides = array<i32>} : memref<32x512xf32, #tpu.memory_space<vmem>>, vector<1x16xf32>,
        %parallel_loop3A_501 = vector.shape_cast %parallel_loop3A_500 : vector<1x16xf32> to vector<16xf32>
        %parallel_loop3A_502 = arith.index_cast %sub3A_312 : i32 to index
        %parallel_loop3A_503 = arith.constant 160 : index
        %parallel_loop3A_504 = tpu.vector_load %arg7[%parallel_loop3A_502, %parallel_loop3A_503] {strides = array<i32>} : memref<16x512xf32, #tpu.memory_space<vmem>>, vector<1x16xf32>,
        %parallel_loop3A_505 = vector.shape_cast %parallel_loop3A_504 : vector<1x16xf32> to vector<16xf32>
        %parallel_loop3A_506 = arith.addf %parallel_loop3A_501, %parallel_loop3A_505 : vector<16xf32>
        %parallel_loop3A_507 = arith.index_cast %parallel_loop3A_357 : i32 to index
        %parallel_loop3A_508 = arith.constant 160 : index
        %parallel_loop3A_509 = tpu.vector_load %arg15[%parallel_loop3A_507, %parallel_loop3A_508] {strides = array<i32>} : memref<32x512xf32, #tpu.memory_space<vmem>>, vector<1x16xf32>,
        %parallel_loop3A_510 = vector.shape_cast %parallel_loop3A_509 : vector<1x16xf32> to vector<16xf32>
        %parallel_loop3A_511 = vector.shape_cast %parallel_loop3A_506 : vector<16xf32> to vector<1x16xf32>
        tpu.vector_store %arg15[%parallel_loop3A_507, %parallel_loop3A_508], %parallel_loop3A_511 {strides = array<i32>} : memref<32x512xf32, #tpu.memory_space<vmem>>, vector<1x16xf32>,
        %parallel_loop3A_512 = arith.index_cast %parallel_loop3A_357 : i32 to index
        %parallel_loop3A_513 = arith.constant 176 : index
        %parallel_loop3A_514 = tpu.vector_load %arg13[%parallel_loop3A_512, %parallel_loop3A_513] {strides = array<i32>} : memref<32x512xf32, #tpu.memory_space<vmem>>, vector<1x16xf32>,
        %parallel_loop3A_515 = vector.shape_cast %parallel_loop3A_514 : vector<1x16xf32> to vector<16xf32>
        %parallel_loop3A_516 = arith.index_cast %sub3A_312 : i32 to index
        %parallel_loop3A_517 = arith.constant 176 : index
        %parallel_loop3A_518 = tpu.vector_load %arg7[%parallel_loop3A_516, %parallel_loop3A_517] {strides = array<i32>} : memref<16x512xf32, #tpu.memory_space<vmem>>, vector<1x16xf32>,
        %parallel_loop3A_519 = vector.shape_cast %parallel_loop3A_518 : vector<1x16xf32> to vector<16xf32>
        %parallel_loop3A_520 = arith.addf %parallel_loop3A_515, %parallel_loop3A_519 : vector<16xf32>
        %parallel_loop3A_521 = arith.index_cast %parallel_loop3A_357 : i32 to index
        %parallel_loop3A_522 = arith.constant 176 : index
        %parallel_loop3A_523 = tpu.vector_load %arg15[%parallel_loop3A_521, %parallel_loop3A_522] {strides = array<i32>} : memref<32x512xf32, #tpu.memory_space<vmem>>, vector<1x16xf32>,
        %parallel_loop3A_524 = vector.shape_cast %parallel_loop3A_523 : vector<1x16xf32> to vector<16xf32>
        %parallel_loop3A_525 = vector.shape_cast %parallel_loop3A_520 : vector<16xf32> to vector<1x16xf32>
        tpu.vector_store %arg15[%parallel_loop3A_521, %parallel_loop3A_522], %parallel_loop3A_525 {strides = array<i32>} : memref<32x512xf32, #tpu.memory_space<vmem>>, vector<1x16xf32>,
        %parallel_loop3A_526 = arith.index_cast %parallel_loop3A_357 : i32 to index
        %parallel_loop3A_527 = arith.constant 192 : index
        %parallel_loop3A_528 = tpu.vector_load %arg13[%parallel_loop3A_526, %parallel_loop3A_527] {strides = array<i32>} : memref<32x512xf32, #tpu.memory_space<vmem>>, vector<1x16xf32>,
        %parallel_loop3A_529 = vector.shape_cast %parallel_loop3A_528 : vector<1x16xf32> to vector<16xf32>
        %parallel_loop3A_530 = arith.index_cast %sub3A_312 : i32 to index
        %parallel_loop3A_531 = arith.constant 192 : index
        %parallel_loop3A_532 = tpu.vector_load %arg7[%parallel_loop3A_530, %parallel_loop3A_531] {strides = array<i32>} : memref<16x512xf32, #tpu.memory_space<vmem>>, vector<1x16xf32>,
        %parallel_loop3A_533 = vector.shape_cast %parallel_loop3A_532 : vector<1x16xf32> to vector<16xf32>
        %parallel_loop3A_534 = arith.addf %parallel_loop3A_529, %parallel_loop3A_533 : vector<16xf32>
        %parallel_loop3A_535 = arith.index_cast %parallel_loop3A_357 : i32 to index
        %parallel_loop3A_536 = arith.constant 192 : index
        %parallel_loop3A_537 = tpu.vector_load %arg15[%parallel_loop3A_535, %parallel_loop3A_536] {strides = array<i32>} : memref<32x512xf32, #tpu.memory_space<vmem>>, vector<1x16xf32>,
        %parallel_loop3A_538 = vector.shape_cast %parallel_loop3A_537 : vector<1x16xf32> to vector<16xf32>
        %parallel_loop3A_539 = vector.shape_cast %parallel_loop3A_534 : vector<16xf32> to vector<1x16xf32>
        tpu.vector_store %arg15[%parallel_loop3A_535, %parallel_loop3A_536], %parallel_loop3A_539 {strides = array<i32>} : memref<32x512xf32, #tpu.memory_space<vmem>>, vector<1x16xf32>,
        %parallel_loop3A_540 = arith.index_cast %parallel_loop3A_357 : i32 to index
        %parallel_loop3A_541 = arith.constant 208 : index
        %parallel_loop3A_542 = tpu.vector_load %arg13[%parallel_loop3A_540, %parallel_loop3A_541] {strides = array<i32>} : memref<32x512xf32, #tpu.memory_space<vmem>>, vector<1x16xf32>,
        %parallel_loop3A_543 = vector.shape_cast %parallel_loop3A_542 : vector<1x16xf32> to vector<16xf32>
        %parallel_loop3A_544 = arith.index_cast %sub3A_312 : i32 to index
        %parallel_loop3A_545 = arith.constant 208 : index
        %parallel_loop3A_546 = tpu.vector_load %arg7[%parallel_loop3A_544, %parallel_loop3A_545] {strides = array<i32>} : memref<16x512xf32, #tpu.memory_space<vmem>>, vector<1x16xf32>,
        %parallel_loop3A_547 = vector.shape_cast %parallel_loop3A_546 : vector<1x16xf32> to vector<16xf32>
        %parallel_loop3A_548 = arith.addf %parallel_loop3A_543, %parallel_loop3A_547 : vector<16xf32>
        %parallel_loop3A_549 = arith.index_cast %parallel_loop3A_357 : i32 to index
        %parallel_loop3A_550 = arith.constant 208 : index
        %parallel_loop3A_551 = tpu.vector_load %arg15[%parallel_loop3A_549, %parallel_loop3A_550] {strides = array<i32>} : memref<32x512xf32, #tpu.memory_space<vmem>>, vector<1x16xf32>,
        %parallel_loop3A_552 = vector.shape_cast %parallel_loop3A_551 : vector<1x16xf32> to vector<16xf32>
        %parallel_loop3A_553 = vector.shape_cast %parallel_loop3A_548 : vector<16xf32> to vector<1x16xf32>
        tpu.vector_store %arg15[%parallel_loop3A_549, %parallel_loop3A_550], %parallel_loop3A_553 {strides = array<i32>} : memref<32x512xf32, #tpu.memory_space<vmem>>, vector<1x16xf32>,
        %parallel_loop3A_554 = arith.index_cast %parallel_loop3A_357 : i32 to index
        %parallel_loop3A_555 = arith.constant 224 : index
        %parallel_loop3A_556 = tpu.vector_load %arg13[%parallel_loop3A_554, %parallel_loop3A_555] {strides = array<i32>} : memref<32x512xf32, #tpu.memory_space<vmem>>, vector<1x16xf32>,
        %parallel_loop3A_557 = vector.shape_cast %parallel_loop3A_556 : vector<1x16xf32> to vector<16xf32>
        %parallel_loop3A_558 = arith.index_cast %sub3A_312 : i32 to index
        %parallel_loop3A_559 = arith.constant 224 : index
        %parallel_loop3A_560 = tpu.vector_load %arg7[%parallel_loop3A_558, %parallel_loop3A_559] {strides = array<i32>} : memref<16x512xf32, #tpu.memory_space<vmem>>, vector<1x16xf32>,
        %parallel_loop3A_561 = vector.shape_cast %parallel_loop3A_560 : vector<1x16xf32> to vector<16xf32>
        %parallel_loop3A_562 = arith.addf %parallel_loop3A_557, %parallel_loop3A_561 : vector<16xf32>
        %parallel_loop3A_563 = arith.index_cast %parallel_loop3A_357 : i32 to index
        %parallel_loop3A_564 = arith.constant 224 : index
        %parallel_loop3A_565 = tpu.vector_load %arg15[%parallel_loop3A_563, %parallel_loop3A_564] {strides = array<i32>} : memref<32x512xf32, #tpu.memory_space<vmem>>, vector<1x16xf32>,
        %parallel_loop3A_566 = vector.shape_cast %parallel_loop3A_565 : vector<1x16xf32> to vector<16xf32>
        %parallel_loop3A_567 = vector.shape_cast %parallel_loop3A_562 : vector<16xf32> to vector<1x16xf32>
        tpu.vector_store %arg15[%parallel_loop3A_563, %parallel_loop3A_564], %parallel_loop3A_567 {strides = array<i32>} : memref<32x512xf32, #tpu.memory_space<vmem>>, vector<1x16xf32>,
        %parallel_loop3A_568 = arith.index_cast %parallel_loop3A_357 : i32 to index
        %parallel_loop3A_569 = arith.constant 240 : index
        %parallel_loop3A_570 = tpu.vector_load %arg13[%parallel_loop3A_568, %parallel_loop3A_569] {strides = array<i32>} : memref<32x512xf32, #tpu.memory_space<vmem>>, vector<1x16xf32>,
        %parallel_loop3A_571 = vector.shape_cast %parallel_loop3A_570 : vector<1x16xf32> to vector<16xf32>
        %parallel_loop3A_572 = arith.index_cast %sub3A_312 : i32 to index
        %parallel_loop3A_573 = arith.constant 240 : index
        %parallel_loop3A_574 = tpu.vector_load %arg7[%parallel_loop3A_572, %parallel_loop3A_573] {strides = array<i32>} : memref<16x512xf32, #tpu.memory_space<vmem>>, vector<1x16xf32>,
        %parallel_loop3A_575 = vector.shape_cast %parallel_loop3A_574 : vector<1x16xf32> to vector<16xf32>
        %parallel_loop3A_576 = arith.addf %parallel_loop3A_571, %parallel_loop3A_575 : vector<16xf32>
        %parallel_loop3A_577 = arith.index_cast %parallel_loop3A_357 : i32 to index
        %parallel_loop3A_578 = arith.constant 240 : index
        %parallel_loop3A_579 = tpu.vector_load %arg15[%parallel_loop3A_577, %parallel_loop3A_578] {strides = array<i32>} : memref<32x512xf32, #tpu.memory_space<vmem>>, vector<1x16xf32>,
        %parallel_loop3A_580 = vector.shape_cast %parallel_loop3A_579 : vector<1x16xf32> to vector<16xf32>
        %parallel_loop3A_581 = vector.shape_cast %parallel_loop3A_576 : vector<16xf32> to vector<1x16xf32>
        tpu.vector_store %arg15[%parallel_loop3A_577, %parallel_loop3A_578], %parallel_loop3A_581 {strides = array<i32>} : memref<32x512xf32, #tpu.memory_space<vmem>>, vector<1x16xf32>,
        %parallel_loop3A_582 = arith.index_cast %parallel_loop3A_357 : i32 to index
        %parallel_loop3A_583 = arith.constant 256 : index
        %parallel_loop3A_584 = tpu.vector_load %arg13[%parallel_loop3A_582, %parallel_loop3A_583] {strides = array<i32>} : memref<32x512xf32, #tpu.memory_space<vmem>>, vector<1x16xf32>,
        %parallel_loop3A_585 = vector.shape_cast %parallel_loop3A_584 : vector<1x16xf32> to vector<16xf32>
        %parallel_loop3A_586 = arith.index_cast %sub3A_312 : i32 to index
        %parallel_loop3A_587 = arith.constant 256 : index
        %parallel_loop3A_588 = tpu.vector_load %arg7[%parallel_loop3A_586, %parallel_loop3A_587] {strides = array<i32>} : memref<16x512xf32, #tpu.memory_space<vmem>>, vector<1x16xf32>,
        %parallel_loop3A_589 = vector.shape_cast %parallel_loop3A_588 : vector<1x16xf32> to vector<16xf32>
        %parallel_loop3A_590 = arith.addf %parallel_loop3A_585, %parallel_loop3A_589 : vector<16xf32>
        %parallel_loop3A_591 = arith.index_cast %parallel_loop3A_357 : i32 to index
        %parallel_loop3A_592 = arith.constant 256 : index
        %parallel_loop3A_593 = tpu.vector_load %arg15[%parallel_loop3A_591, %parallel_loop3A_592] {strides = array<i32>} : memref<32x512xf32, #tpu.memory_space<vmem>>, vector<1x16xf32>,
        %parallel_loop3A_594 = vector.shape_cast %parallel_loop3A_593 : vector<1x16xf32> to vector<16xf32>
        %parallel_loop3A_595 = vector.shape_cast %parallel_loop3A_590 : vector<16xf32> to vector<1x16xf32>
        tpu.vector_store %arg15[%parallel_loop3A_591, %parallel_loop3A_592], %parallel_loop3A_595 {strides = array<i32>} : memref<32x512xf32, #tpu.memory_space<vmem>>, vector<1x16xf32>,
        %parallel_loop3A_596 = arith.index_cast %parallel_loop3A_357 : i32 to index
        %parallel_loop3A_597 = arith.constant 272 : index
        %parallel_loop3A_598 = tpu.vector_load %arg13[%parallel_loop3A_596, %parallel_loop3A_597] {strides = array<i32>} : memref<32x512xf32, #tpu.memory_space<vmem>>, vector<1x16xf32>,
        %parallel_loop3A_599 = vector.shape_cast %parallel_loop3A_598 : vector<1x16xf32> to vector<16xf32>
        %parallel_loop3A_600 = arith.index_cast %sub3A_312 : i32 to index
        %parallel_loop3A_601 = arith.constant 272 : index
        %parallel_loop3A_602 = tpu.vector_load %arg7[%parallel_loop3A_600, %parallel_loop3A_601] {strides = array<i32>} : memref<16x512xf32, #tpu.memory_space<vmem>>, vector<1x16xf32>,
        %parallel_loop3A_603 = vector.shape_cast %parallel_loop3A_602 : vector<1x16xf32> to vector<16xf32>
        %parallel_loop3A_604 = arith.addf %parallel_loop3A_599, %parallel_loop3A_603 : vector<16xf32>
        %parallel_loop3A_605 = arith.index_cast %parallel_loop3A_357 : i32 to index
        %parallel_loop3A_606 = arith.constant 272 : index
        %parallel_loop3A_607 = tpu.vector_load %arg15[%parallel_loop3A_605, %parallel_loop3A_606] {strides = array<i32>} : memref<32x512xf32, #tpu.memory_space<vmem>>, vector<1x16xf32>,
        %parallel_loop3A_608 = vector.shape_cast %parallel_loop3A_607 : vector<1x16xf32> to vector<16xf32>
        %parallel_loop3A_609 = vector.shape_cast %parallel_loop3A_604 : vector<16xf32> to vector<1x16xf32>
        tpu.vector_store %arg15[%parallel_loop3A_605, %parallel_loop3A_606], %parallel_loop3A_609 {strides = array<i32>} : memref<32x512xf32, #tpu.memory_space<vmem>>, vector<1x16xf32>,
        %parallel_loop3A_610 = arith.index_cast %parallel_loop3A_357 : i32 to index
        %parallel_loop3A_611 = arith.constant 288 : index
        %parallel_loop3A_612 = tpu.vector_load %arg13[%parallel_loop3A_610, %parallel_loop3A_611] {strides = array<i32>} : memref<32x512xf32, #tpu.memory_space<vmem>>, vector<1x16xf32>,
        %parallel_loop3A_613 = vector.shape_cast %parallel_loop3A_612 : vector<1x16xf32> to vector<16xf32>
        %parallel_loop3A_614 = arith.index_cast %sub3A_312 : i32 to index
        %parallel_loop3A_615 = arith.constant 288 : index
        %parallel_loop3A_616 = tpu.vector_load %arg7[%parallel_loop3A_614, %parallel_loop3A_615] {strides = array<i32>} : memref<16x512xf32, #tpu.memory_space<vmem>>, vector<1x16xf32>,
        %parallel_loop3A_617 = vector.shape_cast %parallel_loop3A_616 : vector<1x16xf32> to vector<16xf32>
        %parallel_loop3A_618 = arith.addf %parallel_loop3A_613, %parallel_loop3A_617 : vector<16xf32>
        %parallel_loop3A_619 = arith.index_cast %parallel_loop3A_357 : i32 to index
        %parallel_loop3A_620 = arith.constant 288 : index
        %parallel_loop3A_621 = tpu.vector_load %arg15[%parallel_loop3A_619, %parallel_loop3A_620] {strides = array<i32>} : memref<32x512xf32, #tpu.memory_space<vmem>>, vector<1x16xf32>,
        %parallel_loop3A_622 = vector.shape_cast %parallel_loop3A_621 : vector<1x16xf32> to vector<16xf32>
        %parallel_loop3A_623 = vector.shape_cast %parallel_loop3A_618 : vector<16xf32> to vector<1x16xf32>
        tpu.vector_store %arg15[%parallel_loop3A_619, %parallel_loop3A_620], %parallel_loop3A_623 {strides = array<i32>} : memref<32x512xf32, #tpu.memory_space<vmem>>, vector<1x16xf32>,
        %parallel_loop3A_624 = arith.index_cast %parallel_loop3A_357 : i32 to index
        %parallel_loop3A_625 = arith.constant 304 : index
        %parallel_loop3A_626 = tpu.vector_load %arg13[%parallel_loop3A_624, %parallel_loop3A_625] {strides = array<i32>} : memref<32x512xf32, #tpu.memory_space<vmem>>, vector<1x16xf32>,
        %parallel_loop3A_627 = vector.shape_cast %parallel_loop3A_626 : vector<1x16xf32> to vector<16xf32>
        %parallel_loop3A_628 = arith.index_cast %sub3A_312 : i32 to index
        %parallel_loop3A_629 = arith.constant 304 : index
        %parallel_loop3A_630 = tpu.vector_load %arg7[%parallel_loop3A_628, %parallel_loop3A_629] {strides = array<i32>} : memref<16x512xf32, #tpu.memory_space<vmem>>, vector<1x16xf32>,
        %parallel_loop3A_631 = vector.shape_cast %parallel_loop3A_630 : vector<1x16xf32> to vector<16xf32>
        %parallel_loop3A_632 = arith.addf %parallel_loop3A_627, %parallel_loop3A_631 : vector<16xf32>
        %parallel_loop3A_633 = arith.index_cast %parallel_loop3A_357 : i32 to index
        %parallel_loop3A_634 = arith.constant 304 : index
        %parallel_loop3A_635 = tpu.vector_load %arg15[%parallel_loop3A_633, %parallel_loop3A_634] {strides = array<i32>} : memref<32x512xf32, #tpu.memory_space<vmem>>, vector<1x16xf32>,
        %parallel_loop3A_636 = vector.shape_cast %parallel_loop3A_635 : vector<1x16xf32> to vector<16xf32>
        %parallel_loop3A_637 = vector.shape_cast %parallel_loop3A_632 : vector<16xf32> to vector<1x16xf32>
        tpu.vector_store %arg15[%parallel_loop3A_633, %parallel_loop3A_634], %parallel_loop3A_637 {strides = array<i32>} : memref<32x512xf32, #tpu.memory_space<vmem>>, vector<1x16xf32>,
        %parallel_loop3A_638 = arith.index_cast %parallel_loop3A_357 : i32 to index
        %parallel_loop3A_639 = arith.constant 320 : index
        %parallel_loop3A_640 = tpu.vector_load %arg13[%parallel_loop3A_638, %parallel_loop3A_639] {strides = array<i32>} : memref<32x512xf32, #tpu.memory_space<vmem>>, vector<1x16xf32>,
        %parallel_loop3A_641 = vector.shape_cast %parallel_loop3A_640 : vector<1x16xf32> to vector<16xf32>
        %parallel_loop3A_642 = arith.index_cast %sub3A_312 : i32 to index
        %parallel_loop3A_643 = arith.constant 320 : index
        %parallel_loop3A_644 = tpu.vector_load %arg7[%parallel_loop3A_642, %parallel_loop3A_643] {strides = array<i32>} : memref<16x512xf32, #tpu.memory_space<vmem>>, vector<1x16xf32>,
        %parallel_loop3A_645 = vector.shape_cast %parallel_loop3A_644 : vector<1x16xf32> to vector<16xf32>
        %parallel_loop3A_646 = arith.addf %parallel_loop3A_641, %parallel_loop3A_645 : vector<16xf32>
        %parallel_loop3A_647 = arith.index_cast %parallel_loop3A_357 : i32 to index
        %parallel_loop3A_648 = arith.constant 320 : index
        %parallel_loop3A_649 = tpu.vector_load %arg15[%parallel_loop3A_647, %parallel_loop3A_648] {strides = array<i32>} : memref<32x512xf32, #tpu.memory_space<vmem>>, vector<1x16xf32>,
        %parallel_loop3A_650 = vector.shape_cast %parallel_loop3A_649 : vector<1x16xf32> to vector<16xf32>
        %parallel_loop3A_651 = vector.shape_cast %parallel_loop3A_646 : vector<16xf32> to vector<1x16xf32>
        tpu.vector_store %arg15[%parallel_loop3A_647, %parallel_loop3A_648], %parallel_loop3A_651 {strides = array<i32>} : memref<32x512xf32, #tpu.memory_space<vmem>>, vector<1x16xf32>,
        %parallel_loop3A_652 = arith.index_cast %parallel_loop3A_357 : i32 to index
        %parallel_loop3A_653 = arith.constant 336 : index
        %parallel_loop3A_654 = tpu.vector_load %arg13[%parallel_loop3A_652, %parallel_loop3A_653] {strides = array<i32>} : memref<32x512xf32, #tpu.memory_space<vmem>>, vector<1x16xf32>,
        %parallel_loop3A_655 = vector.shape_cast %parallel_loop3A_654 : vector<1x16xf32> to vector<16xf32>
        %parallel_loop3A_656 = arith.index_cast %sub3A_312 : i32 to index
        %parallel_loop3A_657 = arith.constant 336 : index
        %parallel_loop3A_658 = tpu.vector_load %arg7[%parallel_loop3A_656, %parallel_loop3A_657] {strides = array<i32>} : memref<16x512xf32, #tpu.memory_space<vmem>>, vector<1x16xf32>,
        %parallel_loop3A_659 = vector.shape_cast %parallel_loop3A_658 : vector<1x16xf32> to vector<16xf32>
        %parallel_loop3A_660 = arith.addf %parallel_loop3A_655, %parallel_loop3A_659 : vector<16xf32>
        %parallel_loop3A_661 = arith.index_cast %parallel_loop3A_357 : i32 to index
        %parallel_loop3A_662 = arith.constant 336 : index
        %parallel_loop3A_663 = tpu.vector_load %arg15[%parallel_loop3A_661, %parallel_loop3A_662] {strides = array<i32>} : memref<32x512xf32, #tpu.memory_space<vmem>>, vector<1x16xf32>,
        %parallel_loop3A_664 = vector.shape_cast %parallel_loop3A_663 : vector<1x16xf32> to vector<16xf32>
        %parallel_loop3A_665 = vector.shape_cast %parallel_loop3A_660 : vector<16xf32> to vector<1x16xf32>
        tpu.vector_store %arg15[%parallel_loop3A_661, %parallel_loop3A_662], %parallel_loop3A_665 {strides = array<i32>} : memref<32x512xf32, #tpu.memory_space<vmem>>, vector<1x16xf32>,
        %parallel_loop3A_666 = arith.index_cast %parallel_loop3A_357 : i32 to index
        %parallel_loop3A_667 = arith.constant 352 : index
        %parallel_loop3A_668 = tpu.vector_load %arg13[%parallel_loop3A_666, %parallel_loop3A_667] {strides = array<i32>} : memref<32x512xf32, #tpu.memory_space<vmem>>, vector<1x16xf32>,
        %parallel_loop3A_669 = vector.shape_cast %parallel_loop3A_668 : vector<1x16xf32> to vector<16xf32>
        %parallel_loop3A_670 = arith.index_cast %sub3A_312 : i32 to index
        %parallel_loop3A_671 = arith.constant 352 : index
        %parallel_loop3A_672 = tpu.vector_load %arg7[%parallel_loop3A_670, %parallel_loop3A_671] {strides = array<i32>} : memref<16x512xf32, #tpu.memory_space<vmem>>, vector<1x16xf32>,
        %parallel_loop3A_673 = vector.shape_cast %parallel_loop3A_672 : vector<1x16xf32> to vector<16xf32>
        %parallel_loop3A_674 = arith.addf %parallel_loop3A_669, %parallel_loop3A_673 : vector<16xf32>
        %parallel_loop3A_675 = arith.index_cast %parallel_loop3A_357 : i32 to index
        %parallel_loop3A_676 = arith.constant 352 : index
        %parallel_loop3A_677 = tpu.vector_load %arg15[%parallel_loop3A_675, %parallel_loop3A_676] {strides = array<i32>} : memref<32x512xf32, #tpu.memory_space<vmem>>, vector<1x16xf32>,
        %parallel_loop3A_678 = vector.shape_cast %parallel_loop3A_677 : vector<1x16xf32> to vector<16xf32>
        %parallel_loop3A_679 = vector.shape_cast %parallel_loop3A_674 : vector<16xf32> to vector<1x16xf32>
        tpu.vector_store %arg15[%parallel_loop3A_675, %parallel_loop3A_676], %parallel_loop3A_679 {strides = array<i32>} : memref<32x512xf32, #tpu.memory_space<vmem>>, vector<1x16xf32>,
        %parallel_loop3A_680 = arith.index_cast %parallel_loop3A_357 : i32 to index
        %parallel_loop3A_681 = arith.constant 368 : index
        %parallel_loop3A_682 = tpu.vector_load %arg13[%parallel_loop3A_680, %parallel_loop3A_681] {strides = array<i32>} : memref<32x512xf32, #tpu.memory_space<vmem>>, vector<1x16xf32>,
        %parallel_loop3A_683 = vector.shape_cast %parallel_loop3A_682 : vector<1x16xf32> to vector<16xf32>
        %parallel_loop3A_684 = arith.index_cast %sub3A_312 : i32 to index
        %parallel_loop3A_685 = arith.constant 368 : index
        %parallel_loop3A_686 = tpu.vector_load %arg7[%parallel_loop3A_684, %parallel_loop3A_685] {strides = array<i32>} : memref<16x512xf32, #tpu.memory_space<vmem>>, vector<1x16xf32>,
        %parallel_loop3A_687 = vector.shape_cast %parallel_loop3A_686 : vector<1x16xf32> to vector<16xf32>
        %parallel_loop3A_688 = arith.addf %parallel_loop3A_683, %parallel_loop3A_687 : vector<16xf32>
        %parallel_loop3A_689 = arith.index_cast %parallel_loop3A_357 : i32 to index
        %parallel_loop3A_690 = arith.constant 368 : index
        %parallel_loop3A_691 = tpu.vector_load %arg15[%parallel_loop3A_689, %parallel_loop3A_690] {strides = array<i32>} : memref<32x512xf32, #tpu.memory_space<vmem>>, vector<1x16xf32>,
        %parallel_loop3A_692 = vector.shape_cast %parallel_loop3A_691 : vector<1x16xf32> to vector<16xf32>
        %parallel_loop3A_693 = vector.shape_cast %parallel_loop3A_688 : vector<16xf32> to vector<1x16xf32>
        tpu.vector_store %arg15[%parallel_loop3A_689, %parallel_loop3A_690], %parallel_loop3A_693 {strides = array<i32>} : memref<32x512xf32, #tpu.memory_space<vmem>>, vector<1x16xf32>,
        %parallel_loop3A_694 = arith.index_cast %parallel_loop3A_357 : i32 to index
        %parallel_loop3A_695 = arith.constant 384 : index
        %parallel_loop3A_696 = tpu.vector_load %arg13[%parallel_loop3A_694, %parallel_loop3A_695] {strides = array<i32>} : memref<32x512xf32, #tpu.memory_space<vmem>>, vector<1x16xf32>,
        %parallel_loop3A_697 = vector.shape_cast %parallel_loop3A_696 : vector<1x16xf32> to vector<16xf32>
        %parallel_loop3A_698 = arith.index_cast %sub3A_312 : i32 to index
        %parallel_loop3A_699 = arith.constant 384 : index
        %parallel_loop3A_700 = tpu.vector_load %arg7[%parallel_loop3A_698, %parallel_loop3A_699] {strides = array<i32>} : memref<16x512xf32, #tpu.memory_space<vmem>>, vector<1x16xf32>,
        %parallel_loop3A_701 = vector.shape_cast %parallel_loop3A_700 : vector<1x16xf32> to vector<16xf32>
        %parallel_loop3A_702 = arith.addf %parallel_loop3A_697, %parallel_loop3A_701 : vector<16xf32>
        %parallel_loop3A_703 = arith.index_cast %parallel_loop3A_357 : i32 to index
        %parallel_loop3A_704 = arith.constant 384 : index
        %parallel_loop3A_705 = tpu.vector_load %arg15[%parallel_loop3A_703, %parallel_loop3A_704] {strides = array<i32>} : memref<32x512xf32, #tpu.memory_space<vmem>>, vector<1x16xf32>,
        %parallel_loop3A_706 = vector.shape_cast %parallel_loop3A_705 : vector<1x16xf32> to vector<16xf32>
        %parallel_loop3A_707 = vector.shape_cast %parallel_loop3A_702 : vector<16xf32> to vector<1x16xf32>
        tpu.vector_store %arg15[%parallel_loop3A_703, %parallel_loop3A_704], %parallel_loop3A_707 {strides = array<i32>} : memref<32x512xf32, #tpu.memory_space<vmem>>, vector<1x16xf32>,
        %parallel_loop3A_708 = arith.index_cast %parallel_loop3A_357 : i32 to index
        %parallel_loop3A_709 = arith.constant 400 : index
        %parallel_loop3A_710 = tpu.vector_load %arg13[%parallel_loop3A_708, %parallel_loop3A_709] {strides = array<i32>} : memref<32x512xf32, #tpu.memory_space<vmem>>, vector<1x16xf32>,
        %parallel_loop3A_711 = vector.shape_cast %parallel_loop3A_710 : vector<1x16xf32> to vector<16xf32>
        %parallel_loop3A_712 = arith.index_cast %sub3A_312 : i32 to index
        %parallel_loop3A_713 = arith.constant 400 : index
        %parallel_loop3A_714 = tpu.vector_load %arg7[%parallel_loop3A_712, %parallel_loop3A_713] {strides = array<i32>} : memref<16x512xf32, #tpu.memory_space<vmem>>, vector<1x16xf32>,
        %parallel_loop3A_715 = vector.shape_cast %parallel_loop3A_714 : vector<1x16xf32> to vector<16xf32>
        %parallel_loop3A_716 = arith.addf %parallel_loop3A_711, %parallel_loop3A_715 : vector<16xf32>
        %parallel_loop3A_717 = arith.index_cast %parallel_loop3A_357 : i32 to index
        %parallel_loop3A_718 = arith.constant 400 : index
        %parallel_loop3A_719 = tpu.vector_load %arg15[%parallel_loop3A_717, %parallel_loop3A_718] {strides = array<i32>} : memref<32x512xf32, #tpu.memory_space<vmem>>, vector<1x16xf32>,
        %parallel_loop3A_720 = vector.shape_cast %parallel_loop3A_719 : vector<1x16xf32> to vector<16xf32>
        %parallel_loop3A_721 = vector.shape_cast %parallel_loop3A_716 : vector<16xf32> to vector<1x16xf32>
        tpu.vector_store %arg15[%parallel_loop3A_717, %parallel_loop3A_718], %parallel_loop3A_721 {strides = array<i32>} : memref<32x512xf32, #tpu.memory_space<vmem>>, vector<1x16xf32>,
        %parallel_loop3A_722 = arith.index_cast %parallel_loop3A_357 : i32 to index
        %parallel_loop3A_723 = arith.constant 416 : index
        %parallel_loop3A_724 = tpu.vector_load %arg13[%parallel_loop3A_722, %parallel_loop3A_723] {strides = array<i32>} : memref<32x512xf32, #tpu.memory_space<vmem>>, vector<1x16xf32>,
        %parallel_loop3A_725 = vector.shape_cast %parallel_loop3A_724 : vector<1x16xf32> to vector<16xf32>
        %parallel_loop3A_726 = arith.index_cast %sub3A_312 : i32 to index
        %parallel_loop3A_727 = arith.constant 416 : index
        %parallel_loop3A_728 = tpu.vector_load %arg7[%parallel_loop3A_726, %parallel_loop3A_727] {strides = array<i32>} : memref<16x512xf32, #tpu.memory_space<vmem>>, vector<1x16xf32>,
        %parallel_loop3A_729 = vector.shape_cast %parallel_loop3A_728 : vector<1x16xf32> to vector<16xf32>
        %parallel_loop3A_730 = arith.addf %parallel_loop3A_725, %parallel_loop3A_729 : vector<16xf32>
        %parallel_loop3A_731 = arith.index_cast %parallel_loop3A_357 : i32 to index
        %parallel_loop3A_732 = arith.constant 416 : index
        %parallel_loop3A_733 = tpu.vector_load %arg15[%parallel_loop3A_731, %parallel_loop3A_732] {strides = array<i32>} : memref<32x512xf32, #tpu.memory_space<vmem>>, vector<1x16xf32>,
        %parallel_loop3A_734 = vector.shape_cast %parallel_loop3A_733 : vector<1x16xf32> to vector<16xf32>
        %parallel_loop3A_735 = vector.shape_cast %parallel_loop3A_730 : vector<16xf32> to vector<1x16xf32>
        tpu.vector_store %arg15[%parallel_loop3A_731, %parallel_loop3A_732], %parallel_loop3A_735 {strides = array<i32>} : memref<32x512xf32, #tpu.memory_space<vmem>>, vector<1x16xf32>,
        %parallel_loop3A_736 = arith.index_cast %parallel_loop3A_357 : i32 to index
        %parallel_loop3A_737 = arith.constant 432 : index
        %parallel_loop3A_738 = tpu.vector_load %arg13[%parallel_loop3A_736, %parallel_loop3A_737] {strides = array<i32>} : memref<32x512xf32, #tpu.memory_space<vmem>>, vector<1x16xf32>,
        %parallel_loop3A_739 = vector.shape_cast %parallel_loop3A_738 : vector<1x16xf32> to vector<16xf32>
        %parallel_loop3A_740 = arith.index_cast %sub3A_312 : i32 to index
        %parallel_loop3A_741 = arith.constant 432 : index
        %parallel_loop3A_742 = tpu.vector_load %arg7[%parallel_loop3A_740, %parallel_loop3A_741] {strides = array<i32>} : memref<16x512xf32, #tpu.memory_space<vmem>>, vector<1x16xf32>,
        %parallel_loop3A_743 = vector.shape_cast %parallel_loop3A_742 : vector<1x16xf32> to vector<16xf32>
        %parallel_loop3A_744 = arith.addf %parallel_loop3A_739, %parallel_loop3A_743 : vector<16xf32>
        %parallel_loop3A_745 = arith.index_cast %parallel_loop3A_357 : i32 to index
        %parallel_loop3A_746 = arith.constant 432 : index
        %parallel_loop3A_747 = tpu.vector_load %arg15[%parallel_loop3A_745, %parallel_loop3A_746] {strides = array<i32>} : memref<32x512xf32, #tpu.memory_space<vmem>>, vector<1x16xf32>,
        %parallel_loop3A_748 = vector.shape_cast %parallel_loop3A_747 : vector<1x16xf32> to vector<16xf32>
        %parallel_loop3A_749 = vector.shape_cast %parallel_loop3A_744 : vector<16xf32> to vector<1x16xf32>
        tpu.vector_store %arg15[%parallel_loop3A_745, %parallel_loop3A_746], %parallel_loop3A_749 {strides = array<i32>} : memref<32x512xf32, #tpu.memory_space<vmem>>, vector<1x16xf32>,
        %parallel_loop3A_750 = arith.index_cast %parallel_loop3A_357 : i32 to index
        %parallel_loop3A_751 = arith.constant 448 : index
        %parallel_loop3A_752 = tpu.vector_load %arg13[%parallel_loop3A_750, %parallel_loop3A_751] {strides = array<i32>} : memref<32x512xf32, #tpu.memory_space<vmem>>, vector<1x16xf32>,
        %parallel_loop3A_753 = vector.shape_cast %parallel_loop3A_752 : vector<1x16xf32> to vector<16xf32>
        %parallel_loop3A_754 = arith.index_cast %sub3A_312 : i32 to index
        %parallel_loop3A_755 = arith.constant 448 : index
        %parallel_loop3A_756 = tpu.vector_load %arg7[%parallel_loop3A_754, %parallel_loop3A_755] {strides = array<i32>} : memref<16x512xf32, #tpu.memory_space<vmem>>, vector<1x16xf32>,
        %parallel_loop3A_757 = vector.shape_cast %parallel_loop3A_756 : vector<1x16xf32> to vector<16xf32>
        %parallel_loop3A_758 = arith.addf %parallel_loop3A_753, %parallel_loop3A_757 : vector<16xf32>
        %parallel_loop3A_759 = arith.index_cast %parallel_loop3A_357 : i32 to index
        %parallel_loop3A_760 = arith.constant 448 : index
        %parallel_loop3A_761 = tpu.vector_load %arg15[%parallel_loop3A_759, %parallel_loop3A_760] {strides = array<i32>} : memref<32x512xf32, #tpu.memory_space<vmem>>, vector<1x16xf32>,
        %parallel_loop3A_762 = vector.shape_cast %parallel_loop3A_761 : vector<1x16xf32> to vector<16xf32>
        %parallel_loop3A_763 = vector.shape_cast %parallel_loop3A_758 : vector<16xf32> to vector<1x16xf32>
        tpu.vector_store %arg15[%parallel_loop3A_759, %parallel_loop3A_760], %parallel_loop3A_763 {strides = array<i32>} : memref<32x512xf32, #tpu.memory_space<vmem>>, vector<1x16xf32>,
        %parallel_loop3A_764 = arith.index_cast %parallel_loop3A_357 : i32 to index
        %parallel_loop3A_765 = arith.constant 464 : index
        %parallel_loop3A_766 = tpu.vector_load %arg13[%parallel_loop3A_764, %parallel_loop3A_765] {strides = array<i32>} : memref<32x512xf32, #tpu.memory_space<vmem>>, vector<1x16xf32>,
        %parallel_loop3A_767 = vector.shape_cast %parallel_loop3A_766 : vector<1x16xf32> to vector<16xf32>
        %parallel_loop3A_768 = arith.index_cast %sub3A_312 : i32 to index
        %parallel_loop3A_769 = arith.constant 464 : index
        %parallel_loop3A_770 = tpu.vector_load %arg7[%parallel_loop3A_768, %parallel_loop3A_769] {strides = array<i32>} : memref<16x512xf32, #tpu.memory_space<vmem>>, vector<1x16xf32>,
        %parallel_loop3A_771 = vector.shape_cast %parallel_loop3A_770 : vector<1x16xf32> to vector<16xf32>
        %parallel_loop3A_772 = arith.addf %parallel_loop3A_767, %parallel_loop3A_771 : vector<16xf32>
        %parallel_loop3A_773 = arith.index_cast %parallel_loop3A_357 : i32 to index
        %parallel_loop3A_774 = arith.constant 464 : index
        %parallel_loop3A_775 = tpu.vector_load %arg15[%parallel_loop3A_773, %parallel_loop3A_774] {strides = array<i32>} : memref<32x512xf32, #tpu.memory_space<vmem>>, vector<1x16xf32>,
        %parallel_loop3A_776 = vector.shape_cast %parallel_loop3A_775 : vector<1x16xf32> to vector<16xf32>
        %parallel_loop3A_777 = vector.shape_cast %parallel_loop3A_772 : vector<16xf32> to vector<1x16xf32>
        tpu.vector_store %arg15[%parallel_loop3A_773, %parallel_loop3A_774], %parallel_loop3A_777 {strides = array<i32>} : memref<32x512xf32, #tpu.memory_space<vmem>>, vector<1x16xf32>,
        %parallel_loop3A_778 = arith.index_cast %parallel_loop3A_357 : i32 to index
        %parallel_loop3A_779 = arith.constant 480 : index
        %parallel_loop3A_780 = tpu.vector_load %arg13[%parallel_loop3A_778, %parallel_loop3A_779] {strides = array<i32>} : memref<32x512xf32, #tpu.memory_space<vmem>>, vector<1x16xf32>,
        %parallel_loop3A_781 = vector.shape_cast %parallel_loop3A_780 : vector<1x16xf32> to vector<16xf32>
        %parallel_loop3A_782 = arith.index_cast %sub3A_312 : i32 to index
        %parallel_loop3A_783 = arith.constant 480 : index
        %parallel_loop3A_784 = tpu.vector_load %arg7[%parallel_loop3A_782, %parallel_loop3A_783] {strides = array<i32>} : memref<16x512xf32, #tpu.memory_space<vmem>>, vector<1x16xf32>,
        %parallel_loop3A_785 = vector.shape_cast %parallel_loop3A_784 : vector<1x16xf32> to vector<16xf32>
        %parallel_loop3A_786 = arith.addf %parallel_loop3A_781, %parallel_loop3A_785 : vector<16xf32>
        %parallel_loop3A_787 = arith.index_cast %parallel_loop3A_357 : i32 to index
        %parallel_loop3A_788 = arith.constant 480 : index
        %parallel_loop3A_789 = tpu.vector_load %arg15[%parallel_loop3A_787, %parallel_loop3A_788] {strides = array<i32>} : memref<32x512xf32, #tpu.memory_space<vmem>>, vector<1x16xf32>,
        %parallel_loop3A_790 = vector.shape_cast %parallel_loop3A_789 : vector<1x16xf32> to vector<16xf32>
        %parallel_loop3A_791 = vector.shape_cast %parallel_loop3A_786 : vector<16xf32> to vector<1x16xf32>
        tpu.vector_store %arg15[%parallel_loop3A_787, %parallel_loop3A_788], %parallel_loop3A_791 {strides = array<i32>} : memref<32x512xf32, #tpu.memory_space<vmem>>, vector<1x16xf32>,
        %parallel_loop3A_792 = arith.index_cast %parallel_loop3A_357 : i32 to index
        %parallel_loop3A_793 = arith.constant 496 : index
        %parallel_loop3A_794 = tpu.vector_load %arg13[%parallel_loop3A_792, %parallel_loop3A_793] {strides = array<i32>} : memref<32x512xf32, #tpu.memory_space<vmem>>, vector<1x16xf32>,
        %parallel_loop3A_795 = vector.shape_cast %parallel_loop3A_794 : vector<1x16xf32> to vector<16xf32>
        %parallel_loop3A_796 = arith.index_cast %sub3A_312 : i32 to index
        %parallel_loop3A_797 = arith.constant 496 : index
        %parallel_loop3A_798 = tpu.vector_load %arg7[%parallel_loop3A_796, %parallel_loop3A_797] {strides = array<i32>} : memref<16x512xf32, #tpu.memory_space<vmem>>, vector<1x16xf32>,
        %parallel_loop3A_799 = vector.shape_cast %parallel_loop3A_798 : vector<1x16xf32> to vector<16xf32>
        %parallel_loop3A_800 = arith.addf %parallel_loop3A_795, %parallel_loop3A_799 : vector<16xf32>
        %parallel_loop3A_801 = arith.index_cast %parallel_loop3A_357 : i32 to index
        %parallel_loop3A_802 = arith.constant 496 : index
        %parallel_loop3A_803 = tpu.vector_load %arg15[%parallel_loop3A_801, %parallel_loop3A_802] {strides = array<i32>} : memref<32x512xf32, #tpu.memory_space<vmem>>, vector<1x16xf32>,
        %parallel_loop3A_804 = vector.shape_cast %parallel_loop3A_803 : vector<1x16xf32> to vector<16xf32>
        %parallel_loop3A_805 = vector.shape_cast %parallel_loop3A_800 : vector<16xf32> to vector<1x16xf32>
        tpu.vector_store %arg15[%parallel_loop3A_801, %parallel_loop3A_802], %parallel_loop3A_805 {strides = array<i32>} : memref<32x512xf32, #tpu.memory_space<vmem>>, vector<1x16xf32>,
      } {sc.loop_unroll_factor = 1 : i64, sc.parallel_access}
      %dma_start3A_346 = arith.constant 0 : i32
      %dma_start3A_347 = arith.constant 0 : i32
      %dma_start3A_348 = tpu.memref_slice %arg5[%dma_start3A_346, %dma_start3A_347] : memref<315392x512xf32, #tpu.memory_space<hbm>> -> memref<315392x512xf32, #tpu.memory_space<hbm>>
      tpu.enqueue_indirect_dma source(%arg15 : memref<32x512xf32, #tpu.memory_space<vmem>>) target(%dma_start3A_348 : memref<315392x512xf32, #tpu.memory_space<hbm>>) offsets(%arg9 : memref<32xi32, #tpu.memory_space<vmem>>) semaphore(%arg21 : memref<!tpu.dma_semaphore, #tpu.memory_space<semaphore_mem>>)
      %add3A_349 = arith.constant 4 : i32
      %add3A_350 = arith.addi %add3A_290, %add3A_349 : i32
      %lt3A_351 = arith.constant 308 : i32
      %lt3A_352 = arith.cmpi slt, %add3A_350, %lt3A_351 : i32
      %convert_element_type3A_353 = arith.extui %lt3A_352 : i1 to i32
      %cond3A_354 = arith.constant 0 : i32
      %cond3A_355 = arith.cmpi ne, %convert_element_type3A_353, %cond3A_354 : i32
      scf.if %cond3A_355 {
        %add3A_357 = arith.constant 4 : i32
        %add3A_358 = arith.addi %add3A_290, %add3A_357 : i32
        %div3A_359 = arith.constant 4 : i32
        %div3A_360 = arith.divsi %add3A_358, %div3A_359 : i32
        %rem3A_361 = arith.constant 4 : i32
        %rem3A_362 = arith.remsi %add3A_358, %rem3A_361 : i32
        %mul3A_363 = arith.constant 32 : i32
        %mul3A_364 = arith.muli %rem3A_362, %mul3A_363 : i32
        %dma_start3A_365 = tpu.memref_slice %arg6[%div3A_360, %mul3A_364] : memref<77x128xi32, #tpu.memory_space<vmem>> -> memref<1x32xi32, #tpu.memory_space<vmem>>
        %dma_start3A_366 = tpu.memref_squeeze %dma_start3A_365 : memref<1x32xi32, #tpu.memory_space<vmem>> -> memref<32xi32, #tpu.memory_space<vmem>>
        %dma_start3A_367 = arith.constant 0 : i32
        %dma_start3A_368 = arith.constant 0 : i32
        %dma_start3A_369 = tpu.memref_slice %arg3[%dma_start3A_367, %dma_start3A_368] : memref<49408x512xf32, #tpu.memory_space<hbm>> -> memref<49408x512xf32, #tpu.memory_space<hbm>>
        tpu.enqueue_indirect_dma source(%dma_start3A_369 : memref<49408x512xf32, #tpu.memory_space<hbm>>) target(%arg13 : memref<32x512xf32, #tpu.memory_space<vmem>>) offsets(%dma_start3A_366 : memref<32xi32, #tpu.memory_space<vmem>>) semaphore(%arg19 : memref<!tpu.dma_semaphore, #tpu.memory_space<semaphore_mem>>)
      } else {
      }
      %scan3A_356 = arith.constant 0 : i32
      scf.yield %scan3A_356 : i32
    }
    %scan3A_78 = arith.constant 77 : i32
    %dma_wait3A = arith.constant 0 : i32
    %dma_wait3A_79 = arith.constant 0 : i32
    %dma_wait3A_80 = tpu.memref_slice %arg5[%dma_wait3A, %dma_wait3A_79] : memref<315392x512xf32, #tpu.memory_space<hbm>> -> memref<315392x512xf32, #tpu.memory_space<hbm>>
    tpu.wait_indirect_dma semaphore(%arg20 : memref<!tpu.dma_semaphore, #tpu.memory_space<semaphore_mem>>) src(%arg14 : memref<32x512xf32, #tpu.memory_space<vmem>>) dst(%dma_wait3A_80 : memref<315392x512xf32, #tpu.memory_space<hbm>>)
    %dma_wait3A_81 = arith.constant 0 : i32
    %dma_wait3A_82 = arith.constant 0 : i32
    %dma_wait3A_83 = tpu.memref_slice %arg5[%dma_wait3A_81, %dma_wait3A_82] : memref<315392x512xf32, #tpu.memory_space<hbm>> -> memref<315392x512xf32, #tpu.memory_space<hbm>>
    tpu.wait_indirect_dma semaphore(%arg21 : memref<!tpu.dma_semaphore, #tpu.memory_space<semaphore_mem>>) src(%arg15 : memref<32x512xf32, #tpu.memory_space<vmem>>) dst(%dma_wait3A_83 : memref<315392x512xf32, #tpu.memory_space<hbm>>)
    return
  }
}

</mosaic_0001>

<sc_bundles>
// kernel: kernel.3.cloned.1.call-start
scs
__scs_entry_jumppad:
0x0: {  	(pc) =	sbr.rel $0x88, $3  }
0x1: {  	(tag) =	ssettag $0x0;
	lr =	simm.s32 $0x1  }
0x2: {  	[smem:$0x3F9E] =	sst lr;
	_ =	strace $0xD0000000  }
0x3: {  	_ = 	snop  }
0x4: {  	_ = 	snop  }
0x5: {  	_ = 	snop  }
0x6: {  	_ = 	snop  }
0x7: {  	_ = 	snop  }
__scs_overlays_trampoline_lowered:
0x8: {  	[smem:$0x3FAD] =	sst s0  }
0x9: {  	[smem:$0x3FAE] =	sst s1  }
0xa: {  	[smem:$0x3FAF] =	sst s2  }
0xb: {  	[smem:$0x3FB0] =	sst s3  }
0xc: {  	[smem:$0x3FB1] =	sst s4  }
0xd: {  	[smem:$0x3FB2] =	sst s5  }
0xe: {  	[smem:$0x3FB3] =	sst s6  }
0xf: {  	[smem:$0x3FB4] =	sst s7  }
0x10: {  	[smem:$0x3FB5] =	sst s8  }
0x11: {  	[smem:$0x3FB6] =	sst s9;
	s0 =	simm.s32 @!p0 $0x0  }
0x12: {  	s1 =	sld [smem:$0x3F9C];
	s0 =	simm.s32 @p0 $0x1  }
0x13: {  	[smem:$0x3FB7] =	sst s0;
	s0 =	simm.s32 @!p1 $0x0  }
0x14: {  	s2 =	sld [smem:$0x3F9B];
	s0 =	simm.s32 @p1 $0x1  }
0x15: {  	[smem:$0x3FB8] =	sst s0;
	s0 =	simm.s32 @!p2 $0x0  }
0x16: {  	s3 =	sld [smem:$0x3FDB];
	s0 =	simm.s32 @p2 $0x1  }
0x17: {  	s4 =	simm.s32 $0x1BF5;
	[smem:$0x3FBA] =	sst s0  }
0x18: {  	s0 =	sld [smem:$0x3F9D];
	_ =	swait.ge [sflag:s4], $0x0  }
0x19: {  	s7 =	sld [smem:$0x3F9E]  }
0x1a: {  	s8 =	sadd.s32 $0xFFFFE003, lr  }
0x1b: {  	s9 =	sadd.s32 $0xFFFFFEF7, lr;
	s5 =	simm.s32 $0xFFFFFFFF;
	p2 =	slt.u32 s8, $0xFFFFF086  }
0x1c: {  	p1 =	slt.u32 s9, $0xF7A;
	s5 =	simm.s32 @!p2 $0x0  }
0x1d: {  	s5 =	simm.s32 @p1 $0x1;
	p0 =	seq.s32 s7, s2  }
0x1e: {  	s7 =	smul.u32 @!p0 $0xF7A, s2;
	p2 =	seq.s32 @!p0 s5, $0x0  }
0x1f: {  	s9 =	smul.u32 $0xF7A, s1;
	s8 =	simm.s32 @!p0 $0x1BF5;
	p2 =	por !p2, p0  }
0x20: {  	[sflag:s8] =	ssyncset.s32 @!p0 $0xFFFFF086;
	s6 =	sadd.s32 @!p0 s3, s7;
	s7 =	simm.s32 @!p0 $0x108  }
0x21: {  	s3 =	sadd.s32 s3, s9;
	s6 =	sadd.s32 @!p0 $0x88, s6;
	s7 =	simm.s32 @p2 $0x1082  }
0x22: {  	[simem:s7], [sflag:s8] =	dma.local @!p0 [hbm:s6], $0xF7A  }
0x23: {  	s9 =	sor.u32 $0xD0000000, s2;
	s6 =	simm.s32 $0x108;
	_ =	swait.ge @!p0 [sflag:s8], $0x0  }
0x24: {  	s3 =	sadd.s32 $0x88, s3;
	s6 =	simm.s32 @!p1 $0x1082;
	[sflag:s4] =	ssyncset.s32 $0xFFFFF086  }
0x25: {  	[simem:s6], [sflag:s4] =	dma.local [hbm:s3], $0xF7A  }
0x26: {  	[smem:$0x3F9E] =	sst s1;
	(tag) =	ssettag s2;
	_ =	strace s9  }
0x27: {  	s1 =	sld [smem:$0x3FAE]  }
0x28: {  	s2 =	sld [smem:$0x3FAF]  }
0x29: {  	s4 =	sld [smem:$0x3FB1]  }
0x2a: {  	p0 =	seq.s32 s5, $0x0;
	s5 =	sld [smem:$0x3FB2]  }
0x2b: {  	s6 =	sld [smem:$0x3FB3]  }
0x2c: {  	s7 =	sld [smem:$0x3FB4]  }
0x2d: {  	s3 =	simm.s32 $0x108;
	s8 =	sld [smem:$0x3FB5]  }
0x2e: {  	s3 =	simm.s32 @!p0 $0x1082;
	s9 =	sld [smem:$0x3FB6]  }
0x2f: {  	lr =	sadd.s32 s0, s3;
	s0 =	sld [smem:$0x3FAD]  }
0x30: {  	s3 =	sld [smem:$0x3FB0]  }
0x31: {  	[smem:$0x3FB9] =	sst s10  }
0x32: {  	s10 =	sld [smem:$0x3FB7];
	_ =	sdelay $0x3  }
0x33: {  	p0 =	seq.s32 s10, $0x1;
	s10 =	sld [smem:$0x3FB9];
	_ =	sdelay $0x3  }
0x34: {  	[smem:$0x3FB9] =	sst s10  }
0x35: {  	s10 =	sld [smem:$0x3FB8];
	_ =	sdelay $0x3  }
0x36: {  	p1 =	seq.s32 s10, $0x1;
	s10 =	sld [smem:$0x3FB9];
	_ =	sdelay $0x3  }
0x37: {  	[smem:$0x3FB9] =	sst s10  }
0x38: {  	s10 =	sld [smem:$0x3FBA]  }
0x39: {  	_ = 	snop;
	(pc) =	sbr.ind lr, $3  }
0x3a: {  	_ = 	snop  }
0x3b: {  	_ = 	snop  }
0x3c: {  	p2 =	seq.s32 s10, $0x1;
	s10 =	sld [smem:$0x3FB9]  }
0x3d: {  	_ =	shalt  }
0x3e: {  	_ =	shalt  }
0x3f: {  	_ =	shalt  }
0x40: {  	_ =	shalt  }
0x41: {  	_ =	shalt  }
0x42: {  	_ =	shalt  }
0x43: {  	_ =	shalt  }
0x44: {  	_ =	shalt  }
0x45: {  	_ =	shalt  }
0x46: {  	_ =	shalt  }
0x47: {  	_ =	shalt  }
0x48: {  	_ =	shalt  }
0x49: {  	_ =	shalt  }
0x4a: {  	_ =	shalt  }
0x4b: {  	_ =	shalt  }
0x4c: {  	_ =	shalt  }
0x4d: {  	_ =	shalt  }
0x4e: {  	_ =	shalt  }
0x4f: {  	_ =	shalt  }
0x50: {  	_ =	shalt  }
0x51: {  	_ =	shalt  }
0x52: {  	_ =	shalt  }
0x53: {  	_ =	shalt  }
0x54: {  	_ =	shalt  }
0x55: {  	_ =	shalt  }
0x56: {  	_ =	shalt  }
0x57: {  	_ =	shalt  }
0x58: {  	_ =	shalt  }
0x59: {  	_ =	shalt  }
0x5a: {  	_ =	shalt  }
0x5b: {  	_ =	shalt  }
0x5c: {  	_ =	shalt  }
0x5d: {  	_ =	shalt  }
0x5e: {  	_ =	shalt  }
0x5f: {  	_ =	shalt  }
0x60: {  	_ =	shalt  }
0x61: {  	_ =	shalt  }
0x62: {  	_ =	shalt  }
0x63: {  	_ =	shalt  }
0x64: {  	_ =	shalt  }
0x65: {  	_ =	shalt  }
0x66: {  	_ =	shalt  }
0x67: {  	_ =	shalt  }
0x68: {  	_ =	shalt  }
0x69: {  	_ =	shalt  }
0x6a: {  	_ =	shalt  }
0x6b: {  	_ =	shalt  }
0x6c: {  	_ =	shalt  }
0x6d: {  	_ =	shalt  }
0x6e: {  	_ =	shalt  }
0x6f: {  	_ =	shalt  }
0x70: {  	_ =	shalt  }
0x71: {  	_ =	shalt  }
0x72: {  	_ =	shalt  }
0x73: {  	_ =	shalt  }
0x74: {  	_ =	shalt  }
0x75: {  	_ =	shalt  }
0x76: {  	_ =	shalt  }
0x77: {  	_ =	shalt  }
0x78: {  	_ =	shalt  }
0x79: {  	_ =	shalt  }
0x7a: {  	_ =	shalt  }
0x7b: {  	_ =	shalt  }
0x7c: {  	_ =	shalt  }
0x7d: {  	_ =	shalt  }
0x7e: {  	_ =	shalt  }
0x7f: {  	_ =	shalt  }
0x80: {  	_ =	shalt  }
0x81: {  	_ =	shalt  }
0x82: {  	_ =	shalt  }
0x83: {  	_ =	shalt  }
0x84: {  	_ =	shalt  }
0x85: {  	_ =	shalt  }
0x86: {  	_ =	shalt  }
0x87: {  	_ =	shalt  }
.Lfunc_end0:
.L_simem_size_0:
called_computation.1_lowered:
.L_overlay_start_0:
0x88: {  	s2 =	sld [smem:$0x3FD9]  }
0x89: {  	s3 =	sld [smem:$0x3FFE];
	_ =	sdelay $0x1  }
0x8a: {  	s1 =	srdreg.scid  }
0x8b: {  	s0 =	sand.u32 $0x1, s1  }
0x8c: {  	s17 =	sshll.u32 s0, $0xA;
	s2 =	sadd.s32 s3, s2  }
0x8d: {  	s2 =	sadd.s32 s2, s17  }
0x8e: {  	[smem:$0x3FC5] =	sst s2  }
0x8f: {  	_ = 	snop  }
0x90: {  	s2 =	sld [smem:$0x3FC8]  }
0x91: {  	s18 =	sld [smem:$0x3FD0];
	(tm) =	ssettm $0x1  }
0x92: {  	s4 =	sld [smem:$0x3FFB];
	_ =	sdelay $0x3  }
0x93: {  	_ =	strace s4  }
0x94: {  	s4 =	sld [smem:$0x3FFC];
	_ =	sdelay $0x3  }
0x95: {  	_ =	strace s4  }
0x96: {  	s4 =	sld [smem:$0x3FFD];
	_ =	sdelay $0x3  }
0x97: {  	_ =	strace s4  }
0x98: {  	_ =	strace $0x8FFFFFFF  }
0x99: {  	s19 =	sld [smem:$0x3FDB];
	_ =	sdelay $0x1  }
0x9a: {  	s5 =	simm.s32 $_scs_section_size  }
0x9b: {  	s6 =	simm.s32 $_size__tile_overlayer_lowered;
	s7 =	simm.s32 $_tile_overlayer_lowered  }
0x9c: {  	s22 =	simm.s32 $0x1BFF;
	s21 =	sshll.u32 s7, $0x1;
	s4 =	sadd.s32 s5, s19  }
0x9d: {  	s8 =	simm.s32 $0x0;
	s20 =	sshll.u32 s6, $0x1;
	s6 =	sadd.s32 s21, s4  }
0x9e: {  	[timem:s8], [sflag:s22] =	dma.local [hbm:s6], s20  }
0x9f: {  	_ =	swait.ge [sflag:s22], s20  }
0xa0: {  	s5 =	ssub.s32 $0x0, s20;
	[sflag:s22] =	ssyncset.done $0x0  }
0xa1: {  	[sflag:s22] =	ssyncadd.s32 s5;
	_ =	sdelay $0x1  }
0xa2: {  	s23 =	simm.s32 $0x1B8B  }
0xa3: {  	_ =	swait.ge [sflag:s23], $0x1  }
0xa4: {  	[sflag:s23] =	ssyncset.done $0x0  }
0xa5: {  	s25 =	simm.s32 $0x1B8E;
	s24 =	sld [smem:$0x3FFE];
	[sflag:s23] =	ssyncadd.s32 $0xFFFFFFFF  }
0xa6: {  	s26 =	simm.s32 $execute0_lowered;
	[smem:$0x3FD2] =	sst s25  }
0xa7: {  	s6 =	sshll.u32 s26, $0x1;
	_ =	strace $0x80000046;
	[dreg:$0x1] =	wrdreg $0xFFFFFFFF  }
0xa8: {  	s28 =	simm.s32 $_size_execute0_lowered;
	s4 =	sadd.s32 s4, s6;
	[dreg:$0x0] =	wrdreg $0x0  }
0xa9: {  	s6 =	sshll.u32 s28, $0x1;
	[dreg:$0x2] =	wrdreg s4  }
0xaa: {  	[dreg:$0x3] =	wrdreg s6  }
0xab: {  	[dreg:$0x4] =	wrdreg $0xC0  }
0xac: {  	_ =	task [dreg:s8], $0x5FFFF  }
0xad: {  	[dreg:$0x1] =	wrdreg $0xFFFFFFFF  }
0xae: {  	[dreg:$0x0] =	wrdreg $0x60  }
0xaf: {  	[dreg:$0x2] =	wrdreg s24  }
0xb0: {  	[dreg:$0x3] =	wrdreg s2  }
0xb1: {  	[dreg:$0x4] =	wrdreg s18  }
0xb2: {  	[dreg:$0x5] =	wrdreg $0x9  }
0xb3: {  	_ =	task.clear_ibuf [dreg:s8], $0x6FFFF;
	_ =	strace $0x90000046  }
0xb4: {  	s29 =	simm.s32 $0x9;
	_ =	strace $0x80000048  }
0xb5: {  	_ =	swait.ge [sflag:s29], $0x1  }
0xb6: {  	[sflag:s29] =	ssyncadd.s32 $0xFFFFFFFF  }
0xb7: {  	_ =	strace $0x90000048  }
0xb8: {  	_ =	sfence  }
0xb9: {  	s30 =	sld [smem:$0x0];
	_ =	sdelay $0x2  }
0xba: {  	s31 =	sshll.u32 s1, $0xD;
	s1 =	sshrl.u32 s1, $0x2  }
0xbb: {  	s3 =	sand.u32 $0x4000, s31;
	s1 =	sadd.s32 s1, s30  }
0xbc: {  	s0 =	sor.u32 s3, s0;
	s1 =	sshll.u32 s1, $0x11  }
0xbd: {  	s0 =	sor.u32 s1, s0  }
0xbe: {  	s0 =	sadd.s32 $0x8F2B, s0  }
0xbf: {  	[sflag:s0] =	ssyncadd.remote.s32 $0x1  }
0xc0: {  	_ =	sfence.sel $0xFFFF  }
0xc1: {  	[dreg:$0x0] =	wrdreg $0xFFFFFFFF;
	(pc) =	sbr.abs _section_cstart, $3  }
0xc2: {  	[dreg:$0x1] =	wrdreg $0xFFFFFFFF  }
0xc3: {  	_ =	task.clear_ibuf [dreg:s8], $0x2FFFF;
	_ =	strace $0x9FFFFFFF  }
0xc4: {  	(tm) =	ssettm $0x7FFFFFFF  }
0xc5: {  	_ =	shalt  }
tec
execute0_lowered:
.L_overlay_start_1:
0x0: {  	(tag) =	ssettag $0x1  }
0x1: {  	s0 =	rddreg [dreg:$0x0];
	s1 =	srdreg.scid  }
0x2: {  	s3 =	stileid.u32;
	s2 =	rddreg [dreg:$0x1]  }
0x3: {  	s20 =	simm.s32 $0x14900;
	s15 =	simm.s32 $0x2;
	s16 =	simm.s32 $0x6  }
0x4: {  	s21 =	simm.s32 $0x1A900;
	s28 =	simm.s32 $0x1B900;
	s29 =	simm.s32 $0x1C100  }
0x5: {  	s30 =	simm.s32 $0x3;
	s1 =	sand.u32 $0x1, s1;
	s4 =	sshll.u32 s3, $0x1  }
0x6: {  	s31 =	simm.s32 $0x5;
	s3 =	rddreg [dreg:$0x2];
	s6 =	sor.u32 s1, s4  }
0x7: {  	s9 =	sadd.s32 $0x100, s2;
	s4 =	simm.s32 $0x0;
	s5 =	smul.u32 $0x2680, s6  }
0x8: {  	s1 =	ssub.s32 $0x2, s1;
	[smem:$0x7FF] =	sst s4;
	s6 =	smul.u32 $0x500, s6  }
0x9: {  	s10 =	sadd.s32 $0x100, s3;
	s23 =	sshrl.u32 s1, $0x1;
	_ =	strace $0x80000047  }
0xa: {  	s1 =	ssub.s32 s1, s23;
	s7 =	sshrl.u32 s5, $0x6;
	s8 =	sadd.s32 s6, s0  }
.Ltmp0:
0xb: {  	s24 =	sshrl.u32 s5, $0xC;
	s26 =	smax.u32 s1, $0x1;
	(pc) =	sbr.rel .LBB2_1-.Ltmp0, $4  }
0xc: {  	v3 =	vlaneseq.u32;
	s1 =	simm.s32 $0x4;
	s22 =	sand.u32 $0x1E00, s7;
	s6 =	sand.u32 $0x78, s24  }
0xd: {  	v0 =	vmul.u32 $0x4D, v3;
	s25 =	sadd.s32 $0x800, s8;
	[dreg:$0x6] =	wrdreg s26;
	s0 =	sadd.s32 s22, s0  }
0xe: {  	vm0 =	vmmov $0xffff;
	v2 =	vshrl.u32 v3, $0x3;
	v1 =	vand.u32 $0x7, v3;
	s26 =	simm.s32 $0x1B100;
	[dreg:$0x5] =	wrdreg s25;
	s0 =	sadd.s32 $0xA800, s0  }
0xf: {  	v3 =	vor.u32 $0x8, v3;
	v2 =	vmul.u32 $0x8, v2;
	v4 =	vadd.s32 $0x4D0, v0;
	s7 =	simm.s32 $0x0;
	s22 =	simm.s32 $0x1;
	[dreg:$0x4] =	wrdreg s0  }
.LBB2_16:
0x10: {  	_ =	swait.ge [sflag:s31], $0x4000  }
0x11: {  	[sflag:s31] =	ssyncset.done $0x0  }
0x12: {  	[sflag:s31] =	ssyncadd.s32 $0xFFFFC000  }
0x13: {  	_ =	swait.ge [sflag:s16], $0x4000  }
0x14: {  	s7 =	rddreg [dreg:$0x7]  }
0x15: {  	s0 =	rddreg [dreg:$0x6];
	s7 =	sadd.s32 $0x1, s7  }
0x16: {  	p0 =	sne.s32 s7, s0  }
.Ltmp1:
0x17: {  	_ = 	snop;
	(pc) =	sbr.rel @!p0 .LBB2_17-.Ltmp1, $3  }
0x18: {  	_ =	sdelay $0x1  }
0x19: {  	[sflag:s16] =	ssyncset.done $0x0  }
0x1a: {  	[sflag:s16] =	ssyncadd.s32 $0xFFFFC000  }
.LBB2_1:
0x1b: {  	[dreg:$0x7] =	wrdreg s7  }
0x1c: {  	s0 =	rddreg [dreg:$0x4];
	s8 =	simm.s32 $0x2800;
	s11 =	simm.s32 $0x7  }
0x1d: {  	[tilespmem:s8], [sflag:$0x7] =	stream.linear.gather [hbm4b:s0+s4], $0x2000, $0x38;
	[tilespmem:$0x1C900] =	vst v63  }
0x1e: {  	_ =	swait.ge [sflag:s11], $0x2000  }
0x1f: {  	[sflag:s11] =	ssyncset.done $0x0  }
0x20: {  	s12 =	rddreg [dreg:$0x5];
	[sflag:s11] =	ssyncadd.s32 $0xFFFFE000  }
0x21: {  	[tilespmem:s4], [sflag:$0x7] =	stream.linear.gather [hbm4b:s12+s4], $0x2680, $0x38;
	[tilespmem:$0x1C900] =	vst v63  }
0x22: {  	_ =	swait.ge [sflag:s11], $0x2680  }
0x23: {  	[sflag:s11] =	ssyncset.done $0x0  }
0x24: {  	[sflag:s11] =	ssyncadd.s32 $0xFFFFD980  }
0x25: {  	v5 =	vld [tilespmem:$0x0];
	_ =	sdelay $0x4  }
0x26: {  	v6 =	vshll.u32 v5, $0x2  }
0x27: {  	v5 =	vand.u32 $0x7, v5;
	v6 =	vand.u32 $0xFFFFFFE0, v6  }
0x28: {  	v5 =	vor.u32 v5, v6  }
0x29: {  	v6 =	vperm.xlane v5, v1;
	_ =	sdelay $0x1  }
0x2a: {  	v6 =	vadd.s32 v2, v6;
	_ =	sdelay $0x1  }
0x2b: {  	v5 =	vperm.xlane v5, v3;
	_ =	sdelay $0x1  }
0x2c: {  	s13 =	simm.s32 $0x4900;
	v5 =	vadd.s32 v2, v5  }
0x2d: {  	[tilespmem:s13], [sflag:$0x1] =	stream.indirect_vreg.gather [hbm4b:s2+s4], $0x80, v6, vm0, $0xb8;
	[tilespmem:$0x1C900] =	vst v63  }
0x2e: {  	s14 =	simm.s32 $0x5100  }
0x2f: {  	[tilespmem:s14], [sflag:$0x1] =	stream.indirect_vreg.gather [hbm4b:s9+s4], $0x80, v6, vm0, $0xb8;
	[tilespmem:$0x1C900] =	vst v63  }
0x30: {  	s17 =	simm.s32 $0x5900  }
0x31: {  	[tilespmem:s17], [sflag:$0x1] =	stream.indirect_vreg.gather [hbm4b:s2+s4], $0x80, v5, vm0, $0xb8;
	[tilespmem:$0x1C900] =	vst v63  }
0x32: {  	s18 =	simm.s32 $0x6100  }
0x33: {  	[tilespmem:s18], [sflag:$0x1] =	stream.indirect_vreg.gather [hbm4b:s9+s4], $0x80, v5, vm0, $0xb8;
	[tilespmem:$0x1C900] =	vst v63  }
0x34: {  	v5 =	vld [tilespmem:$0x10];
	_ =	sdelay $0x4  }
0x35: {  	v6 =	vshll.u32 v5, $0x2  }
0x36: {  	v5 =	vand.u32 $0x7, v5;
	v6 =	vand.u32 $0xFFFFFFE0, v6  }
0x37: {  	v5 =	vor.u32 v5, v6  }
0x38: {  	v6 =	vperm.xlane v5, v1;
	_ =	sdelay $0x1  }
0x39: {  	v6 =	vadd.s32 v2, v6;
	_ =	sdelay $0x1  }
0x3a: {  	v5 =	vperm.xlane v5, v3;
	_ =	sdelay $0x1  }
0x3b: {  	s19 =	simm.s32 $0x6900;
	v5 =	vadd.s32 v2, v5  }
0x3c: {  	[tilespmem:s19], [sflag:$0x1] =	stream.indirect_vreg.gather [hbm4b:s2+s4], $0x80, v6, vm0, $0xb8;
	[tilespmem:$0x1C900] =	vst v63  }
0x3d: {  	s23 =	simm.s32 $0x7100  }
0x3e: {  	[tilespmem:s23], [sflag:$0x1] =	stream.indirect_vreg.gather [hbm4b:s9+s4], $0x80, v6, vm0, $0xb8;
	[tilespmem:$0x1C900] =	vst v63  }
0x3f: {  	s24 =	simm.s32 $0x7900  }
0x40: {  	[tilespmem:s24], [sflag:$0x1] =	stream.indirect_vreg.gather [hbm4b:s2+s4], $0x80, v5, vm0, $0xb8;
	[tilespmem:$0x1C900] =	vst v63  }
0x41: {  	s25 =	simm.s32 $0x8100  }
0x42: {  	[tilespmem:s25], [sflag:$0x1] =	stream.indirect_vreg.gather [hbm4b:s9+s4], $0x80, v5, vm0, $0xb8;
	[tilespmem:$0x1C900] =	vst v63  }
0x43: {  	v5 =	vld [tilespmem:$0x20];
	_ =	sdelay $0x4  }
0x44: {  	v6 =	vshll.u32 v5, $0x2  }
0x45: {  	v5 =	vand.u32 $0x7, v5;
	v6 =	vand.u32 $0xFFFFFFE0, v6  }
0x46: {  	v5 =	vor.u32 v5, v6  }
0x47: {  	v6 =	vperm.xlane v5, v1;
	_ =	sdelay $0x1  }
0x48: {  	v6 =	vadd.s32 v2, v6;
	_ =	sdelay $0x1  }
0x49: {  	v5 =	vperm.xlane v5, v3;
	_ =	sdelay $0x1  }
0x4a: {  	s7 =	simm.s32 $0x8900;
	v5 =	vadd.s32 v2, v5  }
0x4b: {  	[tilespmem:s7], [sflag:$0x2] =	stream.indirect_vreg.gather [hbm4b:s2+s4], $0x80, v6, vm0, $0xb8;
	[tilespmem:$0x1C900] =	vst v63  }
0x4c: {  	s8 =	simm.s32 $0x9100  }
0x4d: {  	[tilespmem:s8], [sflag:$0x2] =	stream.indirect_vreg.gather [hbm4b:s9+s4], $0x80, v6, vm0, $0xb8;
	[tilespmem:$0x1C900] =	vst v63  }
0x4e: {  	s11 =	simm.s32 $0x9900  }
0x4f: {  	[tilespmem:s11], [sflag:$0x2] =	stream.indirect_vreg.gather [hbm4b:s2+s4], $0x80, v5, vm0, $0xb8;
	[tilespmem:$0x1C900] =	vst v63  }
0x50: {  	s12 =	simm.s32 $0xA100  }
0x51: {  	[tilespmem:s12], [sflag:$0x2] =	stream.indirect_vreg.gather [hbm4b:s9+s4], $0x80, v5, vm0, $0xb8;
	[tilespmem:$0x1C900] =	vst v63  }
0x52: {  	v5 =	vld [tilespmem:$0x30];
	_ =	sdelay $0x4  }
0x53: {  	v6 =	vshll.u32 v5, $0x2  }
0x54: {  	v5 =	vand.u32 $0x7, v5;
	v6 =	vand.u32 $0xFFFFFFE0, v6  }
0x55: {  	v5 =	vor.u32 v5, v6  }
0x56: {  	v6 =	vperm.xlane v5, v1;
	_ =	sdelay $0x1  }
0x57: {  	v6 =	vadd.s32 v2, v6;
	_ =	sdelay $0x1  }
0x58: {  	v5 =	vperm.xlane v5, v3;
	_ =	sdelay $0x1  }
0x59: {  	s13 =	simm.s32 $0xA900;
	v5 =	vadd.s32 v2, v5  }
0x5a: {  	[tilespmem:s13], [sflag:$0x2] =	stream.indirect_vreg.gather [hbm4b:s2+s4], $0x80, v6, vm0, $0xb8;
	[tilespmem:$0x1C900] =	vst v63  }
0x5b: {  	s14 =	simm.s32 $0xB100  }
0x5c: {  	[tilespmem:s14], [sflag:$0x2] =	stream.indirect_vreg.gather [hbm4b:s9+s4], $0x80, v6, vm0, $0xb8;
	[tilespmem:$0x1C900] =	vst v63  }
0x5d: {  	s17 =	simm.s32 $0xB900  }
0x5e: {  	[tilespmem:s17], [sflag:$0x2] =	stream.indirect_vreg.gather [hbm4b:s2+s4], $0x80, v5, vm0, $0xb8;
	[tilespmem:$0x1C900] =	vst v63  }
0x5f: {  	s18 =	simm.s32 $0xC100  }
0x60: {  	[tilespmem:s18], [sflag:$0x2] =	stream.indirect_vreg.gather [hbm4b:s9+s4], $0x80, v5, vm0, $0xb8;
	[tilespmem:$0x1C900] =	vst v63  }
0x61: {  	v5 =	vld [tilespmem:$0x40];
	_ =	sdelay $0x4  }
0x62: {  	v6 =	vshll.u32 v5, $0x2  }
0x63: {  	v5 =	vand.u32 $0x7, v5;
	v6 =	vand.u32 $0xFFFFFFE0, v6  }
0x64: {  	v5 =	vor.u32 v5, v6  }
0x65: {  	v6 =	vperm.xlane v5, v1;
	_ =	sdelay $0x1  }
0x66: {  	v6 =	vadd.s32 v2, v6;
	_ =	sdelay $0x1  }
0x67: {  	v5 =	vperm.xlane v5, v3;
	_ =	sdelay $0x1  }
0x68: {  	s19 =	simm.s32 $0xC900;
	v5 =	vadd.s32 v2, v5  }
0x69: {  	[tilespmem:s19], [sflag:$0x3] =	stream.indirect_vreg.gather [hbm4b:s2+s4], $0x80, v6, vm0, $0xb8;
	[tilespmem:$0x1C900] =	vst v63  }
0x6a: {  	s23 =	simm.s32 $0xD100  }
0x6b: {  	[tilespmem:s23], [sflag:$0x3] =	stream.indirect_vreg.gather [hbm4b:s9+s4], $0x80, v6, vm0, $0xb8;
	[tilespmem:$0x1C900] =	vst v63  }
0x6c: {  	s24 =	simm.s32 $0xD900  }
0x6d: {  	[tilespmem:s24], [sflag:$0x3] =	stream.indirect_vreg.gather [hbm4b:s2+s4], $0x80, v5, vm0, $0xb8;
	[tilespmem:$0x1C900] =	vst v63  }
0x6e: {  	s25 =	simm.s32 $0xE100  }
0x6f: {  	[tilespmem:s25], [sflag:$0x3] =	stream.indirect_vreg.gather [hbm4b:s9+s4], $0x80, v5, vm0, $0xb8;
	[tilespmem:$0x1C900] =	vst v63  }
0x70: {  	v5 =	vld [tilespmem:$0x50];
	_ =	sdelay $0x4  }
0x71: {  	v6 =	vshll.u32 v5, $0x2  }
0x72: {  	v5 =	vand.u32 $0x7, v5;
	v6 =	vand.u32 $0xFFFFFFE0, v6  }
0x73: {  	v5 =	vor.u32 v5, v6  }
0x74: {  	v6 =	vperm.xlane v5, v1;
	_ =	sdelay $0x1  }
0x75: {  	v6 =	vadd.s32 v2, v6;
	_ =	sdelay $0x1  }
0x76: {  	v5 =	vperm.xlane v5, v3;
	_ =	sdelay $0x1  }
0x77: {  	s7 =	simm.s32 $0xE900;
	v5 =	vadd.s32 v2, v5  }
0x78: {  	[tilespmem:s7], [sflag:$0x3] =	stream.indirect_vreg.gather [hbm4b:s2+s4], $0x80, v6, vm0, $0xb8;
	[tilespmem:$0x1C900] =	vst v63  }
0x79: {  	s8 =	simm.s32 $0xF100  }
0x7a: {  	[tilespmem:s8], [sflag:$0x3] =	stream.indirect_vreg.gather [hbm4b:s9+s4], $0x80, v6, vm0, $0xb8;
	[tilespmem:$0x1C900] =	vst v63  }
0x7b: {  	s11 =	simm.s32 $0xF900  }
0x7c: {  	[tilespmem:s11], [sflag:$0x3] =	stream.indirect_vreg.gather [hbm4b:s2+s4], $0x80, v5, vm0, $0xb8;
	[tilespmem:$0x1C900] =	vst v63  }
0x7d: {  	s12 =	simm.s32 $0x10100  }
0x7e: {  	[tilespmem:s12], [sflag:$0x3] =	stream.indirect_vreg.gather [hbm4b:s9+s4], $0x80, v5, vm0, $0xb8;
	[tilespmem:$0x1C900] =	vst v63  }
0x7f: {  	v5 =	vld [tilespmem:$0x60];
	_ =	sdelay $0x4  }
0x80: {  	v6 =	vshll.u32 v5, $0x2  }
0x81: {  	v5 =	vand.u32 $0x7, v5;
	v6 =	vand.u32 $0xFFFFFFE0, v6  }
0x82: {  	v5 =	vor.u32 v5, v6  }
0x83: {  	v6 =	vperm.xlane v5, v1;
	_ =	sdelay $0x1  }
0x84: {  	v6 =	vadd.s32 v2, v6;
	_ =	sdelay $0x1  }
0x85: {  	v5 =	vperm.xlane v5, v3;
	_ =	sdelay $0x1  }
0x86: {  	s13 =	simm.s32 $0x10900;
	v5 =	vadd.s32 v2, v5  }
0x87: {  	[tilespmem:s13], [sflag:$0x4] =	stream.indirect_vreg.gather [hbm4b:s2+s4], $0x80, v6, vm0, $0xb8;
	[tilespmem:$0x1C900] =	vst v63  }
0x88: {  	s14 =	simm.s32 $0x11100  }
0x89: {  	[tilespmem:s14], [sflag:$0x4] =	stream.indirect_vreg.gather [hbm4b:s9+s4], $0x80, v6, vm0, $0xb8;
	[tilespmem:$0x1C900] =	vst v63  }
0x8a: {  	s17 =	simm.s32 $0x11900  }
0x8b: {  	[tilespmem:s17], [sflag:$0x4] =	stream.indirect_vreg.gather [hbm4b:s2+s4], $0x80, v5, vm0, $0xb8;
	[tilespmem:$0x1C900] =	vst v63  }
0x8c: {  	s18 =	simm.s32 $0x12100  }
0x8d: {  	[tilespmem:s18], [sflag:$0x4] =	stream.indirect_vreg.gather [hbm4b:s9+s4], $0x80, v5, vm0, $0xb8;
	[tilespmem:$0x1C900] =	vst v63  }
0x8e: {  	v5 =	vld [tilespmem:$0x70];
	_ =	sdelay $0x4  }
0x8f: {  	v6 =	vshll.u32 v5, $0x2  }
0x90: {  	v5 =	vand.u32 $0x7, v5;
	v6 =	vand.u32 $0xFFFFFFE0, v6  }
0x91: {  	v5 =	vor.u32 v5, v6  }
0x92: {  	v6 =	vperm.xlane v5, v1;
	_ =	sdelay $0x1  }
0x93: {  	v6 =	vadd.s32 v2, v6;
	_ =	sdelay $0x1  }
0x94: {  	v5 =	vperm.xlane v5, v3;
	_ =	sdelay $0x1  }
0x95: {  	s19 =	simm.s32 $0x12900;
	v5 =	vadd.s32 v2, v5  }
0x96: {  	[tilespmem:s19], [sflag:$0x4] =	stream.indirect_vreg.gather [hbm4b:s2+s4], $0x80, v6, vm0, $0xb8;
	[tilespmem:$0x1C900] =	vst v63  }
0x97: {  	s23 =	simm.s32 $0x13100  }
0x98: {  	[tilespmem:s23], [sflag:$0x4] =	stream.indirect_vreg.gather [hbm4b:s9+s4], $0x80, v6, vm0, $0xb8;
	[tilespmem:$0x1C900] =	vst v63  }
0x99: {  	s24 =	simm.s32 $0x13900  }
0x9a: {  	[tilespmem:s24], [sflag:$0x4] =	stream.indirect_vreg.gather [hbm4b:s2+s4], $0x80, v5, vm0, $0xb8;
	[tilespmem:$0x1C900] =	vst v63  }
0x9b: {  	s0 =	simm.s32 $0x0;
	s25 =	simm.s32 $0x14100  }
0x9c: {  	[tilespmem:s25], [sflag:$0x4] =	stream.indirect_vreg.gather [hbm4b:s9+s4], $0x80, v5, vm0, $0xb8;
	[tilespmem:$0x1C900] =	vst v63  }
.LBB2_2:
0x9d: {  	s12 =	sshll.u32 s0, $0x7  }
0x9e: {  	_ =	swait.ge [sflag:s22], $0x4000;
	s7 =	sadd.s32 s5, s12  }
0x9f: {  	p0 =	seq.s32 s0, $0x0;
	[sflag:s22] =	ssyncset.done $0x0;
	s8 =	sand.u32 $0xF80, s7  }
0xa0: {  	s11 =	simm.s32 @!p0 $0x5;
	[sflag:s22] =	ssyncadd.s32 $0xFFFFC000;
	s8 =	smul.u32 $0x4D, s8  }
0xa1: {  	s13 =	sshrl.u32 s7, $0xC;
	_ =	swait.ge @!p0 [sflag:s11], $0x4000  }
0xa2: {  	s14 =	ssub.s32 s13, s6;
	[sflag:s11] =	ssyncset.done @!p0 $0x0;
	s8 =	sadd.s32 s13, s8  }
0xa3: {  	s7 =	sshrl.u32 s7, $0x5;
	s25 =	sshll.u32 s14, $0x9;
	[sflag:s11] =	ssyncadd.s32 @!p0 $0xFFFFC000;
	v5 =	vadd.s32 s8, v0  }
0xa4: {  	s7 =	sand.u32 $0x380, s7;
	s14 =	simm.s32 $0x0;
	s13 =	sand.u32 $0xFFFFF000, s25;
	[tilespmem:$0x4800] =	vst v5;
	v5 =	vadd.s32 s8, v4  }
0xa5: {  	s17 =	sand.u32 $0x3000, s14;
	s18 =	sand.u32 $0x380, s14;
	s11 =	sor.u32 s7, s13;
	[tilespmem:$0x4810] =	vst v5  }
0xa6: {  	s23 =	sor.u32 s18, s17;
	v5 =	vld [tilespmem:s11+$0x2800]  }
0xa7: {  	v6 =	vld [tilespmem:s23+$0x4900];
	_ =	sdelay $0x4  }
0xa8: {  	v5 =	vadd.f32 v5, v6;
	_ =	sdelay $0x1  }
0xa9: {  	s24 =	sadd.s32 $0x2800, s11;
	[tilespmem:s23+$0x14900] =	vst v5;
	v5 =	vld [tilespmem:s23+$0x4910]  }
0xaa: {  	v6 =	vld [tilespmem:s24+$0x10];
	_ =	sdelay $0x4  }
0xab: {  	v5 =	vadd.f32 v6, v5;
	_ =	sdelay $0x1  }
0xac: {  	[tilespmem:s23+$0x14910] =	vst v5;
	v5 =	vld [tilespmem:s23+$0x4920]  }
0xad: {  	v6 =	vld [tilespmem:s24+$0x20];
	_ =	sdelay $0x4  }
0xae: {  	v5 =	vadd.f32 v6, v5;
	_ =	sdelay $0x1  }
0xaf: {  	[tilespmem:s23+$0x14920] =	vst v5;
	v5 =	vld [tilespmem:s23+$0x4930]  }
0xb0: {  	v6 =	vld [tilespmem:s24+$0x30];
	_ =	sdelay $0x4  }
0xb1: {  	v5 =	vadd.f32 v6, v5;
	_ =	sdelay $0x1  }
0xb2: {  	[tilespmem:s23+$0x14930] =	vst v5;
	v5 =	vld [tilespmem:s23+$0x4940]  }
0xb3: {  	v6 =	vld [tilespmem:s24+$0x40];
	_ =	sdelay $0x4  }
0xb4: {  	v5 =	vadd.f32 v6, v5;
	_ =	sdelay $0x1  }
0xb5: {  	[tilespmem:s23+$0x14940] =	vst v5;
	v5 =	vld [tilespmem:s23+$0x4950]  }
0xb6: {  	v6 =	vld [tilespmem:s24+$0x50];
	_ =	sdelay $0x4  }
0xb7: {  	v5 =	vadd.f32 v6, v5;
	_ =	sdelay $0x1  }
0xb8: {  	[tilespmem:s23+$0x14950] =	vst v5;
	v5 =	vld [tilespmem:s23+$0x4960]  }
0xb9: {  	v6 =	vld [tilespmem:s24+$0x60];
	_ =	sdelay $0x4  }
0xba: {  	v5 =	vadd.f32 v6, v5;
	_ =	sdelay $0x1  }
0xbb: {  	[tilespmem:s23+$0x14960] =	vst v5;
	v5 =	vld [tilespmem:s23+$0x4970]  }
0xbc: {  	s19 =	simm.s32 $0x200;
	s25 =	simm.s32 $0x80;
	v6 =	vld [tilespmem:s24+$0x70]  }
0xbd: {  	s7 =	sand.u32 $0x3000, s19;
	s8 =	sand.u32 $0x380, s25  }
0xbe: {  	s25 =	sor.u32 s8, s7;
	v7 =	vld [tilespmem:s11+$0x2800]  }
0xbf: {  	v8 =	vld [tilespmem:s25+$0x4900];
	_ =	sdelay $0x1  }
0xc0: {  	v5 =	vadd.f32 v6, v5;
	_ =	sdelay $0x1  }
0xc1: {  	v6 =	vld [tilespmem:s23+$0x4D00];
	[tilespmem:s23+$0x14970] =	vst v5  }
0xc2: {  	v5 =	vadd.f32 v7, v8;
	v7 =	vld [tilespmem:s24+$0x400];
	_ =	sdelay $0x4  }
0xc3: {  	[tilespmem:s25+$0x14900] =	vst v5;
	v5 =	vld [tilespmem:s25+$0x4910];
	v6 =	vadd.f32 v7, v6  }
0xc4: {  	v8 =	vld [tilespmem:s24+$0x10]  }
0xc5: {  	v7 =	vld [tilespmem:s23+$0x4D10];
	[tilespmem:s23+$0x14D00] =	vst v6  }
0xc6: {  	v6 =	vld [tilespmem:s24+$0x410];
	_ =	sdelay $0x2  }
0xc7: {  	v5 =	vadd.f32 v8, v5;
	_ =	sdelay $0x1  }
0xc8: {  	[tilespmem:s25+$0x14910] =	vst v5;
	v5 =	vld [tilespmem:s25+$0x4920];
	v6 =	vadd.f32 v6, v7  }
0xc9: {  	v8 =	vld [tilespmem:s24+$0x20]  }
0xca: {  	v7 =	vld [tilespmem:s23+$0x4D20];
	[tilespmem:s23+$0x14D10] =	vst v6  }
0xcb: {  	v6 =	vld [tilespmem:s24+$0x420];
	_ =	sdelay $0x2  }
0xcc: {  	v5 =	vadd.f32 v8, v5;
	_ =	sdelay $0x1  }
0xcd: {  	[tilespmem:s25+$0x14920] =	vst v5;
	v5 =	vld [tilespmem:s25+$0x4930];
	v6 =	vadd.f32 v6, v7  }
0xce: {  	v8 =	vld [tilespmem:s24+$0x30]  }
0xcf: {  	v7 =	vld [tilespmem:s23+$0x4D30];
	[tilespmem:s23+$0x14D20] =	vst v6  }
0xd0: {  	v6 =	vld [tilespmem:s24+$0x430];
	_ =	sdelay $0x2  }
0xd1: {  	v5 =	vadd.f32 v8, v5;
	_ =	sdelay $0x1  }
0xd2: {  	[tilespmem:s25+$0x14930] =	vst v5;
	v5 =	vld [tilespmem:s25+$0x4940];
	v6 =	vadd.f32 v6, v7  }
0xd3: {  	v8 =	vld [tilespmem:s24+$0x40]  }
0xd4: {  	v7 =	vld [tilespmem:s23+$0x4D40];
	[tilespmem:s23+$0x14D30] =	vst v6  }
0xd5: {  	v6 =	vld [tilespmem:s24+$0x440];
	_ =	sdelay $0x2  }
0xd6: {  	v5 =	vadd.f32 v8, v5;
	_ =	sdelay $0x1  }
0xd7: {  	[tilespmem:s25+$0x14940] =	vst v5;
	v5 =	vld [tilespmem:s25+$0x4950];
	v6 =	vadd.f32 v6, v7  }
0xd8: {  	v7 =	vld [tilespmem:s24+$0x50]  }
0xd9: {  	v8 =	vld [tilespmem:s23+$0x4D50];
	[tilespmem:s23+$0x14D40] =	vst v6  }
0xda: {  	v6 =	vld [tilespmem:s24+$0x450];
	_ =	sdelay $0x2  }
0xdb: {  	v5 =	vadd.f32 v7, v5;
	_ =	sdelay $0x1  }
0xdc: {  	[tilespmem:s25+$0x14950] =	vst v5;
	v5 =	vadd.f32 v6, v8;
	v6 =	vld [tilespmem:s25+$0x4960]  }
0xdd: {  	v8 =	vld [tilespmem:s24+$0x60]  }
0xde: {  	v7 =	vld [tilespmem:s23+$0x4D60];
	[tilespmem:s23+$0x14D50] =	vst v5  }
0xdf: {  	v5 =	vld [tilespmem:s24+$0x460];
	_ =	sdelay $0x2  }
0xe0: {  	v6 =	vadd.f32 v8, v6;
	_ =	sdelay $0x1  }
0xe1: {  	[tilespmem:s25+$0x14960] =	vst v6;
	v6 =	vld [tilespmem:s25+$0x4970];
	v5 =	vadd.f32 v5, v7  }
0xe2: {  	v8 =	vld [tilespmem:s24+$0x70]  }
0xe3: {  	s14 =	simm.s32 $0x100;
	s13 =	simm.s32 $0x400;
	v7 =	vld [tilespmem:s23+$0x4D70];
	[tilespmem:s23+$0x14D60] =	vst v5  }
0xe4: {  	s7 =	sand.u32 $0x3000, s13;
	s8 =	sand.u32 $0x380, s14;
	v5 =	vld [tilespmem:s24+$0x470]  }
0xe5: {  	v9 =	vld [tilespmem:s11+$0x2800];
	s7 =	sor.u32 s8, s7  }
0xe6: {  	v10 =	vld [tilespmem:s7+$0x4900]  }
0xe7: {  	v6 =	vadd.f32 v8, v6;
	_ =	sdelay $0x1  }
0xe8: {  	[tilespmem:s25+$0x14970] =	vst v6;
	v6 =	vld [tilespmem:s25+$0x4D00];
	v5 =	vadd.f32 v5, v7  }
0xe9: {  	v7 =	vld [tilespmem:s23+$0x5100]  }
0xea: {  	v8 =	vadd.f32 v9, v10;
	[tilespmem:s23+$0x14D70] =	vst v5;
	v5 =	vld [tilespmem:s24+$0x400]  }
0xeb: {  	v9 =	vld [tilespmem:s24+$0x800]  }
0xec: {  	[tilespmem:s7+$0x14900] =	vst v8;
	v8 =	vld [tilespmem:s7+$0x4910]  }
0xed: {  	v10 =	vld [tilespmem:s24+$0x10];
	_ =	sdelay $0x1  }
0xee: {  	v5 =	vadd.f32 v5, v6  }
0xef: {  	v6 =	vld [tilespmem:s25+$0x4D10];
	v7 =	vadd.f32 v9, v7  }
0xf0: {  	v9 =	vld [tilespmem:s23+$0x5110];
	[tilespmem:s25+$0x14D00] =	vst v5  }
0xf1: {  	v5 =	vadd.f32 v10, v8;
	v8 =	vld [tilespmem:s24+$0x410];
	[tilespmem:s23+$0x15100] =	vst v7  }
0xf2: {  	v7 =	vld [tilespmem:s24+$0x810];
	_ =	sdelay $0x2  }
0xf3: {  	[tilespmem:s7+$0x14910] =	vst v5;
	v5 =	vld [tilespmem:s7+$0x4920]  }
0xf4: {  	v10 =	vld [tilespmem:s24+$0x20];
	v6 =	vadd.f32 v8, v6  }
0xf5: {  	v8 =	vld [tilespmem:s25+$0x4D20];
	v7 =	vadd.f32 v7, v9  }
0xf6: {  	v9 =	vld [tilespmem:s23+$0x5120];
	[tilespmem:s25+$0x14D10] =	vst v6  }
0xf7: {  	v6 =	vld [tilespmem:s24+$0x420];
	[tilespmem:s23+$0x15110] =	vst v7  }
0xf8: {  	v7 =	vld [tilespmem:s24+$0x820]  }
0xf9: {  	v5 =	vadd.f32 v10, v5;
	_ =	sdelay $0x1  }
0xfa: {  	[tilespmem:s7+$0x14920] =	vst v5;
	v5 =	vld [tilespmem:s7+$0x4930]  }
0xfb: {  	v10 =	vld [tilespmem:s24+$0x30];
	v6 =	vadd.f32 v6, v8  }
0xfc: {  	v8 =	vld [tilespmem:s25+$0x4D30];
	v7 =	vadd.f32 v7, v9  }
0xfd: {  	v9 =	vld [tilespmem:s23+$0x5130];
	[tilespmem:s25+$0x14D20] =	vst v6  }
0xfe: {  	v6 =	vld [tilespmem:s24+$0x430];
	[tilespmem:s23+$0x15120] =	vst v7  }
0xff: {  	v7 =	vld [tilespmem:s24+$0x830]  }
0x100: {  	v5 =	vadd.f32 v10, v5;
	_ =	sdelay $0x1  }
0x101: {  	[tilespmem:s7+$0x14930] =	vst v5;
	v5 =	vld [tilespmem:s7+$0x4940]  }
0x102: {  	v10 =	vld [tilespmem:s24+$0x40];
	v6 =	vadd.f32 v6, v8  }
0x103: {  	v8 =	vld [tilespmem:s25+$0x4D40];
	v7 =	vadd.f32 v7, v9  }
0x104: {  	v9 =	vld [tilespmem:s23+$0x5140];
	[tilespmem:s25+$0x14D30] =	vst v6  }
0x105: {  	v6 =	vld [tilespmem:s24+$0x440];
	[tilespmem:s23+$0x15130] =	vst v7  }
0x106: {  	v7 =	vld [tilespmem:s24+$0x840];
	_ =	sdelay $0x1  }
0x107: {  	v5 =	vadd.f32 v10, v5  }
0x108: {  	v10 =	vld [tilespmem:s25+$0x4D50]  }
0x109: {  	[tilespmem:s7+$0x14940] =	vst v5;
	v5 =	vld [tilespmem:s7+$0x4950];
	v6 =	vadd.f32 v6, v8  }
0x10a: {  	v8 =	vld [tilespmem:s24+$0x50];
	v7 =	vadd.f32 v7, v9  }
0x10b: {  	v9 =	vld [tilespmem:s23+$0x5150];
	[tilespmem:s25+$0x14D40] =	vst v6  }
0x10c: {  	v6 =	vld [tilespmem:s24+$0x450];
	[tilespmem:s23+$0x15140] =	vst v7  }
0x10d: {  	v7 =	vld [tilespmem:s24+$0x850];
	_ =	sdelay $0x1  }
0x10e: {  	v5 =	vadd.f32 v8, v5  }
0x10f: {  	v8 =	vld [tilespmem:s25+$0x4D60]  }
0x110: {  	[tilespmem:s7+$0x14950] =	vst v5;
	v5 =	vadd.f32 v6, v10;
	v6 =	vld [tilespmem:s7+$0x4960]  }
0x111: {  	v10 =	vld [tilespmem:s23+$0x5160];
	v7 =	vadd.f32 v7, v9  }
0x112: {  	v9 =	vld [tilespmem:s24+$0x60];
	[tilespmem:s25+$0x14D50] =	vst v5  }
0x113: {  	v5 =	vld [tilespmem:s24+$0x460];
	[tilespmem:s23+$0x15150] =	vst v7  }
0x114: {  	v7 =	vld [tilespmem:s24+$0x860];
	_ =	sdelay $0x2  }
0x115: {  	v6 =	vadd.f32 v9, v6;
	v9 =	vld [tilespmem:s23+$0x5170]  }
0x116: {  	v5 =	vadd.f32 v5, v8;
	v8 =	vld [tilespmem:s25+$0x4D70]  }
0x117: {  	[tilespmem:s7+$0x14960] =	vst v6;
	v6 =	vld [tilespmem:s7+$0x4970];
	v7 =	vadd.f32 v7, v10  }
0x118: {  	v10 =	vld [tilespmem:s24+$0x70];
	[tilespmem:s25+$0x14D60] =	vst v5  }
0x119: {  	s17 =	simm.s32 $0x600;
	s18 =	simm.s32 $0x180;
	v5 =	vld [tilespmem:s24+$0x470];
	[tilespmem:s23+$0x15160] =	vst v7  }
0x11a: {  	s13 =	sand.u32 $0x380, s18;
	s8 =	sand.u32 $0x3000, s17;
	v7 =	vld [tilespmem:s24+$0x870]  }
0x11b: {  	v11 =	vld [tilespmem:s11+$0x2800];
	s8 =	sor.u32 s13, s8  }
0x11c: {  	v12 =	vld [tilespmem:s8+$0x4900]  }
0x11d: {  	v6 =	vadd.f32 v10, v6;
	v10 =	vld [tilespmem:s23+$0x5500]  }
0x11e: {  	v5 =	vadd.f32 v5, v8;
	v8 =	vld [tilespmem:s25+$0x5100]  }
0x11f: {  	[tilespmem:s7+$0x14970] =	vst v6;
	v6 =	vld [tilespmem:s7+$0x4D00];
	v7 =	vadd.f32 v7, v9  }
0x120: {  	[tilespmem:s25+$0x14D70] =	vst v5;
	v5 =	vld [tilespmem:s24+$0x400]  }
0x121: {  	v9 =	vadd.f32 v11, v12;
	[tilespmem:s23+$0x15170] =	vst v7;
	v7 =	vld [tilespmem:s24+$0x800]  }
0x122: {  	v11 =	vld [tilespmem:s24+$0xC00]  }
0x123: {  	[tilespmem:s8+$0x14900] =	vst v9;
	v9 =	vld [tilespmem:s8+$0x4910]  }
0x124: {  	v54 =	vld [tilespmem:s24+$0x10]  }
0x125: {  	v13 =	vld [tilespmem:s23+$0x5510];
	v5 =	vadd.f32 v5, v6  }
0x126: {  	v6 =	vld [tilespmem:s7+$0x4D10];
	v7 =	vadd.f32 v7, v8  }
0x127: {  	v8 =	vld [tilespmem:s25+$0x5110];
	[tilespmem:s7+$0x14D00] =	vst v5;
	v5 =	vadd.f32 v11, v10  }
0x128: {  	v10 =	vld [tilespmem:s24+$0x410];
	[tilespmem:s25+$0x15100] =	vst v7  }
0x129: {  	v7 =	vadd.f32 v54, v9;
	v9 =	vld [tilespmem:s24+$0x810];
	[tilespmem:s23+$0x15500] =	vst v5  }
0x12a: {  	v5 =	vld [tilespmem:s24+$0xC10]  }
0x12b: {  	v55 =	vld [tilespmem:s23+$0x5520]  }
0x12c: {  	[tilespmem:s8+$0x14910] =	vst v7;
	v7 =	vld [tilespmem:s8+$0x4920]  }
0x12d: {  	v11 =	vld [tilespmem:s24+$0x20];
	v6 =	vadd.f32 v10, v6  }
0x12e: {  	v10 =	vld [tilespmem:s7+$0x4D20];
	v8 =	vadd.f32 v9, v8  }
0x12f: {  	v9 =	vld [tilespmem:s25+$0x5120];
	[tilespmem:s7+$0x14D10] =	vst v6;
	v5 =	vadd.f32 v5, v13  }
0x130: {  	v6 =	vld [tilespmem:s24+$0x420];
	[tilespmem:s25+$0x15110] =	vst v8  }
0x131: {  	v8 =	vld [tilespmem:s24+$0x820];
	[tilespmem:s23+$0x15510] =	vst v5  }
0x132: {  	v7 =	vadd.f32 v11, v7;
	v5 =	vld [tilespmem:s24+$0xC20]  }
0x133: {  	v56 =	vld [tilespmem:s23+$0x5530]  }
0x134: {  	[tilespmem:s8+$0x14920] =	vst v7;
	v7 =	vld [tilespmem:s8+$0x4930]  }
0x135: {  	v11 =	vld [tilespmem:s24+$0x30];
	v6 =	vadd.f32 v6, v10  }
0x136: {  	v10 =	vld [tilespmem:s7+$0x4D30];
	v8 =	vadd.f32 v8, v9  }
0x137: {  	v9 =	vld [tilespmem:s25+$0x5130];
	[tilespmem:s7+$0x14D20] =	vst v6;
	v5 =	vadd.f32 v5, v55  }
0x138: {  	v6 =	vld [tilespmem:s24+$0x430];
	[tilespmem:s25+$0x15120] =	vst v8  }
0x139: {  	v8 =	vld [tilespmem:s24+$0x830];
	[tilespmem:s23+$0x15520] =	vst v5  }
0x13a: {  	v7 =	vadd.f32 v11, v7;
	v5 =	vld [tilespmem:s24+$0xC30]  }
0x13b: {  	v57 =	vld [tilespmem:s23+$0x5540]  }
0x13c: {  	[tilespmem:s8+$0x14930] =	vst v7;
	v7 =	vld [tilespmem:s8+$0x4940]  }
0x13d: {  	v11 =	vld [tilespmem:s24+$0x40];
	v6 =	vadd.f32 v6, v10  }
0x13e: {  	v10 =	vld [tilespmem:s7+$0x4D40];
	v8 =	vadd.f32 v8, v9  }
0x13f: {  	v9 =	vld [tilespmem:s25+$0x5140];
	[tilespmem:s7+$0x14D30] =	vst v6;
	v5 =	vadd.f32 v5, v56  }
0x140: {  	v6 =	vld [tilespmem:s24+$0x440];
	[tilespmem:s25+$0x15130] =	vst v8  }
0x141: {  	v8 =	vld [tilespmem:s24+$0x840];
	[tilespmem:s23+$0x15530] =	vst v5  }
0x142: {  	v7 =	vadd.f32 v11, v7;
	v5 =	vld [tilespmem:s24+$0xC40]  }
0x143: {  	v58 =	vld [tilespmem:s23+$0x5550]  }
0x144: {  	[tilespmem:s8+$0x14940] =	vst v7;
	v7 =	vld [tilespmem:s8+$0x4950]  }
0x145: {  	v11 =	vld [tilespmem:s24+$0x50];
	v6 =	vadd.f32 v6, v10  }
0x146: {  	v10 =	vld [tilespmem:s7+$0x4D50];
	v8 =	vadd.f32 v8, v9  }
0x147: {  	v9 =	vld [tilespmem:s25+$0x5150];
	[tilespmem:s7+$0x14D40] =	vst v6;
	v5 =	vadd.f32 v5, v57  }
0x148: {  	v6 =	vld [tilespmem:s24+$0x450];
	[tilespmem:s25+$0x15140] =	vst v8  }
0x149: {  	v8 =	vld [tilespmem:s24+$0x850];
	[tilespmem:s23+$0x15540] =	vst v5  }
0x14a: {  	v5 =	vadd.f32 v11, v7;
	v7 =	vld [tilespmem:s24+$0xC50]  }
0x14b: {  	v59 =	vld [tilespmem:s7+$0x4D60]  }
0x14c: {  	v11 =	vld [tilespmem:s23+$0x5560]  }
0x14d: {  	[tilespmem:s8+$0x14950] =	vst v5;
	v5 =	vld [tilespmem:s8+$0x4960];
	v6 =	vadd.f32 v6, v10  }
0x14e: {  	v10 =	vld [tilespmem:s24+$0x60];
	v8 =	vadd.f32 v8, v9  }
0x14f: {  	v9 =	vld [tilespmem:s25+$0x5160];
	[tilespmem:s7+$0x14D50] =	vst v6;
	v6 =	vadd.f32 v7, v58  }
0x150: {  	v7 =	vld [tilespmem:s24+$0x460];
	[tilespmem:s25+$0x15150] =	vst v8  }
0x151: {  	v8 =	vld [tilespmem:s24+$0x860];
	[tilespmem:s23+$0x15550] =	vst v6  }
0x152: {  	v6 =	vld [tilespmem:s24+$0xC60]  }
0x153: {  	v60 =	vld [tilespmem:s7+$0x4D70];
	v5 =	vadd.f32 v10, v5  }
0x154: {  	v14 =	vld [tilespmem:s25+$0x5170]  }
0x155: {  	v10 =	vld [tilespmem:s23+$0x5570];
	[tilespmem:s8+$0x14960] =	vst v5;
	v5 =	vadd.f32 v7, v59  }
0x156: {  	v7 =	vld [tilespmem:s8+$0x4970];
	v8 =	vadd.f32 v8, v9  }
0x157: {  	v61 =	vld [tilespmem:s24+$0x70];
	[tilespmem:s7+$0x14D60] =	vst v5;
	v5 =	vadd.f32 v6, v11  }
0x158: {  	v11 =	vld [tilespmem:s24+$0x470];
	[tilespmem:s25+$0x15160] =	vst v8  }
0x159: {  	v15 =	vld [tilespmem:s24+$0x870];
	[tilespmem:s23+$0x15560] =	vst v5  }
0x15a: {  	v5 =	vld [tilespmem:s24+$0xC70]  }
0x15b: {  	v9 =	vld [tilespmem:s11+$0x2800]  }
0x15c: {  	s19 =	simm.s32 $0x800;
	s14 =	simm.s32 $0x200;
	v6 =	vld [tilespmem:s25+$0x5500];
	v8 =	vadd.f32 v61, v7  }
0x15d: {  	s17 =	sand.u32 $0x380, s14;
	s13 =	sand.u32 $0x3000, s19;
	v7 =	vld [tilespmem:s7+$0x5100];
	v62 =	vadd.f32 v11, v60  }
0x15e: {  	s13 =	sor.u32 s17, s13;
	[tilespmem:s8+$0x14970] =	vst v8;
	v8 =	vld [tilespmem:s8+$0x4D00];
	v63 =	vadd.f32 v15, v14  }
0x15f: {  	v11 =	vld [tilespmem:s13+$0x4900];
	[tilespmem:s7+$0x14D70] =	vst v62;
	v5 =	vadd.f32 v5, v10  }
0x160: {  	s17 =	simm.s32 $0xA00;
	v10 =	vld [tilespmem:s24+$0x400];
	[tilespmem:s25+$0x15170] =	vst v63  }
.LBB2_3:
0x161: {  	p1 =	sne.s32 s17, $0x3E00;
	v12 =	vld [tilespmem:s24+$0x800];
	[tilespmem:s23+$0x15570] =	vst v5;
	s23 =	smov.u32 s25;
	s25 =	smov.u32 s7  }
0x162: {  	s7 =	smov.u32 s8;
	s8 =	smov.u32 s13;
	v5 =	vld [tilespmem:s24+$0xC00]  }
0x163: {  	v13 =	vld [tilespmem:s23+$0x5510]  }
0x164: {  	v9 =	vadd.f32 v9, v11;
	v11 =	vld [tilespmem:s25+$0x5110]  }
0x165: {  	v8 =	vadd.f32 v10, v8;
	v10 =	vld [tilespmem:s7+$0x4D10]  }
0x166: {  	[tilespmem:s8+$0x14900] =	vst v9;
	v9 =	vld [tilespmem:s8+$0x4910];
	v7 =	vadd.f32 v12, v7  }
0x167: {  	v12 =	vld [tilespmem:s24+$0x10];
	[tilespmem:s7+$0x14D00] =	vst v8;
	v5 =	vadd.f32 v5, v6  }
0x168: {  	v6 =	vld [tilespmem:s24+$0x410];
	[tilespmem:s25+$0x15100] =	vst v7  }
0x169: {  	v7 =	vld [tilespmem:s24+$0x810];
	[tilespmem:s23+$0x15500] =	vst v5  }
0x16a: {  	v5 =	vld [tilespmem:s24+$0xC10]  }
0x16b: {  	v8 =	vld [tilespmem:s23+$0x5520]  }
0x16c: {  	v9 =	vadd.f32 v12, v9;
	v12 =	vld [tilespmem:s25+$0x5120]  }
0x16d: {  	v6 =	vadd.f32 v6, v10;
	v10 =	vld [tilespmem:s7+$0x4D20]  }
0x16e: {  	[tilespmem:s8+$0x14910] =	vst v9;
	v9 =	vld [tilespmem:s8+$0x4920];
	v7 =	vadd.f32 v7, v11  }
0x16f: {  	v11 =	vld [tilespmem:s24+$0x20];
	[tilespmem:s7+$0x14D10] =	vst v6;
	v5 =	vadd.f32 v5, v13  }
0x170: {  	v6 =	vld [tilespmem:s24+$0x420];
	[tilespmem:s25+$0x15110] =	vst v7  }
0x171: {  	v7 =	vld [tilespmem:s24+$0x820];
	[tilespmem:s23+$0x15510] =	vst v5  }
0x172: {  	v5 =	vld [tilespmem:s24+$0xC20]  }
0x173: {  	v13 =	vld [tilespmem:s23+$0x5530]  }
0x174: {  	v9 =	vadd.f32 v11, v9;
	v11 =	vld [tilespmem:s25+$0x5130]  }
0x175: {  	v6 =	vadd.f32 v6, v10;
	v10 =	vld [tilespmem:s7+$0x4D30]  }
0x176: {  	[tilespmem:s8+$0x14920] =	vst v9;
	v9 =	vld [tilespmem:s8+$0x4930];
	v7 =	vadd.f32 v7, v12  }
0x177: {  	v12 =	vld [tilespmem:s24+$0x30];
	[tilespmem:s7+$0x14D20] =	vst v6;
	v5 =	vadd.f32 v5, v8  }
0x178: {  	v6 =	vld [tilespmem:s24+$0x430];
	[tilespmem:s25+$0x15120] =	vst v7  }
0x179: {  	v7 =	vld [tilespmem:s24+$0x830];
	[tilespmem:s23+$0x15520] =	vst v5  }
0x17a: {  	v5 =	vld [tilespmem:s24+$0xC30]  }
0x17b: {  	v8 =	vld [tilespmem:s23+$0x5540]  }
0x17c: {  	v9 =	vadd.f32 v12, v9;
	v12 =	vld [tilespmem:s25+$0x5140]  }
0x17d: {  	v6 =	vadd.f32 v6, v10;
	v10 =	vld [tilespmem:s7+$0x4D40]  }
0x17e: {  	[tilespmem:s8+$0x14930] =	vst v9;
	v9 =	vld [tilespmem:s8+$0x4940];
	v7 =	vadd.f32 v7, v11  }
0x17f: {  	v11 =	vld [tilespmem:s24+$0x40];
	[tilespmem:s7+$0x14D30] =	vst v6;
	v5 =	vadd.f32 v5, v13  }
0x180: {  	v6 =	vld [tilespmem:s24+$0x440];
	[tilespmem:s25+$0x15130] =	vst v7  }
0x181: {  	v7 =	vld [tilespmem:s24+$0x840];
	[tilespmem:s23+$0x15530] =	vst v5  }
0x182: {  	v5 =	vld [tilespmem:s24+$0xC40]  }
0x183: {  	v13 =	vld [tilespmem:s23+$0x5550]  }
0x184: {  	v9 =	vadd.f32 v11, v9;
	v11 =	vld [tilespmem:s25+$0x5150]  }
0x185: {  	v6 =	vadd.f32 v6, v10;
	v10 =	vld [tilespmem:s7+$0x4D50]  }
0x186: {  	[tilespmem:s8+$0x14940] =	vst v9;
	v9 =	vld [tilespmem:s8+$0x4950];
	v7 =	vadd.f32 v7, v12  }
0x187: {  	v12 =	vld [tilespmem:s24+$0x50];
	[tilespmem:s7+$0x14D40] =	vst v6;
	v5 =	vadd.f32 v5, v8  }
0x188: {  	v6 =	vld [tilespmem:s24+$0x450];
	[tilespmem:s25+$0x15140] =	vst v7  }
0x189: {  	v7 =	vld [tilespmem:s24+$0x850];
	[tilespmem:s23+$0x15540] =	vst v5  }
0x18a: {  	v5 =	vld [tilespmem:s24+$0xC50]  }
0x18b: {  	v8 =	vld [tilespmem:s23+$0x5560]  }
0x18c: {  	v9 =	vadd.f32 v12, v9;
	v12 =	vld [tilespmem:s25+$0x5160]  }
0x18d: {  	v6 =	vadd.f32 v6, v10;
	v10 =	vld [tilespmem:s7+$0x4D60]  }
0x18e: {  	[tilespmem:s8+$0x14950] =	vst v9;
	v9 =	vld [tilespmem:s8+$0x4960];
	v7 =	vadd.f32 v7, v11  }
0x18f: {  	v11 =	vld [tilespmem:s24+$0x60];
	[tilespmem:s7+$0x14D50] =	vst v6;
	v5 =	vadd.f32 v5, v13  }
0x190: {  	v6 =	vld [tilespmem:s24+$0x460];
	[tilespmem:s25+$0x15150] =	vst v7  }
0x191: {  	v7 =	vld [tilespmem:s24+$0x860];
	[tilespmem:s23+$0x15550] =	vst v5  }
0x192: {  	v5 =	vld [tilespmem:s24+$0xC60]  }
0x193: {  	v13 =	vld [tilespmem:s23+$0x5570]  }
0x194: {  	v9 =	vadd.f32 v11, v9;
	v11 =	vld [tilespmem:s25+$0x5170]  }
0x195: {  	v6 =	vadd.f32 v6, v10;
	v10 =	vld [tilespmem:s7+$0x4D70]  }
0x196: {  	[tilespmem:s8+$0x14960] =	vst v9;
	v14 =	vld [tilespmem:s8+$0x4970];
	v7 =	vadd.f32 v7, v12  }
0x197: {  	v12 =	vld [tilespmem:s24+$0x70];
	[tilespmem:s7+$0x14D60] =	vst v6;
	v5 =	vadd.f32 v5, v8  }
0x198: {  	v8 =	vld [tilespmem:s24+$0x470];
	[tilespmem:s25+$0x15160] =	vst v7  }
0x199: {  	v15 =	vld [tilespmem:s24+$0x870];
	[tilespmem:s23+$0x15560] =	vst v5  }
0x19a: {  	v5 =	vld [tilespmem:s24+$0xC70]  }
0x19b: {  	v9 =	vld [tilespmem:s11+$0x2800]  }
.Ltmp2:
0x19c: {  	s14 =	sadd.s32 $0x80, s14;
	v12 =	vadd.f32 v12, v14;
	v6 =	vld [tilespmem:s25+$0x5500];
	(pc) =	sbr.rel @p1 .LBB2_3-.Ltmp2, $4  }
0x19d: {  	s13 =	sand.u32 $0x3000, s17;
	s18 =	sand.u32 $0x380, s14;
	v10 =	vadd.f32 v8, v10;
	v7 =	vld [tilespmem:s7+$0x5100]  }
0x19e: {  	s13 =	sor.u32 s18, s13;
	[tilespmem:s8+$0x14970] =	vst v12;
	v8 =	vld [tilespmem:s8+$0x4D00];
	v12 =	vadd.f32 v15, v11  }
0x19f: {  	v11 =	vld [tilespmem:s13+$0x4900];
	[tilespmem:s7+$0x14D70] =	vst v10;
	v5 =	vadd.f32 v5, v13  }
0x1a0: {  	s17 =	sadd.s32 $0x200, s17;
	v10 =	vld [tilespmem:s24+$0x400];
	[tilespmem:s25+$0x15170] =	vst v12  }
0x1a1: {  	_ =	sdelay $0x2  }
0x1a2: {  	v9 =	vadd.f32 v9, v11;
	_ =	sdelay $0x1  }
0x1a3: {  	v30 =	vld [tilespmem:s13+$0x4910];
	[tilespmem:s13+$0x14900] =	vst v9  }
0x1a4: {  	v31 =	vld [tilespmem:s24+$0x10];
	_ =	sdelay $0x4  }
0x1a5: {  	v9 =	vadd.f32 v31, v30;
	_ =	sdelay $0x1  }
0x1a6: {  	v32 =	vld [tilespmem:s13+$0x4920];
	[tilespmem:s13+$0x14910] =	vst v9  }
0x1a7: {  	v33 =	vld [tilespmem:s24+$0x20];
	_ =	sdelay $0x4  }
0x1a8: {  	v9 =	vadd.f32 v33, v32;
	_ =	sdelay $0x1  }
0x1a9: {  	v34 =	vld [tilespmem:s13+$0x4930];
	[tilespmem:s13+$0x14920] =	vst v9  }
0x1aa: {  	v35 =	vld [tilespmem:s24+$0x30];
	_ =	sdelay $0x4  }
0x1ab: {  	v9 =	vadd.f32 v35, v34;
	_ =	sdelay $0x1  }
0x1ac: {  	v36 =	vld [tilespmem:s13+$0x4940];
	[tilespmem:s13+$0x14930] =	vst v9  }
0x1ad: {  	v37 =	vld [tilespmem:s24+$0x40];
	_ =	sdelay $0x4  }
0x1ae: {  	v9 =	vadd.f32 v37, v36;
	_ =	sdelay $0x1  }
0x1af: {  	v38 =	vld [tilespmem:s13+$0x4950];
	[tilespmem:s13+$0x14940] =	vst v9  }
0x1b0: {  	v39 =	vld [tilespmem:s24+$0x50];
	_ =	sdelay $0x4  }
0x1b1: {  	v9 =	vadd.f32 v39, v38;
	_ =	sdelay $0x1  }
0x1b2: {  	v40 =	vld [tilespmem:s13+$0x4960];
	[tilespmem:s13+$0x14950] =	vst v9  }
0x1b3: {  	v41 =	vld [tilespmem:s24+$0x60];
	_ =	sdelay $0x4  }
0x1b4: {  	v9 =	vadd.f32 v41, v40;
	_ =	sdelay $0x1  }
0x1b5: {  	v42 =	vld [tilespmem:s13+$0x4970];
	[tilespmem:s13+$0x14960] =	vst v9  }
0x1b6: {  	v43 =	vld [tilespmem:s24+$0x70];
	_ =	sdelay $0x4  }
0x1b7: {  	v9 =	vadd.f32 v43, v42;
	_ =	sdelay $0x1  }
0x1b8: {  	v44 =	vld [tilespmem:s13+$0x4D00];
	[tilespmem:s13+$0x14970] =	vst v9  }
0x1b9: {  	v45 =	vld [tilespmem:s24+$0x400];
	_ =	sdelay $0x2  }
0x1ba: {  	v8 =	vadd.f32 v10, v8;
	_ =	sdelay $0x1  }
0x1bb: {  	v46 =	vld [tilespmem:s8+$0x4D10];
	[tilespmem:s8+$0x14D00] =	vst v8;
	v9 =	vadd.f32 v45, v44  }
0x1bc: {  	v48 =	vld [tilespmem:s24+$0x410]  }
0x1bd: {  	v47 =	vld [tilespmem:s13+$0x4D10];
	[tilespmem:s13+$0x14D00] =	vst v9  }
0x1be: {  	v9 =	vld [tilespmem:s24+$0x410];
	_ =	sdelay $0x2  }
0x1bf: {  	v10 =	vadd.f32 v48, v46;
	_ =	sdelay $0x1  }
0x1c0: {  	v49 =	vld [tilespmem:s8+$0x4D20];
	[tilespmem:s8+$0x14D10] =	vst v10;
	v8 =	vadd.f32 v9, v47  }
0x1c1: {  	v10 =	vld [tilespmem:s24+$0x420]  }
0x1c2: {  	v50 =	vld [tilespmem:s13+$0x4D20];
	[tilespmem:s13+$0x14D10] =	vst v8  }
0x1c3: {  	v8 =	vld [tilespmem:s24+$0x420];
	_ =	sdelay $0x2  }
0x1c4: {  	v10 =	vadd.f32 v10, v49;
	_ =	sdelay $0x1  }
0x1c5: {  	v51 =	vld [tilespmem:s8+$0x4D30];
	[tilespmem:s8+$0x14D20] =	vst v10;
	v8 =	vadd.f32 v8, v50  }
0x1c6: {  	v10 =	vld [tilespmem:s24+$0x430]  }
0x1c7: {  	v52 =	vld [tilespmem:s13+$0x4D30];
	[tilespmem:s13+$0x14D20] =	vst v8  }
0x1c8: {  	v8 =	vld [tilespmem:s24+$0x430];
	_ =	sdelay $0x2  }
0x1c9: {  	v10 =	vadd.f32 v10, v51;
	_ =	sdelay $0x1  }
0x1ca: {  	v53 =	vld [tilespmem:s8+$0x4D40];
	[tilespmem:s8+$0x14D30] =	vst v10;
	v8 =	vadd.f32 v8, v52  }
0x1cb: {  	v10 =	vld [tilespmem:s24+$0x440]  }
0x1cc: {  	v54 =	vld [tilespmem:s13+$0x4D40];
	[tilespmem:s13+$0x14D30] =	vst v8  }
0x1cd: {  	v8 =	vld [tilespmem:s24+$0x440];
	_ =	sdelay $0x2  }
0x1ce: {  	v10 =	vadd.f32 v10, v53;
	_ =	sdelay $0x1  }
0x1cf: {  	v55 =	vld [tilespmem:s8+$0x4D50];
	[tilespmem:s8+$0x14D40] =	vst v10;
	v8 =	vadd.f32 v8, v54  }
0x1d0: {  	v10 =	vld [tilespmem:s24+$0x450]  }
0x1d1: {  	v56 =	vld [tilespmem:s13+$0x4D50];
	[tilespmem:s13+$0x14D40] =	vst v8  }
0x1d2: {  	v8 =	vld [tilespmem:s24+$0x450];
	_ =	sdelay $0x2  }
0x1d3: {  	v10 =	vadd.f32 v10, v55;
	_ =	sdelay $0x1  }
0x1d4: {  	v57 =	vld [tilespmem:s8+$0x4D60];
	[tilespmem:s8+$0x14D50] =	vst v10;
	v8 =	vadd.f32 v8, v56  }
0x1d5: {  	v10 =	vld [tilespmem:s24+$0x460]  }
0x1d6: {  	v58 =	vld [tilespmem:s13+$0x4D60];
	[tilespmem:s13+$0x14D50] =	vst v8  }
0x1d7: {  	v8 =	vld [tilespmem:s24+$0x460];
	_ =	sdelay $0x2  }
0x1d8: {  	v10 =	vadd.f32 v10, v57;
	_ =	sdelay $0x1  }
0x1d9: {  	v59 =	vld [tilespmem:s8+$0x4D70];
	[tilespmem:s8+$0x14D60] =	vst v10;
	v8 =	vadd.f32 v8, v58  }
0x1da: {  	v10 =	vld [tilespmem:s24+$0x470]  }
0x1db: {  	v60 =	vld [tilespmem:s13+$0x4D70];
	[tilespmem:s13+$0x14D60] =	vst v8  }
0x1dc: {  	v8 =	vld [tilespmem:s24+$0x470];
	_ =	sdelay $0x2  }
0x1dd: {  	v12 =	vld [tilespmem:s24+$0x800];
	v10 =	vadd.f32 v10, v59;
	_ =	sdelay $0x1  }
0x1de: {  	v61 =	vld [tilespmem:s8+$0x5100];
	[tilespmem:s8+$0x14D70] =	vst v10;
	v8 =	vadd.f32 v8, v60  }
0x1df: {  	v10 =	vld [tilespmem:s24+$0x800]  }
0x1e0: {  	v62 =	vld [tilespmem:s13+$0x5100];
	[tilespmem:s13+$0x14D70] =	vst v8  }
0x1e1: {  	v7 =	vadd.f32 v12, v7;
	v8 =	vld [tilespmem:s24+$0x800];
	_ =	sdelay $0x1  }
0x1e2: {  	v63 =	vld [tilespmem:s7+$0x5110];
	[tilespmem:s7+$0x15100] =	vst v7  }
0x1e3: {  	v7 =	vld [tilespmem:s24+$0x810];
	v10 =	vadd.f32 v10, v61;
	_ =	sdelay $0x1  }
0x1e4: {  	v16 =	vld [tilespmem:s8+$0x5110];
	[tilespmem:s8+$0x15100] =	vst v10;
	v8 =	vadd.f32 v8, v62  }
0x1e5: {  	v10 =	vld [tilespmem:s24+$0x810]  }
0x1e6: {  	v17 =	vld [tilespmem:s13+$0x5110];
	[tilespmem:s13+$0x15100] =	vst v8  }
0x1e7: {  	v7 =	vadd.f32 v7, v63;
	v8 =	vld [tilespmem:s24+$0x810];
	_ =	sdelay $0x1  }
0x1e8: {  	v18 =	vld [tilespmem:s7+$0x5120];
	[tilespmem:s7+$0x15110] =	vst v7  }
0x1e9: {  	v7 =	vld [tilespmem:s24+$0x820];
	v10 =	vadd.f32 v10, v16;
	_ =	sdelay $0x1  }
0x1ea: {  	v19 =	vld [tilespmem:s8+$0x5120];
	[tilespmem:s8+$0x15110] =	vst v10;
	v8 =	vadd.f32 v8, v17  }
0x1eb: {  	v10 =	vld [tilespmem:s24+$0x820]  }
0x1ec: {  	v20 =	vld [tilespmem:s13+$0x5120];
	[tilespmem:s13+$0x15110] =	vst v8  }
0x1ed: {  	v7 =	vadd.f32 v7, v18;
	v8 =	vld [tilespmem:s24+$0x820];
	_ =	sdelay $0x1  }
0x1ee: {  	v21 =	vld [tilespmem:s7+$0x5130];
	[tilespmem:s7+$0x15120] =	vst v7  }
0x1ef: {  	v7 =	vld [tilespmem:s24+$0x830];
	v10 =	vadd.f32 v10, v19;
	_ =	sdelay $0x1  }
0x1f0: {  	v22 =	vld [tilespmem:s8+$0x5130];
	[tilespmem:s8+$0x15120] =	vst v10;
	v8 =	vadd.f32 v8, v20  }
0x1f1: {  	v10 =	vld [tilespmem:s24+$0x830]  }
0x1f2: {  	v23 =	vld [tilespmem:s13+$0x5130];
	[tilespmem:s13+$0x15120] =	vst v8  }
0x1f3: {  	v7 =	vadd.f32 v7, v21;
	v8 =	vld [tilespmem:s24+$0x830];
	_ =	sdelay $0x1  }
0x1f4: {  	v24 =	vld [tilespmem:s7+$0x5140];
	[tilespmem:s7+$0x15130] =	vst v7  }
0x1f5: {  	v7 =	vld [tilespmem:s24+$0x840];
	v10 =	vadd.f32 v10, v22;
	_ =	sdelay $0x1  }
0x1f6: {  	v25 =	vld [tilespmem:s8+$0x5140];
	[tilespmem:s8+$0x15130] =	vst v10;
	v8 =	vadd.f32 v8, v23  }
0x1f7: {  	v10 =	vld [tilespmem:s24+$0x840]  }
0x1f8: {  	v26 =	vld [tilespmem:s13+$0x5140];
	[tilespmem:s13+$0x15130] =	vst v8  }
0x1f9: {  	v7 =	vadd.f32 v7, v24;
	v8 =	vld [tilespmem:s24+$0x840];
	_ =	sdelay $0x1  }
0x1fa: {  	v27 =	vld [tilespmem:s7+$0x5150];
	[tilespmem:s7+$0x15140] =	vst v7  }
0x1fb: {  	v7 =	vld [tilespmem:s24+$0x850];
	v10 =	vadd.f32 v10, v25;
	_ =	sdelay $0x1  }
0x1fc: {  	v28 =	vld [tilespmem:s8+$0x5150];
	[tilespmem:s8+$0x15140] =	vst v10;
	v8 =	vadd.f32 v8, v26  }
0x1fd: {  	v10 =	vld [tilespmem:s24+$0x850]  }
0x1fe: {  	v29 =	vld [tilespmem:s13+$0x5150];
	[tilespmem:s13+$0x15140] =	vst v8  }
0x1ff: {  	v7 =	vadd.f32 v7, v27;
	v8 =	vld [tilespmem:s24+$0x850];
	_ =	sdelay $0x1  }
0x200: {  	v30 =	vld [tilespmem:s7+$0x5160];
	[tilespmem:s7+$0x15150] =	vst v7  }
0x201: {  	v7 =	vld [tilespmem:s24+$0x860];
	v10 =	vadd.f32 v10, v28;
	_ =	sdelay $0x1  }
0x202: {  	v31 =	vld [tilespmem:s8+$0x5160];
	[tilespmem:s8+$0x15150] =	vst v10;
	v8 =	vadd.f32 v8, v29  }
0x203: {  	v10 =	vld [tilespmem:s24+$0x860]  }
0x204: {  	v32 =	vld [tilespmem:s13+$0x5160];
	[tilespmem:s13+$0x15150] =	vst v8  }
0x205: {  	v7 =	vadd.f32 v7, v30;
	v8 =	vld [tilespmem:s24+$0x860];
	_ =	sdelay $0x1  }
0x206: {  	v33 =	vld [tilespmem:s7+$0x5170];
	[tilespmem:s7+$0x15160] =	vst v7  }
0x207: {  	v7 =	vld [tilespmem:s24+$0x870];
	v10 =	vadd.f32 v10, v31;
	_ =	sdelay $0x1  }
0x208: {  	v34 =	vld [tilespmem:s8+$0x5170];
	[tilespmem:s8+$0x15160] =	vst v10;
	v8 =	vadd.f32 v8, v32  }
0x209: {  	v10 =	vld [tilespmem:s24+$0x870]  }
0x20a: {  	v35 =	vld [tilespmem:s13+$0x5170];
	[tilespmem:s13+$0x15160] =	vst v8  }
0x20b: {  	v7 =	vadd.f32 v7, v33;
	v8 =	vld [tilespmem:s24+$0x870]  }
0x20c: {  	v13 =	vld [tilespmem:s24+$0xC00]  }
0x20d: {  	v36 =	vld [tilespmem:s7+$0x5500];
	[tilespmem:s7+$0x15170] =	vst v7  }
0x20e: {  	v7 =	vld [tilespmem:s24+$0xC00];
	v10 =	vadd.f32 v10, v34;
	_ =	sdelay $0x1  }
0x20f: {  	v37 =	vld [tilespmem:s8+$0x5500];
	[tilespmem:s8+$0x15170] =	vst v10;
	v8 =	vadd.f32 v8, v35  }
0x210: {  	v10 =	vld [tilespmem:s24+$0xC00]  }
0x211: {  	v6 =	vadd.f32 v13, v6;
	v38 =	vld [tilespmem:s13+$0x5500];
	[tilespmem:s13+$0x15170] =	vst v8  }
0x212: {  	v7 =	vadd.f32 v7, v36;
	v8 =	vld [tilespmem:s24+$0xC00]  }
0x213: {  	[tilespmem:s25+$0x15500] =	vst v6;
	v6 =	vld [tilespmem:s7+$0x5510]  }
0x214: {  	v39 =	vld [tilespmem:s25+$0x5510];
	[tilespmem:s7+$0x15500] =	vst v7  }
0x215: {  	v7 =	vld [tilespmem:s24+$0xC10];
	v10 =	vadd.f32 v10, v37  }
0x216: {  	v40 =	vld [tilespmem:s24+$0xC10]  }
0x217: {  	v41 =	vld [tilespmem:s8+$0x5510];
	[tilespmem:s8+$0x15500] =	vst v10;
	v8 =	vadd.f32 v8, v38  }
0x218: {  	v10 =	vld [tilespmem:s24+$0xC10]  }
0x219: {  	v42 =	vld [tilespmem:s13+$0x5510];
	[tilespmem:s13+$0x15500] =	vst v8  }
0x21a: {  	v6 =	vadd.f32 v7, v6;
	v44 =	vld [tilespmem:s24+$0xC10]  }
0x21b: {  	v46 =	vld [tilespmem:s8+$0x5520]  }
0x21c: {  	v7 =	vld [tilespmem:s7+$0x5520];
	[tilespmem:s7+$0x15510] =	vst v6  }
0x21d: {  	v6 =	vld [tilespmem:s24+$0xC20];
	v10 =	vadd.f32 v10, v41  }
0x21e: {  	v43 =	vadd.f32 v40, v39;
	v45 =	vld [tilespmem:s25+$0x5520]  }
0x21f: {  	v47 =	vld [tilespmem:s13+$0x5520];
	[tilespmem:s8+$0x15510] =	vst v10;
	v9 =	vadd.f32 v44, v42  }
0x220: {  	[tilespmem:s25+$0x15510] =	vst v43;
	v48 =	vld [tilespmem:s24+$0xC20]  }
0x221: {  	v8 =	vld [tilespmem:s24+$0xC20];
	[tilespmem:s13+$0x15510] =	vst v9  }
0x222: {  	v6 =	vadd.f32 v6, v7;
	v9 =	vld [tilespmem:s24+$0xC20]  }
0x223: {  	v49 =	vld [tilespmem:s25+$0x5530]  }
0x224: {  	v7 =	vld [tilespmem:s7+$0x5530];
	[tilespmem:s7+$0x15520] =	vst v6  }
0x225: {  	v6 =	vld [tilespmem:s24+$0xC30];
	v11 =	vadd.f32 v48, v46  }
0x226: {  	v51 =	vld [tilespmem:s13+$0x5530];
	v8 =	vadd.f32 v8, v45  }
0x227: {  	v50 =	vld [tilespmem:s8+$0x5530];
	[tilespmem:s8+$0x15520] =	vst v11;
	v9 =	vadd.f32 v9, v47  }
0x228: {  	v11 =	vld [tilespmem:s24+$0xC30];
	[tilespmem:s25+$0x15520] =	vst v8  }
0x229: {  	v8 =	vld [tilespmem:s24+$0xC30];
	[tilespmem:s13+$0x15520] =	vst v9  }
0x22a: {  	v6 =	vadd.f32 v6, v7;
	v9 =	vld [tilespmem:s24+$0xC30]  }
0x22b: {  	v53 =	vld [tilespmem:s8+$0x5540]  }
0x22c: {  	v7 =	vld [tilespmem:s7+$0x5540];
	[tilespmem:s7+$0x15530] =	vst v6  }
0x22d: {  	v6 =	vld [tilespmem:s24+$0xC40];
	v11 =	vadd.f32 v11, v50  }
0x22e: {  	v52 =	vld [tilespmem:s25+$0x5540];
	v8 =	vadd.f32 v8, v49  }
0x22f: {  	v54 =	vld [tilespmem:s13+$0x5540];
	[tilespmem:s8+$0x15530] =	vst v11;
	v9 =	vadd.f32 v9, v51  }
0x230: {  	v11 =	vld [tilespmem:s24+$0xC40];
	[tilespmem:s25+$0x15530] =	vst v8  }
0x231: {  	v8 =	vld [tilespmem:s24+$0xC40];
	[tilespmem:s13+$0x15530] =	vst v9  }
0x232: {  	v6 =	vadd.f32 v6, v7;
	v9 =	vld [tilespmem:s24+$0xC40]  }
0x233: {  	v55 =	vld [tilespmem:s25+$0x5550]  }
0x234: {  	v7 =	vld [tilespmem:s7+$0x5550];
	[tilespmem:s7+$0x15540] =	vst v6  }
0x235: {  	v6 =	vld [tilespmem:s24+$0xC50];
	v11 =	vadd.f32 v11, v53  }
0x236: {  	v57 =	vld [tilespmem:s13+$0x5550];
	v8 =	vadd.f32 v8, v52  }
0x237: {  	v56 =	vld [tilespmem:s8+$0x5550];
	[tilespmem:s8+$0x15540] =	vst v11;
	v9 =	vadd.f32 v9, v54  }
0x238: {  	v11 =	vld [tilespmem:s24+$0xC50];
	[tilespmem:s25+$0x15540] =	vst v8  }
0x239: {  	v8 =	vld [tilespmem:s24+$0xC50];
	[tilespmem:s13+$0x15540] =	vst v9  }
0x23a: {  	v6 =	vadd.f32 v6, v7;
	v9 =	vld [tilespmem:s24+$0xC50]  }
0x23b: {  	v59 =	vld [tilespmem:s8+$0x5560]  }
0x23c: {  	v7 =	vld [tilespmem:s7+$0x5560];
	[tilespmem:s7+$0x15550] =	vst v6  }
0x23d: {  	v6 =	vld [tilespmem:s24+$0xC60];
	v11 =	vadd.f32 v11, v56  }
0x23e: {  	v58 =	vld [tilespmem:s25+$0x5560];
	v8 =	vadd.f32 v8, v55  }
0x23f: {  	v60 =	vld [tilespmem:s13+$0x5560];
	[tilespmem:s8+$0x15550] =	vst v11;
	v9 =	vadd.f32 v9, v57  }
0x240: {  	v11 =	vld [tilespmem:s24+$0xC60];
	[tilespmem:s25+$0x15550] =	vst v8  }
0x241: {  	v8 =	vld [tilespmem:s24+$0xC60];
	[tilespmem:s13+$0x15550] =	vst v9  }
0x242: {  	v9 =	vld [tilespmem:s24+$0xC60]  }
0x243: {  	v61 =	vld [tilespmem:s25+$0x5570];
	v6 =	vadd.f32 v6, v7  }
0x244: {  	v63 =	vld [tilespmem:s13+$0x5570]  }
0x245: {  	v7 =	vld [tilespmem:s7+$0x5570];
	[tilespmem:s7+$0x15560] =	vst v6;
	v11 =	vadd.f32 v11, v59  }
0x246: {  	v6 =	vld [tilespmem:s24+$0xC70];
	v8 =	vadd.f32 v8, v58  }
0x247: {  	v62 =	vld [tilespmem:s8+$0x5570];
	[tilespmem:s8+$0x15560] =	vst v11;
	v9 =	vadd.f32 v9, v60  }
0x248: {  	v11 =	vld [tilespmem:s24+$0xC70];
	[tilespmem:s25+$0x15560] =	vst v8  }
0x249: {  	v8 =	vld [tilespmem:s24+$0xC70];
	[tilespmem:s13+$0x15560] =	vst v9  }
0x24a: {  	v9 =	vld [tilespmem:s24+$0xC70];
	_ =	sdelay $0x1  }
0x24b: {  	[tilespmem:s23+$0x15570] =	vst v5;
	v5 =	vadd.f32 v6, v7  }
0x24c: {  	v6 =	vadd.f32 v11, v62  }
0x24d: {  	[tilespmem:s7+$0x15570] =	vst v5;
	v8 =	vadd.f32 v8, v61  }
0x24e: {  	[tilespmem:s8+$0x15570] =	vst v6;
	v5 =	vadd.f32 v9, v63  }
0x24f: {  	[tilespmem:s25+$0x15570] =	vst v8  }
0x250: {  	[tilespmem:s13+$0x15570] =	vst v5  }
0x251: {  	v5 =	vld [tilespmem:$0x4800];
	_ =	sdelay $0x4  }
0x252: {  	v6 =	vshll.u32 v5, $0x2  }
0x253: {  	v5 =	vand.u32 $0x7, v5;
	v6 =	vand.u32 $0xFFFFFFE0, v6  }
0x254: {  	v5 =	vor.u32 v5, v6  }
0x255: {  	v6 =	vperm.xlane v5, v1;
	_ =	sdelay $0x1  }
0x256: {  	v6 =	vadd.s32 v2, v6;
	_ =	sdelay $0x1  }
0x257: {  	v5 =	vperm.xlane v5, v3;
	_ =	sdelay $0x1  }
0x258: {  	v5 =	vadd.s32 v2, v5  }
0x259: {  	[hbm4b:s3+s4] =	stream.indirect_vreg.scatter [tilespmem:s20], [sflag:$0x5], $0x80, v6, vm0, $0xb8;
	[tilespmem:$0x1C900] =	vst v63  }
0x25a: {  	s17 =	simm.s32 $0x15100  }
0x25b: {  	[hbm4b:s10+s4] =	stream.indirect_vreg.scatter [tilespmem:s17], [sflag:$0x5], $0x80, v6, vm0, $0xb8;
	[tilespmem:$0x1C900] =	vst v63  }
0x25c: {  	s18 =	simm.s32 $0x15900  }
0x25d: {  	[hbm4b:s3+s4] =	stream.indirect_vreg.scatter [tilespmem:s18], [sflag:$0x5], $0x80, v5, vm0, $0xb8;
	[tilespmem:$0x1C900] =	vst v63  }
0x25e: {  	s19 =	simm.s32 $0x16100  }
0x25f: {  	[hbm4b:s10+s4] =	stream.indirect_vreg.scatter [tilespmem:s19], [sflag:$0x5], $0x80, v5, vm0, $0xb8;
	[tilespmem:$0x1C900] =	vst v63  }
0x260: {  	v5 =	vld [tilespmem:$0x4810];
	_ =	sdelay $0x4  }
0x261: {  	v6 =	vshll.u32 v5, $0x2  }
0x262: {  	v5 =	vand.u32 $0x7, v5;
	v6 =	vand.u32 $0xFFFFFFE0, v6  }
0x263: {  	v5 =	vor.u32 v5, v6  }
0x264: {  	v6 =	vperm.xlane v5, v1;
	_ =	sdelay $0x1  }
0x265: {  	v6 =	vadd.s32 v2, v6;
	_ =	sdelay $0x2  }
0x266: {  	v5 =	vperm.xlane v5, v3  }
0x267: {  	s20 =	simm.s32 $0x16900  }
0x268: {  	v5 =	vadd.s32 v2, v5;
	[hbm4b:s3+s4] =	stream.indirect_vreg.scatter [tilespmem:s20], [sflag:$0x5], $0x80, v6, vm0, $0xb8;
	[tilespmem:$0x1C900] =	vst v63  }
0x269: {  	s23 =	simm.s32 $0x17100;
	p1 =	sne.s32 s0, $0x4C  }
0x26a: {  	[hbm4b:s10+s4] =	stream.indirect_vreg.scatter [tilespmem:s23], [sflag:$0x5], $0x80, v6, vm0, $0xb8;
	[tilespmem:$0x1C900] =	vst v63  }
.Ltmp3:
0x26b: {  	_ = 	snop;
	(pc) =	sbr.rel @p1 .LBB2_6-.Ltmp3, $4  }
0x26c: {  	s24 =	simm.s32 $0x17900  }
0x26d: {  	[hbm4b:s3+s4] =	stream.indirect_vreg.scatter [tilespmem:s24], [sflag:$0x5], $0x80, v5, vm0, $0xb8;
	[tilespmem:$0x1C900] =	vst v63  }
0x26e: {  	s25 =	simm.s32 $0x18100  }
0x26f: {  	[hbm4b:s10+s4] =	stream.indirect_vreg.scatter [tilespmem:s25], [sflag:$0x5], $0x80, v5, vm0, $0xb8;
	[tilespmem:$0x1C900] =	vst v63  }
.Ltmp4:
0x270: {  	(pc) =	sbr.rel .LBB2_7-.Ltmp4, $4  }
0x271: {  	_ = 	snop  }
0x272: {  	_ =	swait.ge [sflag:s15], $0x4000  }
0x273: {  	[sflag:s15] =	ssyncset.done $0x0  }
0x274: {  	[sflag:s15] =	ssyncadd.s32 $0xFFFFC000  }
.LBB2_6:
0x275: {  	s7 =	sand.u32 $0x3FFFFF80, s12  }
0x276: {  	v5 =	vld [tilespmem:s7+$0x80];
	_ =	sdelay $0x4  }
0x277: {  	v6 =	vshll.u32 v5, $0x2  }
0x278: {  	v5 =	vand.u32 $0x7, v5;
	v6 =	vand.u32 $0xFFFFFFE0, v6  }
0x279: {  	v5 =	vor.u32 v5, v6  }
0x27a: {  	v6 =	vperm.xlane v5, v1;
	_ =	sdelay $0x1  }
0x27b: {  	v6 =	vadd.s32 v2, v6;
	_ =	sdelay $0x1  }
0x27c: {  	v5 =	vperm.xlane v5, v3;
	_ =	sdelay $0x1  }
0x27d: {  	s8 =	simm.s32 $0x4900;
	v5 =	vadd.s32 v2, v5  }
0x27e: {  	[tilespmem:s8], [sflag:$0x1] =	stream.indirect_vreg.gather [hbm4b:s2+s4], $0x80, v6, vm0, $0xb8;
	[tilespmem:$0x1C900] =	vst v63  }
0x27f: {  	s17 =	simm.s32 $0x5100  }
0x280: {  	[tilespmem:s17], [sflag:$0x1] =	stream.indirect_vreg.gather [hbm4b:s9+s4], $0x80, v6, vm0, $0xb8;
	[tilespmem:$0x1C900] =	vst v63  }
0x281: {  	s18 =	simm.s32 $0x5900  }
0x282: {  	[tilespmem:s18], [sflag:$0x1] =	stream.indirect_vreg.gather [hbm4b:s2+s4], $0x80, v5, vm0, $0xb8;
	[tilespmem:$0x1C900] =	vst v63  }
0x283: {  	s19 =	simm.s32 $0x6100  }
0x284: {  	[tilespmem:s19], [sflag:$0x1] =	stream.indirect_vreg.gather [hbm4b:s9+s4], $0x80, v5, vm0, $0xb8;
	[tilespmem:$0x1C900] =	vst v63  }
0x285: {  	v5 =	vld [tilespmem:s7+$0x90];
	_ =	sdelay $0x4  }
0x286: {  	v6 =	vshll.u32 v5, $0x2  }
0x287: {  	v5 =	vand.u32 $0x7, v5;
	v6 =	vand.u32 $0xFFFFFFE0, v6  }
0x288: {  	v5 =	vor.u32 v5, v6  }
0x289: {  	v6 =	vperm.xlane v5, v1;
	_ =	sdelay $0x1  }
0x28a: {  	v6 =	vadd.s32 v2, v6;
	_ =	sdelay $0x1  }
0x28b: {  	v5 =	vperm.xlane v5, v3;
	_ =	sdelay $0x1  }
0x28c: {  	s20 =	simm.s32 $0x6900;
	v5 =	vadd.s32 v2, v5  }
0x28d: {  	[tilespmem:s20], [sflag:$0x1] =	stream.indirect_vreg.gather [hbm4b:s2+s4], $0x80, v6, vm0, $0xb8;
	[tilespmem:$0x1C900] =	vst v63  }
0x28e: {  	s23 =	simm.s32 $0x7100  }
0x28f: {  	[tilespmem:s23], [sflag:$0x1] =	stream.indirect_vreg.gather [hbm4b:s9+s4], $0x80, v6, vm0, $0xb8;
	[tilespmem:$0x1C900] =	vst v63  }
0x290: {  	s24 =	simm.s32 $0x7900  }
0x291: {  	[tilespmem:s24], [sflag:$0x1] =	stream.indirect_vreg.gather [hbm4b:s2+s4], $0x80, v5, vm0, $0xb8;
	[tilespmem:$0x1C900] =	vst v63  }
.Ltmp5:
0x292: {  	s25 =	simm.s32 $0x8100;
	(pc) =	sbr.rel @p0 .LBB2_8-.Ltmp5, $4  }
0x293: {  	[tilespmem:s25], [sflag:$0x1] =	stream.indirect_vreg.gather [hbm4b:s9+s4], $0x80, v5, vm0, $0xb8;
	[tilespmem:$0x1C900] =	vst v63  }
0x294: {  	_ =	swait.ge [sflag:s15], $0x4000  }
0x295: {  	[sflag:s15] =	ssyncset.done $0x0  }
0x296: {  	[sflag:s15] =	ssyncadd.s32 $0xFFFFC000  }
.LBB2_7:
0x297: {  	_ =	swait.ge [sflag:s16], $0x4000  }
0x298: {  	[sflag:s16] =	ssyncset.done $0x0  }
0x299: {  	[sflag:s16] =	ssyncadd.s32 $0xFFFFC000  }
.LBB2_8:
0x29a: {  	s23 =	sadd.s32 s12, s5  }
0x29b: {  	s7 =	sadd.s32 $0x20, s23  }
0x29c: {  	s8 =	sand.u32 $0xFA0, s7  }
0x29d: {  	s8 =	smul.u32 $0x4D, s8  }
0x29e: {  	s11 =	sshrl.u32 s7, $0xC  }
0x29f: {  	s13 =	ssub.s32 s11, s6;
	s8 =	sadd.s32 s11, s8  }
0x2a0: {  	s7 =	sshrl.u32 s7, $0x5;
	s18 =	sshll.u32 s13, $0x9;
	v5 =	vadd.s32 s8, v0  }
0x2a1: {  	s20 =	simm.s32 $0x0;
	s7 =	sand.u32 $0x380, s7;
	s19 =	sand.u32 $0xFFFFF000, s18;
	[tilespmem:$0x4880] =	vst v5;
	v5 =	vadd.s32 s8, v4  }
0x2a2: {  	s24 =	sand.u32 $0x3000, s20;
	s25 =	sand.u32 $0x380, s20;
	s13 =	sor.u32 s7, s19;
	[tilespmem:$0x4890] =	vst v5  }
0x2a3: {  	s11 =	sor.u32 s25, s24;
	v5 =	vld [tilespmem:s13+$0x2800]  }
0x2a4: {  	v6 =	vld [tilespmem:s11+$0x8900];
	_ =	sdelay $0x4  }
0x2a5: {  	v5 =	vadd.f32 v5, v6;
	_ =	sdelay $0x1  }
0x2a6: {  	s24 =	sadd.s32 $0x2800, s13;
	[tilespmem:s11+$0x18900] =	vst v5;
	v5 =	vld [tilespmem:s11+$0x8910]  }
0x2a7: {  	v6 =	vld [tilespmem:s24+$0x10];
	_ =	sdelay $0x4  }
0x2a8: {  	v5 =	vadd.f32 v6, v5;
	_ =	sdelay $0x1  }
0x2a9: {  	[tilespmem:s11+$0x18910] =	vst v5;
	v5 =	vld [tilespmem:s11+$0x8920]  }
0x2aa: {  	v6 =	vld [tilespmem:s24+$0x20];
	_ =	sdelay $0x4  }
0x2ab: {  	v5 =	vadd.f32 v6, v5;
	_ =	sdelay $0x1  }
0x2ac: {  	[tilespmem:s11+$0x18920] =	vst v5;
	v5 =	vld [tilespmem:s11+$0x8930]  }
0x2ad: {  	v6 =	vld [tilespmem:s24+$0x30];
	_ =	sdelay $0x4  }
0x2ae: {  	v5 =	vadd.f32 v6, v5;
	_ =	sdelay $0x1  }
0x2af: {  	[tilespmem:s11+$0x18930] =	vst v5;
	v5 =	vld [tilespmem:s11+$0x8940]  }
0x2b0: {  	v6 =	vld [tilespmem:s24+$0x40];
	_ =	sdelay $0x4  }
0x2b1: {  	v5 =	vadd.f32 v6, v5;
	_ =	sdelay $0x1  }
0x2b2: {  	[tilespmem:s11+$0x18940] =	vst v5;
	v5 =	vld [tilespmem:s11+$0x8950]  }
0x2b3: {  	v6 =	vld [tilespmem:s24+$0x50];
	_ =	sdelay $0x4  }
0x2b4: {  	v5 =	vadd.f32 v6, v5;
	_ =	sdelay $0x1  }
0x2b5: {  	[tilespmem:s11+$0x18950] =	vst v5;
	v5 =	vld [tilespmem:s11+$0x8960]  }
0x2b6: {  	v6 =	vld [tilespmem:s24+$0x60];
	_ =	sdelay $0x4  }
0x2b7: {  	v5 =	vadd.f32 v6, v5;
	_ =	sdelay $0x1  }
0x2b8: {  	[tilespmem:s11+$0x18960] =	vst v5;
	v5 =	vld [tilespmem:s11+$0x8970]  }
0x2b9: {  	s14 =	simm.s32 $0x80;
	s8 =	simm.s32 $0x200;
	v6 =	vld [tilespmem:s24+$0x70]  }
0x2ba: {  	s7 =	sand.u32 $0x3000, s8;
	s8 =	sand.u32 $0x380, s14  }
0x2bb: {  	v7 =	vld [tilespmem:s13+$0x2800];
	s25 =	sor.u32 s8, s7  }
0x2bc: {  	v8 =	vld [tilespmem:s25+$0x8900];
	_ =	sdelay $0x1  }
0x2bd: {  	v5 =	vadd.f32 v6, v5;
	_ =	sdelay $0x1  }
0x2be: {  	v6 =	vld [tilespmem:s11+$0x8D00];
	[tilespmem:s11+$0x18970] =	vst v5  }
0x2bf: {  	v5 =	vadd.f32 v7, v8;
	v7 =	vld [tilespmem:s24+$0x400];
	_ =	sdelay $0x4  }
0x2c0: {  	[tilespmem:s25+$0x18900] =	vst v5;
	v5 =	vld [tilespmem:s25+$0x8910];
	v6 =	vadd.f32 v7, v6  }
0x2c1: {  	v8 =	vld [tilespmem:s24+$0x10]  }
0x2c2: {  	v7 =	vld [tilespmem:s11+$0x8D10];
	[tilespmem:s11+$0x18D00] =	vst v6  }
0x2c3: {  	v6 =	vld [tilespmem:s24+$0x410];
	_ =	sdelay $0x2  }
0x2c4: {  	v5 =	vadd.f32 v8, v5;
	_ =	sdelay $0x1  }
0x2c5: {  	[tilespmem:s25+$0x18910] =	vst v5;
	v5 =	vld [tilespmem:s25+$0x8920];
	v6 =	vadd.f32 v6, v7  }
0x2c6: {  	v8 =	vld [tilespmem:s24+$0x20]  }
0x2c7: {  	v7 =	vld [tilespmem:s11+$0x8D20];
	[tilespmem:s11+$0x18D10] =	vst v6  }
0x2c8: {  	v6 =	vld [tilespmem:s24+$0x420];
	_ =	sdelay $0x2  }
0x2c9: {  	v5 =	vadd.f32 v8, v5;
	_ =	sdelay $0x1  }
0x2ca: {  	[tilespmem:s25+$0x18920] =	vst v5;
	v5 =	vld [tilespmem:s25+$0x8930];
	v6 =	vadd.f32 v6, v7  }
0x2cb: {  	v8 =	vld [tilespmem:s24+$0x30]  }
0x2cc: {  	v7 =	vld [tilespmem:s11+$0x8D30];
	[tilespmem:s11+$0x18D20] =	vst v6  }
0x2cd: {  	v6 =	vld [tilespmem:s24+$0x430];
	_ =	sdelay $0x2  }
0x2ce: {  	v5 =	vadd.f32 v8, v5;
	_ =	sdelay $0x1  }
0x2cf: {  	[tilespmem:s25+$0x18930] =	vst v5;
	v5 =	vld [tilespmem:s25+$0x8940];
	v6 =	vadd.f32 v6, v7  }
0x2d0: {  	v8 =	vld [tilespmem:s24+$0x40]  }
0x2d1: {  	v7 =	vld [tilespmem:s11+$0x8D40];
	[tilespmem:s11+$0x18D30] =	vst v6  }
0x2d2: {  	v6 =	vld [tilespmem:s24+$0x440];
	_ =	sdelay $0x2  }
0x2d3: {  	v5 =	vadd.f32 v8, v5;
	_ =	sdelay $0x1  }
0x2d4: {  	[tilespmem:s25+$0x18940] =	vst v5;
	v5 =	vld [tilespmem:s25+$0x8950];
	v6 =	vadd.f32 v6, v7  }
0x2d5: {  	v7 =	vld [tilespmem:s24+$0x50]  }
0x2d6: {  	v8 =	vld [tilespmem:s11+$0x8D50];
	[tilespmem:s11+$0x18D40] =	vst v6  }
0x2d7: {  	v6 =	vld [tilespmem:s24+$0x450];
	_ =	sdelay $0x2  }
0x2d8: {  	v5 =	vadd.f32 v7, v5;
	_ =	sdelay $0x1  }
0x2d9: {  	[tilespmem:s25+$0x18950] =	vst v5;
	v5 =	vadd.f32 v6, v8;
	v6 =	vld [tilespmem:s25+$0x8960]  }
0x2da: {  	v8 =	vld [tilespmem:s24+$0x60]  }
0x2db: {  	v7 =	vld [tilespmem:s11+$0x8D60];
	[tilespmem:s11+$0x18D50] =	vst v5  }
0x2dc: {  	v5 =	vld [tilespmem:s24+$0x460];
	_ =	sdelay $0x2  }
0x2dd: {  	v6 =	vadd.f32 v8, v6;
	_ =	sdelay $0x1  }
0x2de: {  	[tilespmem:s25+$0x18960] =	vst v6;
	v6 =	vld [tilespmem:s25+$0x8970];
	v5 =	vadd.f32 v5, v7  }
0x2df: {  	v8 =	vld [tilespmem:s24+$0x70]  }
0x2e0: {  	s17 =	simm.s32 $0x400;
	s18 =	simm.s32 $0x100;
	v7 =	vld [tilespmem:s11+$0x8D70];
	[tilespmem:s11+$0x18D60] =	vst v5  }
0x2e1: {  	s7 =	sand.u32 $0x3000, s17;
	s8 =	sand.u32 $0x380, s18;
	v5 =	vld [tilespmem:s24+$0x470]  }
0x2e2: {  	v9 =	vld [tilespmem:s13+$0x2800];
	s7 =	sor.u32 s8, s7  }
0x2e3: {  	v10 =	vld [tilespmem:s7+$0x8900]  }
0x2e4: {  	v6 =	vadd.f32 v8, v6;
	_ =	sdelay $0x1  }
0x2e5: {  	[tilespmem:s25+$0x18970] =	vst v6;
	v6 =	vld [tilespmem:s25+$0x8D00];
	v5 =	vadd.f32 v5, v7  }
0x2e6: {  	v7 =	vld [tilespmem:s11+$0x9100]  }
0x2e7: {  	v8 =	vadd.f32 v9, v10;
	[tilespmem:s11+$0x18D70] =	vst v5;
	v5 =	vld [tilespmem:s24+$0x400]  }
0x2e8: {  	v9 =	vld [tilespmem:s24+$0x800]  }
0x2e9: {  	[tilespmem:s7+$0x18900] =	vst v8;
	v8 =	vld [tilespmem:s7+$0x8910]  }
0x2ea: {  	v10 =	vld [tilespmem:s24+$0x10];
	_ =	sdelay $0x1  }
0x2eb: {  	v5 =	vadd.f32 v5, v6  }
0x2ec: {  	v6 =	vld [tilespmem:s25+$0x8D10];
	v7 =	vadd.f32 v9, v7  }
0x2ed: {  	v9 =	vld [tilespmem:s11+$0x9110];
	[tilespmem:s25+$0x18D00] =	vst v5  }
0x2ee: {  	v5 =	vadd.f32 v10, v8;
	v8 =	vld [tilespmem:s24+$0x410];
	[tilespmem:s11+$0x19100] =	vst v7  }
0x2ef: {  	v7 =	vld [tilespmem:s24+$0x810];
	_ =	sdelay $0x2  }
0x2f0: {  	[tilespmem:s7+$0x18910] =	vst v5;
	v5 =	vld [tilespmem:s7+$0x8920]  }
0x2f1: {  	v10 =	vld [tilespmem:s24+$0x20];
	v6 =	vadd.f32 v8, v6  }
0x2f2: {  	v8 =	vld [tilespmem:s25+$0x8D20];
	v7 =	vadd.f32 v7, v9  }
0x2f3: {  	v9 =	vld [tilespmem:s11+$0x9120];
	[tilespmem:s25+$0x18D10] =	vst v6  }
0x2f4: {  	v6 =	vld [tilespmem:s24+$0x420];
	[tilespmem:s11+$0x19110] =	vst v7  }
0x2f5: {  	v7 =	vld [tilespmem:s24+$0x820]  }
0x2f6: {  	v5 =	vadd.f32 v10, v5;
	_ =	sdelay $0x1  }
0x2f7: {  	[tilespmem:s7+$0x18920] =	vst v5;
	v5 =	vld [tilespmem:s7+$0x8930]  }
0x2f8: {  	v10 =	vld [tilespmem:s24+$0x30];
	v6 =	vadd.f32 v6, v8  }
0x2f9: {  	v8 =	vld [tilespmem:s25+$0x8D30];
	v7 =	vadd.f32 v7, v9  }
0x2fa: {  	v9 =	vld [tilespmem:s11+$0x9130];
	[tilespmem:s25+$0x18D20] =	vst v6  }
0x2fb: {  	v6 =	vld [tilespmem:s24+$0x430];
	[tilespmem:s11+$0x19120] =	vst v7  }
0x2fc: {  	v7 =	vld [tilespmem:s24+$0x830]  }
0x2fd: {  	v5 =	vadd.f32 v10, v5;
	_ =	sdelay $0x1  }
0x2fe: {  	[tilespmem:s7+$0x18930] =	vst v5;
	v5 =	vld [tilespmem:s7+$0x8940]  }
0x2ff: {  	v10 =	vld [tilespmem:s24+$0x40];
	v6 =	vadd.f32 v6, v8  }
0x300: {  	v8 =	vld [tilespmem:s25+$0x8D40];
	v7 =	vadd.f32 v7, v9  }
0x301: {  	v9 =	vld [tilespmem:s11+$0x9140];
	[tilespmem:s25+$0x18D30] =	vst v6  }
0x302: {  	v6 =	vld [tilespmem:s24+$0x440];
	[tilespmem:s11+$0x19130] =	vst v7  }
0x303: {  	v7 =	vld [tilespmem:s24+$0x840];
	_ =	sdelay $0x1  }
0x304: {  	v5 =	vadd.f32 v10, v5  }
0x305: {  	v10 =	vld [tilespmem:s25+$0x8D50]  }
0x306: {  	[tilespmem:s7+$0x18940] =	vst v5;
	v5 =	vld [tilespmem:s7+$0x8950];
	v6 =	vadd.f32 v6, v8  }
0x307: {  	v8 =	vld [tilespmem:s24+$0x50];
	v7 =	vadd.f32 v7, v9  }
0x308: {  	v9 =	vld [tilespmem:s11+$0x9150];
	[tilespmem:s25+$0x18D40] =	vst v6  }
0x309: {  	v6 =	vld [tilespmem:s24+$0x450];
	[tilespmem:s11+$0x19140] =	vst v7  }
0x30a: {  	v7 =	vld [tilespmem:s24+$0x850];
	_ =	sdelay $0x1  }
0x30b: {  	v5 =	vadd.f32 v8, v5  }
0x30c: {  	v8 =	vld [tilespmem:s25+$0x8D60]  }
0x30d: {  	[tilespmem:s7+$0x18950] =	vst v5;
	v5 =	vadd.f32 v6, v10;
	v6 =	vld [tilespmem:s7+$0x8960]  }
0x30e: {  	v10 =	vld [tilespmem:s11+$0x9160];
	v7 =	vadd.f32 v7, v9  }
0x30f: {  	v9 =	vld [tilespmem:s24+$0x60];
	[tilespmem:s25+$0x18D50] =	vst v5  }
0x310: {  	v5 =	vld [tilespmem:s24+$0x460];
	[tilespmem:s11+$0x19150] =	vst v7  }
0x311: {  	v7 =	vld [tilespmem:s24+$0x860];
	_ =	sdelay $0x2  }
0x312: {  	v6 =	vadd.f32 v9, v6;
	v9 =	vld [tilespmem:s11+$0x9170]  }
0x313: {  	v5 =	vadd.f32 v5, v8;
	v8 =	vld [tilespmem:s25+$0x8D70]  }
0x314: {  	[tilespmem:s7+$0x18960] =	vst v6;
	v6 =	vld [tilespmem:s7+$0x8970];
	v7 =	vadd.f32 v7, v10  }
0x315: {  	v10 =	vld [tilespmem:s24+$0x70];
	[tilespmem:s25+$0x18D60] =	vst v5  }
0x316: {  	s19 =	simm.s32 $0x600;
	s14 =	simm.s32 $0x180;
	v5 =	vld [tilespmem:s24+$0x470];
	[tilespmem:s11+$0x19160] =	vst v7  }
0x317: {  	s14 =	sand.u32 $0x380, s14;
	s8 =	sand.u32 $0x3000, s19;
	v7 =	vld [tilespmem:s24+$0x870]  }
0x318: {  	v11 =	vld [tilespmem:s13+$0x2800];
	s8 =	sor.u32 s14, s8  }
0x319: {  	v12 =	vld [tilespmem:s8+$0x8900]  }
0x31a: {  	v6 =	vadd.f32 v10, v6;
	v10 =	vld [tilespmem:s11+$0x9500]  }
0x31b: {  	v5 =	vadd.f32 v5, v8;
	v8 =	vld [tilespmem:s25+$0x9100]  }
0x31c: {  	[tilespmem:s7+$0x18970] =	vst v6;
	v6 =	vld [tilespmem:s7+$0x8D00];
	v7 =	vadd.f32 v7, v9  }
0x31d: {  	[tilespmem:s25+$0x18D70] =	vst v5;
	v5 =	vld [tilespmem:s24+$0x400]  }
0x31e: {  	v9 =	vadd.f32 v11, v12;
	[tilespmem:s11+$0x19170] =	vst v7;
	v7 =	vld [tilespmem:s24+$0x800]  }
0x31f: {  	v11 =	vld [tilespmem:s24+$0xC00]  }
0x320: {  	[tilespmem:s8+$0x18900] =	vst v9;
	v9 =	vld [tilespmem:s8+$0x8910]  }
0x321: {  	v12 =	vld [tilespmem:s24+$0x10]  }
0x322: {  	v13 =	vld [tilespmem:s11+$0x9510];
	v5 =	vadd.f32 v5, v6  }
0x323: {  	v6 =	vld [tilespmem:s7+$0x8D10];
	v7 =	vadd.f32 v7, v8  }
0x324: {  	v8 =	vld [tilespmem:s25+$0x9110];
	[tilespmem:s7+$0x18D00] =	vst v5;
	v5 =	vadd.f32 v11, v10  }
0x325: {  	v10 =	vld [tilespmem:s24+$0x410];
	[tilespmem:s25+$0x19100] =	vst v7  }
0x326: {  	v7 =	vadd.f32 v12, v9;
	v9 =	vld [tilespmem:s24+$0x810];
	[tilespmem:s11+$0x19500] =	vst v5  }
0x327: {  	v5 =	vld [tilespmem:s24+$0xC10]  }
0x328: {  	v12 =	vld [tilespmem:s11+$0x9520]  }
0x329: {  	[tilespmem:s8+$0x18910] =	vst v7;
	v7 =	vld [tilespmem:s8+$0x8920]  }
0x32a: {  	v11 =	vld [tilespmem:s24+$0x20];
	v6 =	vadd.f32 v10, v6  }
0x32b: {  	v10 =	vld [tilespmem:s7+$0x8D20];
	v8 =	vadd.f32 v9, v8  }
0x32c: {  	v9 =	vld [tilespmem:s25+$0x9120];
	[tilespmem:s7+$0x18D10] =	vst v6;
	v5 =	vadd.f32 v5, v13  }
0x32d: {  	v6 =	vld [tilespmem:s24+$0x420];
	[tilespmem:s25+$0x19110] =	vst v8  }
0x32e: {  	v8 =	vld [tilespmem:s24+$0x820];
	[tilespmem:s11+$0x19510] =	vst v5  }
0x32f: {  	v7 =	vadd.f32 v11, v7;
	v5 =	vld [tilespmem:s24+$0xC20]  }
0x330: {  	v13 =	vld [tilespmem:s11+$0x9530]  }
0x331: {  	[tilespmem:s8+$0x18920] =	vst v7;
	v7 =	vld [tilespmem:s8+$0x8930]  }
0x332: {  	v11 =	vld [tilespmem:s24+$0x30];
	v6 =	vadd.f32 v6, v10  }
0x333: {  	v10 =	vld [tilespmem:s7+$0x8D30];
	v8 =	vadd.f32 v8, v9  }
0x334: {  	v9 =	vld [tilespmem:s25+$0x9130];
	[tilespmem:s7+$0x18D20] =	vst v6;
	v5 =	vadd.f32 v5, v12  }
0x335: {  	v6 =	vld [tilespmem:s24+$0x430];
	[tilespmem:s25+$0x19120] =	vst v8  }
0x336: {  	v8 =	vld [tilespmem:s24+$0x830];
	[tilespmem:s11+$0x19520] =	vst v5  }
0x337: {  	v7 =	vadd.f32 v11, v7;
	v5 =	vld [tilespmem:s24+$0xC30]  }
0x338: {  	v12 =	vld [tilespmem:s11+$0x9540]  }
0x339: {  	[tilespmem:s8+$0x18930] =	vst v7;
	v7 =	vld [tilespmem:s8+$0x8940]  }
0x33a: {  	v11 =	vld [tilespmem:s24+$0x40];
	v6 =	vadd.f32 v6, v10  }
0x33b: {  	v10 =	vld [tilespmem:s7+$0x8D40];
	v8 =	vadd.f32 v8, v9  }
0x33c: {  	v9 =	vld [tilespmem:s25+$0x9140];
	[tilespmem:s7+$0x18D30] =	vst v6;
	v5 =	vadd.f32 v5, v13  }
0x33d: {  	v6 =	vld [tilespmem:s24+$0x440];
	[tilespmem:s25+$0x19130] =	vst v8  }
0x33e: {  	v8 =	vld [tilespmem:s24+$0x840];
	[tilespmem:s11+$0x19530] =	vst v5  }
0x33f: {  	v7 =	vadd.f32 v11, v7;
	v5 =	vld [tilespmem:s24+$0xC40]  }
0x340: {  	v13 =	vld [tilespmem:s11+$0x9550]  }
0x341: {  	[tilespmem:s8+$0x18940] =	vst v7;
	v7 =	vld [tilespmem:s8+$0x8950]  }
0x342: {  	v11 =	vld [tilespmem:s24+$0x50];
	v6 =	vadd.f32 v6, v10  }
0x343: {  	v10 =	vld [tilespmem:s7+$0x8D50];
	v8 =	vadd.f32 v8, v9  }
0x344: {  	v9 =	vld [tilespmem:s25+$0x9150];
	[tilespmem:s7+$0x18D40] =	vst v6;
	v5 =	vadd.f32 v5, v12  }
0x345: {  	v6 =	vld [tilespmem:s24+$0x450];
	[tilespmem:s25+$0x19140] =	vst v8  }
0x346: {  	v8 =	vld [tilespmem:s24+$0x850];
	[tilespmem:s11+$0x19540] =	vst v5  }
0x347: {  	v5 =	vadd.f32 v11, v7;
	v7 =	vld [tilespmem:s24+$0xC50]  }
0x348: {  	v12 =	vld [tilespmem:s7+$0x8D60]  }
0x349: {  	v11 =	vld [tilespmem:s11+$0x9560]  }
0x34a: {  	[tilespmem:s8+$0x18950] =	vst v5;
	v5 =	vld [tilespmem:s8+$0x8960];
	v6 =	vadd.f32 v6, v10  }
0x34b: {  	v10 =	vld [tilespmem:s24+$0x60];
	v8 =	vadd.f32 v8, v9  }
0x34c: {  	v9 =	vld [tilespmem:s25+$0x9160];
	[tilespmem:s7+$0x18D50] =	vst v6;
	v6 =	vadd.f32 v7, v13  }
0x34d: {  	v7 =	vld [tilespmem:s24+$0x460];
	[tilespmem:s25+$0x19150] =	vst v8  }
0x34e: {  	v8 =	vld [tilespmem:s24+$0x860];
	[tilespmem:s11+$0x19550] =	vst v6  }
0x34f: {  	v6 =	vld [tilespmem:s24+$0xC60]  }
0x350: {  	v14 =	vld [tilespmem:s7+$0x8D70];
	v5 =	vadd.f32 v10, v5  }
0x351: {  	v13 =	vld [tilespmem:s11+$0x9570]  }
0x352: {  	[tilespmem:s8+$0x18960] =	vst v5;
	v5 =	vadd.f32 v7, v12;
	v7 =	vld [tilespmem:s8+$0x8970]  }
0x353: {  	v12 =	vld [tilespmem:s25+$0x9170];
	v8 =	vadd.f32 v8, v9  }
0x354: {  	v9 =	vld [tilespmem:s24+$0x70];
	[tilespmem:s7+$0x18D60] =	vst v5;
	v5 =	vadd.f32 v6, v11  }
0x355: {  	v6 =	vld [tilespmem:s24+$0x470];
	[tilespmem:s25+$0x19160] =	vst v8  }
0x356: {  	v11 =	vld [tilespmem:s24+$0x870];
	[tilespmem:s11+$0x19560] =	vst v5  }
0x357: {  	v15 =	vld [tilespmem:s24+$0xC70]  }
0x358: {  	v10 =	vld [tilespmem:s13+$0x2800]  }
0x359: {  	s20 =	simm.s32 $0x800;
	s17 =	simm.s32 $0x200;
	v8 =	vld [tilespmem:s7+$0x9100];
	v7 =	vadd.f32 v9, v7  }
0x35a: {  	s18 =	sand.u32 $0x380, s17;
	s14 =	sand.u32 $0x3000, s20;
	v5 =	vld [tilespmem:s25+$0x9500];
	v6 =	vadd.f32 v6, v14  }
0x35b: {  	s14 =	sor.u32 s18, s14;
	v9 =	vld [tilespmem:s8+$0x8D00];
	[tilespmem:s8+$0x18970] =	vst v7;
	v7 =	vadd.f32 v11, v12  }
0x35c: {  	v12 =	vld [tilespmem:s14+$0x8900];
	[tilespmem:s7+$0x18D70] =	vst v6;
	v13 =	vadd.f32 v15, v13  }
0x35d: {  	s18 =	simm.s32 $0xA00;
	v11 =	vld [tilespmem:s24+$0x400];
	[tilespmem:s25+$0x19170] =	vst v7  }
.LBB2_9:
0x35e: {  	p0 =	sne.s32 s18, $0x3E00;
	v6 =	vld [tilespmem:s24+$0x800];
	[tilespmem:s11+$0x19570] =	vst v13;
	s11 =	smov.u32 s25;
	s25 =	smov.u32 s7  }
0x35f: {  	s7 =	smov.u32 s8;
	s8 =	smov.u32 s14;
	v7 =	vld [tilespmem:s24+$0xC00]  }
0x360: {  	v13 =	vld [tilespmem:s11+$0x9510]  }
0x361: {  	v10 =	vadd.f32 v10, v12;
	v12 =	vld [tilespmem:s25+$0x9110]  }
0x362: {  	v9 =	vadd.f32 v11, v9;
	v11 =	vld [tilespmem:s7+$0x8D10]  }
0x363: {  	[tilespmem:s8+$0x18900] =	vst v10;
	v10 =	vld [tilespmem:s8+$0x8910];
	v6 =	vadd.f32 v6, v8  }
0x364: {  	v8 =	vld [tilespmem:s24+$0x10];
	[tilespmem:s7+$0x18D00] =	vst v9;
	v5 =	vadd.f32 v7, v5  }
0x365: {  	v7 =	vld [tilespmem:s24+$0x410];
	[tilespmem:s25+$0x19100] =	vst v6  }
0x366: {  	v6 =	vld [tilespmem:s24+$0x810];
	[tilespmem:s11+$0x19500] =	vst v5  }
0x367: {  	v5 =	vld [tilespmem:s24+$0xC10]  }
0x368: {  	v9 =	vld [tilespmem:s11+$0x9520]  }
0x369: {  	v8 =	vadd.f32 v8, v10;
	v10 =	vld [tilespmem:s25+$0x9120]  }
0x36a: {  	v7 =	vadd.f32 v7, v11;
	v11 =	vld [tilespmem:s7+$0x8D20]  }
0x36b: {  	[tilespmem:s8+$0x18910] =	vst v8;
	v8 =	vld [tilespmem:s8+$0x8920];
	v6 =	vadd.f32 v6, v12  }
0x36c: {  	v12 =	vld [tilespmem:s24+$0x20];
	[tilespmem:s7+$0x18D10] =	vst v7;
	v5 =	vadd.f32 v5, v13  }
0x36d: {  	v7 =	vld [tilespmem:s24+$0x420];
	[tilespmem:s25+$0x19110] =	vst v6  }
0x36e: {  	v6 =	vld [tilespmem:s24+$0x820];
	[tilespmem:s11+$0x19510] =	vst v5  }
0x36f: {  	v5 =	vld [tilespmem:s24+$0xC20]  }
0x370: {  	v13 =	vld [tilespmem:s11+$0x9530]  }
0x371: {  	v8 =	vadd.f32 v12, v8;
	v12 =	vld [tilespmem:s25+$0x9130]  }
0x372: {  	v7 =	vadd.f32 v7, v11;
	v11 =	vld [tilespmem:s7+$0x8D30]  }
0x373: {  	[tilespmem:s8+$0x18920] =	vst v8;
	v8 =	vld [tilespmem:s8+$0x8930];
	v6 =	vadd.f32 v6, v10  }
0x374: {  	v10 =	vld [tilespmem:s24+$0x30];
	[tilespmem:s7+$0x18D20] =	vst v7;
	v5 =	vadd.f32 v5, v9  }
0x375: {  	v7 =	vld [tilespmem:s24+$0x430];
	[tilespmem:s25+$0x19120] =	vst v6  }
0x376: {  	v6 =	vld [tilespmem:s24+$0x830];
	[tilespmem:s11+$0x19520] =	vst v5  }
0x377: {  	v5 =	vld [tilespmem:s24+$0xC30]  }
0x378: {  	v9 =	vld [tilespmem:s11+$0x9540]  }
0x379: {  	v8 =	vadd.f32 v10, v8;
	v10 =	vld [tilespmem:s25+$0x9140]  }
0x37a: {  	v7 =	vadd.f32 v7, v11;
	v11 =	vld [tilespmem:s7+$0x8D40]  }
0x37b: {  	[tilespmem:s8+$0x18930] =	vst v8;
	v8 =	vld [tilespmem:s8+$0x8940];
	v6 =	vadd.f32 v6, v12  }
0x37c: {  	v12 =	vld [tilespmem:s24+$0x40];
	[tilespmem:s7+$0x18D30] =	vst v7;
	v5 =	vadd.f32 v5, v13  }
0x37d: {  	v7 =	vld [tilespmem:s24+$0x440];
	[tilespmem:s25+$0x19130] =	vst v6  }
0x37e: {  	v6 =	vld [tilespmem:s24+$0x840];
	[tilespmem:s11+$0x19530] =	vst v5  }
0x37f: {  	v5 =	vld [tilespmem:s24+$0xC40]  }
0x380: {  	v13 =	vld [tilespmem:s11+$0x9550]  }
0x381: {  	v8 =	vadd.f32 v12, v8;
	v12 =	vld [tilespmem:s25+$0x9150]  }
0x382: {  	v7 =	vadd.f32 v7, v11;
	v11 =	vld [tilespmem:s7+$0x8D50]  }
0x383: {  	[tilespmem:s8+$0x18940] =	vst v8;
	v8 =	vld [tilespmem:s8+$0x8950];
	v6 =	vadd.f32 v6, v10  }
0x384: {  	v10 =	vld [tilespmem:s24+$0x50];
	[tilespmem:s7+$0x18D40] =	vst v7;
	v5 =	vadd.f32 v5, v9  }
0x385: {  	v7 =	vld [tilespmem:s24+$0x450];
	[tilespmem:s25+$0x19140] =	vst v6  }
0x386: {  	v6 =	vld [tilespmem:s24+$0x850];
	[tilespmem:s11+$0x19540] =	vst v5  }
0x387: {  	v5 =	vld [tilespmem:s24+$0xC50]  }
0x388: {  	v9 =	vld [tilespmem:s11+$0x9560]  }
0x389: {  	v8 =	vadd.f32 v10, v8;
	v10 =	vld [tilespmem:s25+$0x9160]  }
0x38a: {  	v7 =	vadd.f32 v7, v11;
	v11 =	vld [tilespmem:s7+$0x8D60]  }
0x38b: {  	[tilespmem:s8+$0x18950] =	vst v8;
	v8 =	vld [tilespmem:s8+$0x8960];
	v6 =	vadd.f32 v6, v12  }
0x38c: {  	v12 =	vld [tilespmem:s24+$0x60];
	[tilespmem:s7+$0x18D50] =	vst v7;
	v5 =	vadd.f32 v5, v13  }
0x38d: {  	v7 =	vld [tilespmem:s24+$0x460];
	[tilespmem:s25+$0x19150] =	vst v6  }
0x38e: {  	v6 =	vld [tilespmem:s24+$0x860];
	[tilespmem:s11+$0x19550] =	vst v5  }
0x38f: {  	v5 =	vld [tilespmem:s24+$0xC60]  }
0x390: {  	v13 =	vld [tilespmem:s11+$0x9570]  }
0x391: {  	v8 =	vadd.f32 v12, v8;
	v12 =	vld [tilespmem:s25+$0x9170]  }
0x392: {  	v7 =	vadd.f32 v7, v11;
	v11 =	vld [tilespmem:s7+$0x8D70]  }
0x393: {  	[tilespmem:s8+$0x18960] =	vst v8;
	v8 =	vld [tilespmem:s8+$0x8970];
	v6 =	vadd.f32 v6, v10  }
0x394: {  	v14 =	vld [tilespmem:s24+$0x70];
	[tilespmem:s7+$0x18D60] =	vst v7;
	v5 =	vadd.f32 v5, v9  }
0x395: {  	v7 =	vld [tilespmem:s24+$0x470];
	[tilespmem:s25+$0x19160] =	vst v6  }
0x396: {  	v6 =	vld [tilespmem:s24+$0x870];
	[tilespmem:s11+$0x19560] =	vst v5  }
0x397: {  	v15 =	vld [tilespmem:s24+$0xC70]  }
0x398: {  	v10 =	vld [tilespmem:s13+$0x2800]  }
.Ltmp6:
0x399: {  	s17 =	sadd.s32 $0x80, s17;
	v9 =	vadd.f32 v14, v8;
	v5 =	vld [tilespmem:s25+$0x9500];
	(pc) =	sbr.rel @p0 .LBB2_9-.Ltmp6, $4  }
0x39a: {  	s14 =	sand.u32 $0x3000, s18;
	s19 =	sand.u32 $0x380, s17;
	v7 =	vadd.f32 v7, v11;
	v8 =	vld [tilespmem:s7+$0x9100]  }
0x39b: {  	s14 =	sor.u32 s19, s14;
	[tilespmem:s8+$0x18970] =	vst v9;
	v9 =	vld [tilespmem:s8+$0x8D00];
	v6 =	vadd.f32 v6, v12  }
0x39c: {  	v12 =	vld [tilespmem:s14+$0x8900];
	[tilespmem:s7+$0x18D70] =	vst v7;
	v13 =	vadd.f32 v15, v13  }
0x39d: {  	s18 =	sadd.s32 $0x200, s18;
	v11 =	vld [tilespmem:s24+$0x400];
	[tilespmem:s25+$0x19170] =	vst v6  }
0x39e: {  	_ = 	snop  }
0x39f: {  	v14 =	vld [tilespmem:s24+$0x800]  }
0x3a0: {  	v7 =	vld [tilespmem:s24+$0xC00]  }
0x3a1: {  	v6 =	vld [tilespmem:s25+$0x9510];
	v10 =	vadd.f32 v10, v12  }
0x3a2: {  	[tilespmem:s11+$0x19570] =	vst v13;
	v13 =	vld [tilespmem:s8+$0x8D10]  }
0x3a3: {  	v12 =	vld [tilespmem:s7+$0x9110];
	[tilespmem:s14+$0x18900] =	vst v10  }
0x3a4: {  	v10 =	vld [tilespmem:s14+$0x8910]  }
0x3a5: {  	v15 =	vld [tilespmem:s24+$0x10];
	_ =	sdelay $0x4  }
0x3a6: {  	v10 =	vadd.f32 v15, v10;
	_ =	sdelay $0x1  }
0x3a7: {  	[tilespmem:s14+$0x18910] =	vst v10;
	v10 =	vld [tilespmem:s14+$0x8920]  }
0x3a8: {  	v15 =	vld [tilespmem:s24+$0x20];
	_ =	sdelay $0x4  }
0x3a9: {  	v10 =	vadd.f32 v15, v10;
	_ =	sdelay $0x1  }
0x3aa: {  	[tilespmem:s14+$0x18920] =	vst v10;
	v10 =	vld [tilespmem:s14+$0x8930]  }
0x3ab: {  	v15 =	vld [tilespmem:s24+$0x30];
	_ =	sdelay $0x4  }
0x3ac: {  	v10 =	vadd.f32 v15, v10;
	_ =	sdelay $0x1  }
0x3ad: {  	[tilespmem:s14+$0x18930] =	vst v10;
	v10 =	vld [tilespmem:s14+$0x8940]  }
0x3ae: {  	v15 =	vld [tilespmem:s24+$0x40];
	_ =	sdelay $0x4  }
0x3af: {  	v10 =	vadd.f32 v15, v10;
	_ =	sdelay $0x1  }
0x3b0: {  	[tilespmem:s14+$0x18940] =	vst v10;
	v10 =	vld [tilespmem:s14+$0x8950]  }
0x3b1: {  	v15 =	vld [tilespmem:s24+$0x50];
	_ =	sdelay $0x4  }
0x3b2: {  	v10 =	vadd.f32 v15, v10;
	_ =	sdelay $0x1  }
0x3b3: {  	[tilespmem:s14+$0x18950] =	vst v10;
	v10 =	vld [tilespmem:s14+$0x8960]  }
0x3b4: {  	v15 =	vld [tilespmem:s24+$0x60];
	_ =	sdelay $0x4  }
0x3b5: {  	v10 =	vadd.f32 v15, v10;
	_ =	sdelay $0x1  }
0x3b6: {  	[tilespmem:s14+$0x18960] =	vst v10;
	v10 =	vld [tilespmem:s14+$0x8970]  }
0x3b7: {  	v15 =	vld [tilespmem:s24+$0x70];
	_ =	sdelay $0x4  }
0x3b8: {  	v10 =	vadd.f32 v15, v10  }
0x3b9: {  	v9 =	vadd.f32 v11, v9  }
0x3ba: {  	[tilespmem:s14+$0x18970] =	vst v10;
	v10 =	vld [tilespmem:s14+$0x8D00]  }
0x3bb: {  	[tilespmem:s8+$0x18D00] =	vst v9;
	v15 =	vld [tilespmem:s24+$0x400]  }
0x3bc: {  	v11 =	vld [tilespmem:s24+$0x410];
	_ =	sdelay $0x3  }
0x3bd: {  	v10 =	vadd.f32 v15, v10  }
0x3be: {  	v9 =	vld [tilespmem:s14+$0x8D10];
	v11 =	vadd.f32 v11, v13  }
0x3bf: {  	v13 =	vld [tilespmem:s8+$0x8D20];
	[tilespmem:s14+$0x18D00] =	vst v10  }
0x3c0: {  	[tilespmem:s8+$0x18D10] =	vst v11;
	v10 =	vld [tilespmem:s24+$0x410]  }
0x3c1: {  	v11 =	vld [tilespmem:s24+$0x420];
	_ =	sdelay $0x3  }
0x3c2: {  	v9 =	vadd.f32 v10, v9  }
0x3c3: {  	v11 =	vadd.f32 v11, v13;
	v13 =	vld [tilespmem:s8+$0x8D30]  }
0x3c4: {  	v10 =	vld [tilespmem:s14+$0x8D20];
	[tilespmem:s14+$0x18D10] =	vst v9  }
0x3c5: {  	[tilespmem:s8+$0x18D20] =	vst v11;
	v9 =	vld [tilespmem:s24+$0x420]  }
0x3c6: {  	v11 =	vld [tilespmem:s24+$0x430];
	_ =	sdelay $0x3  }
0x3c7: {  	v9 =	vadd.f32 v9, v10  }
0x3c8: {  	v11 =	vadd.f32 v11, v13;
	v13 =	vld [tilespmem:s8+$0x8D40]  }
0x3c9: {  	v10 =	vld [tilespmem:s14+$0x8D30];
	[tilespmem:s14+$0x18D20] =	vst v9  }
0x3ca: {  	[tilespmem:s8+$0x18D30] =	vst v11;
	v9 =	vld [tilespmem:s24+$0x430]  }
0x3cb: {  	v11 =	vld [tilespmem:s24+$0x440];
	_ =	sdelay $0x3  }
0x3cc: {  	v9 =	vadd.f32 v9, v10  }
0x3cd: {  	v11 =	vadd.f32 v11, v13;
	v13 =	vld [tilespmem:s8+$0x8D50]  }
0x3ce: {  	v10 =	vld [tilespmem:s14+$0x8D40];
	[tilespmem:s14+$0x18D30] =	vst v9  }
0x3cf: {  	[tilespmem:s8+$0x18D40] =	vst v11;
	v9 =	vld [tilespmem:s24+$0x440]  }
0x3d0: {  	v11 =	vld [tilespmem:s24+$0x450];
	_ =	sdelay $0x3  }
0x3d1: {  	v9 =	vadd.f32 v9, v10  }
0x3d2: {  	v11 =	vadd.f32 v11, v13;
	v13 =	vld [tilespmem:s8+$0x8D60]  }
0x3d3: {  	v10 =	vld [tilespmem:s14+$0x8D50];
	[tilespmem:s14+$0x18D40] =	vst v9  }
0x3d4: {  	[tilespmem:s8+$0x18D50] =	vst v11;
	v9 =	vld [tilespmem:s24+$0x450]  }
0x3d5: {  	v11 =	vld [tilespmem:s24+$0x460];
	_ =	sdelay $0x3  }
0x3d6: {  	v9 =	vadd.f32 v9, v10  }
0x3d7: {  	v11 =	vadd.f32 v11, v13;
	v13 =	vld [tilespmem:s8+$0x8D70]  }
0x3d8: {  	v10 =	vld [tilespmem:s14+$0x8D60];
	[tilespmem:s14+$0x18D50] =	vst v9  }
0x3d9: {  	[tilespmem:s8+$0x18D60] =	vst v11;
	v9 =	vld [tilespmem:s24+$0x460]  }
0x3da: {  	v11 =	vld [tilespmem:s24+$0x470];
	_ =	sdelay $0x3  }
0x3db: {  	v9 =	vadd.f32 v9, v10  }
0x3dc: {  	v11 =	vadd.f32 v11, v13;
	v13 =	vld [tilespmem:s8+$0x9100]  }
0x3dd: {  	v10 =	vld [tilespmem:s14+$0x8D70];
	[tilespmem:s14+$0x18D60] =	vst v9  }
0x3de: {  	[tilespmem:s8+$0x18D70] =	vst v11;
	v9 =	vld [tilespmem:s24+$0x470]  }
0x3df: {  	v11 =	vld [tilespmem:s24+$0x800]  }
0x3e0: {  	v8 =	vadd.f32 v14, v8;
	_ =	sdelay $0x1  }
0x3e1: {  	[tilespmem:s7+$0x19100] =	vst v8  }
0x3e2: {  	v8 =	vld [tilespmem:s24+$0x810];
	v9 =	vadd.f32 v9, v10  }
0x3e3: {  	v11 =	vadd.f32 v11, v13;
	v13 =	vld [tilespmem:s8+$0x9110]  }
0x3e4: {  	v10 =	vld [tilespmem:s14+$0x9100];
	[tilespmem:s14+$0x18D70] =	vst v9  }
0x3e5: {  	[tilespmem:s8+$0x19100] =	vst v11;
	v9 =	vld [tilespmem:s24+$0x800]  }
0x3e6: {  	v11 =	vld [tilespmem:s24+$0x810]  }
0x3e7: {  	v8 =	vadd.f32 v8, v12;
	_ =	sdelay $0x1  }
0x3e8: {  	v12 =	vld [tilespmem:s7+$0x9120];
	[tilespmem:s7+$0x19110] =	vst v8  }
0x3e9: {  	v8 =	vld [tilespmem:s24+$0x820];
	v9 =	vadd.f32 v9, v10  }
0x3ea: {  	v11 =	vadd.f32 v11, v13;
	v13 =	vld [tilespmem:s8+$0x9120]  }
0x3eb: {  	v10 =	vld [tilespmem:s14+$0x9110];
	[tilespmem:s14+$0x19100] =	vst v9  }
0x3ec: {  	[tilespmem:s8+$0x19110] =	vst v11;
	v9 =	vld [tilespmem:s24+$0x810]  }
0x3ed: {  	v11 =	vld [tilespmem:s24+$0x820]  }
0x3ee: {  	v8 =	vadd.f32 v8, v12;
	_ =	sdelay $0x1  }
0x3ef: {  	v12 =	vld [tilespmem:s7+$0x9130];
	[tilespmem:s7+$0x19120] =	vst v8  }
0x3f0: {  	v8 =	vld [tilespmem:s24+$0x830];
	v9 =	vadd.f32 v9, v10  }
0x3f1: {  	v11 =	vadd.f32 v11, v13;
	v13 =	vld [tilespmem:s8+$0x9130]  }
0x3f2: {  	v10 =	vld [tilespmem:s14+$0x9120];
	[tilespmem:s14+$0x19110] =	vst v9  }
0x3f3: {  	[tilespmem:s8+$0x19120] =	vst v11;
	v9 =	vld [tilespmem:s24+$0x820]  }
0x3f4: {  	v11 =	vld [tilespmem:s24+$0x830]  }
0x3f5: {  	v8 =	vadd.f32 v8, v12;
	_ =	sdelay $0x1  }
0x3f6: {  	v12 =	vld [tilespmem:s7+$0x9140];
	[tilespmem:s7+$0x19130] =	vst v8  }
0x3f7: {  	v8 =	vld [tilespmem:s24+$0x840];
	v9 =	vadd.f32 v9, v10  }
0x3f8: {  	v11 =	vadd.f32 v11, v13;
	v13 =	vld [tilespmem:s8+$0x9140]  }
0x3f9: {  	v10 =	vld [tilespmem:s14+$0x9130];
	[tilespmem:s14+$0x19120] =	vst v9  }
0x3fa: {  	[tilespmem:s8+$0x19130] =	vst v11;
	v9 =	vld [tilespmem:s24+$0x830]  }
0x3fb: {  	v11 =	vld [tilespmem:s24+$0x840]  }
0x3fc: {  	v8 =	vadd.f32 v8, v12;
	_ =	sdelay $0x1  }
0x3fd: {  	v12 =	vld [tilespmem:s7+$0x9150];
	[tilespmem:s7+$0x19140] =	vst v8  }
0x3fe: {  	v8 =	vld [tilespmem:s24+$0x850];
	v9 =	vadd.f32 v9, v10  }
0x3ff: {  	v11 =	vadd.f32 v11, v13;
	v13 =	vld [tilespmem:s8+$0x9150]  }
0x400: {  	v10 =	vld [tilespmem:s14+$0x9140];
	[tilespmem:s14+$0x19130] =	vst v9  }
0x401: {  	[tilespmem:s8+$0x19140] =	vst v11;
	v9 =	vld [tilespmem:s24+$0x840]  }
0x402: {  	v11 =	vld [tilespmem:s24+$0x850]  }
0x403: {  	v8 =	vadd.f32 v8, v12;
	_ =	sdelay $0x1  }
0x404: {  	v12 =	vld [tilespmem:s7+$0x9160];
	[tilespmem:s7+$0x19150] =	vst v8  }
0x405: {  	v8 =	vld [tilespmem:s24+$0x860];
	v9 =	vadd.f32 v9, v10  }
0x406: {  	v11 =	vadd.f32 v11, v13;
	v13 =	vld [tilespmem:s8+$0x9160]  }
0x407: {  	v10 =	vld [tilespmem:s14+$0x9150];
	[tilespmem:s14+$0x19140] =	vst v9  }
0x408: {  	[tilespmem:s8+$0x19150] =	vst v11;
	v9 =	vld [tilespmem:s24+$0x850]  }
0x409: {  	v11 =	vld [tilespmem:s24+$0x860]  }
0x40a: {  	v8 =	vadd.f32 v8, v12;
	_ =	sdelay $0x1  }
0x40b: {  	v12 =	vld [tilespmem:s7+$0x9170];
	[tilespmem:s7+$0x19160] =	vst v8  }
0x40c: {  	v8 =	vld [tilespmem:s24+$0x870];
	v9 =	vadd.f32 v9, v10  }
0x40d: {  	v11 =	vadd.f32 v11, v13;
	v13 =	vld [tilespmem:s8+$0x9170]  }
0x40e: {  	v10 =	vld [tilespmem:s14+$0x9160];
	[tilespmem:s14+$0x19150] =	vst v9  }
0x40f: {  	[tilespmem:s8+$0x19160] =	vst v11;
	v9 =	vld [tilespmem:s24+$0x860]  }
0x410: {  	v11 =	vld [tilespmem:s24+$0x870]  }
0x411: {  	v8 =	vadd.f32 v8, v12;
	_ =	sdelay $0x1  }
0x412: {  	v12 =	vld [tilespmem:s7+$0x9500];
	[tilespmem:s7+$0x19170] =	vst v8  }
0x413: {  	v8 =	vld [tilespmem:s24+$0xC00];
	v9 =	vadd.f32 v9, v10  }
0x414: {  	v11 =	vadd.f32 v11, v13;
	v13 =	vld [tilespmem:s8+$0x9500]  }
0x415: {  	v10 =	vld [tilespmem:s14+$0x9170];
	[tilespmem:s14+$0x19160] =	vst v9  }
0x416: {  	[tilespmem:s8+$0x19170] =	vst v11;
	v9 =	vld [tilespmem:s24+$0x870]  }
0x417: {  	v5 =	vadd.f32 v7, v5;
	v11 =	vld [tilespmem:s24+$0xC00]  }
0x418: {  	v8 =	vadd.f32 v8, v12  }
0x419: {  	[tilespmem:s25+$0x19500] =	vst v5  }
0x41a: {  	v5 =	vld [tilespmem:s7+$0x9510];
	[tilespmem:s7+$0x19500] =	vst v8  }
0x41b: {  	v8 =	vld [tilespmem:s24+$0xC10];
	v9 =	vadd.f32 v9, v10  }
0x41c: {  	v12 =	vld [tilespmem:s8+$0x9510];
	v11 =	vadd.f32 v11, v13  }
0x41d: {  	v10 =	vld [tilespmem:s14+$0x9500];
	[tilespmem:s14+$0x19170] =	vst v9  }
0x41e: {  	[tilespmem:s8+$0x19500] =	vst v11;
	v7 =	vld [tilespmem:s24+$0xC00]  }
0x41f: {  	v11 =	vld [tilespmem:s24+$0xC10]  }
0x420: {  	v5 =	vadd.f32 v8, v5  }
0x421: {  	v9 =	vld [tilespmem:s24+$0xC10]  }
0x422: {  	[tilespmem:s7+$0x19510] =	vst v5  }
0x423: {  	v5 =	vld [tilespmem:s24+$0xC20];
	v7 =	vadd.f32 v7, v10  }
0x424: {  	v11 =	vadd.f32 v11, v12;
	v12 =	vld [tilespmem:s8+$0x9520]  }
0x425: {  	v10 =	vld [tilespmem:s14+$0x9510];
	[tilespmem:s14+$0x19500] =	vst v7  }
0x426: {  	[tilespmem:s8+$0x19510] =	vst v11;
	v6 =	vadd.f32 v9, v6;
	v7 =	vld [tilespmem:s24+$0xC10]  }
0x427: {  	v11 =	vld [tilespmem:s24+$0xC20]  }
0x428: {  	v9 =	vld [tilespmem:s25+$0x9520];
	[tilespmem:s25+$0x19510] =	vst v6  }
0x429: {  	v8 =	vld [tilespmem:s24+$0xC20]  }
0x42a: {  	v6 =	vld [tilespmem:s7+$0x9520]  }
0x42b: {  	v7 =	vadd.f32 v7, v10;
	_ =	sdelay $0x1  }
0x42c: {  	v11 =	vadd.f32 v11, v12;
	v10 =	vld [tilespmem:s14+$0x9520];
	[tilespmem:s14+$0x19510] =	vst v7  }
0x42d: {  	v7 =	vadd.f32 v8, v9;
	v8 =	vld [tilespmem:s24+$0xC20]  }
0x42e: {  	v12 =	vld [tilespmem:s8+$0x9530];
	[tilespmem:s8+$0x19520] =	vst v11;
	v5 =	vadd.f32 v5, v6  }
0x42f: {  	v11 =	vld [tilespmem:s24+$0xC30]  }
0x430: {  	v6 =	vld [tilespmem:s7+$0x9530];
	[tilespmem:s7+$0x19520] =	vst v5  }
0x431: {  	v5 =	vld [tilespmem:s24+$0xC30]  }
0x432: {  	v9 =	vld [tilespmem:s25+$0x9530];
	[tilespmem:s25+$0x19520] =	vst v7;
	v8 =	vadd.f32 v8, v10  }
0x433: {  	v7 =	vld [tilespmem:s24+$0xC30]  }
0x434: {  	v11 =	vadd.f32 v11, v12;
	v10 =	vld [tilespmem:s14+$0x9530];
	[tilespmem:s14+$0x19520] =	vst v8  }
0x435: {  	v8 =	vld [tilespmem:s24+$0xC30]  }
0x436: {  	v12 =	vld [tilespmem:s8+$0x9540];
	[tilespmem:s8+$0x19530] =	vst v11;
	v5 =	vadd.f32 v5, v6  }
0x437: {  	v11 =	vld [tilespmem:s24+$0xC40]  }
0x438: {  	v6 =	vld [tilespmem:s7+$0x9540];
	[tilespmem:s7+$0x19530] =	vst v5;
	v7 =	vadd.f32 v7, v9  }
0x439: {  	v5 =	vld [tilespmem:s24+$0xC40]  }
0x43a: {  	v9 =	vld [tilespmem:s25+$0x9540];
	[tilespmem:s25+$0x19530] =	vst v7;
	v8 =	vadd.f32 v8, v10  }
0x43b: {  	v7 =	vld [tilespmem:s24+$0xC40]  }
0x43c: {  	v11 =	vadd.f32 v11, v12;
	v10 =	vld [tilespmem:s14+$0x9540];
	[tilespmem:s14+$0x19530] =	vst v8  }
0x43d: {  	v8 =	vld [tilespmem:s24+$0xC40]  }
0x43e: {  	v12 =	vld [tilespmem:s8+$0x9550];
	[tilespmem:s8+$0x19540] =	vst v11;
	v5 =	vadd.f32 v5, v6  }
0x43f: {  	v11 =	vld [tilespmem:s24+$0xC50]  }
0x440: {  	v6 =	vld [tilespmem:s7+$0x9550];
	[tilespmem:s7+$0x19540] =	vst v5;
	v7 =	vadd.f32 v7, v9  }
0x441: {  	v5 =	vld [tilespmem:s24+$0xC50]  }
0x442: {  	v9 =	vld [tilespmem:s25+$0x9550];
	[tilespmem:s25+$0x19540] =	vst v7;
	v8 =	vadd.f32 v8, v10  }
0x443: {  	v7 =	vld [tilespmem:s24+$0xC50]  }
0x444: {  	v11 =	vadd.f32 v11, v12;
	v10 =	vld [tilespmem:s14+$0x9550];
	[tilespmem:s14+$0x19540] =	vst v8  }
0x445: {  	v8 =	vld [tilespmem:s24+$0xC50]  }
0x446: {  	v12 =	vld [tilespmem:s8+$0x9560];
	[tilespmem:s8+$0x19550] =	vst v11;
	v5 =	vadd.f32 v5, v6  }
0x447: {  	v11 =	vld [tilespmem:s24+$0xC60]  }
0x448: {  	v6 =	vld [tilespmem:s7+$0x9560];
	[tilespmem:s7+$0x19550] =	vst v5;
	v7 =	vadd.f32 v7, v9  }
0x449: {  	v5 =	vld [tilespmem:s24+$0xC60]  }
0x44a: {  	v9 =	vld [tilespmem:s25+$0x9560];
	[tilespmem:s25+$0x19550] =	vst v7;
	v8 =	vadd.f32 v8, v10  }
0x44b: {  	v7 =	vld [tilespmem:s24+$0xC60]  }
0x44c: {  	v11 =	vadd.f32 v11, v12;
	v10 =	vld [tilespmem:s14+$0x9560];
	[tilespmem:s14+$0x19550] =	vst v8  }
0x44d: {  	v8 =	vld [tilespmem:s24+$0xC60]  }
0x44e: {  	v12 =	vld [tilespmem:s8+$0x9570];
	[tilespmem:s8+$0x19560] =	vst v11;
	v5 =	vadd.f32 v5, v6  }
0x44f: {  	v11 =	vld [tilespmem:s24+$0xC70]  }
0x450: {  	v6 =	vld [tilespmem:s7+$0x9570];
	[tilespmem:s7+$0x19560] =	vst v5;
	v7 =	vadd.f32 v7, v9  }
0x451: {  	v5 =	vld [tilespmem:s24+$0xC70]  }
0x452: {  	v9 =	vld [tilespmem:s25+$0x9570];
	[tilespmem:s25+$0x19560] =	vst v7;
	v8 =	vadd.f32 v8, v10  }
0x453: {  	v7 =	vld [tilespmem:s24+$0xC70]  }
0x454: {  	v10 =	vld [tilespmem:s14+$0x9570];
	[tilespmem:s14+$0x19560] =	vst v8  }
0x455: {  	v8 =	vld [tilespmem:s24+$0xC70];
	_ =	sdelay $0x1  }
0x456: {  	v5 =	vadd.f32 v5, v6  }
0x457: {  	v6 =	vadd.f32 v11, v12  }
0x458: {  	[tilespmem:s7+$0x19570] =	vst v5;
	v7 =	vadd.f32 v7, v9  }
0x459: {  	[tilespmem:s8+$0x19570] =	vst v6;
	v5 =	vadd.f32 v8, v10  }
0x45a: {  	[tilespmem:s25+$0x19570] =	vst v7  }
0x45b: {  	[tilespmem:s14+$0x19570] =	vst v5  }
0x45c: {  	v5 =	vld [tilespmem:$0x4880];
	_ =	sdelay $0x4  }
0x45d: {  	v6 =	vshll.u32 v5, $0x2  }
0x45e: {  	v5 =	vand.u32 $0x7, v5;
	v6 =	vand.u32 $0xFFFFFFE0, v6  }
0x45f: {  	v5 =	vor.u32 v5, v6  }
0x460: {  	v6 =	vperm.xlane v5, v1;
	_ =	sdelay $0x1  }
0x461: {  	v6 =	vadd.s32 v2, v6;
	_ =	sdelay $0x1  }
0x462: {  	v5 =	vperm.xlane v5, v3;
	_ =	sdelay $0x1  }
0x463: {  	s18 =	simm.s32 $0x18900;
	v5 =	vadd.s32 v2, v5  }
0x464: {  	[hbm4b:s3+s4] =	stream.indirect_vreg.scatter [tilespmem:s18], [sflag:$0x6], $0x80, v6, vm0, $0xb8;
	[tilespmem:$0x1C900] =	vst v63  }
0x465: {  	s19 =	simm.s32 $0x19100  }
0x466: {  	[hbm4b:s10+s4] =	stream.indirect_vreg.scatter [tilespmem:s19], [sflag:$0x6], $0x80, v6, vm0, $0xb8;
	[tilespmem:$0x1C900] =	vst v63  }
0x467: {  	s20 =	simm.s32 $0x19900  }
0x468: {  	[hbm4b:s3+s4] =	stream.indirect_vreg.scatter [tilespmem:s20], [sflag:$0x6], $0x80, v5, vm0, $0xb8;
	[tilespmem:$0x1C900] =	vst v63  }
0x469: {  	s24 =	simm.s32 $0x1A100  }
0x46a: {  	[hbm4b:s10+s4] =	stream.indirect_vreg.scatter [tilespmem:s24], [sflag:$0x6], $0x80, v5, vm0, $0xb8;
	[tilespmem:$0x1C900] =	vst v63  }
0x46b: {  	v5 =	vld [tilespmem:$0x4890];
	_ =	sdelay $0x4  }
0x46c: {  	v6 =	vshll.u32 v5, $0x2  }
0x46d: {  	v5 =	vand.u32 $0x7, v5;
	v6 =	vand.u32 $0xFFFFFFE0, v6  }
0x46e: {  	v5 =	vor.u32 v5, v6  }
0x46f: {  	v6 =	vperm.xlane v5, v1;
	_ =	sdelay $0x1  }
0x470: {  	v6 =	vadd.s32 v2, v6;
	_ =	sdelay $0x1  }
0x471: {  	v5 =	vperm.xlane v5, v3;
	_ =	sdelay $0x1  }
0x472: {  	v5 =	vadd.s32 v2, v5  }
0x473: {  	[hbm4b:s3+s4] =	stream.indirect_vreg.scatter [tilespmem:s21], [sflag:$0x6], $0x80, v6, vm0, $0xb8;
	[tilespmem:$0x1C900] =	vst v63  }
0x474: {  	p0 =	seq.s32 s0, $0x4C  }
0x475: {  	[hbm4b:s10+s4] =	stream.indirect_vreg.scatter [tilespmem:s26], [sflag:$0x6], $0x80, v6, vm0, $0xb8;
	[tilespmem:$0x1C900] =	vst v63  }
0x476: {  	s7 =	sshll.u32 @!p0 s0, $0x7  }
0x477: {  	[hbm4b:s3+s4] =	stream.indirect_vreg.scatter [tilespmem:s28], [sflag:$0x6], $0x80, v5, vm0, $0xb8;
	[tilespmem:$0x1C900] =	vst v63  }
0x478: {  	s24 =	sand.u32 @!p0 $0x3FFFFF80, s7  }
0x479: {  	[hbm4b:s10+s4] =	stream.indirect_vreg.scatter [tilespmem:s29], [sflag:$0x6], $0x80, v5, vm0, $0xb8;
	[tilespmem:$0x1C900] =	vst v63  }
0x47a: {  	v5 =	vld @!p0 [tilespmem:s24+$0xA0];
	_ =	sdelay $0x4  }
0x47b: {  	v6 =	vshll.u32 @!p0 v5, $0x2  }
0x47c: {  	v7 =	vlaneseq.u32 @!p0;
	v5 =	vand.u32 @!p0 $0x7, v5;
	v6 =	vand.u32 @!p0 $0xFFFFFFE0, v6  }
0x47d: {  	v8 =	vshrl.u32 @!p0 v7, $0x3;
	v5 =	vor.u32 @!p0 v5, v6;
	v6 =	vand.u32 @!p0 $0x7, v7  }
0x47e: {  	v8 =	vmul.u32 @!p0 $0x8, v8;
	v9 =	vperm.xlane @!p0 v5, v6;
	_ =	sdelay $0x1  }
0x47f: {  	v9 =	vadd.s32 @!p0 v8, v9  }
0x480: {  	v7 =	vor.u32 @!p0 $0x8, v7  }
0x481: {  	v5 =	vperm.xlane @!p0 v5, v7;
	_ =	sdelay $0x1  }
0x482: {  	vm1 =	vmmov @!p0 $0xffff;
	s8 =	simm.s32 @!p0 $0x8900;
	s7 =	simm.s32 @!p0 $0x0;
	v5 =	vadd.s32 @!p0 v8, v5  }
0x483: {  	[tilespmem:s8], [sflag:$0x2] =	stream.indirect_vreg.gather @!p0 [hbm4b:s2+s7], $0x80, v9, vm1, $0xb8;
	[tilespmem:$0x1C900] =	vst v63  }
0x484: {  	s8 =	simm.s32 @!p0 $0x9100  }
0x485: {  	[tilespmem:s8], [sflag:$0x2] =	stream.indirect_vreg.gather @!p0 [hbm4b:s9+s7], $0x80, v9, vm1, $0xb8;
	[tilespmem:$0x1C900] =	vst v63  }
0x486: {  	s8 =	simm.s32 @!p0 $0x9900  }
0x487: {  	[tilespmem:s8], [sflag:$0x2] =	stream.indirect_vreg.gather @!p0 [hbm4b:s2+s7], $0x80, v5, vm1, $0xb8;
	[tilespmem:$0x1C900] =	vst v63  }
0x488: {  	s8 =	simm.s32 @!p0 $0xA100  }
0x489: {  	[tilespmem:s8], [sflag:$0x2] =	stream.indirect_vreg.gather @!p0 [hbm4b:s9+s7], $0x80, v5, vm1, $0xb8;
	[tilespmem:$0x1C900] =	vst v63  }
0x48a: {  	v5 =	vld @!p0 [tilespmem:s24+$0xB0];
	_ =	sdelay $0x4  }
0x48b: {  	v9 =	vshll.u32 @!p0 v5, $0x2  }
0x48c: {  	v5 =	vand.u32 @!p0 $0x7, v5;
	v9 =	vand.u32 @!p0 $0xFFFFFFE0, v9  }
0x48d: {  	v5 =	vor.u32 @!p0 v5, v9  }
0x48e: {  	v6 =	vperm.xlane @!p0 v5, v6;
	_ =	sdelay $0x1  }
0x48f: {  	v6 =	vadd.s32 @!p0 v8, v6;
	_ =	sdelay $0x1  }
0x490: {  	v5 =	vperm.xlane @!p0 v5, v7;
	_ =	sdelay $0x1  }
0x491: {  	s8 =	simm.s32 @!p0 $0xA900;
	v5 =	vadd.s32 @!p0 v8, v5  }
0x492: {  	[tilespmem:s8], [sflag:$0x2] =	stream.indirect_vreg.gather @!p0 [hbm4b:s2+s7], $0x80, v6, vm1, $0xb8;
	[tilespmem:$0x1C900] =	vst v63  }
0x493: {  	s8 =	simm.s32 @!p0 $0xB100  }
0x494: {  	[tilespmem:s8], [sflag:$0x2] =	stream.indirect_vreg.gather @!p0 [hbm4b:s9+s7], $0x80, v6, vm1, $0xb8;
	[tilespmem:$0x1C900] =	vst v63  }
0x495: {  	s8 =	simm.s32 @!p0 $0xB900  }
0x496: {  	[tilespmem:s8], [sflag:$0x2] =	stream.indirect_vreg.gather @!p0 [hbm4b:s2+s7], $0x80, v5, vm1, $0xb8;
	[tilespmem:$0x1C900] =	vst v63  }
0x497: {  	s8 =	simm.s32 @!p0 $0xC100  }
0x498: {  	[tilespmem:s8], [sflag:$0x2] =	stream.indirect_vreg.gather @!p0 [hbm4b:s9+s7], $0x80, v5, vm1, $0xb8;
	[tilespmem:$0x1C900] =	vst v63  }
0x499: {  	s25 =	sadd.s32 $0x40, s23;
	_ =	swait.ge [sflag:s30], $0x4000  }
0x49a: {  	s13 =	sand.u32 $0xFC0, s25;
	[sflag:s30] =	ssyncset.done $0x0  }
0x49b: {  	s8 =	smul.u32 $0x4D, s13;
	[sflag:s30] =	ssyncadd.s32 $0xFFFFC000  }
0x49c: {  	s14 =	sshrl.u32 s25, $0xC;
	_ =	swait.ge [sflag:s31], $0x4000  }
0x49d: {  	s13 =	ssub.s32 s14, s6;
	s8 =	sadd.s32 s14, s8;
	[sflag:s31] =	ssyncset.done $0x0  }
0x49e: {  	s7 =	sshrl.u32 s25, $0x5;
	s17 =	sshll.u32 s13, $0x9;
	v5 =	vadd.s32 s8, v0;
	[sflag:s31] =	ssyncadd.s32 $0xFFFFC000  }
0x49f: {  	s19 =	simm.s32 $0x0;
	s7 =	sand.u32 $0x380, s7;
	s18 =	sand.u32 $0xFFFFF000, s17;
	[tilespmem:$0x4800] =	vst v5;
	v5 =	vadd.s32 s8, v4  }
0x4a0: {  	s20 =	sand.u32 $0x3000, s19;
	s25 =	sand.u32 $0x380, s19;
	s14 =	sor.u32 s7, s18;
	[tilespmem:$0x4810] =	vst v5  }
0x4a1: {  	s13 =	sor.u32 s25, s20;
	v5 =	vld [tilespmem:s14+$0x2800]  }
0x4a2: {  	v6 =	vld [tilespmem:s13+$0xC900];
	_ =	sdelay $0x4  }
0x4a3: {  	v5 =	vadd.f32 v5, v6;
	_ =	sdelay $0x1  }
0x4a4: {  	s25 =	sadd.s32 $0x2800, s14;
	[tilespmem:s13+$0x14900] =	vst v5;
	v5 =	vld [tilespmem:s13+$0xC910]  }
0x4a5: {  	v6 =	vld [tilespmem:s25+$0x10];
	_ =	sdelay $0x4  }
0x4a6: {  	v5 =	vadd.f32 v6, v5;
	_ =	sdelay $0x1  }
0x4a7: {  	[tilespmem:s13+$0x14910] =	vst v5;
	v5 =	vld [tilespmem:s13+$0xC920]  }
0x4a8: {  	v6 =	vld [tilespmem:s25+$0x20];
	_ =	sdelay $0x4  }
0x4a9: {  	v5 =	vadd.f32 v6, v5;
	_ =	sdelay $0x1  }
0x4aa: {  	[tilespmem:s13+$0x14920] =	vst v5;
	v5 =	vld [tilespmem:s13+$0xC930]  }
0x4ab: {  	v6 =	vld [tilespmem:s25+$0x30];
	_ =	sdelay $0x4  }
0x4ac: {  	v5 =	vadd.f32 v6, v5;
	_ =	sdelay $0x1  }
0x4ad: {  	[tilespmem:s13+$0x14930] =	vst v5;
	v5 =	vld [tilespmem:s13+$0xC940]  }
0x4ae: {  	v6 =	vld [tilespmem:s25+$0x40];
	_ =	sdelay $0x4  }
0x4af: {  	v5 =	vadd.f32 v6, v5;
	_ =	sdelay $0x1  }
0x4b0: {  	[tilespmem:s13+$0x14940] =	vst v5;
	v5 =	vld [tilespmem:s13+$0xC950]  }
0x4b1: {  	v6 =	vld [tilespmem:s25+$0x50];
	_ =	sdelay $0x4  }
0x4b2: {  	v5 =	vadd.f32 v6, v5;
	_ =	sdelay $0x1  }
0x4b3: {  	[tilespmem:s13+$0x14950] =	vst v5;
	v5 =	vld [tilespmem:s13+$0xC960]  }
0x4b4: {  	v6 =	vld [tilespmem:s25+$0x60];
	_ =	sdelay $0x4  }
0x4b5: {  	v5 =	vadd.f32 v6, v5;
	_ =	sdelay $0x1  }
0x4b6: {  	[tilespmem:s13+$0x14960] =	vst v5;
	v5 =	vld [tilespmem:s13+$0xC970]  }
0x4b7: {  	s11 =	simm.s32 $0x80;
	s8 =	simm.s32 $0x200;
	v6 =	vld [tilespmem:s25+$0x70]  }
0x4b8: {  	s7 =	sand.u32 $0x3000, s8;
	s8 =	sand.u32 $0x380, s11  }
0x4b9: {  	v7 =	vld [tilespmem:s14+$0x2800];
	s7 =	sor.u32 s8, s7  }
0x4ba: {  	v8 =	vld [tilespmem:s7+$0xC900];
	_ =	sdelay $0x1  }
0x4bb: {  	v5 =	vadd.f32 v6, v5;
	_ =	sdelay $0x1  }
0x4bc: {  	v6 =	vld [tilespmem:s13+$0xCD00];
	[tilespmem:s13+$0x14970] =	vst v5  }
0x4bd: {  	v5 =	vadd.f32 v7, v8;
	v7 =	vld [tilespmem:s25+$0x400];
	_ =	sdelay $0x4  }
0x4be: {  	[tilespmem:s7+$0x14900] =	vst v5;
	v5 =	vld [tilespmem:s7+$0xC910];
	v6 =	vadd.f32 v7, v6  }
0x4bf: {  	v8 =	vld [tilespmem:s25+$0x10]  }
0x4c0: {  	v7 =	vld [tilespmem:s13+$0xCD10];
	[tilespmem:s13+$0x14D00] =	vst v6  }
0x4c1: {  	v6 =	vld [tilespmem:s25+$0x410];
	_ =	sdelay $0x2  }
0x4c2: {  	v5 =	vadd.f32 v8, v5;
	_ =	sdelay $0x1  }
0x4c3: {  	[tilespmem:s7+$0x14910] =	vst v5;
	v5 =	vld [tilespmem:s7+$0xC920];
	v6 =	vadd.f32 v6, v7  }
0x4c4: {  	v8 =	vld [tilespmem:s25+$0x20]  }
0x4c5: {  	v7 =	vld [tilespmem:s13+$0xCD20];
	[tilespmem:s13+$0x14D10] =	vst v6  }
0x4c6: {  	v6 =	vld [tilespmem:s25+$0x420];
	_ =	sdelay $0x2  }
0x4c7: {  	v5 =	vadd.f32 v8, v5;
	_ =	sdelay $0x1  }
0x4c8: {  	[tilespmem:s7+$0x14920] =	vst v5;
	v5 =	vld [tilespmem:s7+$0xC930];
	v6 =	vadd.f32 v6, v7  }
0x4c9: {  	v8 =	vld [tilespmem:s25+$0x30]  }
0x4ca: {  	v7 =	vld [tilespmem:s13+$0xCD30];
	[tilespmem:s13+$0x14D20] =	vst v6  }
0x4cb: {  	v6 =	vld [tilespmem:s25+$0x430];
	_ =	sdelay $0x2  }
0x4cc: {  	v5 =	vadd.f32 v8, v5;
	_ =	sdelay $0x1  }
0x4cd: {  	[tilespmem:s7+$0x14930] =	vst v5;
	v5 =	vld [tilespmem:s7+$0xC940];
	v6 =	vadd.f32 v6, v7  }
0x4ce: {  	v8 =	vld [tilespmem:s25+$0x40]  }
0x4cf: {  	v7 =	vld [tilespmem:s13+$0xCD40];
	[tilespmem:s13+$0x14D30] =	vst v6  }
0x4d0: {  	v6 =	vld [tilespmem:s25+$0x440];
	_ =	sdelay $0x2  }
0x4d1: {  	v5 =	vadd.f32 v8, v5;
	_ =	sdelay $0x1  }
0x4d2: {  	[tilespmem:s7+$0x14940] =	vst v5;
	v5 =	vld [tilespmem:s7+$0xC950];
	v6 =	vadd.f32 v6, v7  }
0x4d3: {  	v7 =	vld [tilespmem:s25+$0x50]  }
0x4d4: {  	v8 =	vld [tilespmem:s13+$0xCD50];
	[tilespmem:s13+$0x14D40] =	vst v6  }
0x4d5: {  	v6 =	vld [tilespmem:s25+$0x450];
	_ =	sdelay $0x2  }
0x4d6: {  	v5 =	vadd.f32 v7, v5;
	_ =	sdelay $0x1  }
0x4d7: {  	[tilespmem:s7+$0x14950] =	vst v5;
	v5 =	vadd.f32 v6, v8;
	v6 =	vld [tilespmem:s7+$0xC960]  }
0x4d8: {  	v8 =	vld [tilespmem:s25+$0x60]  }
0x4d9: {  	v7 =	vld [tilespmem:s13+$0xCD60];
	[tilespmem:s13+$0x14D50] =	vst v5  }
0x4da: {  	v5 =	vld [tilespmem:s25+$0x460];
	_ =	sdelay $0x2  }
0x4db: {  	v6 =	vadd.f32 v8, v6;
	_ =	sdelay $0x1  }
0x4dc: {  	[tilespmem:s7+$0x14960] =	vst v6;
	v6 =	vld [tilespmem:s7+$0xC970];
	v5 =	vadd.f32 v5, v7  }
0x4dd: {  	v8 =	vld [tilespmem:s25+$0x70]  }
0x4de: {  	s17 =	simm.s32 $0x400;
	s18 =	simm.s32 $0x100;
	v7 =	vld [tilespmem:s13+$0xCD70];
	[tilespmem:s13+$0x14D60] =	vst v5  }
0x4df: {  	s11 =	sand.u32 $0x380, s18;
	s8 =	sand.u32 $0x3000, s17;
	v5 =	vld [tilespmem:s25+$0x470]  }
0x4e0: {  	v9 =	vld [tilespmem:s14+$0x2800];
	s8 =	sor.u32 s11, s8  }
0x4e1: {  	v10 =	vld [tilespmem:s8+$0xC900]  }
0x4e2: {  	v6 =	vadd.f32 v8, v6;
	_ =	sdelay $0x1  }
0x4e3: {  	[tilespmem:s7+$0x14970] =	vst v6;
	v6 =	vld [tilespmem:s7+$0xCD00];
	v5 =	vadd.f32 v5, v7  }
0x4e4: {  	v7 =	vld [tilespmem:s13+$0xD100]  }
0x4e5: {  	v8 =	vadd.f32 v9, v10;
	[tilespmem:s13+$0x14D70] =	vst v5;
	v5 =	vld [tilespmem:s25+$0x400]  }
0x4e6: {  	v9 =	vld [tilespmem:s25+$0x800]  }
0x4e7: {  	[tilespmem:s8+$0x14900] =	vst v8;
	v8 =	vld [tilespmem:s8+$0xC910]  }
0x4e8: {  	v10 =	vld [tilespmem:s25+$0x10];
	_ =	sdelay $0x1  }
0x4e9: {  	v5 =	vadd.f32 v5, v6  }
0x4ea: {  	v6 =	vld [tilespmem:s7+$0xCD10];
	v7 =	vadd.f32 v9, v7  }
0x4eb: {  	v9 =	vld [tilespmem:s13+$0xD110];
	[tilespmem:s7+$0x14D00] =	vst v5  }
0x4ec: {  	v5 =	vadd.f32 v10, v8;
	v8 =	vld [tilespmem:s25+$0x410];
	[tilespmem:s13+$0x15100] =	vst v7  }
0x4ed: {  	v7 =	vld [tilespmem:s25+$0x810];
	_ =	sdelay $0x2  }
0x4ee: {  	[tilespmem:s8+$0x14910] =	vst v5;
	v5 =	vld [tilespmem:s8+$0xC920]  }
0x4ef: {  	v10 =	vld [tilespmem:s25+$0x20];
	v6 =	vadd.f32 v8, v6  }
0x4f0: {  	v8 =	vld [tilespmem:s7+$0xCD20];
	v7 =	vadd.f32 v7, v9  }
0x4f1: {  	v9 =	vld [tilespmem:s13+$0xD120];
	[tilespmem:s7+$0x14D10] =	vst v6  }
0x4f2: {  	v6 =	vld [tilespmem:s25+$0x420];
	[tilespmem:s13+$0x15110] =	vst v7  }
0x4f3: {  	v7 =	vld [tilespmem:s25+$0x820]  }
0x4f4: {  	v5 =	vadd.f32 v10, v5;
	_ =	sdelay $0x1  }
0x4f5: {  	[tilespmem:s8+$0x14920] =	vst v5;
	v5 =	vld [tilespmem:s8+$0xC930]  }
0x4f6: {  	v10 =	vld [tilespmem:s25+$0x30];
	v6 =	vadd.f32 v6, v8  }
0x4f7: {  	v8 =	vld [tilespmem:s7+$0xCD30];
	v7 =	vadd.f32 v7, v9  }
0x4f8: {  	v9 =	vld [tilespmem:s13+$0xD130];
	[tilespmem:s7+$0x14D20] =	vst v6  }
0x4f9: {  	v6 =	vld [tilespmem:s25+$0x430];
	[tilespmem:s13+$0x15120] =	vst v7  }
0x4fa: {  	v7 =	vld [tilespmem:s25+$0x830]  }
0x4fb: {  	v5 =	vadd.f32 v10, v5;
	_ =	sdelay $0x1  }
0x4fc: {  	[tilespmem:s8+$0x14930] =	vst v5;
	v5 =	vld [tilespmem:s8+$0xC940]  }
0x4fd: {  	v10 =	vld [tilespmem:s25+$0x40];
	v6 =	vadd.f32 v6, v8  }
0x4fe: {  	v8 =	vld [tilespmem:s7+$0xCD40];
	v7 =	vadd.f32 v7, v9  }
0x4ff: {  	v9 =	vld [tilespmem:s13+$0xD140];
	[tilespmem:s7+$0x14D30] =	vst v6  }
0x500: {  	v6 =	vld [tilespmem:s25+$0x440];
	[tilespmem:s13+$0x15130] =	vst v7  }
0x501: {  	v7 =	vld [tilespmem:s25+$0x840];
	_ =	sdelay $0x1  }
0x502: {  	v5 =	vadd.f32 v10, v5  }
0x503: {  	v10 =	vld [tilespmem:s7+$0xCD50]  }
0x504: {  	[tilespmem:s8+$0x14940] =	vst v5;
	v5 =	vld [tilespmem:s8+$0xC950];
	v6 =	vadd.f32 v6, v8  }
0x505: {  	v8 =	vld [tilespmem:s25+$0x50];
	v7 =	vadd.f32 v7, v9  }
0x506: {  	v9 =	vld [tilespmem:s13+$0xD150];
	[tilespmem:s7+$0x14D40] =	vst v6  }
0x507: {  	v6 =	vld [tilespmem:s25+$0x450];
	[tilespmem:s13+$0x15140] =	vst v7  }
0x508: {  	v7 =	vld [tilespmem:s25+$0x850];
	_ =	sdelay $0x1  }
0x509: {  	v5 =	vadd.f32 v8, v5  }
0x50a: {  	v8 =	vld [tilespmem:s7+$0xCD60]  }
0x50b: {  	[tilespmem:s8+$0x14950] =	vst v5;
	v5 =	vadd.f32 v6, v10;
	v6 =	vld [tilespmem:s8+$0xC960]  }
0x50c: {  	v10 =	vld [tilespmem:s13+$0xD160];
	v7 =	vadd.f32 v7, v9  }
0x50d: {  	v9 =	vld [tilespmem:s25+$0x60];
	[tilespmem:s7+$0x14D50] =	vst v5  }
0x50e: {  	v5 =	vld [tilespmem:s25+$0x460];
	[tilespmem:s13+$0x15150] =	vst v7  }
0x50f: {  	v7 =	vld [tilespmem:s25+$0x860];
	_ =	sdelay $0x2  }
0x510: {  	v6 =	vadd.f32 v9, v6;
	v9 =	vld [tilespmem:s13+$0xD170]  }
0x511: {  	v5 =	vadd.f32 v5, v8;
	v8 =	vld [tilespmem:s7+$0xCD70]  }
0x512: {  	[tilespmem:s8+$0x14960] =	vst v6;
	v6 =	vld [tilespmem:s8+$0xC970];
	v7 =	vadd.f32 v7, v10  }
0x513: {  	v10 =	vld [tilespmem:s25+$0x70];
	[tilespmem:s7+$0x14D60] =	vst v5  }
0x514: {  	s19 =	simm.s32 $0x600;
	s17 =	simm.s32 $0x180;
	v5 =	vld [tilespmem:s25+$0x470];
	[tilespmem:s13+$0x15160] =	vst v7  }
0x515: {  	s11 =	sand.u32 $0x3000, s19;
	s17 =	sand.u32 $0x380, s17;
	v7 =	vld [tilespmem:s25+$0x870]  }
0x516: {  	v11 =	vld [tilespmem:s14+$0x2800];
	s11 =	sor.u32 s17, s11  }
0x517: {  	v12 =	vld [tilespmem:s11+$0xC900]  }
0x518: {  	v6 =	vadd.f32 v10, v6;
	v10 =	vld [tilespmem:s13+$0xD500]  }
0x519: {  	v5 =	vadd.f32 v5, v8;
	v8 =	vld [tilespmem:s7+$0xD100]  }
0x51a: {  	[tilespmem:s8+$0x14970] =	vst v6;
	v6 =	vld [tilespmem:s8+$0xCD00];
	v7 =	vadd.f32 v7, v9  }
0x51b: {  	[tilespmem:s7+$0x14D70] =	vst v5;
	v5 =	vld [tilespmem:s25+$0x400]  }
0x51c: {  	v9 =	vadd.f32 v11, v12;
	[tilespmem:s13+$0x15170] =	vst v7;
	v7 =	vld [tilespmem:s25+$0x800]  }
0x51d: {  	v11 =	vld [tilespmem:s25+$0xC00]  }
0x51e: {  	[tilespmem:s11+$0x14900] =	vst v9;
	v9 =	vld [tilespmem:s11+$0xC910]  }
0x51f: {  	v12 =	vld [tilespmem:s25+$0x10]  }
0x520: {  	v13 =	vld [tilespmem:s13+$0xD510];
	v5 =	vadd.f32 v5, v6  }
0x521: {  	v6 =	vld [tilespmem:s8+$0xCD10];
	v7 =	vadd.f32 v7, v8  }
0x522: {  	v8 =	vld [tilespmem:s7+$0xD110];
	[tilespmem:s8+$0x14D00] =	vst v5;
	v5 =	vadd.f32 v11, v10  }
0x523: {  	v10 =	vld [tilespmem:s25+$0x410];
	[tilespmem:s7+$0x15100] =	vst v7  }
0x524: {  	v7 =	vadd.f32 v12, v9;
	v9 =	vld [tilespmem:s25+$0x810];
	[tilespmem:s13+$0x15500] =	vst v5  }
0x525: {  	v5 =	vld [tilespmem:s25+$0xC10]  }
0x526: {  	v12 =	vld [tilespmem:s13+$0xD520]  }
0x527: {  	[tilespmem:s11+$0x14910] =	vst v7;
	v7 =	vld [tilespmem:s11+$0xC920]  }
0x528: {  	v11 =	vld [tilespmem:s25+$0x20];
	v6 =	vadd.f32 v10, v6  }
0x529: {  	v10 =	vld [tilespmem:s8+$0xCD20];
	v8 =	vadd.f32 v9, v8  }
0x52a: {  	v9 =	vld [tilespmem:s7+$0xD120];
	[tilespmem:s8+$0x14D10] =	vst v6;
	v5 =	vadd.f32 v5, v13  }
0x52b: {  	v6 =	vld [tilespmem:s25+$0x420];
	[tilespmem:s7+$0x15110] =	vst v8  }
0x52c: {  	v8 =	vld [tilespmem:s25+$0x820];
	[tilespmem:s13+$0x15510] =	vst v5  }
0x52d: {  	v7 =	vadd.f32 v11, v7;
	v5 =	vld [tilespmem:s25+$0xC20]  }
0x52e: {  	v13 =	vld [tilespmem:s13+$0xD530]  }
0x52f: {  	[tilespmem:s11+$0x14920] =	vst v7;
	v7 =	vld [tilespmem:s11+$0xC930]  }
0x530: {  	v11 =	vld [tilespmem:s25+$0x30];
	v6 =	vadd.f32 v6, v10  }
0x531: {  	v10 =	vld [tilespmem:s8+$0xCD30];
	v8 =	vadd.f32 v8, v9  }
0x532: {  	v9 =	vld [tilespmem:s7+$0xD130];
	[tilespmem:s8+$0x14D20] =	vst v6;
	v5 =	vadd.f32 v5, v12  }
0x533: {  	v6 =	vld [tilespmem:s25+$0x430];
	[tilespmem:s7+$0x15120] =	vst v8  }
0x534: {  	v8 =	vld [tilespmem:s25+$0x830];
	[tilespmem:s13+$0x15520] =	vst v5  }
0x535: {  	v7 =	vadd.f32 v11, v7;
	v5 =	vld [tilespmem:s25+$0xC30]  }
0x536: {  	v12 =	vld [tilespmem:s13+$0xD540]  }
0x537: {  	[tilespmem:s11+$0x14930] =	vst v7;
	v7 =	vld [tilespmem:s11+$0xC940]  }
0x538: {  	v11 =	vld [tilespmem:s25+$0x40];
	v6 =	vadd.f32 v6, v10  }
0x539: {  	v10 =	vld [tilespmem:s8+$0xCD40];
	v8 =	vadd.f32 v8, v9  }
0x53a: {  	v9 =	vld [tilespmem:s7+$0xD140];
	[tilespmem:s8+$0x14D30] =	vst v6;
	v5 =	vadd.f32 v5, v13  }
0x53b: {  	v6 =	vld [tilespmem:s25+$0x440];
	[tilespmem:s7+$0x15130] =	vst v8  }
0x53c: {  	v8 =	vld [tilespmem:s25+$0x840];
	[tilespmem:s13+$0x15530] =	vst v5  }
0x53d: {  	v7 =	vadd.f32 v11, v7;
	v5 =	vld [tilespmem:s25+$0xC40]  }
0x53e: {  	v13 =	vld [tilespmem:s13+$0xD550]  }
0x53f: {  	[tilespmem:s11+$0x14940] =	vst v7;
	v7 =	vld [tilespmem:s11+$0xC950]  }
0x540: {  	v11 =	vld [tilespmem:s25+$0x50];
	v6 =	vadd.f32 v6, v10  }
0x541: {  	v10 =	vld [tilespmem:s8+$0xCD50];
	v8 =	vadd.f32 v8, v9  }
0x542: {  	v9 =	vld [tilespmem:s7+$0xD150];
	[tilespmem:s8+$0x14D40] =	vst v6;
	v5 =	vadd.f32 v5, v12  }
0x543: {  	v6 =	vld [tilespmem:s25+$0x450];
	[tilespmem:s7+$0x15140] =	vst v8  }
0x544: {  	v8 =	vld [tilespmem:s25+$0x850];
	[tilespmem:s13+$0x15540] =	vst v5  }
0x545: {  	v5 =	vadd.f32 v11, v7;
	v7 =	vld [tilespmem:s25+$0xC50]  }
0x546: {  	v12 =	vld [tilespmem:s8+$0xCD60]  }
0x547: {  	v11 =	vld [tilespmem:s13+$0xD560]  }
0x548: {  	[tilespmem:s11+$0x14950] =	vst v5;
	v5 =	vld [tilespmem:s11+$0xC960];
	v6 =	vadd.f32 v6, v10  }
0x549: {  	v10 =	vld [tilespmem:s25+$0x60];
	v8 =	vadd.f32 v8, v9  }
0x54a: {  	v9 =	vld [tilespmem:s7+$0xD160];
	[tilespmem:s8+$0x14D50] =	vst v6;
	v6 =	vadd.f32 v7, v13  }
0x54b: {  	v7 =	vld [tilespmem:s25+$0x460];
	[tilespmem:s7+$0x15150] =	vst v8  }
0x54c: {  	v8 =	vld [tilespmem:s25+$0x860];
	[tilespmem:s13+$0x15550] =	vst v6  }
0x54d: {  	v6 =	vld [tilespmem:s25+$0xC60]  }
0x54e: {  	v14 =	vld [tilespmem:s8+$0xCD70];
	v5 =	vadd.f32 v10, v5  }
0x54f: {  	v13 =	vld [tilespmem:s13+$0xD570]  }
0x550: {  	[tilespmem:s11+$0x14960] =	vst v5;
	v5 =	vadd.f32 v7, v12;
	v7 =	vld [tilespmem:s11+$0xC970]  }
0x551: {  	v12 =	vld [tilespmem:s7+$0xD170];
	v8 =	vadd.f32 v8, v9  }
0x552: {  	v9 =	vld [tilespmem:s25+$0x70];
	[tilespmem:s8+$0x14D60] =	vst v5;
	v5 =	vadd.f32 v6, v11  }
0x553: {  	v6 =	vld [tilespmem:s25+$0x470];
	[tilespmem:s7+$0x15160] =	vst v8  }
0x554: {  	v11 =	vld [tilespmem:s25+$0x870];
	[tilespmem:s13+$0x15560] =	vst v5  }
0x555: {  	v15 =	vld [tilespmem:s25+$0xC70]  }
0x556: {  	v10 =	vld [tilespmem:s14+$0x2800]  }
0x557: {  	s20 =	simm.s32 $0x800;
	s18 =	simm.s32 $0x200;
	v8 =	vld [tilespmem:s8+$0xD100];
	v7 =	vadd.f32 v9, v7  }
0x558: {  	s19 =	sand.u32 $0x380, s18;
	s17 =	sand.u32 $0x3000, s20;
	v5 =	vld [tilespmem:s7+$0xD500];
	v6 =	vadd.f32 v6, v14  }
0x559: {  	s17 =	sor.u32 s19, s17;
	v9 =	vld [tilespmem:s11+$0xCD00];
	[tilespmem:s11+$0x14970] =	vst v7;
	v7 =	vadd.f32 v11, v12  }
0x55a: {  	v12 =	vld [tilespmem:s17+$0xC900];
	[tilespmem:s8+$0x14D70] =	vst v6;
	v13 =	vadd.f32 v15, v13  }
0x55b: {  	s19 =	simm.s32 $0xA00;
	v11 =	vld [tilespmem:s25+$0x400];
	[tilespmem:s7+$0x15170] =	vst v7  }
.LBB2_11:
0x55c: {  	p1 =	sne.s32 s19, $0x3E00;
	v6 =	vld [tilespmem:s25+$0x800];
	[tilespmem:s13+$0x15570] =	vst v13;
	s13 =	smov.u32 s7;
	s7 =	smov.u32 s8  }
0x55d: {  	s8 =	smov.u32 s11;
	s11 =	smov.u32 s17;
	v7 =	vld [tilespmem:s25+$0xC00]  }
0x55e: {  	v13 =	vld [tilespmem:s13+$0xD510]  }
0x55f: {  	v10 =	vadd.f32 v10, v12;
	v12 =	vld [tilespmem:s7+$0xD110]  }
0x560: {  	v9 =	vadd.f32 v11, v9;
	v11 =	vld [tilespmem:s8+$0xCD10]  }
0x561: {  	[tilespmem:s11+$0x14900] =	vst v10;
	v10 =	vld [tilespmem:s11+$0xC910];
	v6 =	vadd.f32 v6, v8  }
0x562: {  	v8 =	vld [tilespmem:s25+$0x10];
	[tilespmem:s8+$0x14D00] =	vst v9;
	v5 =	vadd.f32 v7, v5  }
0x563: {  	v7 =	vld [tilespmem:s25+$0x410];
	[tilespmem:s7+$0x15100] =	vst v6  }
0x564: {  	v6 =	vld [tilespmem:s25+$0x810];
	[tilespmem:s13+$0x15500] =	vst v5  }
0x565: {  	v5 =	vld [tilespmem:s25+$0xC10]  }
0x566: {  	v9 =	vld [tilespmem:s13+$0xD520]  }
0x567: {  	v8 =	vadd.f32 v8, v10;
	v10 =	vld [tilespmem:s7+$0xD120]  }
0x568: {  	v7 =	vadd.f32 v7, v11;
	v11 =	vld [tilespmem:s8+$0xCD20]  }
0x569: {  	[tilespmem:s11+$0x14910] =	vst v8;
	v8 =	vld [tilespmem:s11+$0xC920];
	v6 =	vadd.f32 v6, v12  }
0x56a: {  	v12 =	vld [tilespmem:s25+$0x20];
	[tilespmem:s8+$0x14D10] =	vst v7;
	v5 =	vadd.f32 v5, v13  }
0x56b: {  	v7 =	vld [tilespmem:s25+$0x420];
	[tilespmem:s7+$0x15110] =	vst v6  }
0x56c: {  	v6 =	vld [tilespmem:s25+$0x820];
	[tilespmem:s13+$0x15510] =	vst v5  }
0x56d: {  	v5 =	vld [tilespmem:s25+$0xC20]  }
0x56e: {  	v13 =	vld [tilespmem:s13+$0xD530]  }
0x56f: {  	v8 =	vadd.f32 v12, v8;
	v12 =	vld [tilespmem:s7+$0xD130]  }
0x570: {  	v7 =	vadd.f32 v7, v11;
	v11 =	vld [tilespmem:s8+$0xCD30]  }
0x571: {  	[tilespmem:s11+$0x14920] =	vst v8;
	v8 =	vld [tilespmem:s11+$0xC930];
	v6 =	vadd.f32 v6, v10  }
0x572: {  	v10 =	vld [tilespmem:s25+$0x30];
	[tilespmem:s8+$0x14D20] =	vst v7;
	v5 =	vadd.f32 v5, v9  }
0x573: {  	v7 =	vld [tilespmem:s25+$0x430];
	[tilespmem:s7+$0x15120] =	vst v6  }
0x574: {  	v6 =	vld [tilespmem:s25+$0x830];
	[tilespmem:s13+$0x15520] =	vst v5  }
0x575: {  	v5 =	vld [tilespmem:s25+$0xC30]  }
0x576: {  	v9 =	vld [tilespmem:s13+$0xD540]  }
0x577: {  	v8 =	vadd.f32 v10, v8;
	v10 =	vld [tilespmem:s7+$0xD140]  }
0x578: {  	v7 =	vadd.f32 v7, v11;
	v11 =	vld [tilespmem:s8+$0xCD40]  }
0x579: {  	[tilespmem:s11+$0x14930] =	vst v8;
	v8 =	vld [tilespmem:s11+$0xC940];
	v6 =	vadd.f32 v6, v12  }
0x57a: {  	v12 =	vld [tilespmem:s25+$0x40];
	[tilespmem:s8+$0x14D30] =	vst v7;
	v5 =	vadd.f32 v5, v13  }
0x57b: {  	v7 =	vld [tilespmem:s25+$0x440];
	[tilespmem:s7+$0x15130] =	vst v6  }
0x57c: {  	v6 =	vld [tilespmem:s25+$0x840];
	[tilespmem:s13+$0x15530] =	vst v5  }
0x57d: {  	v5 =	vld [tilespmem:s25+$0xC40]  }
0x57e: {  	v13 =	vld [tilespmem:s13+$0xD550]  }
0x57f: {  	v8 =	vadd.f32 v12, v8;
	v12 =	vld [tilespmem:s7+$0xD150]  }
0x580: {  	v7 =	vadd.f32 v7, v11;
	v11 =	vld [tilespmem:s8+$0xCD50]  }
0x581: {  	[tilespmem:s11+$0x14940] =	vst v8;
	v8 =	vld [tilespmem:s11+$0xC950];
	v6 =	vadd.f32 v6, v10  }
0x582: {  	v10 =	vld [tilespmem:s25+$0x50];
	[tilespmem:s8+$0x14D40] =	vst v7;
	v5 =	vadd.f32 v5, v9  }
0x583: {  	v7 =	vld [tilespmem:s25+$0x450];
	[tilespmem:s7+$0x15140] =	vst v6  }
0x584: {  	v6 =	vld [tilespmem:s25+$0x850];
	[tilespmem:s13+$0x15540] =	vst v5  }
0x585: {  	v5 =	vld [tilespmem:s25+$0xC50]  }
0x586: {  	v9 =	vld [tilespmem:s13+$0xD560]  }
0x587: {  	v8 =	vadd.f32 v10, v8;
	v10 =	vld [tilespmem:s7+$0xD160]  }
0x588: {  	v7 =	vadd.f32 v7, v11;
	v11 =	vld [tilespmem:s8+$0xCD60]  }
0x589: {  	[tilespmem:s11+$0x14950] =	vst v8;
	v8 =	vld [tilespmem:s11+$0xC960];
	v6 =	vadd.f32 v6, v12  }
0x58a: {  	v12 =	vld [tilespmem:s25+$0x60];
	[tilespmem:s8+$0x14D50] =	vst v7;
	v5 =	vadd.f32 v5, v13  }
0x58b: {  	v7 =	vld [tilespmem:s25+$0x460];
	[tilespmem:s7+$0x15150] =	vst v6  }
0x58c: {  	v6 =	vld [tilespmem:s25+$0x860];
	[tilespmem:s13+$0x15550] =	vst v5  }
0x58d: {  	v5 =	vld [tilespmem:s25+$0xC60]  }
0x58e: {  	v13 =	vld [tilespmem:s13+$0xD570]  }
0x58f: {  	v8 =	vadd.f32 v12, v8;
	v12 =	vld [tilespmem:s7+$0xD170]  }
0x590: {  	v7 =	vadd.f32 v7, v11;
	v11 =	vld [tilespmem:s8+$0xCD70]  }
0x591: {  	[tilespmem:s11+$0x14960] =	vst v8;
	v8 =	vld [tilespmem:s11+$0xC970];
	v6 =	vadd.f32 v6, v10  }
0x592: {  	v14 =	vld [tilespmem:s25+$0x70];
	[tilespmem:s8+$0x14D60] =	vst v7;
	v5 =	vadd.f32 v5, v9  }
0x593: {  	v7 =	vld [tilespmem:s25+$0x470];
	[tilespmem:s7+$0x15160] =	vst v6  }
0x594: {  	v6 =	vld [tilespmem:s25+$0x870];
	[tilespmem:s13+$0x15560] =	vst v5  }
0x595: {  	v15 =	vld [tilespmem:s25+$0xC70]  }
0x596: {  	v10 =	vld [tilespmem:s14+$0x2800]  }
.Ltmp7:
0x597: {  	s18 =	sadd.s32 $0x80, s18;
	v9 =	vadd.f32 v14, v8;
	v5 =	vld [tilespmem:s7+$0xD500];
	(pc) =	sbr.rel @p1 .LBB2_11-.Ltmp7, $4  }
0x598: {  	s17 =	sand.u32 $0x3000, s19;
	s20 =	sand.u32 $0x380, s18;
	v7 =	vadd.f32 v7, v11;
	v8 =	vld [tilespmem:s8+$0xD100]  }
0x599: {  	s17 =	sor.u32 s20, s17;
	[tilespmem:s11+$0x14970] =	vst v9;
	v9 =	vld [tilespmem:s11+$0xCD00];
	v6 =	vadd.f32 v6, v12  }
0x59a: {  	v12 =	vld [tilespmem:s17+$0xC900];
	[tilespmem:s8+$0x14D70] =	vst v7;
	v13 =	vadd.f32 v15, v13  }
0x59b: {  	s19 =	sadd.s32 $0x200, s19;
	v11 =	vld [tilespmem:s25+$0x400];
	[tilespmem:s7+$0x15170] =	vst v6  }
0x59c: {  	_ = 	snop  }
0x59d: {  	v14 =	vld [tilespmem:s25+$0x800]  }
0x59e: {  	v7 =	vld [tilespmem:s25+$0xC00]  }
0x59f: {  	v6 =	vld [tilespmem:s7+$0xD510];
	v10 =	vadd.f32 v10, v12  }
0x5a0: {  	v58 =	vld [tilespmem:s8+$0xD110];
	[tilespmem:s13+$0x15570] =	vst v13  }
0x5a1: {  	v59 =	vld [tilespmem:s11+$0xCD10];
	[tilespmem:s17+$0x14900] =	vst v10  }
0x5a2: {  	v10 =	vld [tilespmem:s17+$0xC910]  }
0x5a3: {  	v15 =	vld [tilespmem:s25+$0x10];
	_ =	sdelay $0x4  }
0x5a4: {  	v10 =	vadd.f32 v15, v10;
	_ =	sdelay $0x1  }
0x5a5: {  	[tilespmem:s17+$0x14910] =	vst v10;
	v10 =	vld [tilespmem:s17+$0xC920]  }
0x5a6: {  	v60 =	vld [tilespmem:s25+$0x20];
	_ =	sdelay $0x4  }
0x5a7: {  	v10 =	vadd.f32 v60, v10;
	_ =	sdelay $0x1  }
0x5a8: {  	[tilespmem:s17+$0x14920] =	vst v10;
	v10 =	vld [tilespmem:s17+$0xC930]  }
0x5a9: {  	v61 =	vld [tilespmem:s25+$0x30];
	_ =	sdelay $0x4  }
0x5aa: {  	v10 =	vadd.f32 v61, v10;
	_ =	sdelay $0x1  }
0x5ab: {  	[tilespmem:s17+$0x14930] =	vst v10;
	v10 =	vld [tilespmem:s17+$0xC940]  }
0x5ac: {  	v62 =	vld [tilespmem:s25+$0x40];
	_ =	sdelay $0x4  }
0x5ad: {  	v10 =	vadd.f32 v62, v10;
	_ =	sdelay $0x1  }
0x5ae: {  	[tilespmem:s17+$0x14940] =	vst v10;
	v10 =	vld [tilespmem:s17+$0xC950]  }
0x5af: {  	v63 =	vld [tilespmem:s25+$0x50];
	_ =	sdelay $0x4  }
0x5b0: {  	v10 =	vadd.f32 v63, v10;
	_ =	sdelay $0x1  }
0x5b1: {  	[tilespmem:s17+$0x14950] =	vst v10;
	v10 =	vld [tilespmem:s17+$0xC960]  }
0x5b2: {  	v18 =	vld [tilespmem:s25+$0x60];
	_ =	sdelay $0x4  }
0x5b3: {  	v10 =	vadd.f32 v18, v10;
	_ =	sdelay $0x1  }
0x5b4: {  	[tilespmem:s17+$0x14960] =	vst v10;
	v10 =	vld [tilespmem:s17+$0xC970]  }
0x5b5: {  	v19 =	vld [tilespmem:s25+$0x70];
	_ =	sdelay $0x4  }
0x5b6: {  	v10 =	vadd.f32 v19, v10  }
0x5b7: {  	v9 =	vadd.f32 v11, v9  }
0x5b8: {  	[tilespmem:s17+$0x14970] =	vst v10;
	v10 =	vld [tilespmem:s17+$0xCD00]  }
0x5b9: {  	[tilespmem:s11+$0x14D00] =	vst v9;
	v20 =	vld [tilespmem:s25+$0x400]  }
0x5ba: {  	v11 =	vld [tilespmem:s25+$0x410];
	_ =	sdelay $0x3  }
0x5bb: {  	v10 =	vadd.f32 v20, v10  }
0x5bc: {  	v9 =	vld [tilespmem:s17+$0xCD10];
	v11 =	vadd.f32 v11, v59  }
0x5bd: {  	v21 =	vld [tilespmem:s11+$0xCD20];
	[tilespmem:s17+$0x14D00] =	vst v10  }
0x5be: {  	[tilespmem:s11+$0x14D10] =	vst v11;
	v10 =	vld [tilespmem:s25+$0x410]  }
0x5bf: {  	v11 =	vld [tilespmem:s25+$0x420];
	_ =	sdelay $0x3  }
0x5c0: {  	v9 =	vadd.f32 v10, v9  }
0x5c1: {  	v22 =	vld [tilespmem:s11+$0xCD30];
	v11 =	vadd.f32 v11, v21  }
0x5c2: {  	v10 =	vld [tilespmem:s17+$0xCD20];
	[tilespmem:s17+$0x14D10] =	vst v9  }
0x5c3: {  	[tilespmem:s11+$0x14D20] =	vst v11;
	v9 =	vld [tilespmem:s25+$0x420]  }
0x5c4: {  	v11 =	vld [tilespmem:s25+$0x430];
	_ =	sdelay $0x3  }
0x5c5: {  	v9 =	vadd.f32 v9, v10  }
0x5c6: {  	v23 =	vld [tilespmem:s11+$0xCD40];
	v11 =	vadd.f32 v11, v22  }
0x5c7: {  	v10 =	vld [tilespmem:s17+$0xCD30];
	[tilespmem:s17+$0x14D20] =	vst v9  }
0x5c8: {  	[tilespmem:s11+$0x14D30] =	vst v11;
	v9 =	vld [tilespmem:s25+$0x430]  }
0x5c9: {  	v11 =	vld [tilespmem:s25+$0x440];
	_ =	sdelay $0x3  }
0x5ca: {  	v9 =	vadd.f32 v9, v10  }
0x5cb: {  	v24 =	vld [tilespmem:s11+$0xCD50];
	v11 =	vadd.f32 v11, v23  }
0x5cc: {  	v10 =	vld [tilespmem:s17+$0xCD40];
	[tilespmem:s17+$0x14D30] =	vst v9  }
0x5cd: {  	[tilespmem:s11+$0x14D40] =	vst v11;
	v9 =	vld [tilespmem:s25+$0x440]  }
0x5ce: {  	v11 =	vld [tilespmem:s25+$0x450];
	_ =	sdelay $0x3  }
0x5cf: {  	v9 =	vadd.f32 v9, v10  }
0x5d0: {  	v25 =	vld [tilespmem:s11+$0xCD60];
	v11 =	vadd.f32 v11, v24  }
0x5d1: {  	v10 =	vld [tilespmem:s17+$0xCD50];
	[tilespmem:s17+$0x14D40] =	vst v9  }
0x5d2: {  	[tilespmem:s11+$0x14D50] =	vst v11;
	v9 =	vld [tilespmem:s25+$0x450]  }
0x5d3: {  	v11 =	vld [tilespmem:s25+$0x460];
	_ =	sdelay $0x3  }
0x5d4: {  	v9 =	vadd.f32 v9, v10  }
0x5d5: {  	v26 =	vld [tilespmem:s11+$0xCD70];
	v11 =	vadd.f32 v11, v25  }
0x5d6: {  	v10 =	vld [tilespmem:s17+$0xCD60];
	[tilespmem:s17+$0x14D50] =	vst v9  }
0x5d7: {  	[tilespmem:s11+$0x14D60] =	vst v11;
	v9 =	vld [tilespmem:s25+$0x460]  }
0x5d8: {  	v11 =	vld [tilespmem:s25+$0x470];
	_ =	sdelay $0x3  }
0x5d9: {  	v9 =	vadd.f32 v9, v10  }
0x5da: {  	v27 =	vld [tilespmem:s11+$0xD100];
	v11 =	vadd.f32 v11, v26  }
0x5db: {  	v10 =	vld [tilespmem:s17+$0xCD70];
	[tilespmem:s17+$0x14D60] =	vst v9  }
0x5dc: {  	[tilespmem:s11+$0x14D70] =	vst v11;
	v9 =	vld [tilespmem:s25+$0x470]  }
0x5dd: {  	v11 =	vld [tilespmem:s25+$0x800];
	_ =	sdelay $0x1  }
0x5de: {  	v8 =	vadd.f32 v14, v8;
	_ =	sdelay $0x1  }
0x5df: {  	v28 =	vld [tilespmem:s11+$0xD110];
	[tilespmem:s8+$0x15100] =	vst v8;
	v9 =	vadd.f32 v9, v10  }
0x5e0: {  	v8 =	vld [tilespmem:s25+$0x810];
	v11 =	vadd.f32 v11, v27  }
0x5e1: {  	v10 =	vld [tilespmem:s17+$0xD100];
	[tilespmem:s17+$0x14D70] =	vst v9  }
0x5e2: {  	[tilespmem:s11+$0x15100] =	vst v11;
	v9 =	vld [tilespmem:s25+$0x800]  }
0x5e3: {  	v11 =	vld [tilespmem:s25+$0x810];
	_ =	sdelay $0x1  }
0x5e4: {  	v8 =	vadd.f32 v8, v58  }
0x5e5: {  	v29 =	vld [tilespmem:s8+$0xD120]  }
0x5e6: {  	v30 =	vld [tilespmem:s11+$0xD120];
	[tilespmem:s8+$0x15110] =	vst v8;
	v9 =	vadd.f32 v9, v10  }
0x5e7: {  	v8 =	vld [tilespmem:s25+$0x820];
	v11 =	vadd.f32 v11, v28  }
0x5e8: {  	v10 =	vld [tilespmem:s17+$0xD110];
	[tilespmem:s17+$0x15100] =	vst v9  }
0x5e9: {  	[tilespmem:s11+$0x15110] =	vst v11;
	v9 =	vld [tilespmem:s25+$0x810]  }
0x5ea: {  	v11 =	vld [tilespmem:s25+$0x820];
	_ =	sdelay $0x1  }
0x5eb: {  	v8 =	vadd.f32 v8, v29  }
0x5ec: {  	v31 =	vld [tilespmem:s8+$0xD130]  }
0x5ed: {  	v32 =	vld [tilespmem:s11+$0xD130];
	[tilespmem:s8+$0x15120] =	vst v8;
	v9 =	vadd.f32 v9, v10  }
0x5ee: {  	v8 =	vld [tilespmem:s25+$0x830];
	v11 =	vadd.f32 v11, v30  }
0x5ef: {  	v10 =	vld [tilespmem:s17+$0xD120];
	[tilespmem:s17+$0x15110] =	vst v9  }
0x5f0: {  	[tilespmem:s11+$0x15120] =	vst v11;
	v9 =	vld [tilespmem:s25+$0x820]  }
0x5f1: {  	v11 =	vld [tilespmem:s25+$0x830];
	_ =	sdelay $0x1  }
0x5f2: {  	v8 =	vadd.f32 v8, v31  }
0x5f3: {  	v33 =	vld [tilespmem:s8+$0xD140]  }
0x5f4: {  	v34 =	vld [tilespmem:s11+$0xD140];
	[tilespmem:s8+$0x15130] =	vst v8;
	v9 =	vadd.f32 v9, v10  }
0x5f5: {  	v8 =	vld [tilespmem:s25+$0x840];
	v11 =	vadd.f32 v11, v32  }
0x5f6: {  	v10 =	vld [tilespmem:s17+$0xD130];
	[tilespmem:s17+$0x15120] =	vst v9  }
0x5f7: {  	[tilespmem:s11+$0x15130] =	vst v11;
	v9 =	vld [tilespmem:s25+$0x830]  }
0x5f8: {  	v11 =	vld [tilespmem:s25+$0x840];
	_ =	sdelay $0x1  }
0x5f9: {  	v8 =	vadd.f32 v8, v33  }
0x5fa: {  	v35 =	vld [tilespmem:s8+$0xD150]  }
0x5fb: {  	v36 =	vld [tilespmem:s11+$0xD150];
	[tilespmem:s8+$0x15140] =	vst v8;
	v9 =	vadd.f32 v9, v10  }
0x5fc: {  	v8 =	vld [tilespmem:s25+$0x850];
	v11 =	vadd.f32 v11, v34  }
0x5fd: {  	v10 =	vld [tilespmem:s17+$0xD140];
	[tilespmem:s17+$0x15130] =	vst v9  }
0x5fe: {  	[tilespmem:s11+$0x15140] =	vst v11;
	v9 =	vld [tilespmem:s25+$0x840]  }
0x5ff: {  	v11 =	vld [tilespmem:s25+$0x850];
	_ =	sdelay $0x1  }
0x600: {  	v8 =	vadd.f32 v8, v35  }
0x601: {  	v37 =	vld [tilespmem:s8+$0xD160]  }
0x602: {  	v38 =	vld [tilespmem:s11+$0xD160];
	[tilespmem:s8+$0x15150] =	vst v8;
	v9 =	vadd.f32 v9, v10  }
0x603: {  	v8 =	vld [tilespmem:s25+$0x860];
	v11 =	vadd.f32 v11, v36  }
0x604: {  	v10 =	vld [tilespmem:s17+$0xD150];
	[tilespmem:s17+$0x15140] =	vst v9  }
0x605: {  	[tilespmem:s11+$0x15150] =	vst v11;
	v9 =	vld [tilespmem:s25+$0x850]  }
0x606: {  	v11 =	vld [tilespmem:s25+$0x860];
	_ =	sdelay $0x1  }
0x607: {  	v8 =	vadd.f32 v8, v37  }
0x608: {  	v39 =	vld [tilespmem:s8+$0xD170]  }
0x609: {  	v40 =	vld [tilespmem:s11+$0xD170];
	[tilespmem:s8+$0x15160] =	vst v8;
	v9 =	vadd.f32 v9, v10  }
0x60a: {  	v8 =	vld [tilespmem:s25+$0x870];
	v11 =	vadd.f32 v11, v38  }
0x60b: {  	v10 =	vld [tilespmem:s17+$0xD160];
	[tilespmem:s17+$0x15150] =	vst v9  }
0x60c: {  	[tilespmem:s11+$0x15160] =	vst v11;
	v9 =	vld [tilespmem:s25+$0x860]  }
0x60d: {  	v11 =	vld [tilespmem:s25+$0x870];
	_ =	sdelay $0x1  }
0x60e: {  	v8 =	vadd.f32 v8, v39  }
0x60f: {  	v41 =	vld [tilespmem:s8+$0xD500]  }
0x610: {  	v42 =	vld [tilespmem:s11+$0xD500];
	[tilespmem:s8+$0x15170] =	vst v8;
	v9 =	vadd.f32 v9, v10  }
0x611: {  	v8 =	vld [tilespmem:s25+$0xC00];
	v11 =	vadd.f32 v11, v40  }
0x612: {  	v10 =	vld [tilespmem:s17+$0xD170];
	[tilespmem:s17+$0x15160] =	vst v9  }
0x613: {  	[tilespmem:s11+$0x15170] =	vst v11;
	v9 =	vld [tilespmem:s25+$0x870]  }
0x614: {  	v11 =	vld [tilespmem:s25+$0xC00]  }
0x615: {  	v5 =	vadd.f32 v7, v5  }
0x616: {  	v8 =	vadd.f32 v8, v41  }
0x617: {  	v43 =	vld [tilespmem:s11+$0xD510];
	[tilespmem:s7+$0x15500] =	vst v5  }
0x618: {  	v5 =	vld [tilespmem:s8+$0xD510];
	[tilespmem:s8+$0x15500] =	vst v8;
	v9 =	vadd.f32 v9, v10  }
0x619: {  	v8 =	vld [tilespmem:s25+$0xC10];
	v11 =	vadd.f32 v11, v42  }
0x61a: {  	v10 =	vld [tilespmem:s17+$0xD500];
	[tilespmem:s17+$0x15170] =	vst v9  }
0x61b: {  	[tilespmem:s11+$0x15500] =	vst v11;
	v7 =	vld [tilespmem:s25+$0xC00]  }
0x61c: {  	v11 =	vld [tilespmem:s25+$0xC10];
	_ =	sdelay $0x1  }
0x61d: {  	v5 =	vadd.f32 v8, v5;
	v9 =	vld [tilespmem:s25+$0xC10];
	_ =	sdelay $0x1  }
0x61e: {  	v44 =	vld [tilespmem:s11+$0xD520];
	[tilespmem:s8+$0x15510] =	vst v5;
	v7 =	vadd.f32 v7, v10  }
0x61f: {  	v5 =	vld [tilespmem:s25+$0xC20];
	v11 =	vadd.f32 v11, v43  }
0x620: {  	v10 =	vld [tilespmem:s17+$0xD510];
	[tilespmem:s17+$0x15500] =	vst v7  }
0x621: {  	[tilespmem:s11+$0x15510] =	vst v11;
	v6 =	vadd.f32 v9, v6;
	v7 =	vld [tilespmem:s25+$0xC10]  }
0x622: {  	v11 =	vld [tilespmem:s25+$0xC20]  }
0x623: {  	v9 =	vld [tilespmem:s7+$0xD520];
	[tilespmem:s7+$0x15510] =	vst v6  }
0x624: {  	v8 =	vld [tilespmem:s25+$0xC20]  }
0x625: {  	v6 =	vld [tilespmem:s8+$0xD520]  }
0x626: {  	v7 =	vadd.f32 v7, v10;
	_ =	sdelay $0x1  }
0x627: {  	v11 =	vadd.f32 v11, v44;
	v10 =	vld [tilespmem:s17+$0xD520];
	[tilespmem:s17+$0x15510] =	vst v7  }
0x628: {  	v7 =	vadd.f32 v8, v9;
	v8 =	vld [tilespmem:s25+$0xC20]  }
0x629: {  	v45 =	vld [tilespmem:s11+$0xD530];
	[tilespmem:s11+$0x15520] =	vst v11;
	v5 =	vadd.f32 v5, v6  }
0x62a: {  	v11 =	vld [tilespmem:s25+$0xC30]  }
0x62b: {  	v6 =	vld [tilespmem:s8+$0xD530];
	[tilespmem:s8+$0x15520] =	vst v5  }
0x62c: {  	v5 =	vld [tilespmem:s25+$0xC30]  }
0x62d: {  	v9 =	vld [tilespmem:s7+$0xD530];
	[tilespmem:s7+$0x15520] =	vst v7;
	v8 =	vadd.f32 v8, v10  }
0x62e: {  	v7 =	vld [tilespmem:s25+$0xC30]  }
0x62f: {  	v11 =	vadd.f32 v11, v45;
	v10 =	vld [tilespmem:s17+$0xD530];
	[tilespmem:s17+$0x15520] =	vst v8  }
0x630: {  	v8 =	vld [tilespmem:s25+$0xC30]  }
0x631: {  	v46 =	vld [tilespmem:s11+$0xD540];
	[tilespmem:s11+$0x15530] =	vst v11;
	v5 =	vadd.f32 v5, v6  }
0x632: {  	v11 =	vld [tilespmem:s25+$0xC40]  }
0x633: {  	v6 =	vld [tilespmem:s8+$0xD540];
	[tilespmem:s8+$0x15530] =	vst v5;
	v7 =	vadd.f32 v7, v9  }
0x634: {  	v5 =	vld [tilespmem:s25+$0xC40]  }
0x635: {  	v9 =	vld [tilespmem:s7+$0xD540];
	[tilespmem:s7+$0x15530] =	vst v7;
	v8 =	vadd.f32 v8, v10  }
0x636: {  	v7 =	vld [tilespmem:s25+$0xC40]  }
0x637: {  	v11 =	vadd.f32 v11, v46;
	v10 =	vld [tilespmem:s17+$0xD540];
	[tilespmem:s17+$0x15530] =	vst v8  }
0x638: {  	v8 =	vld [tilespmem:s25+$0xC40]  }
0x639: {  	v47 =	vld [tilespmem:s11+$0xD550];
	[tilespmem:s11+$0x15540] =	vst v11;
	v5 =	vadd.f32 v5, v6  }
0x63a: {  	v11 =	vld [tilespmem:s25+$0xC50]  }
0x63b: {  	v6 =	vld [tilespmem:s8+$0xD550];
	[tilespmem:s8+$0x15540] =	vst v5;
	v7 =	vadd.f32 v7, v9  }
0x63c: {  	v5 =	vld [tilespmem:s25+$0xC50]  }
0x63d: {  	v9 =	vld [tilespmem:s7+$0xD550];
	[tilespmem:s7+$0x15540] =	vst v7;
	v8 =	vadd.f32 v8, v10  }
0x63e: {  	v7 =	vld [tilespmem:s25+$0xC50]  }
0x63f: {  	v11 =	vadd.f32 v11, v47;
	v10 =	vld [tilespmem:s17+$0xD550];
	[tilespmem:s17+$0x15540] =	vst v8  }
0x640: {  	v8 =	vld [tilespmem:s25+$0xC50]  }
0x641: {  	v48 =	vld [tilespmem:s11+$0xD560];
	[tilespmem:s11+$0x15550] =	vst v11;
	v5 =	vadd.f32 v5, v6  }
0x642: {  	v11 =	vld [tilespmem:s25+$0xC60]  }
0x643: {  	v6 =	vld [tilespmem:s8+$0xD560];
	[tilespmem:s8+$0x15550] =	vst v5;
	v7 =	vadd.f32 v7, v9  }
0x644: {  	v5 =	vld [tilespmem:s25+$0xC60]  }
0x645: {  	v9 =	vld [tilespmem:s7+$0xD560];
	[tilespmem:s7+$0x15550] =	vst v7;
	v8 =	vadd.f32 v8, v10  }
0x646: {  	v7 =	vld [tilespmem:s25+$0xC60]  }
0x647: {  	v11 =	vadd.f32 v11, v48;
	v10 =	vld [tilespmem:s17+$0xD560];
	[tilespmem:s17+$0x15550] =	vst v8  }
0x648: {  	v8 =	vld [tilespmem:s25+$0xC60]  }
0x649: {  	v49 =	vld [tilespmem:s11+$0xD570];
	[tilespmem:s11+$0x15560] =	vst v11;
	v5 =	vadd.f32 v5, v6  }
0x64a: {  	v11 =	vld [tilespmem:s25+$0xC70]  }
0x64b: {  	v6 =	vld [tilespmem:s8+$0xD570];
	[tilespmem:s8+$0x15560] =	vst v5;
	v7 =	vadd.f32 v7, v9  }
0x64c: {  	v5 =	vld [tilespmem:s25+$0xC70]  }
0x64d: {  	v9 =	vld [tilespmem:s7+$0xD570];
	[tilespmem:s7+$0x15560] =	vst v7;
	v8 =	vadd.f32 v8, v10  }
0x64e: {  	v7 =	vld [tilespmem:s25+$0xC70]  }
0x64f: {  	v10 =	vld [tilespmem:s17+$0xD570];
	[tilespmem:s17+$0x15560] =	vst v8  }
0x650: {  	v8 =	vld [tilespmem:s25+$0xC70];
	_ =	sdelay $0x1  }
0x651: {  	v5 =	vadd.f32 v5, v6  }
0x652: {  	v6 =	vadd.f32 v11, v49  }
0x653: {  	[tilespmem:s8+$0x15570] =	vst v5;
	v7 =	vadd.f32 v7, v9  }
0x654: {  	[tilespmem:s11+$0x15570] =	vst v6;
	v5 =	vadd.f32 v8, v10  }
0x655: {  	[tilespmem:s7+$0x15570] =	vst v7  }
0x656: {  	[tilespmem:s17+$0x15570] =	vst v5  }
0x657: {  	v5 =	vld [tilespmem:$0x4800];
	_ =	sdelay $0x4  }
0x658: {  	v6 =	vshll.u32 v5, $0x2  }
0x659: {  	v5 =	vand.u32 $0x7, v5;
	v6 =	vand.u32 $0xFFFFFFE0, v6  }
0x65a: {  	v5 =	vor.u32 v5, v6  }
0x65b: {  	v6 =	vperm.xlane v5, v1;
	_ =	sdelay $0x1  }
0x65c: {  	v6 =	vadd.s32 v2, v6;
	_ =	sdelay $0x1  }
0x65d: {  	v5 =	vperm.xlane v5, v3;
	_ =	sdelay $0x1  }
0x65e: {  	s20 =	simm.s32 $0x14900;
	v5 =	vadd.s32 v2, v5  }
0x65f: {  	[hbm4b:s3+s4] =	stream.indirect_vreg.scatter [tilespmem:s20], [sflag:$0x5], $0x80, v6, vm0, $0xb8;
	[tilespmem:$0x1C900] =	vst v63  }
0x660: {  	s8 =	simm.s32 $0x15100  }
0x661: {  	[hbm4b:s10+s4] =	stream.indirect_vreg.scatter [tilespmem:s8], [sflag:$0x5], $0x80, v6, vm0, $0xb8;
	[tilespmem:$0x1C900] =	vst v63  }
0x662: {  	s11 =	simm.s32 $0x15900  }
0x663: {  	[hbm4b:s3+s4] =	stream.indirect_vreg.scatter [tilespmem:s11], [sflag:$0x5], $0x80, v5, vm0, $0xb8;
	[tilespmem:$0x1C900] =	vst v63  }
0x664: {  	s13 =	simm.s32 $0x16100  }
0x665: {  	[hbm4b:s10+s4] =	stream.indirect_vreg.scatter [tilespmem:s13], [sflag:$0x5], $0x80, v5, vm0, $0xb8;
	[tilespmem:$0x1C900] =	vst v63  }
0x666: {  	v5 =	vld [tilespmem:$0x4810];
	_ =	sdelay $0x4  }
0x667: {  	v6 =	vshll.u32 v5, $0x2  }
0x668: {  	v5 =	vand.u32 $0x7, v5;
	v6 =	vand.u32 $0xFFFFFFE0, v6  }
0x669: {  	v5 =	vor.u32 v5, v6  }
0x66a: {  	v6 =	vperm.xlane v5, v1;
	_ =	sdelay $0x1  }
0x66b: {  	v6 =	vadd.s32 v2, v6;
	_ =	sdelay $0x1  }
0x66c: {  	v5 =	vperm.xlane v5, v3;
	_ =	sdelay $0x1  }
0x66d: {  	s14 =	simm.s32 $0x16900;
	v5 =	vadd.s32 v2, v5  }
0x66e: {  	[hbm4b:s3+s4] =	stream.indirect_vreg.scatter [tilespmem:s14], [sflag:$0x5], $0x80, v6, vm0, $0xb8;
	[tilespmem:$0x1C900] =	vst v63  }
0x66f: {  	s17 =	simm.s32 $0x17100  }
0x670: {  	[hbm4b:s10+s4] =	stream.indirect_vreg.scatter [tilespmem:s17], [sflag:$0x5], $0x80, v6, vm0, $0xb8;
	[tilespmem:$0x1C900] =	vst v63  }
0x671: {  	s18 =	simm.s32 $0x17900  }
0x672: {  	[hbm4b:s3+s4] =	stream.indirect_vreg.scatter [tilespmem:s18], [sflag:$0x5], $0x80, v5, vm0, $0xb8;
	[tilespmem:$0x1C900] =	vst v63  }
0x673: {  	s19 =	simm.s32 $0x18100  }
0x674: {  	[hbm4b:s10+s4] =	stream.indirect_vreg.scatter [tilespmem:s19], [sflag:$0x5], $0x80, v5, vm0, $0xb8;
	[tilespmem:$0x1C900] =	vst v63  }
0x675: {  	v5 =	vld @!p0 [tilespmem:s24+$0xC0];
	_ =	sdelay $0x4  }
0x676: {  	v6 =	vshll.u32 @!p0 v5, $0x2  }
0x677: {  	v7 =	vlaneseq.u32 @!p0;
	v5 =	vand.u32 @!p0 $0x7, v5;
	v6 =	vand.u32 @!p0 $0xFFFFFFE0, v6  }
0x678: {  	v8 =	vshrl.u32 @!p0 v7, $0x3;
	v5 =	vor.u32 @!p0 v5, v6;
	v6 =	vand.u32 @!p0 $0x7, v7  }
0x679: {  	v8 =	vmul.u32 @!p0 $0x8, v8;
	v9 =	vperm.xlane @!p0 v5, v6;
	_ =	sdelay $0x1  }
0x67a: {  	v9 =	vadd.s32 @!p0 v8, v9  }
0x67b: {  	v7 =	vor.u32 @!p0 $0x8, v7  }
0x67c: {  	v5 =	vperm.xlane @!p0 v5, v7;
	_ =	sdelay $0x1  }
0x67d: {  	s7 =	simm.s32 @!p0 $0x0;
	s8 =	simm.s32 @!p0 $0xC900;
	v5 =	vadd.s32 @!p0 v8, v5  }
0x67e: {  	[tilespmem:s8], [sflag:$0x3] =	stream.indirect_vreg.gather @!p0 [hbm4b:s2+s7], $0x80, v9, vm1, $0xb8;
	[tilespmem:$0x1C900] =	vst v63  }
0x67f: {  	s8 =	simm.s32 @!p0 $0xD100  }
0x680: {  	[tilespmem:s8], [sflag:$0x3] =	stream.indirect_vreg.gather @!p0 [hbm4b:s9+s7], $0x80, v9, vm1, $0xb8;
	[tilespmem:$0x1C900] =	vst v63  }
0x681: {  	s8 =	simm.s32 @!p0 $0xD900  }
0x682: {  	[tilespmem:s8], [sflag:$0x3] =	stream.indirect_vreg.gather @!p0 [hbm4b:s2+s7], $0x80, v5, vm1, $0xb8;
	[tilespmem:$0x1C900] =	vst v63  }
0x683: {  	s8 =	simm.s32 @!p0 $0xE100  }
0x684: {  	[tilespmem:s8], [sflag:$0x3] =	stream.indirect_vreg.gather @!p0 [hbm4b:s9+s7], $0x80, v5, vm1, $0xb8;
	[tilespmem:$0x1C900] =	vst v63  }
0x685: {  	v5 =	vld @!p0 [tilespmem:s24+$0xD0];
	_ =	sdelay $0x4  }
0x686: {  	v9 =	vshll.u32 @!p0 v5, $0x2  }
0x687: {  	v5 =	vand.u32 @!p0 $0x7, v5;
	v9 =	vand.u32 @!p0 $0xFFFFFFE0, v9  }
0x688: {  	v5 =	vor.u32 @!p0 v5, v9  }
0x689: {  	v6 =	vperm.xlane @!p0 v5, v6;
	_ =	sdelay $0x1  }
0x68a: {  	v6 =	vadd.s32 @!p0 v8, v6;
	_ =	sdelay $0x1  }
0x68b: {  	v5 =	vperm.xlane @!p0 v5, v7;
	_ =	sdelay $0x1  }
0x68c: {  	s8 =	simm.s32 @!p0 $0xE900;
	v5 =	vadd.s32 @!p0 v8, v5  }
0x68d: {  	[tilespmem:s8], [sflag:$0x3] =	stream.indirect_vreg.gather @!p0 [hbm4b:s2+s7], $0x80, v6, vm1, $0xb8;
	[tilespmem:$0x1C900] =	vst v63  }
0x68e: {  	s8 =	simm.s32 @!p0 $0xF100  }
0x68f: {  	[tilespmem:s8], [sflag:$0x3] =	stream.indirect_vreg.gather @!p0 [hbm4b:s9+s7], $0x80, v6, vm1, $0xb8;
	[tilespmem:$0x1C900] =	vst v63  }
0x690: {  	s8 =	simm.s32 @!p0 $0xF900  }
0x691: {  	[tilespmem:s8], [sflag:$0x3] =	stream.indirect_vreg.gather @!p0 [hbm4b:s2+s7], $0x80, v5, vm1, $0xb8;
	[tilespmem:$0x1C900] =	vst v63  }
0x692: {  	s8 =	simm.s32 @!p0 $0x10100  }
0x693: {  	[tilespmem:s8], [sflag:$0x3] =	stream.indirect_vreg.gather @!p0 [hbm4b:s9+s7], $0x80, v5, vm1, $0xb8;
	[tilespmem:$0x1C900] =	vst v63  }
0x694: {  	s25 =	sadd.s32 $0x60, s23;
	_ =	swait.ge [sflag:s1], $0x4000  }
0x695: {  	s13 =	sand.u32 $0xFE0, s25;
	[sflag:s1] =	ssyncset.done $0x0  }
0x696: {  	s8 =	smul.u32 $0x4D, s13;
	[sflag:s1] =	ssyncadd.s32 $0xFFFFC000  }
0x697: {  	s14 =	sshrl.u32 s25, $0xC;
	_ =	swait.ge [sflag:s16], $0x4000  }
0x698: {  	s17 =	ssub.s32 s14, s6;
	s8 =	sadd.s32 s14, s8;
	[sflag:s16] =	ssyncset.done $0x0  }
0x699: {  	s18 =	sshll.u32 s17, $0x9;
	s7 =	sshrl.u32 s25, $0x5;
	v5 =	vadd.s32 s8, v0;
	[sflag:s16] =	ssyncadd.s32 $0xFFFFC000  }
0x69a: {  	s23 =	simm.s32 $0x0;
	s19 =	sand.u32 $0xFFFFF000, s18;
	s7 =	sand.u32 $0x380, s7;
	[tilespmem:$0x4880] =	vst v5;
	v5 =	vadd.s32 s8, v4  }
0x69b: {  	s24 =	sand.u32 $0x3000, s23;
	s25 =	sand.u32 $0x380, s23;
	s13 =	sor.u32 s7, s19;
	[tilespmem:$0x4890] =	vst v5  }
0x69c: {  	s23 =	sor.u32 s25, s24;
	v5 =	vld [tilespmem:s13+$0x2800]  }
0x69d: {  	v6 =	vld [tilespmem:s23+$0x10900];
	_ =	sdelay $0x4  }
0x69e: {  	v5 =	vadd.f32 v5, v6;
	_ =	sdelay $0x1  }
0x69f: {  	s24 =	sadd.s32 $0x2800, s13;
	[tilespmem:s23+$0x18900] =	vst v5;
	v5 =	vld [tilespmem:s23+$0x10910]  }
0x6a0: {  	v6 =	vld [tilespmem:s24+$0x10];
	_ =	sdelay $0x4  }
0x6a1: {  	v5 =	vadd.f32 v6, v5;
	_ =	sdelay $0x1  }
0x6a2: {  	[tilespmem:s23+$0x18910] =	vst v5;
	v5 =	vld [tilespmem:s23+$0x10920]  }
0x6a3: {  	v6 =	vld [tilespmem:s24+$0x20];
	_ =	sdelay $0x4  }
0x6a4: {  	v5 =	vadd.f32 v6, v5;
	_ =	sdelay $0x1  }
0x6a5: {  	[tilespmem:s23+$0x18920] =	vst v5;
	v5 =	vld [tilespmem:s23+$0x10930]  }
0x6a6: {  	v6 =	vld [tilespmem:s24+$0x30];
	_ =	sdelay $0x4  }
0x6a7: {  	v5 =	vadd.f32 v6, v5;
	_ =	sdelay $0x1  }
0x6a8: {  	[tilespmem:s23+$0x18930] =	vst v5;
	v5 =	vld [tilespmem:s23+$0x10940]  }
0x6a9: {  	v6 =	vld [tilespmem:s24+$0x40];
	_ =	sdelay $0x4  }
0x6aa: {  	v5 =	vadd.f32 v6, v5;
	_ =	sdelay $0x1  }
0x6ab: {  	[tilespmem:s23+$0x18940] =	vst v5;
	v5 =	vld [tilespmem:s23+$0x10950]  }
0x6ac: {  	v6 =	vld [tilespmem:s24+$0x50];
	_ =	sdelay $0x4  }
0x6ad: {  	v5 =	vadd.f32 v6, v5;
	_ =	sdelay $0x1  }
0x6ae: {  	[tilespmem:s23+$0x18950] =	vst v5;
	v5 =	vld [tilespmem:s23+$0x10960]  }
0x6af: {  	v6 =	vld [tilespmem:s24+$0x60];
	_ =	sdelay $0x4  }
0x6b0: {  	v5 =	vadd.f32 v6, v5;
	_ =	sdelay $0x1  }
0x6b1: {  	[tilespmem:s23+$0x18960] =	vst v5;
	v5 =	vld [tilespmem:s23+$0x10970]  }
0x6b2: {  	s11 =	simm.s32 $0x200;
	s14 =	simm.s32 $0x80;
	v6 =	vld [tilespmem:s24+$0x70]  }
0x6b3: {  	s7 =	sand.u32 $0x3000, s11;
	s8 =	sand.u32 $0x380, s14  }
0x6b4: {  	s7 =	sor.u32 s8, s7;
	v7 =	vld [tilespmem:s13+$0x2800]  }
0x6b5: {  	v8 =	vld [tilespmem:s7+$0x10900];
	_ =	sdelay $0x1  }
0x6b6: {  	v5 =	vadd.f32 v6, v5;
	_ =	sdelay $0x1  }
0x6b7: {  	v6 =	vld [tilespmem:s23+$0x10D00];
	[tilespmem:s23+$0x18970] =	vst v5  }
0x6b8: {  	v5 =	vadd.f32 v7, v8;
	v7 =	vld [tilespmem:s24+$0x400];
	_ =	sdelay $0x4  }
0x6b9: {  	[tilespmem:s7+$0x18900] =	vst v5;
	v5 =	vld [tilespmem:s7+$0x10910];
	v6 =	vadd.f32 v7, v6  }
0x6ba: {  	v8 =	vld [tilespmem:s24+$0x10]  }
0x6bb: {  	v7 =	vld [tilespmem:s23+$0x10D10];
	[tilespmem:s23+$0x18D00] =	vst v6  }
0x6bc: {  	v6 =	vld [tilespmem:s24+$0x410];
	_ =	sdelay $0x2  }
0x6bd: {  	v5 =	vadd.f32 v8, v5;
	_ =	sdelay $0x1  }
0x6be: {  	[tilespmem:s7+$0x18910] =	vst v5;
	v5 =	vld [tilespmem:s7+$0x10920];
	v6 =	vadd.f32 v6, v7  }
0x6bf: {  	v8 =	vld [tilespmem:s24+$0x20]  }
0x6c0: {  	v7 =	vld [tilespmem:s23+$0x10D20];
	[tilespmem:s23+$0x18D10] =	vst v6  }
0x6c1: {  	v6 =	vld [tilespmem:s24+$0x420];
	_ =	sdelay $0x2  }
0x6c2: {  	v5 =	vadd.f32 v8, v5;
	_ =	sdelay $0x1  }
0x6c3: {  	[tilespmem:s7+$0x18920] =	vst v5;
	v5 =	vld [tilespmem:s7+$0x10930];
	v6 =	vadd.f32 v6, v7  }
0x6c4: {  	v8 =	vld [tilespmem:s24+$0x30]  }
0x6c5: {  	v7 =	vld [tilespmem:s23+$0x10D30];
	[tilespmem:s23+$0x18D20] =	vst v6  }
0x6c6: {  	v6 =	vld [tilespmem:s24+$0x430];
	_ =	sdelay $0x2  }
0x6c7: {  	v5 =	vadd.f32 v8, v5;
	_ =	sdelay $0x1  }
0x6c8: {  	[tilespmem:s7+$0x18930] =	vst v5;
	v5 =	vld [tilespmem:s7+$0x10940];
	v6 =	vadd.f32 v6, v7  }
0x6c9: {  	v8 =	vld [tilespmem:s24+$0x40]  }
0x6ca: {  	v7 =	vld [tilespmem:s23+$0x10D40];
	[tilespmem:s23+$0x18D30] =	vst v6  }
0x6cb: {  	v6 =	vld [tilespmem:s24+$0x440];
	_ =	sdelay $0x2  }
0x6cc: {  	v5 =	vadd.f32 v8, v5;
	_ =	sdelay $0x1  }
0x6cd: {  	[tilespmem:s7+$0x18940] =	vst v5;
	v5 =	vld [tilespmem:s7+$0x10950];
	v6 =	vadd.f32 v6, v7  }
0x6ce: {  	v7 =	vld [tilespmem:s24+$0x50]  }
0x6cf: {  	v8 =	vld [tilespmem:s23+$0x10D50];
	[tilespmem:s23+$0x18D40] =	vst v6  }
0x6d0: {  	v6 =	vld [tilespmem:s24+$0x450];
	_ =	sdelay $0x2  }
0x6d1: {  	v5 =	vadd.f32 v7, v5;
	_ =	sdelay $0x1  }
0x6d2: {  	[tilespmem:s7+$0x18950] =	vst v5;
	v5 =	vadd.f32 v6, v8;
	v6 =	vld [tilespmem:s7+$0x10960]  }
0x6d3: {  	v8 =	vld [tilespmem:s24+$0x60]  }
0x6d4: {  	v7 =	vld [tilespmem:s23+$0x10D60];
	[tilespmem:s23+$0x18D50] =	vst v5  }
0x6d5: {  	v5 =	vld [tilespmem:s24+$0x460];
	_ =	sdelay $0x2  }
0x6d6: {  	v6 =	vadd.f32 v8, v6;
	_ =	sdelay $0x1  }
0x6d7: {  	[tilespmem:s7+$0x18960] =	vst v6;
	v6 =	vld [tilespmem:s7+$0x10970];
	v5 =	vadd.f32 v5, v7  }
0x6d8: {  	v8 =	vld [tilespmem:s24+$0x70]  }
0x6d9: {  	s17 =	simm.s32 $0x400;
	s18 =	simm.s32 $0x100;
	v7 =	vld [tilespmem:s23+$0x10D70];
	[tilespmem:s23+$0x18D60] =	vst v5  }
0x6da: {  	s11 =	sand.u32 $0x380, s18;
	s8 =	sand.u32 $0x3000, s17;
	v5 =	vld [tilespmem:s24+$0x470]  }
0x6db: {  	v9 =	vld [tilespmem:s13+$0x2800];
	s8 =	sor.u32 s11, s8  }
0x6dc: {  	v10 =	vld [tilespmem:s8+$0x10900]  }
0x6dd: {  	v6 =	vadd.f32 v8, v6;
	_ =	sdelay $0x1  }
0x6de: {  	[tilespmem:s7+$0x18970] =	vst v6;
	v6 =	vld [tilespmem:s7+$0x10D00];
	v5 =	vadd.f32 v5, v7  }
0x6df: {  	v7 =	vld [tilespmem:s23+$0x11100]  }
0x6e0: {  	v8 =	vadd.f32 v9, v10;
	[tilespmem:s23+$0x18D70] =	vst v5;
	v5 =	vld [tilespmem:s24+$0x400]  }
0x6e1: {  	v9 =	vld [tilespmem:s24+$0x800]  }
0x6e2: {  	[tilespmem:s8+$0x18900] =	vst v8;
	v8 =	vld [tilespmem:s8+$0x10910]  }
0x6e3: {  	v10 =	vld [tilespmem:s24+$0x10];
	_ =	sdelay $0x1  }
0x6e4: {  	v5 =	vadd.f32 v5, v6  }
0x6e5: {  	v6 =	vld [tilespmem:s7+$0x10D10];
	v7 =	vadd.f32 v9, v7  }
0x6e6: {  	v9 =	vld [tilespmem:s23+$0x11110];
	[tilespmem:s7+$0x18D00] =	vst v5  }
0x6e7: {  	v5 =	vadd.f32 v10, v8;
	v8 =	vld [tilespmem:s24+$0x410];
	[tilespmem:s23+$0x19100] =	vst v7  }
0x6e8: {  	v7 =	vld [tilespmem:s24+$0x810];
	_ =	sdelay $0x2  }
0x6e9: {  	[tilespmem:s8+$0x18910] =	vst v5;
	v5 =	vld [tilespmem:s8+$0x10920]  }
0x6ea: {  	v10 =	vld [tilespmem:s24+$0x20];
	v6 =	vadd.f32 v8, v6  }
0x6eb: {  	v8 =	vld [tilespmem:s7+$0x10D20];
	v7 =	vadd.f32 v7, v9  }
0x6ec: {  	v9 =	vld [tilespmem:s23+$0x11120];
	[tilespmem:s7+$0x18D10] =	vst v6  }
0x6ed: {  	v6 =	vld [tilespmem:s24+$0x420];
	[tilespmem:s23+$0x19110] =	vst v7  }
0x6ee: {  	v7 =	vld [tilespmem:s24+$0x820]  }
0x6ef: {  	v5 =	vadd.f32 v10, v5;
	_ =	sdelay $0x1  }
0x6f0: {  	[tilespmem:s8+$0x18920] =	vst v5;
	v5 =	vld [tilespmem:s8+$0x10930]  }
0x6f1: {  	v10 =	vld [tilespmem:s24+$0x30];
	v6 =	vadd.f32 v6, v8  }
0x6f2: {  	v8 =	vld [tilespmem:s7+$0x10D30];
	v7 =	vadd.f32 v7, v9  }
0x6f3: {  	v9 =	vld [tilespmem:s23+$0x11130];
	[tilespmem:s7+$0x18D20] =	vst v6  }
0x6f4: {  	v6 =	vld [tilespmem:s24+$0x430];
	[tilespmem:s23+$0x19120] =	vst v7  }
0x6f5: {  	v7 =	vld [tilespmem:s24+$0x830]  }
0x6f6: {  	v5 =	vadd.f32 v10, v5;
	_ =	sdelay $0x1  }
0x6f7: {  	[tilespmem:s8+$0x18930] =	vst v5;
	v5 =	vld [tilespmem:s8+$0x10940]  }
0x6f8: {  	v10 =	vld [tilespmem:s24+$0x40];
	v6 =	vadd.f32 v6, v8  }
0x6f9: {  	v8 =	vld [tilespmem:s7+$0x10D40];
	v7 =	vadd.f32 v7, v9  }
0x6fa: {  	v9 =	vld [tilespmem:s23+$0x11140];
	[tilespmem:s7+$0x18D30] =	vst v6  }
0x6fb: {  	v6 =	vld [tilespmem:s24+$0x440];
	[tilespmem:s23+$0x19130] =	vst v7  }
0x6fc: {  	v7 =	vld [tilespmem:s24+$0x840];
	_ =	sdelay $0x1  }
0x6fd: {  	v5 =	vadd.f32 v10, v5  }
0x6fe: {  	v10 =	vld [tilespmem:s7+$0x10D50]  }
0x6ff: {  	[tilespmem:s8+$0x18940] =	vst v5;
	v5 =	vld [tilespmem:s8+$0x10950];
	v6 =	vadd.f32 v6, v8  }
0x700: {  	v8 =	vld [tilespmem:s24+$0x50];
	v7 =	vadd.f32 v7, v9  }
0x701: {  	v9 =	vld [tilespmem:s23+$0x11150];
	[tilespmem:s7+$0x18D40] =	vst v6  }
0x702: {  	v6 =	vld [tilespmem:s24+$0x450];
	[tilespmem:s23+$0x19140] =	vst v7  }
0x703: {  	v7 =	vld [tilespmem:s24+$0x850];
	_ =	sdelay $0x1  }
0x704: {  	v5 =	vadd.f32 v8, v5  }
0x705: {  	v8 =	vld [tilespmem:s7+$0x10D60]  }
0x706: {  	[tilespmem:s8+$0x18950] =	vst v5;
	v5 =	vadd.f32 v6, v10;
	v6 =	vld [tilespmem:s8+$0x10960]  }
0x707: {  	v10 =	vld [tilespmem:s23+$0x11160];
	v7 =	vadd.f32 v7, v9  }
0x708: {  	v9 =	vld [tilespmem:s24+$0x60];
	[tilespmem:s7+$0x18D50] =	vst v5  }
0x709: {  	v5 =	vld [tilespmem:s24+$0x460];
	[tilespmem:s23+$0x19150] =	vst v7  }
0x70a: {  	v7 =	vld [tilespmem:s24+$0x860];
	_ =	sdelay $0x2  }
0x70b: {  	v6 =	vadd.f32 v9, v6;
	v9 =	vld [tilespmem:s23+$0x11170]  }
0x70c: {  	v5 =	vadd.f32 v5, v8;
	v8 =	vld [tilespmem:s7+$0x10D70]  }
0x70d: {  	[tilespmem:s8+$0x18960] =	vst v6;
	v6 =	vld [tilespmem:s8+$0x10970];
	v7 =	vadd.f32 v7, v10  }
0x70e: {  	v10 =	vld [tilespmem:s24+$0x70];
	[tilespmem:s7+$0x18D60] =	vst v5  }
0x70f: {  	s19 =	simm.s32 $0x600;
	s14 =	simm.s32 $0x180;
	v5 =	vld [tilespmem:s24+$0x470];
	[tilespmem:s23+$0x19160] =	vst v7  }
0x710: {  	s14 =	sand.u32 $0x380, s14;
	s11 =	sand.u32 $0x3000, s19;
	v7 =	vld [tilespmem:s24+$0x870]  }
0x711: {  	v11 =	vld [tilespmem:s13+$0x2800];
	s11 =	sor.u32 s14, s11  }
0x712: {  	v50 =	vld [tilespmem:s11+$0x10900]  }
0x713: {  	v6 =	vadd.f32 v10, v6;
	v10 =	vld [tilespmem:s23+$0x11500]  }
0x714: {  	v5 =	vadd.f32 v5, v8;
	v8 =	vld [tilespmem:s7+$0x11100]  }
0x715: {  	[tilespmem:s8+$0x18970] =	vst v6;
	v6 =	vld [tilespmem:s8+$0x10D00];
	v7 =	vadd.f32 v7, v9  }
0x716: {  	[tilespmem:s7+$0x18D70] =	vst v5;
	v5 =	vld [tilespmem:s24+$0x400]  }
0x717: {  	v9 =	vadd.f32 v11, v50;
	[tilespmem:s23+$0x19170] =	vst v7;
	v7 =	vld [tilespmem:s24+$0x800]  }
0x718: {  	v11 =	vld [tilespmem:s24+$0xC00]  }
0x719: {  	[tilespmem:s11+$0x18900] =	vst v9;
	v9 =	vld [tilespmem:s11+$0x10910]  }
0x71a: {  	v51 =	vld [tilespmem:s24+$0x10]  }
0x71b: {  	v52 =	vld [tilespmem:s23+$0x11510];
	v5 =	vadd.f32 v5, v6  }
0x71c: {  	v6 =	vld [tilespmem:s8+$0x10D10];
	v7 =	vadd.f32 v7, v8  }
0x71d: {  	v8 =	vld [tilespmem:s7+$0x11110];
	[tilespmem:s8+$0x18D00] =	vst v5;
	v5 =	vadd.f32 v11, v10  }
0x71e: {  	v10 =	vld [tilespmem:s24+$0x410];
	[tilespmem:s7+$0x19100] =	vst v7  }
0x71f: {  	v7 =	vadd.f32 v51, v9;
	v9 =	vld [tilespmem:s24+$0x810];
	[tilespmem:s23+$0x19500] =	vst v5  }
0x720: {  	v5 =	vld [tilespmem:s24+$0xC10]  }
0x721: {  	v53 =	vld [tilespmem:s23+$0x11520]  }
0x722: {  	[tilespmem:s11+$0x18910] =	vst v7;
	v7 =	vld [tilespmem:s11+$0x10920]  }
0x723: {  	v11 =	vld [tilespmem:s24+$0x20];
	v6 =	vadd.f32 v10, v6  }
0x724: {  	v10 =	vld [tilespmem:s8+$0x10D20];
	v8 =	vadd.f32 v9, v8  }
0x725: {  	v9 =	vld [tilespmem:s7+$0x11120];
	[tilespmem:s8+$0x18D10] =	vst v6;
	v5 =	vadd.f32 v5, v52  }
0x726: {  	v6 =	vld [tilespmem:s24+$0x420];
	[tilespmem:s7+$0x19110] =	vst v8  }
0x727: {  	v8 =	vld [tilespmem:s24+$0x820];
	[tilespmem:s23+$0x19510] =	vst v5  }
0x728: {  	v7 =	vadd.f32 v11, v7;
	v5 =	vld [tilespmem:s24+$0xC20]  }
0x729: {  	v54 =	vld [tilespmem:s23+$0x11530]  }
0x72a: {  	[tilespmem:s11+$0x18920] =	vst v7;
	v7 =	vld [tilespmem:s11+$0x10930]  }
0x72b: {  	v11 =	vld [tilespmem:s24+$0x30];
	v6 =	vadd.f32 v6, v10  }
0x72c: {  	v10 =	vld [tilespmem:s8+$0x10D30];
	v8 =	vadd.f32 v8, v9  }
0x72d: {  	v9 =	vld [tilespmem:s7+$0x11130];
	[tilespmem:s8+$0x18D20] =	vst v6;
	v5 =	vadd.f32 v5, v53  }
0x72e: {  	v6 =	vld [tilespmem:s24+$0x430];
	[tilespmem:s7+$0x19120] =	vst v8  }
0x72f: {  	v8 =	vld [tilespmem:s24+$0x830];
	[tilespmem:s23+$0x19520] =	vst v5  }
0x730: {  	v7 =	vadd.f32 v11, v7;
	v5 =	vld [tilespmem:s24+$0xC30]  }
0x731: {  	v55 =	vld [tilespmem:s23+$0x11540]  }
0x732: {  	[tilespmem:s11+$0x18930] =	vst v7;
	v7 =	vld [tilespmem:s11+$0x10940]  }
0x733: {  	v11 =	vld [tilespmem:s24+$0x40];
	v6 =	vadd.f32 v6, v10  }
0x734: {  	v10 =	vld [tilespmem:s8+$0x10D40];
	v8 =	vadd.f32 v8, v9  }
0x735: {  	v9 =	vld [tilespmem:s7+$0x11140];
	[tilespmem:s8+$0x18D30] =	vst v6;
	v5 =	vadd.f32 v5, v54  }
0x736: {  	v6 =	vld [tilespmem:s24+$0x440];
	[tilespmem:s7+$0x19130] =	vst v8  }
0x737: {  	v8 =	vld [tilespmem:s24+$0x840];
	[tilespmem:s23+$0x19530] =	vst v5  }
0x738: {  	v7 =	vadd.f32 v11, v7;
	v5 =	vld [tilespmem:s24+$0xC40]  }
0x739: {  	v56 =	vld [tilespmem:s23+$0x11550]  }
0x73a: {  	[tilespmem:s11+$0x18940] =	vst v7;
	v7 =	vld [tilespmem:s11+$0x10950]  }
0x73b: {  	v11 =	vld [tilespmem:s24+$0x50];
	v6 =	vadd.f32 v6, v10  }
0x73c: {  	v10 =	vld [tilespmem:s8+$0x10D50];
	v8 =	vadd.f32 v8, v9  }
0x73d: {  	v9 =	vld [tilespmem:s7+$0x11150];
	[tilespmem:s8+$0x18D40] =	vst v6;
	v5 =	vadd.f32 v5, v55  }
0x73e: {  	v6 =	vld [tilespmem:s24+$0x450];
	[tilespmem:s7+$0x19140] =	vst v8  }
0x73f: {  	v8 =	vld [tilespmem:s24+$0x850];
	[tilespmem:s23+$0x19540] =	vst v5  }
0x740: {  	v5 =	vadd.f32 v11, v7;
	v7 =	vld [tilespmem:s24+$0xC50]  }
0x741: {  	v57 =	vld [tilespmem:s8+$0x10D60]  }
0x742: {  	v11 =	vld [tilespmem:s23+$0x11560]  }
0x743: {  	[tilespmem:s11+$0x18950] =	vst v5;
	v5 =	vld [tilespmem:s11+$0x10960];
	v6 =	vadd.f32 v6, v10  }
0x744: {  	v10 =	vld [tilespmem:s24+$0x60];
	v8 =	vadd.f32 v8, v9  }
0x745: {  	v9 =	vld [tilespmem:s7+$0x11160];
	[tilespmem:s8+$0x18D50] =	vst v6;
	v6 =	vadd.f32 v7, v56  }
0x746: {  	v7 =	vld [tilespmem:s24+$0x460];
	[tilespmem:s7+$0x19150] =	vst v8  }
0x747: {  	v8 =	vld [tilespmem:s24+$0x860];
	[tilespmem:s23+$0x19550] =	vst v6  }
0x748: {  	v6 =	vld [tilespmem:s24+$0xC60]  }
0x749: {  	v58 =	vld [tilespmem:s8+$0x10D70];
	v5 =	vadd.f32 v10, v5  }
0x74a: {  	v60 =	vld [tilespmem:s7+$0x11170]  }
0x74b: {  	v10 =	vld [tilespmem:s23+$0x11570];
	[tilespmem:s11+$0x18960] =	vst v5;
	v5 =	vadd.f32 v7, v57  }
0x74c: {  	v7 =	vld [tilespmem:s11+$0x10970];
	v8 =	vadd.f32 v8, v9  }
0x74d: {  	v59 =	vld [tilespmem:s24+$0x70];
	[tilespmem:s8+$0x18D60] =	vst v5;
	v5 =	vadd.f32 v6, v11  }
0x74e: {  	v11 =	vld [tilespmem:s24+$0x470];
	[tilespmem:s7+$0x19160] =	vst v8  }
0x74f: {  	v61 =	vld [tilespmem:s24+$0x870];
	[tilespmem:s23+$0x19560] =	vst v5  }
0x750: {  	v5 =	vld [tilespmem:s24+$0xC70]  }
0x751: {  	v9 =	vld [tilespmem:s13+$0x2800]  }
0x752: {  	s25 =	simm.s32 $0x800;
	s17 =	simm.s32 $0x200;
	v6 =	vld [tilespmem:s7+$0x11500];
	v8 =	vadd.f32 v59, v7  }
0x753: {  	s18 =	sand.u32 $0x380, s17;
	s14 =	sand.u32 $0x3000, s25;
	v7 =	vld [tilespmem:s8+$0x11100];
	v62 =	vadd.f32 v11, v58  }
0x754: {  	s14 =	sor.u32 s18, s14;
	[tilespmem:s11+$0x18970] =	vst v8;
	v8 =	vld [tilespmem:s11+$0x10D00];
	v63 =	vadd.f32 v61, v60  }
0x755: {  	v11 =	vld [tilespmem:s14+$0x10900];
	[tilespmem:s8+$0x18D70] =	vst v62;
	v5 =	vadd.f32 v5, v10  }
0x756: {  	s18 =	simm.s32 $0xA00;
	v10 =	vld [tilespmem:s24+$0x400];
	[tilespmem:s7+$0x19170] =	vst v63  }
.LBB2_13:
0x757: {  	p1 =	sne.s32 s18, $0x3E00;
	v12 =	vld [tilespmem:s24+$0x800];
	[tilespmem:s23+$0x19570] =	vst v5;
	s23 =	smov.u32 s7;
	s7 =	smov.u32 s8  }
0x758: {  	s8 =	smov.u32 s11;
	s11 =	smov.u32 s14;
	v5 =	vld [tilespmem:s24+$0xC00]  }
0x759: {  	v13 =	vld [tilespmem:s23+$0x11510]  }
0x75a: {  	v9 =	vadd.f32 v9, v11;
	v11 =	vld [tilespmem:s7+$0x11110]  }
0x75b: {  	v8 =	vadd.f32 v10, v8;
	v10 =	vld [tilespmem:s8+$0x10D10]  }
0x75c: {  	[tilespmem:s11+$0x18900] =	vst v9;
	v9 =	vld [tilespmem:s11+$0x10910];
	v7 =	vadd.f32 v12, v7  }
0x75d: {  	v12 =	vld [tilespmem:s24+$0x10];
	[tilespmem:s8+$0x18D00] =	vst v8;
	v5 =	vadd.f32 v5, v6  }
0x75e: {  	v6 =	vld [tilespmem:s24+$0x410];
	[tilespmem:s7+$0x19100] =	vst v7  }
0x75f: {  	v7 =	vld [tilespmem:s24+$0x810];
	[tilespmem:s23+$0x19500] =	vst v5  }
0x760: {  	v5 =	vld [tilespmem:s24+$0xC10]  }
0x761: {  	v8 =	vld [tilespmem:s23+$0x11520]  }
0x762: {  	v9 =	vadd.f32 v12, v9;
	v12 =	vld [tilespmem:s7+$0x11120]  }
0x763: {  	v6 =	vadd.f32 v6, v10;
	v10 =	vld [tilespmem:s8+$0x10D20]  }
0x764: {  	[tilespmem:s11+$0x18910] =	vst v9;
	v9 =	vld [tilespmem:s11+$0x10920];
	v7 =	vadd.f32 v7, v11  }
0x765: {  	v11 =	vld [tilespmem:s24+$0x20];
	[tilespmem:s8+$0x18D10] =	vst v6;
	v5 =	vadd.f32 v5, v13  }
0x766: {  	v6 =	vld [tilespmem:s24+$0x420];
	[tilespmem:s7+$0x19110] =	vst v7  }
0x767: {  	v7 =	vld [tilespmem:s24+$0x820];
	[tilespmem:s23+$0x19510] =	vst v5  }
0x768: {  	v5 =	vld [tilespmem:s24+$0xC20]  }
0x769: {  	v13 =	vld [tilespmem:s23+$0x11530]  }
0x76a: {  	v9 =	vadd.f32 v11, v9;
	v11 =	vld [tilespmem:s7+$0x11130]  }
0x76b: {  	v6 =	vadd.f32 v6, v10;
	v10 =	vld [tilespmem:s8+$0x10D30]  }
0x76c: {  	[tilespmem:s11+$0x18920] =	vst v9;
	v9 =	vld [tilespmem:s11+$0x10930];
	v7 =	vadd.f32 v7, v12  }
0x76d: {  	v12 =	vld [tilespmem:s24+$0x30];
	[tilespmem:s8+$0x18D20] =	vst v6;
	v5 =	vadd.f32 v5, v8  }
0x76e: {  	v6 =	vld [tilespmem:s24+$0x430];
	[tilespmem:s7+$0x19120] =	vst v7  }
0x76f: {  	v7 =	vld [tilespmem:s24+$0x830];
	[tilespmem:s23+$0x19520] =	vst v5  }
0x770: {  	v5 =	vld [tilespmem:s24+$0xC30]  }
0x771: {  	v8 =	vld [tilespmem:s23+$0x11540]  }
0x772: {  	v9 =	vadd.f32 v12, v9;
	v12 =	vld [tilespmem:s7+$0x11140]  }
0x773: {  	v6 =	vadd.f32 v6, v10;
	v10 =	vld [tilespmem:s8+$0x10D40]  }
0x774: {  	[tilespmem:s11+$0x18930] =	vst v9;
	v9 =	vld [tilespmem:s11+$0x10940];
	v7 =	vadd.f32 v7, v11  }
0x775: {  	v11 =	vld [tilespmem:s24+$0x40];
	[tilespmem:s8+$0x18D30] =	vst v6;
	v5 =	vadd.f32 v5, v13  }
0x776: {  	v6 =	vld [tilespmem:s24+$0x440];
	[tilespmem:s7+$0x19130] =	vst v7  }
0x777: {  	v7 =	vld [tilespmem:s24+$0x840];
	[tilespmem:s23+$0x19530] =	vst v5  }
0x778: {  	v5 =	vld [tilespmem:s24+$0xC40]  }
0x779: {  	v13 =	vld [tilespmem:s23+$0x11550]  }
0x77a: {  	v9 =	vadd.f32 v11, v9;
	v11 =	vld [tilespmem:s7+$0x11150]  }
0x77b: {  	v6 =	vadd.f32 v6, v10;
	v10 =	vld [tilespmem:s8+$0x10D50]  }
0x77c: {  	[tilespmem:s11+$0x18940] =	vst v9;
	v9 =	vld [tilespmem:s11+$0x10950];
	v7 =	vadd.f32 v7, v12  }
0x77d: {  	v12 =	vld [tilespmem:s24+$0x50];
	[tilespmem:s8+$0x18D40] =	vst v6;
	v5 =	vadd.f32 v5, v8  }
0x77e: {  	v6 =	vld [tilespmem:s24+$0x450];
	[tilespmem:s7+$0x19140] =	vst v7  }
0x77f: {  	v7 =	vld [tilespmem:s24+$0x850];
	[tilespmem:s23+$0x19540] =	vst v5  }
0x780: {  	v5 =	vld [tilespmem:s24+$0xC50]  }
0x781: {  	v8 =	vld [tilespmem:s23+$0x11560]  }
0x782: {  	v9 =	vadd.f32 v12, v9;
	v12 =	vld [tilespmem:s7+$0x11160]  }
0x783: {  	v6 =	vadd.f32 v6, v10;
	v10 =	vld [tilespmem:s8+$0x10D60]  }
0x784: {  	[tilespmem:s11+$0x18950] =	vst v9;
	v9 =	vld [tilespmem:s11+$0x10960];
	v7 =	vadd.f32 v7, v11  }
0x785: {  	v11 =	vld [tilespmem:s24+$0x60];
	[tilespmem:s8+$0x18D50] =	vst v6;
	v5 =	vadd.f32 v5, v13  }
0x786: {  	v6 =	vld [tilespmem:s24+$0x460];
	[tilespmem:s7+$0x19150] =	vst v7  }
0x787: {  	v7 =	vld [tilespmem:s24+$0x860];
	[tilespmem:s23+$0x19550] =	vst v5  }
0x788: {  	v5 =	vld [tilespmem:s24+$0xC60]  }
0x789: {  	v13 =	vld [tilespmem:s23+$0x11570]  }
0x78a: {  	v9 =	vadd.f32 v11, v9;
	v11 =	vld [tilespmem:s7+$0x11170]  }
0x78b: {  	v6 =	vadd.f32 v6, v10;
	v10 =	vld [tilespmem:s8+$0x10D70]  }
0x78c: {  	[tilespmem:s11+$0x18960] =	vst v9;
	v14 =	vld [tilespmem:s11+$0x10970];
	v7 =	vadd.f32 v7, v12  }
0x78d: {  	v12 =	vld [tilespmem:s24+$0x70];
	[tilespmem:s8+$0x18D60] =	vst v6;
	v5 =	vadd.f32 v5, v8  }
0x78e: {  	v8 =	vld [tilespmem:s24+$0x470];
	[tilespmem:s7+$0x19160] =	vst v7  }
0x78f: {  	v15 =	vld [tilespmem:s24+$0x870];
	[tilespmem:s23+$0x19560] =	vst v5  }
0x790: {  	v5 =	vld [tilespmem:s24+$0xC70]  }
0x791: {  	v9 =	vld [tilespmem:s13+$0x2800]  }
.Ltmp8:
0x792: {  	s17 =	sadd.s32 $0x80, s17;
	v12 =	vadd.f32 v12, v14;
	v6 =	vld [tilespmem:s7+$0x11500];
	(pc) =	sbr.rel @p1 .LBB2_13-.Ltmp8, $4  }
0x793: {  	s14 =	sand.u32 $0x3000, s18;
	s19 =	sand.u32 $0x380, s17;
	v10 =	vadd.f32 v8, v10;
	v7 =	vld [tilespmem:s8+$0x11100]  }
0x794: {  	s14 =	sor.u32 s19, s14;
	[tilespmem:s11+$0x18970] =	vst v12;
	v8 =	vld [tilespmem:s11+$0x10D00];
	v12 =	vadd.f32 v15, v11  }
0x795: {  	v11 =	vld [tilespmem:s14+$0x10900];
	[tilespmem:s8+$0x18D70] =	vst v10;
	v5 =	vadd.f32 v5, v13  }
0x796: {  	s18 =	sadd.s32 $0x200, s18;
	v10 =	vld [tilespmem:s24+$0x400];
	[tilespmem:s7+$0x19170] =	vst v12  }
0x797: {  	_ =	sdelay $0x2  }
0x798: {  	v9 =	vadd.f32 v9, v11;
	_ =	sdelay $0x1  }
0x799: {  	v30 =	vld [tilespmem:s14+$0x10910];
	[tilespmem:s14+$0x18900] =	vst v9  }
0x79a: {  	v31 =	vld [tilespmem:s24+$0x10];
	_ =	sdelay $0x4  }
0x79b: {  	v9 =	vadd.f32 v31, v30;
	_ =	sdelay $0x1  }
0x79c: {  	v32 =	vld [tilespmem:s14+$0x10920];
	[tilespmem:s14+$0x18910] =	vst v9  }
0x79d: {  	v33 =	vld [tilespmem:s24+$0x20];
	_ =	sdelay $0x4  }
0x79e: {  	v9 =	vadd.f32 v33, v32;
	_ =	sdelay $0x1  }
0x79f: {  	v34 =	vld [tilespmem:s14+$0x10930];
	[tilespmem:s14+$0x18920] =	vst v9  }
0x7a0: {  	v35 =	vld [tilespmem:s24+$0x30];
	_ =	sdelay $0x4  }
0x7a1: {  	v9 =	vadd.f32 v35, v34;
	_ =	sdelay $0x1  }
0x7a2: {  	v36 =	vld [tilespmem:s14+$0x10940];
	[tilespmem:s14+$0x18930] =	vst v9  }
0x7a3: {  	v37 =	vld [tilespmem:s24+$0x40];
	_ =	sdelay $0x4  }
0x7a4: {  	v9 =	vadd.f32 v37, v36;
	_ =	sdelay $0x1  }
0x7a5: {  	v38 =	vld [tilespmem:s14+$0x10950];
	[tilespmem:s14+$0x18940] =	vst v9  }
0x7a6: {  	v39 =	vld [tilespmem:s24+$0x50];
	_ =	sdelay $0x4  }
0x7a7: {  	v9 =	vadd.f32 v39, v38;
	_ =	sdelay $0x1  }
0x7a8: {  	v40 =	vld [tilespmem:s14+$0x10960];
	[tilespmem:s14+$0x18950] =	vst v9  }
0x7a9: {  	v41 =	vld [tilespmem:s24+$0x60];
	_ =	sdelay $0x4  }
0x7aa: {  	v9 =	vadd.f32 v41, v40;
	_ =	sdelay $0x1  }
0x7ab: {  	v42 =	vld [tilespmem:s14+$0x10970];
	[tilespmem:s14+$0x18960] =	vst v9  }
0x7ac: {  	v43 =	vld [tilespmem:s24+$0x70];
	_ =	sdelay $0x4  }
0x7ad: {  	v9 =	vadd.f32 v43, v42;
	_ =	sdelay $0x1  }
0x7ae: {  	v44 =	vld [tilespmem:s14+$0x10D00];
	[tilespmem:s14+$0x18970] =	vst v9  }
0x7af: {  	v45 =	vld [tilespmem:s24+$0x400];
	_ =	sdelay $0x2  }
0x7b0: {  	v8 =	vadd.f32 v10, v8;
	_ =	sdelay $0x1  }
0x7b1: {  	v46 =	vld [tilespmem:s11+$0x10D10];
	[tilespmem:s11+$0x18D00] =	vst v8;
	v9 =	vadd.f32 v45, v44  }
0x7b2: {  	v48 =	vld [tilespmem:s24+$0x410]  }
0x7b3: {  	v47 =	vld [tilespmem:s14+$0x10D10];
	[tilespmem:s14+$0x18D00] =	vst v9  }
0x7b4: {  	v9 =	vld [tilespmem:s24+$0x410];
	_ =	sdelay $0x2  }
0x7b5: {  	v10 =	vadd.f32 v48, v46;
	_ =	sdelay $0x1  }
0x7b6: {  	v49 =	vld [tilespmem:s11+$0x10D20];
	[tilespmem:s11+$0x18D10] =	vst v10;
	v8 =	vadd.f32 v9, v47  }
0x7b7: {  	v10 =	vld [tilespmem:s24+$0x420]  }
0x7b8: {  	v50 =	vld [tilespmem:s14+$0x10D20];
	[tilespmem:s14+$0x18D10] =	vst v8  }
0x7b9: {  	v8 =	vld [tilespmem:s24+$0x420];
	_ =	sdelay $0x2  }
0x7ba: {  	v10 =	vadd.f32 v10, v49;
	_ =	sdelay $0x1  }
0x7bb: {  	v51 =	vld [tilespmem:s11+$0x10D30];
	[tilespmem:s11+$0x18D20] =	vst v10;
	v8 =	vadd.f32 v8, v50  }
0x7bc: {  	v10 =	vld [tilespmem:s24+$0x430]  }
0x7bd: {  	v52 =	vld [tilespmem:s14+$0x10D30];
	[tilespmem:s14+$0x18D20] =	vst v8  }
0x7be: {  	v8 =	vld [tilespmem:s24+$0x430];
	_ =	sdelay $0x2  }
0x7bf: {  	v10 =	vadd.f32 v10, v51;
	_ =	sdelay $0x1  }
0x7c0: {  	v53 =	vld [tilespmem:s11+$0x10D40];
	[tilespmem:s11+$0x18D30] =	vst v10;
	v8 =	vadd.f32 v8, v52  }
0x7c1: {  	v10 =	vld [tilespmem:s24+$0x440]  }
0x7c2: {  	v54 =	vld [tilespmem:s14+$0x10D40];
	[tilespmem:s14+$0x18D30] =	vst v8  }
0x7c3: {  	v8 =	vld [tilespmem:s24+$0x440];
	_ =	sdelay $0x2  }
0x7c4: {  	v10 =	vadd.f32 v10, v53;
	_ =	sdelay $0x1  }
0x7c5: {  	v55 =	vld [tilespmem:s11+$0x10D50];
	[tilespmem:s11+$0x18D40] =	vst v10;
	v8 =	vadd.f32 v8, v54  }
0x7c6: {  	v10 =	vld [tilespmem:s24+$0x450]  }
0x7c7: {  	v56 =	vld [tilespmem:s14+$0x10D50];
	[tilespmem:s14+$0x18D40] =	vst v8  }
0x7c8: {  	v8 =	vld [tilespmem:s24+$0x450];
	_ =	sdelay $0x2  }
0x7c9: {  	v10 =	vadd.f32 v10, v55;
	_ =	sdelay $0x1  }
0x7ca: {  	v57 =	vld [tilespmem:s11+$0x10D60];
	[tilespmem:s11+$0x18D50] =	vst v10;
	v8 =	vadd.f32 v8, v56  }
0x7cb: {  	v10 =	vld [tilespmem:s24+$0x460]  }
0x7cc: {  	v58 =	vld [tilespmem:s14+$0x10D60];
	[tilespmem:s14+$0x18D50] =	vst v8  }
0x7cd: {  	v8 =	vld [tilespmem:s24+$0x460];
	_ =	sdelay $0x2  }
0x7ce: {  	v10 =	vadd.f32 v10, v57;
	_ =	sdelay $0x1  }
0x7cf: {  	v59 =	vld [tilespmem:s11+$0x10D70];
	[tilespmem:s11+$0x18D60] =	vst v10;
	v8 =	vadd.f32 v8, v58  }
0x7d0: {  	v10 =	vld [tilespmem:s24+$0x470]  }
0x7d1: {  	v60 =	vld [tilespmem:s14+$0x10D70];
	[tilespmem:s14+$0x18D60] =	vst v8  }
0x7d2: {  	v8 =	vld [tilespmem:s24+$0x470];
	_ =	sdelay $0x2  }
0x7d3: {  	v12 =	vld [tilespmem:s24+$0x800];
	v10 =	vadd.f32 v10, v59;
	_ =	sdelay $0x1  }
0x7d4: {  	v61 =	vld [tilespmem:s11+$0x11100];
	[tilespmem:s11+$0x18D70] =	vst v10;
	v8 =	vadd.f32 v8, v60  }
0x7d5: {  	v10 =	vld [tilespmem:s24+$0x800]  }
0x7d6: {  	v62 =	vld [tilespmem:s14+$0x11100];
	[tilespmem:s14+$0x18D70] =	vst v8  }
0x7d7: {  	v7 =	vadd.f32 v12, v7;
	v8 =	vld [tilespmem:s24+$0x800];
	_ =	sdelay $0x1  }
0x7d8: {  	v63 =	vld [tilespmem:s8+$0x11110];
	[tilespmem:s8+$0x19100] =	vst v7  }
0x7d9: {  	v7 =	vld [tilespmem:s24+$0x810];
	v10 =	vadd.f32 v10, v61;
	_ =	sdelay $0x1  }
0x7da: {  	v16 =	vld [tilespmem:s11+$0x11110];
	[tilespmem:s11+$0x19100] =	vst v10;
	v8 =	vadd.f32 v8, v62  }
0x7db: {  	v10 =	vld [tilespmem:s24+$0x810]  }
0x7dc: {  	v17 =	vld [tilespmem:s14+$0x11110];
	[tilespmem:s14+$0x19100] =	vst v8  }
0x7dd: {  	v7 =	vadd.f32 v7, v63;
	v8 =	vld [tilespmem:s24+$0x810];
	_ =	sdelay $0x1  }
0x7de: {  	v18 =	vld [tilespmem:s8+$0x11120];
	[tilespmem:s8+$0x19110] =	vst v7  }
0x7df: {  	v7 =	vld [tilespmem:s24+$0x820];
	v10 =	vadd.f32 v10, v16;
	_ =	sdelay $0x1  }
0x7e0: {  	v19 =	vld [tilespmem:s11+$0x11120];
	[tilespmem:s11+$0x19110] =	vst v10;
	v8 =	vadd.f32 v8, v17  }
0x7e1: {  	v10 =	vld [tilespmem:s24+$0x820]  }
0x7e2: {  	v20 =	vld [tilespmem:s14+$0x11120];
	[tilespmem:s14+$0x19110] =	vst v8  }
0x7e3: {  	v7 =	vadd.f32 v7, v18;
	v8 =	vld [tilespmem:s24+$0x820];
	_ =	sdelay $0x1  }
0x7e4: {  	v21 =	vld [tilespmem:s8+$0x11130];
	[tilespmem:s8+$0x19120] =	vst v7  }
0x7e5: {  	v7 =	vld [tilespmem:s24+$0x830];
	v10 =	vadd.f32 v10, v19;
	_ =	sdelay $0x1  }
0x7e6: {  	v22 =	vld [tilespmem:s11+$0x11130];
	[tilespmem:s11+$0x19120] =	vst v10;
	v8 =	vadd.f32 v8, v20  }
0x7e7: {  	v10 =	vld [tilespmem:s24+$0x830]  }
0x7e8: {  	v23 =	vld [tilespmem:s14+$0x11130];
	[tilespmem:s14+$0x19120] =	vst v8  }
0x7e9: {  	v7 =	vadd.f32 v7, v21;
	v8 =	vld [tilespmem:s24+$0x830];
	_ =	sdelay $0x1  }
0x7ea: {  	v24 =	vld [tilespmem:s8+$0x11140];
	[tilespmem:s8+$0x19130] =	vst v7  }
0x7eb: {  	v7 =	vld [tilespmem:s24+$0x840];
	v10 =	vadd.f32 v10, v22;
	_ =	sdelay $0x1  }
0x7ec: {  	v25 =	vld [tilespmem:s11+$0x11140];
	[tilespmem:s11+$0x19130] =	vst v10;
	v8 =	vadd.f32 v8, v23  }
0x7ed: {  	v10 =	vld [tilespmem:s24+$0x840]  }
0x7ee: {  	v26 =	vld [tilespmem:s14+$0x11140];
	[tilespmem:s14+$0x19130] =	vst v8  }
0x7ef: {  	v7 =	vadd.f32 v7, v24;
	v8 =	vld [tilespmem:s24+$0x840];
	_ =	sdelay $0x1  }
0x7f0: {  	v27 =	vld [tilespmem:s8+$0x11150];
	[tilespmem:s8+$0x19140] =	vst v7  }
0x7f1: {  	v7 =	vld [tilespmem:s24+$0x850];
	v10 =	vadd.f32 v10, v25;
	_ =	sdelay $0x1  }
0x7f2: {  	v28 =	vld [tilespmem:s11+$0x11150];
	[tilespmem:s11+$0x19140] =	vst v10;
	v8 =	vadd.f32 v8, v26  }
0x7f3: {  	v10 =	vld [tilespmem:s24+$0x850]  }
0x7f4: {  	v29 =	vld [tilespmem:s14+$0x11150];
	[tilespmem:s14+$0x19140] =	vst v8  }
0x7f5: {  	v7 =	vadd.f32 v7, v27;
	v8 =	vld [tilespmem:s24+$0x850];
	_ =	sdelay $0x1  }
0x7f6: {  	v30 =	vld [tilespmem:s8+$0x11160];
	[tilespmem:s8+$0x19150] =	vst v7  }
0x7f7: {  	v7 =	vld [tilespmem:s24+$0x860];
	v10 =	vadd.f32 v10, v28;
	_ =	sdelay $0x1  }
0x7f8: {  	v31 =	vld [tilespmem:s11+$0x11160];
	[tilespmem:s11+$0x19150] =	vst v10;
	v8 =	vadd.f32 v8, v29  }
0x7f9: {  	v10 =	vld [tilespmem:s24+$0x860]  }
0x7fa: {  	v32 =	vld [tilespmem:s14+$0x11160];
	[tilespmem:s14+$0x19150] =	vst v8  }
0x7fb: {  	v7 =	vadd.f32 v7, v30;
	v8 =	vld [tilespmem:s24+$0x860];
	_ =	sdelay $0x1  }
0x7fc: {  	v33 =	vld [tilespmem:s8+$0x11170];
	[tilespmem:s8+$0x19160] =	vst v7  }
0x7fd: {  	v7 =	vld [tilespmem:s24+$0x870];
	v10 =	vadd.f32 v10, v31;
	_ =	sdelay $0x1  }
0x7fe: {  	v34 =	vld [tilespmem:s11+$0x11170];
	[tilespmem:s11+$0x19160] =	vst v10;
	v8 =	vadd.f32 v8, v32  }
0x7ff: {  	v10 =	vld [tilespmem:s24+$0x870]  }
0x800: {  	v35 =	vld [tilespmem:s14+$0x11170];
	[tilespmem:s14+$0x19160] =	vst v8  }
0x801: {  	v7 =	vadd.f32 v7, v33;
	v8 =	vld [tilespmem:s24+$0x870]  }
0x802: {  	v13 =	vld [tilespmem:s24+$0xC00]  }
0x803: {  	v36 =	vld [tilespmem:s8+$0x11500];
	[tilespmem:s8+$0x19170] =	vst v7  }
0x804: {  	v7 =	vld [tilespmem:s24+$0xC00];
	v10 =	vadd.f32 v10, v34;
	_ =	sdelay $0x1  }
0x805: {  	v37 =	vld [tilespmem:s11+$0x11500];
	[tilespmem:s11+$0x19170] =	vst v10;
	v8 =	vadd.f32 v8, v35  }
0x806: {  	v10 =	vld [tilespmem:s24+$0xC00]  }
0x807: {  	v6 =	vadd.f32 v13, v6;
	v38 =	vld [tilespmem:s14+$0x11500];
	[tilespmem:s14+$0x19170] =	vst v8  }
0x808: {  	v7 =	vadd.f32 v7, v36;
	v8 =	vld [tilespmem:s24+$0xC00]  }
0x809: {  	[tilespmem:s7+$0x19500] =	vst v6;
	v6 =	vld [tilespmem:s8+$0x11510]  }
0x80a: {  	v39 =	vld [tilespmem:s7+$0x11510];
	[tilespmem:s8+$0x19500] =	vst v7  }
0x80b: {  	v7 =	vld [tilespmem:s24+$0xC10];
	v10 =	vadd.f32 v10, v37  }
0x80c: {  	v40 =	vld [tilespmem:s24+$0xC10]  }
0x80d: {  	v41 =	vld [tilespmem:s11+$0x11510];
	[tilespmem:s11+$0x19500] =	vst v10;
	v8 =	vadd.f32 v8, v38  }
0x80e: {  	v10 =	vld [tilespmem:s24+$0xC10]  }
0x80f: {  	v42 =	vld [tilespmem:s14+$0x11510];
	[tilespmem:s14+$0x19500] =	vst v8  }
0x810: {  	v6 =	vadd.f32 v7, v6;
	v44 =	vld [tilespmem:s24+$0xC10]  }
0x811: {  	v46 =	vld [tilespmem:s11+$0x11520]  }
0x812: {  	v7 =	vld [tilespmem:s8+$0x11520];
	[tilespmem:s8+$0x19510] =	vst v6  }
0x813: {  	v6 =	vld [tilespmem:s24+$0xC20];
	v10 =	vadd.f32 v10, v41  }
0x814: {  	v43 =	vadd.f32 v40, v39;
	v45 =	vld [tilespmem:s7+$0x11520]  }
0x815: {  	v47 =	vld [tilespmem:s14+$0x11520];
	[tilespmem:s11+$0x19510] =	vst v10;
	v9 =	vadd.f32 v44, v42  }
0x816: {  	[tilespmem:s7+$0x19510] =	vst v43;
	v48 =	vld [tilespmem:s24+$0xC20]  }
0x817: {  	v8 =	vld [tilespmem:s24+$0xC20];
	[tilespmem:s14+$0x19510] =	vst v9  }
0x818: {  	v6 =	vadd.f32 v6, v7;
	v9 =	vld [tilespmem:s24+$0xC20]  }
0x819: {  	v49 =	vld [tilespmem:s7+$0x11530]  }
0x81a: {  	v7 =	vld [tilespmem:s8+$0x11530];
	[tilespmem:s8+$0x19520] =	vst v6  }
0x81b: {  	v6 =	vld [tilespmem:s24+$0xC30];
	v11 =	vadd.f32 v48, v46  }
0x81c: {  	v51 =	vld [tilespmem:s14+$0x11530];
	v8 =	vadd.f32 v8, v45  }
0x81d: {  	v50 =	vld [tilespmem:s11+$0x11530];
	[tilespmem:s11+$0x19520] =	vst v11;
	v9 =	vadd.f32 v9, v47  }
0x81e: {  	v11 =	vld [tilespmem:s24+$0xC30];
	[tilespmem:s7+$0x19520] =	vst v8  }
0x81f: {  	v8 =	vld [tilespmem:s24+$0xC30];
	[tilespmem:s14+$0x19520] =	vst v9  }
0x820: {  	v6 =	vadd.f32 v6, v7;
	v9 =	vld [tilespmem:s24+$0xC30]  }
0x821: {  	v53 =	vld [tilespmem:s11+$0x11540]  }
0x822: {  	v7 =	vld [tilespmem:s8+$0x11540];
	[tilespmem:s8+$0x19530] =	vst v6  }
0x823: {  	v6 =	vld [tilespmem:s24+$0xC40];
	v11 =	vadd.f32 v11, v50  }
0x824: {  	v52 =	vld [tilespmem:s7+$0x11540];
	v8 =	vadd.f32 v8, v49  }
0x825: {  	v54 =	vld [tilespmem:s14+$0x11540];
	[tilespmem:s11+$0x19530] =	vst v11;
	v9 =	vadd.f32 v9, v51  }
0x826: {  	v11 =	vld [tilespmem:s24+$0xC40];
	[tilespmem:s7+$0x19530] =	vst v8  }
0x827: {  	v8 =	vld [tilespmem:s24+$0xC40];
	[tilespmem:s14+$0x19530] =	vst v9  }
0x828: {  	v6 =	vadd.f32 v6, v7;
	v9 =	vld [tilespmem:s24+$0xC40]  }
0x829: {  	v55 =	vld [tilespmem:s7+$0x11550]  }
0x82a: {  	v7 =	vld [tilespmem:s8+$0x11550];
	[tilespmem:s8+$0x19540] =	vst v6  }
0x82b: {  	v6 =	vld [tilespmem:s24+$0xC50];
	v11 =	vadd.f32 v11, v53  }
0x82c: {  	v57 =	vld [tilespmem:s14+$0x11550];
	v8 =	vadd.f32 v8, v52  }
0x82d: {  	v56 =	vld [tilespmem:s11+$0x11550];
	[tilespmem:s11+$0x19540] =	vst v11;
	v9 =	vadd.f32 v9, v54  }
0x82e: {  	v11 =	vld [tilespmem:s24+$0xC50];
	[tilespmem:s7+$0x19540] =	vst v8  }
0x82f: {  	v8 =	vld [tilespmem:s24+$0xC50];
	[tilespmem:s14+$0x19540] =	vst v9  }
0x830: {  	v6 =	vadd.f32 v6, v7;
	v9 =	vld [tilespmem:s24+$0xC50]  }
0x831: {  	v59 =	vld [tilespmem:s11+$0x11560]  }
0x832: {  	v7 =	vld [tilespmem:s8+$0x11560];
	[tilespmem:s8+$0x19550] =	vst v6  }
0x833: {  	v6 =	vld [tilespmem:s24+$0xC60];
	v11 =	vadd.f32 v11, v56  }
0x834: {  	v58 =	vld [tilespmem:s7+$0x11560];
	v8 =	vadd.f32 v8, v55  }
0x835: {  	v60 =	vld [tilespmem:s14+$0x11560];
	[tilespmem:s11+$0x19550] =	vst v11;
	v9 =	vadd.f32 v9, v57  }
0x836: {  	v11 =	vld [tilespmem:s24+$0xC60];
	[tilespmem:s7+$0x19550] =	vst v8  }
0x837: {  	v8 =	vld [tilespmem:s24+$0xC60];
	[tilespmem:s14+$0x19550] =	vst v9  }
0x838: {  	v9 =	vld [tilespmem:s24+$0xC60]  }
0x839: {  	v61 =	vld [tilespmem:s7+$0x11570];
	v6 =	vadd.f32 v6, v7  }
0x83a: {  	v63 =	vld [tilespmem:s14+$0x11570]  }
0x83b: {  	v7 =	vld [tilespmem:s8+$0x11570];
	[tilespmem:s8+$0x19560] =	vst v6;
	v11 =	vadd.f32 v11, v59  }
0x83c: {  	v6 =	vld [tilespmem:s24+$0xC70];
	v8 =	vadd.f32 v8, v58  }
0x83d: {  	v62 =	vld [tilespmem:s11+$0x11570];
	[tilespmem:s11+$0x19560] =	vst v11;
	v9 =	vadd.f32 v9, v60  }
0x83e: {  	v11 =	vld [tilespmem:s24+$0xC70];
	[tilespmem:s7+$0x19560] =	vst v8  }
0x83f: {  	v8 =	vld [tilespmem:s24+$0xC70];
	[tilespmem:s14+$0x19560] =	vst v9  }
0x840: {  	v9 =	vld [tilespmem:s24+$0xC70];
	_ =	sdelay $0x1  }
0x841: {  	[tilespmem:s23+$0x19570] =	vst v5;
	v5 =	vadd.f32 v6, v7  }
0x842: {  	v6 =	vadd.f32 v11, v62  }
0x843: {  	[tilespmem:s8+$0x19570] =	vst v5;
	v8 =	vadd.f32 v8, v61  }
0x844: {  	[tilespmem:s11+$0x19570] =	vst v6;
	v5 =	vadd.f32 v9, v63  }
0x845: {  	[tilespmem:s7+$0x19570] =	vst v8  }
0x846: {  	[tilespmem:s14+$0x19570] =	vst v5  }
0x847: {  	v5 =	vld [tilespmem:$0x4880];
	_ =	sdelay $0x4  }
0x848: {  	v6 =	vshll.u32 v5, $0x2  }
0x849: {  	v5 =	vand.u32 $0x7, v5;
	v6 =	vand.u32 $0xFFFFFFE0, v6  }
0x84a: {  	v5 =	vor.u32 v5, v6  }
0x84b: {  	v6 =	vperm.xlane v5, v1;
	_ =	sdelay $0x1  }
0x84c: {  	v6 =	vadd.s32 v2, v6;
	_ =	sdelay $0x1  }
0x84d: {  	v5 =	vperm.xlane v5, v3;
	_ =	sdelay $0x1  }
0x84e: {  	s19 =	simm.s32 $0x18900;
	v5 =	vadd.s32 v2, v5  }
0x84f: {  	[hbm4b:s3+s4] =	stream.indirect_vreg.scatter [tilespmem:s19], [sflag:$0x6], $0x80, v6, vm0, $0xb8;
	[tilespmem:$0x1C900] =	vst v63  }
0x850: {  	s23 =	simm.s32 $0x19100  }
0x851: {  	[hbm4b:s10+s4] =	stream.indirect_vreg.scatter [tilespmem:s23], [sflag:$0x6], $0x80, v6, vm0, $0xb8;
	[tilespmem:$0x1C900] =	vst v63  }
0x852: {  	s24 =	simm.s32 $0x19900  }
0x853: {  	[hbm4b:s3+s4] =	stream.indirect_vreg.scatter [tilespmem:s24], [sflag:$0x6], $0x80, v5, vm0, $0xb8;
	[tilespmem:$0x1C900] =	vst v63  }
0x854: {  	s25 =	simm.s32 $0x1A100  }
0x855: {  	[hbm4b:s10+s4] =	stream.indirect_vreg.scatter [tilespmem:s25], [sflag:$0x6], $0x80, v5, vm0, $0xb8;
	[tilespmem:$0x1C900] =	vst v63  }
0x856: {  	v5 =	vld [tilespmem:$0x4890];
	_ =	sdelay $0x4  }
0x857: {  	v6 =	vshll.u32 v5, $0x2  }
0x858: {  	v5 =	vand.u32 $0x7, v5;
	v6 =	vand.u32 $0xFFFFFFE0, v6  }
0x859: {  	v5 =	vor.u32 v5, v6  }
0x85a: {  	v6 =	vperm.xlane v5, v1;
	_ =	sdelay $0x1  }
0x85b: {  	v6 =	vadd.s32 v2, v6;
	_ =	sdelay $0x2  }
0x85c: {  	v5 =	vperm.xlane v5, v3;
	_ =	sdelay $0x1  }
0x85d: {  	v5 =	vadd.s32 v2, v5;
	[hbm4b:s3+s4] =	stream.indirect_vreg.scatter [tilespmem:s21], [sflag:$0x6], $0x80, v6, vm0, $0xb8;
	[tilespmem:$0x1C900] =	vst v63  }
0x85e: {  	_ = 	snop  }
0x85f: {  	[hbm4b:s10+s4] =	stream.indirect_vreg.scatter [tilespmem:s26], [sflag:$0x6], $0x80, v6, vm0, $0xb8;
	[tilespmem:$0x1C900] =	vst v63  }
.Ltmp9:
0x860: {  	_ = 	snop;
	(pc) =	sbr.rel @p0 .LBB2_16-.Ltmp9, $4  }
0x861: {  	_ = 	snop  }
0x862: {  	[hbm4b:s3+s4] =	stream.indirect_vreg.scatter [tilespmem:s28], [sflag:$0x6], $0x80, v5, vm0, $0xb8;
	[tilespmem:$0x1C900] =	vst v63  }
0x863: {  	_ = 	snop  }
0x864: {  	[hbm4b:s10+s4] =	stream.indirect_vreg.scatter [tilespmem:s29], [sflag:$0x6], $0x80, v5, vm0, $0xb8;
	[tilespmem:$0x1C900] =	vst v63  }
0x865: {  	s7 =	sand.u32 $0x3FFFFF80, s12  }
0x866: {  	v5 =	vld [tilespmem:s7+$0xE0];
	_ =	sdelay $0x4  }
0x867: {  	v6 =	vshll.u32 v5, $0x2  }
0x868: {  	v5 =	vand.u32 $0x7, v5;
	v6 =	vand.u32 $0xFFFFFFE0, v6  }
0x869: {  	v5 =	vor.u32 v5, v6  }
0x86a: {  	v6 =	vperm.xlane v5, v1;
	_ =	sdelay $0x1  }
0x86b: {  	v6 =	vadd.s32 v2, v6;
	_ =	sdelay $0x1  }
0x86c: {  	v5 =	vperm.xlane v5, v3;
	_ =	sdelay $0x1  }
0x86d: {  	s8 =	simm.s32 $0x10900;
	v5 =	vadd.s32 v2, v5  }
0x86e: {  	[tilespmem:s8], [sflag:$0x4] =	stream.indirect_vreg.gather [hbm4b:s2+s4], $0x80, v6, vm0, $0xb8;
	[tilespmem:$0x1C900] =	vst v63  }
0x86f: {  	s14 =	simm.s32 $0x11100  }
0x870: {  	[tilespmem:s14], [sflag:$0x4] =	stream.indirect_vreg.gather [hbm4b:s9+s4], $0x80, v6, vm0, $0xb8;
	[tilespmem:$0x1C900] =	vst v63  }
0x871: {  	s17 =	simm.s32 $0x11900  }
0x872: {  	[tilespmem:s17], [sflag:$0x4] =	stream.indirect_vreg.gather [hbm4b:s2+s4], $0x80, v5, vm0, $0xb8;
	[tilespmem:$0x1C900] =	vst v63  }
0x873: {  	s18 =	simm.s32 $0x12100  }
0x874: {  	[tilespmem:s18], [sflag:$0x4] =	stream.indirect_vreg.gather [hbm4b:s9+s4], $0x80, v5, vm0, $0xb8;
	[tilespmem:$0x1C900] =	vst v63  }
0x875: {  	v5 =	vld [tilespmem:s7+$0xF0];
	_ =	sdelay $0x4  }
0x876: {  	v6 =	vshll.u32 v5, $0x2  }
0x877: {  	v5 =	vand.u32 $0x7, v5;
	v6 =	vand.u32 $0xFFFFFFE0, v6  }
0x878: {  	v5 =	vor.u32 v5, v6  }
0x879: {  	v6 =	vperm.xlane v5, v1;
	_ =	sdelay $0x1  }
0x87a: {  	v6 =	vadd.s32 v2, v6;
	_ =	sdelay $0x2  }
0x87b: {  	v5 =	vperm.xlane v5, v3  }
0x87c: {  	s19 =	simm.s32 $0x12900  }
0x87d: {  	v5 =	vadd.s32 v2, v5;
	[tilespmem:s19], [sflag:$0x4] =	stream.indirect_vreg.gather [hbm4b:s2+s4], $0x80, v6, vm0, $0xb8;
	[tilespmem:$0x1C900] =	vst v63  }
0x87e: {  	s23 =	simm.s32 $0x13100  }
0x87f: {  	[tilespmem:s23], [sflag:$0x4] =	stream.indirect_vreg.gather [hbm4b:s9+s4], $0x80, v6, vm0, $0xb8;
	[tilespmem:$0x1C900] =	vst v63  }
.Ltmp10:
0x880: {  	_ = 	snop;
	(pc) =	sbr.rel .LBB2_2-.Ltmp10, $4  }
0x881: {  	s24 =	simm.s32 $0x13900  }
0x882: {  	[tilespmem:s24], [sflag:$0x4] =	stream.indirect_vreg.gather [hbm4b:s2+s4], $0x80, v5, vm0, $0xb8;
	[tilespmem:$0x1C900] =	vst v63  }
0x883: {  	s25 =	simm.s32 $0x14100;
	s0 =	sadd.s32 $0x1, s0  }
0x884: {  	[tilespmem:s25], [sflag:$0x4] =	stream.indirect_vreg.gather [hbm4b:s9+s4], $0x80, v5, vm0, $0xb8;
	[tilespmem:$0x1C900] =	vst v63  }
.LBB2_17:
0x885: {  	_ =	sfence.sel $0x180000  }
0x886: {  	[bflag:$0x0] =	sbarrier.arrive $0xFFFF  }
0x887: {  	_ =	strace $0x90000047  }
0x888: {  	s0 =	stileid.u32;
	[bflag:$0x2] =	sbarrier.arrive $0xFFFF  }
0x889: {  	p0 =	sne.s32 s0, $0x0;
	s0 =	rddreg [dreg:$0x3]  }
0x88a: {  	s0 =	sadd.s32 @!p0 $0x100000, s0  }
0x88b: {  	[sflag:s0] =	ssyncadd.tile.s32 @!p0 $0x1;
	_ =	shalt  }
.Lfunc_end2:
_tile_overlayer_lowered:
.L_overlay_start_2:
0x88c: {  	(tag) =	ssettag $0x2  }
0x88d: {  	s0 =	rddreg [dreg:$0x0];
	s2 =	stileid.u32  }
0x88e: {  	s1 =	rddreg [dreg:$0x1];
	p0 =	sne.s32 s2, $0x0  }
0x88f: {  	s3 =	rddreg [dreg:$0x2];
	[bflag:$0x3] =	sbarrier.arrive $0xFFFF;
	s2 =	simm.s32 @!p0 $0x1C07  }
0x890: {  	[timem:s3], [sflag:s2] =	dma.local @!p0 [hbm:s0], s1  }
0x891: {  	s0 =	simm.s32 @!p0 $0x7  }
0x892: {  	_ =	swait.ge @!p0 [sflag:s0], s1  }
0x893: {  	s1 =	ssub.s32 @!p0 $0x0, s1;
	[sflag:s0] =	ssyncset.done @!p0 $0x0  }
0x894: {  	[sflag:s0] =	ssyncadd.s32 @!p0 s1  }
0x895: {  	[bflag:$0x3] =	sbarrier.arrive $0xFFFF  }
0x896: {  	_ =	shalt  }

// kernel: sparse-core-data-format-call.cloned.1.call-start
scs
called_computation_lowered:
.L_overlay_start_0:
0x0: {  	s2 =	sld [smem:$0x3FD9]  }
0x1: {  	s3 =	sld [smem:$0x3FFE];
	_ =	sdelay $0x1  }
0x2: {  	s1 =	srdreg.scid  }
0x3: {  	s0 =	sand.u32 $0x1, s1  }
0x4: {  	s18 =	sshll.u32 s0, $0xA;
	s2 =	sadd.s32 s3, s2  }
0x5: {  	s2 =	sadd.s32 s2, s18  }
0x6: {  	[smem:$0x3FC5] =	sst s2  }
0x7: {  	_ = 	snop  }
0x8: {  	s2 =	sld [smem:$0x3FD0];
	(tm) =	ssettm $0x1  }
0x9: {  	s19 =	sld [smem:$0x3FFB];
	_ =	sdelay $0x3  }
0xa: {  	_ =	strace s19  }
0xb: {  	s3 =	sld [smem:$0x3FFC];
	_ =	sdelay $0x3  }
0xc: {  	_ =	strace s3  }
0xd: {  	s3 =	sld [smem:$0x3FFD];
	_ =	sdelay $0x3  }
0xe: {  	_ =	strace s3  }
0xf: {  	_ =	strace $0x8FFFFFFF  }
0x10: {  	s20 =	sld [smem:$0x3FDB];
	_ =	sdelay $0x1  }
0x11: {  	s4 =	simm.s32 $_scs_section_size  }
0x12: {  	s5 =	simm.s32 $_size__tile_overlayer_lowered;
	s6 =	simm.s32 $_tile_overlayer_lowered  }
0x13: {  	s23 =	simm.s32 $0x1BFF;
	s22 =	sshll.u32 s6, $0x1;
	s3 =	sadd.s32 s4, s20  }
0x14: {  	s7 =	simm.s32 $0x0;
	s21 =	sshll.u32 s5, $0x1;
	s5 =	sadd.s32 s22, s3  }
0x15: {  	[timem:s7], [sflag:s23] =	dma.local [hbm:s5], s21  }
0x16: {  	_ =	swait.ge [sflag:s23], s21  }
0x17: {  	s4 =	ssub.s32 $0x0, s21;
	[sflag:s23] =	ssyncset.done $0x0  }
0x18: {  	[sflag:s23] =	ssyncadd.s32 s4;
	_ =	sdelay $0x1  }
0x19: {  	s24 =	simm.s32 $0x1B8B  }
0x1a: {  	_ =	swait.ge [sflag:s24], $0x1  }
0x1b: {  	[sflag:s24] =	ssyncset.done $0x0  }
0x1c: {  	s26 =	simm.s32 $0x1B8E;
	s25 =	sld [smem:$0x3FFE];
	[sflag:s24] =	ssyncadd.s32 $0xFFFFFFFF  }
0x1d: {  	s27 =	simm.s32 $execute0_lowered;
	[smem:$0x3FD2] =	sst s26  }
0x1e: {  	s5 =	sshll.u32 s27, $0x1;
	_ =	strace $0x80000049;
	[dreg:$0x1] =	wrdreg $0xFFFFFFFF  }
0x1f: {  	s28 =	simm.s32 $_size_execute0_lowered;
	s3 =	sadd.s32 s3, s5;
	[dreg:$0x0] =	wrdreg $0x0  }
0x20: {  	s5 =	sshll.u32 s28, $0x1;
	[dreg:$0x2] =	wrdreg s3  }
0x21: {  	[dreg:$0x3] =	wrdreg s5  }
0x22: {  	[dreg:$0x4] =	wrdreg $0xC0  }
0x23: {  	_ =	task [dreg:s7], $0x5FFFF  }
0x24: {  	[dreg:$0x1] =	wrdreg $0xFFFFFFFF  }
0x25: {  	[dreg:$0x0] =	wrdreg $0x60  }
0x26: {  	[dreg:$0x2] =	wrdreg s25  }
0x27: {  	[dreg:$0x3] =	wrdreg s2  }
0x28: {  	[dreg:$0x4] =	wrdreg $0x9  }
0x29: {  	_ =	task.clear_ibuf [dreg:s7], $0x5FFFF;
	_ =	strace $0x90000049  }
0x2a: {  	s29 =	simm.s32 $0x9;
	_ =	strace $0x8000004B  }
0x2b: {  	_ =	swait.ge [sflag:s29], $0x1  }
0x2c: {  	[sflag:s29] =	ssyncadd.s32 $0xFFFFFFFF  }
0x2d: {  	_ =	strace $0x9000004B  }
0x2e: {  	_ =	sfence  }
0x2f: {  	s30 =	sld [smem:$0x0];
	_ =	sdelay $0x2  }
0x30: {  	s31 =	sshll.u32 s1, $0xD;
	s1 =	sshrl.u32 s1, $0x2  }
0x31: {  	s3 =	sand.u32 $0x4000, s31;
	s1 =	sadd.s32 s1, s30  }
0x32: {  	s0 =	sor.u32 s3, s0;
	s1 =	sshll.u32 s1, $0x11  }
0x33: {  	s0 =	sor.u32 s1, s0  }
0x34: {  	s0 =	sadd.s32 $0x8F2B, s0  }
0x35: {  	[sflag:s0] =	ssyncadd.remote.s32 $0x1  }
0x36: {  	_ =	sfence.sel $0xFFFF  }
0x37: {  	[dreg:$0x0] =	wrdreg $0xFFFFFFFF;
	(pc) =	sbr.abs _section_cstart, $3  }
0x38: {  	[dreg:$0x1] =	wrdreg $0xFFFFFFFF  }
0x39: {  	_ =	task.clear_ibuf [dreg:s7], $0x2FFFF;
	_ =	strace $0x9FFFFFFF  }
0x3a: {  	(tm) =	ssettm $0x7FFFFFFF  }
0x3b: {  	_ =	shalt  }
tec
execute0_lowered:
.L_overlay_start_1:
0x0: {  	(tag) =	ssettag $0x1  }
0x1: {  	s0 =	srdreg.scid  }
0x2: {  	s1 =	sshll.u32 s0, $0x4  }
0x3: {  	s6 =	rddreg [dreg:$0x0];
	s0 =	stileid.u32;
	s1 =	sand.u32 $0x10, s1  }
0x4: {  	s3 =	rddreg [dreg:$0x1];
	s1 =	sor.u32 s0, s1  }
0x5: {  	s5 =	simm.s32 $0x1;
	s31 =	simm.s32 $0x2;
	s2 =	sshll.u32 s1, $0x7  }
0x6: {  	s14 =	simm.s32 $0x0;
	s8 =	simm.s32 $0x1000;
	s4 =	ssub.s32 $0x1000, s2  }
0x7: {  	s9 =	simm.s32 $0x0;
	s15 =	simm.s32 $0x0;
	s30 =	sand.u32 $0xF80, s4  }
0x8: {  	s16 =	simm.s32 $0x0;
	s10 =	simm.s32 $0x0;
	p0 =	sne.s32 s30, $0x0  }
.Ltmp0:
0x9: {  	s7 =	sshrl.u32 s4, $0xC;
	s5 =	simm.s32 @!p0 $0x0;
	(pc) =	sbr.rel .LBB1_1-.Ltmp0, $4  }
0xa: {  	s11 =	simm.s32 $0x0;
	s1 =	rddreg [dreg:$0x2];
	s5 =	sadd.s32 s5, s7  }
0xb: {  	_ =	strace $0x8000004A;
	s4 =	simm.s32 $0x1;
	s5 =	smul.u32 $0x134, s5  }
0xc: {  	s13 =	simm.s32 $0x0;
	s6 =	sadd.s32 $0x800, s6;
	[sflag:s4] =	ssyncpa.u1 $0x0  }
0xd: {  	s12 =	smov.u32 s2;
	[sflag:s31] =	ssyncpa.u1 $0x0;
	s7 =	sor.u32 $0x1, s5  }
.LBB1_4:
0xe: {  	_ =	sdelay $0x3  }
0xf: {  	[tilespmem:v0+s19+$0xFFFFFFD0 ss:$0x1] =	vst.idx.msk $0xffff, v6  }
0x10: {  	v56 =	vld.idx.msk [tilespmem:v1+s18+$0x0 ss:$0x1], $0xffff;
	[tilespmem:v0+s19+$0xFFFFFFE0 ss:$0x1] =	vst.idx.msk $0xffff, v4  }
0x11: {  	v57 =	vld.idx.msk [tilespmem:v1+s18+$0xFFFFFF90 ss:$0x1], $0xffff;
	[tilespmem:v0+s19+$0xFFFFFFF0 ss:$0x1] =	vst.idx.msk $0xffff, v2  }
0x12: {  	v58 =	vld.idx.msk [tilespmem:v1+s18+$0xFFFFFFA0 ss:$0x1], $0xffff;
	[tilespmem:v0+s19+$0x0 ss:$0x1] =	vst.idx.msk $0xffff, v3  }
0x13: {  	v59 =	vld.idx.msk [tilespmem:v1+s18+$0xFFFFFFB0 ss:$0x1], $0xffff;
	[tilespmem:v0+s19+$0x10 ss:$0x1] =	vst.idx.msk $0xffff, v5  }
0x14: {  	v60 =	vld.idx.msk [tilespmem:v1+s18+$0xFFFFFFC0 ss:$0x1], $0xffff;
	[tilespmem:v0+s19+$0x20 ss:$0x1] =	vst.idx.msk $0xffff, v7  }
0x15: {  	v61 =	vld.idx.msk [tilespmem:v1+s18+$0xFFFFFFD0 ss:$0x1], $0xffff;
	s27 =	sshll.u32 s16, $0x9;
	[tilespmem:v0+s18+$0x30 ss:$0x1] =	vst.idx.msk $0xffff, v56  }
0x16: {  	s20 =	sshll.u32 s14, $0x3;
	v62 =	vld.idx.msk [tilespmem:v1+s18+$0xFFFFFFE0 ss:$0x1], $0xffff;
	s28 =	sshll.u32 s16, $0x7;
	s30 =	sand.u32 $0x78, s14;
	[tilespmem:v0+s18+$0xFFFFFFC0 ss:$0x1] =	vst.idx.msk $0xffff, v57  }
0x17: {  	v63 =	vld.idx.msk [tilespmem:v1+s18+$0xFFFFFFF0 ss:$0x1], $0xffff;
	s15 =	sshll.u32 s15, $0x12;
	s19 =	sand.u32 $0x1FF000, s27;
	s20 =	sand.u32 $0x1FFC00, s20;
	[tilespmem:v0+s18+$0xFFFFFFD0 ss:$0x1] =	vst.idx.msk $0xffff, v58  }
0x18: {  	s29 =	sand.u32 $0x200, s28;
	s16 =	sand.u32 $0x180, s28;
	s19 =	sadd.s32 s19, s20;
	[tilespmem:v0+s18+$0xFFFFFFE0 ss:$0x1] =	vst.idx.msk $0xffff, v59  }
0x19: {  	s31 =	sand.u32 $0x7, s14;
	s16 =	sor.u32 s16, s30;
	s19 =	sor.u32 s29, s19;
	[tilespmem:v0+s18+$0xFFFFFFF0 ss:$0x1] =	vst.idx.msk $0xffff, v60  }
0x1a: {  	s15 =	sadd.s32 s3, s15;
	s16 =	sshrl.u32 s16, $0x3;
	s19 =	sshrl.u32 s19, $0x3;
	[tilespmem:v0+s18+$0x0 ss:$0x1] =	vst.idx.msk $0xffff, v61  }
0x1b: {  	s14 =	sshll.u32 s31, $0x12;
	s15 =	sadd.s32 s16, s15;
	[tilespmem:v0+s18+$0x10 ss:$0x1] =	vst.idx.msk $0xffff, v62;
	s19 =	sand.u32 $0x3FFC0, s19  }
0x1c: {  	s14 =	sor.u32 $0x400, s14;
	[tilespmem:v0+s18+$0x20 ss:$0x1] =	vst.idx.msk $0xffff, v63;
	s15 =	sadd.s32 s19, s15  }
0x1d: {  	[hbm4b:s15+s14] =	stream.strided.scatter [tilespmem:s17], [sflag:$0x2], $0x4000, s8, s14, $0x38;
	[tilespmem:$0x10000] =	vst v63  }
.LBB1_5:
0x1e: {  	s17 =	sadd.s32 $0x80, s10  }
0x1f: {  	s14 =	simm.s32 $0x1;
	p1 =	sgt.s32 s17, $0x1FF  }
0x20: {  	s14 =	simm.s32 @!p1 $0x0  }
0x21: {  	s18 =	sadd.s32 s14, s11  }
0x22: {  	s20 =	smov.u32 s12;
	s14 =	sadd.s32 $0x1000, s12;
	p2 =	sgt.s32 s18, $0x4C  }
0x23: {  	s20 =	smov.u32 @p2 s14  }
0x24: {  	p0 =	slt.u32 s13, $0x2;
	s17 =	simm.s32 @p1 $0x0;
	p1 =	sgt.s32 s20, $0xFFF  }
0x25: {  	s19 =	simm.s32 @!p0 $0x2;
	s20 =	smov.u32 @p1 s2;
	p1 =	sne.s32 s13, s7  }
.Ltmp1:
0x26: {  	_ =	swait.ge @!p0 [sflag:s19], $0x4000;
	(pc) =	sbr.rel @!p1 .LBB1_6-.Ltmp1, $4  }
0x27: {  	s15 =	smov.u32 s11;
	[sflag:s19] =	ssyncset.done @!p0 $0x0  }
0x28: {  	s16 =	smov.u32 s12;
	s9 =	sadd.s32 $0x4000, s9;
	[sflag:s19] =	ssyncadd.s32 @!p0 $0xFFFFC000  }
0x29: {  	s18 =	simm.s32 @p2 $0x0;
	s14 =	smov.u32 s10;
	s10 =	smov.u32 s17  }
0x2a: {  	s11 =	smov.u32 s18;
	s13 =	sadd.s32 $0x1, s13;
	s12 =	smov.u32 s20  }
.LBB1_1:
0x2b: {  	p0 =	sge.u32 s13, s5  }
0x2c: {  	s17 =	sshll.u32 @!p0 s11, $0x9;
	s18 =	sshll.u32 @!p0 s10, $0x3  }
0x2d: {  	s19 =	sshll.u32 @!p0 s11, $0x7;
	s17 =	sand.u32 @!p0 $0xFFFFF000, s17;
	s18 =	sand.u32 @!p0 $0xFFFFFC00, s18  }
0x2e: {  	s17 =	sadd.s32 @!p0 s17, s18;
	s18 =	sand.u32 @!p0 $0x200, s19  }
0x2f: {  	s17 =	sor.u32 @!p0 s18, s17  }
0x30: {  	s17 =	sshrl.u32 @!p0 s17, $0x9  }
0x31: {  	s31 =	sadd.s32 $0xFFFFFFFF, s13;
	s18 =	smulhi.u32 @!p0 $0x3333334, s17  }
0x32: {  	s20 =	sxor.u32 @!p0 $0xFFFFFFFF, s13;
	s21 =	sand.u32 @!p0 $0x78, s10;
	s22 =	smul.u32 @!p0 $0x1400, s12  }
0x33: {  	s20 =	sshll.u32 @!p0 s20, $0xE;
	s19 =	sand.u32 @!p0 $0x180, s19;
	s18 =	smul.u32 @!p0 $0x50, s18  }
0x34: {  	s20 =	sand.u32 @!p0 $0x4000, s20;
	s19 =	sor.u32 @!p0 s21, s19;
	s21 =	sand.u32 @!p0 $0x7, s10  }
0x35: {  	s17 =	ssub.s32 @!p0 s17, s18;
	s18 =	sshrl.u32 @!p0 s19, $0x3;
	s19 =	sadd.s32 @!p0 s6, s22  }
0x36: {  	s17 =	sshll.u32 @!p0 s17, $0x6;
	s18 =	sadd.s32 @!p0 s18, s19;
	s19 =	sshll.u32 @!p0 s21, $0x12  }
0x37: {  	s17 =	sadd.s32 @!p0 s17, s18;
	s18 =	sor.u32 @!p0 $0x80, s19;
	s19 =	simm.s32 @!p0 $0xA000  }
0x38: {  	[tilespmem:s20], [sflag:$0x1] =	stream.strided.gather @!p0 [hbm4b:s17+s18], $0x4000, s19, s18, $0x38;
	[tilespmem:$0x10000] =	vst v63  }
0x39: {  	p0 =	sge.u32 s31, s5  }
.Ltmp2:
0x3a: {  	_ = 	snop;
	(pc) =	sbr.rel @p0 .LBB1_5-.Ltmp2, $1  }
0x3b: {  	_ =	sdelay $0x3  }
0x3c: {  	s17 =	sand.u32 $0x4000, s9  }
0x3d: {  	s18 =	sor.u32 $0x70, s17  }
0x3e: {  	v1 =	vmov s18;
	_ =	sdelay $0x1  }
0x3f: {  	_ =	swait.ge [sflag:s4], $0x4000  }
0x40: {  	[sflag:s4] =	ssyncset.done $0x0  }
0x41: {  	s19 =	simm.s32 $0x0;
	[sflag:s4] =	ssyncadd.s32 $0xFFFFC000  }
0x42: {  	s17 =	sor.u32 $0x8040, s17;
	v7 =	vld.idx.msk [tilespmem:v1+s19+$0x0 ss:$0x1], $0xffff  }
0x43: {  	v0 =	vmov s17;
	v8 =	vld.idx.msk [tilespmem:v1+s19+$0xFFFFFF90 ss:$0x1], $0xffff  }
0x44: {  	v6 =	vld.idx.msk [tilespmem:v1+s19+$0xFFFFFFA0 ss:$0x1], $0xffff  }
0x45: {  	v4 =	vld.idx.msk [tilespmem:v1+s19+$0xFFFFFFB0 ss:$0x1], $0xffff  }
0x46: {  	v2 =	vld.idx.msk [tilespmem:v1+s19+$0xFFFFFFC0 ss:$0x1], $0xffff  }
0x47: {  	s31 =	sshll.u32 s13, $0xE;
	v3 =	vld.idx.msk [tilespmem:v1+s19+$0xFFFFFFD0 ss:$0x1], $0xffff  }
0x48: {  	s17 =	sand.u32 $0x4000, s31;
	v5 =	vld.idx.msk [tilespmem:v1+s19+$0xFFFFFFE0 ss:$0x1], $0xffff;
	[tilespmem:v0+s19+$0x30 ss:$0x1] =	vst.idx.msk $0xffff, v7  }
0x49: {  	s20 =	simm.s32 $0x400;
	s18 =	simm.s32 $0x80;
	s17 =	sor.u32 $0x8000, s17;
	[tilespmem:v0+s19+$0xFFFFFFC0 ss:$0x1] =	vst.idx.msk $0xffff, v8;
	v7 =	vld.idx.msk [tilespmem:v1+s19+$0xFFFFFFF0 ss:$0x1], $0xffff  }
.LBB1_3:
0x4a: {  	p0 =	sne.s32 s20, $0xFE00;
	v8 =	vld.idx.msk [tilespmem:v1+s18+$0x0 ss:$0x1], $0xffff;
	[tilespmem:v0+s19+$0xFFFFFFD0 ss:$0x1] =	vst.idx.msk $0xffff, v6  }
0x4b: {  	v9 =	vld.idx.msk [tilespmem:v1+s18+$0xFFFFFF90 ss:$0x1], $0xffff;
	[tilespmem:v0+s19+$0xFFFFFFE0 ss:$0x1] =	vst.idx.msk $0xffff, v4  }
0x4c: {  	v6 =	vld.idx.msk [tilespmem:v1+s18+$0xFFFFFFA0 ss:$0x1], $0xffff;
	[tilespmem:v0+s19+$0xFFFFFFF0 ss:$0x1] =	vst.idx.msk $0xffff, v2  }
.Ltmp3:
0x4d: {  	v4 =	vld.idx.msk [tilespmem:v1+s18+$0xFFFFFFB0 ss:$0x1], $0xffff;
	[tilespmem:v0+s19+$0x0 ss:$0x1] =	vst.idx.msk $0xffff, v3;
	(pc) =	sbr.rel @p0 .LBB1_3-.Ltmp3, $4  }
0x4e: {  	v2 =	vld.idx.msk [tilespmem:v1+s18+$0xFFFFFFC0 ss:$0x1], $0xffff;
	[tilespmem:v0+s19+$0x10 ss:$0x1] =	vst.idx.msk $0xffff, v5  }
0x4f: {  	v3 =	vld.idx.msk [tilespmem:v1+s18+$0xFFFFFFD0 ss:$0x1], $0xffff;
	[tilespmem:v0+s19+$0x20 ss:$0x1] =	vst.idx.msk $0xffff, v7;
	s19 =	smov.u32 s18  }
0x50: {  	v5 =	vld.idx.msk [tilespmem:v1+s19+$0xFFFFFFE0 ss:$0x1], $0xffff;
	[tilespmem:v0+s19+$0x30 ss:$0x1] =	vst.idx.msk $0xffff, v8  }
0x51: {  	s18 =	sshra.s32 s20, $0x2;
	s20 =	sadd.s32 $0x200, s20;
	[tilespmem:v0+s19+$0xFFFFFFC0 ss:$0x1] =	vst.idx.msk $0xffff, v9;
	v7 =	vld.idx.msk [tilespmem:v1+s19+$0xFFFFFFF0 ss:$0x1], $0xffff  }
.Ltmp4:
0x52: {  	_ = 	snop;
	(pc) =	sbr.rel .LBB1_4-.Ltmp4, $1  }
0x53: {  	_ =	sdelay $0x3  }
.LBB1_6:
0x54: {  	_ =	sfence.sel $0x180000  }
0x55: {  	s2 =	simm.s32 $0x1;
	[bflag:$0x0] =	sbarrier.arrive $0xFFFF  }
0x56: {  	s31 =	simm.s32 $0x2;
	[sflag:s2] =	ssyncpa.u1 $0x1  }
0x57: {  	[sflag:s31] =	ssyncpa.u1 $0x1  }
0x58: {  	p0 =	sne.s32 s0, $0x0;
	_ =	strace $0x9000004A  }
0x59: {  	s0 =	sadd.s32 @!p0 $0x100000, s1;
	[bflag:$0x2] =	sbarrier.arrive $0xFFFF  }
0x5a: {  	[sflag:s0] =	ssyncadd.tile.s32 @!p0 $0x1;
	_ =	shalt  }
.Lfunc_end1:
_tile_overlayer_lowered:
.L_overlay_start_2:
0x5b: {  	(tag) =	ssettag $0x2  }
0x5c: {  	s0 =	rddreg [dreg:$0x0];
	s2 =	stileid.u32  }
0x5d: {  	s1 =	rddreg [dreg:$0x1];
	p0 =	sne.s32 s2, $0x0  }
0x5e: {  	s3 =	rddreg [dreg:$0x2];
	[bflag:$0x3] =	sbarrier.arrive $0xFFFF;
	s2 =	simm.s32 @!p0 $0x1C01  }
0x5f: {  	[timem:s3], [sflag:s2] =	dma.local @!p0 [hbm:s0], s1  }
0x60: {  	s0 =	simm.s32 @!p0 $0x1  }
0x61: {  	_ =	swait.ge @!p0 [sflag:s0], s1  }
0x62: {  	s1 =	ssub.s32 @!p0 $0x0, s1;
	[sflag:s0] =	ssyncset.done @!p0 $0x0  }
0x63: {  	[sflag:s0] =	ssyncadd.s32 @!p0 s1  }
0x64: {  	[bflag:$0x3] =	sbarrier.arrive $0xFFFF  }
0x65: {  	_ =	shalt  }

</sc_bundles>
